<compile_context>
chip_gen: v7x
topology: tpu7x:2x2x1
jax: 0.10.2.dev20260603
libtpu: 0.0.44.dev20260713+nightly
codegen_flags: <defaults>
</compile_context>

<pallas_src>
import functools
import math

import jax
import jax.numpy as jnp
from jax import lax
from jax.experimental import pallas as pl
from jax.experimental.pallas import tpu as pltpu
from jax.experimental.pallas import tpu_sc as plsc

N = 10000
E = 320000
D = 128
B = 16
NPG = N // B
K_MASTERS = 32
NUM_RBF = 32
CUTOFF = 5.0
SQRT3 = math.sqrt(3.0)
RBF_STEP = CUTOFF / (NUM_RBF - 1)
RBF_COEFF = -0.5 / (CUTOFF / NUM_RBF) ** 2


_BN = 2000


def _matmul_body(x_ref, w_ref, o_ref):
    o_ref[...] = jnp.dot(x_ref[...], w_ref[...],
                         preferred_element_type=jnp.float32)


def _node_matmul(x, w):
    return pl.pallas_call(
        _matmul_body,
        grid=(N // _BN,),
        in_specs=[
            pl.BlockSpec((_BN, D), lambda i: (i, 0)),
            pl.BlockSpec((D, D), lambda i: (0, 0)),
        ],
        out_specs=pl.BlockSpec((_BN, D), lambda i: (i, 0)),
        out_shape=jax.ShapeDtypeStruct((N, D), jnp.float32),
    )(x, w)



_BE = 3200


def _edge_geom_body(ev_ref, wr_ref, ws_ref, offs_ref, o_ref):
    ev = ev_ref[...][:, :4]
    n2 = jnp.sum(ev * ev, axis=1, keepdims=True)
    n = jnp.sqrt(n2 + 1e-12)
    vhat = ev / n
    sh = jnp.concatenate([jnp.ones_like(n), SQRT3 * vhat[:, :3]], axis=1)
    diff = n - offs_ref[...]
    rbf = jnp.exp(RBF_COEFF * (diff * diff))
    o_ref[...] = (
        jnp.dot(rbf, wr_ref[...], preferred_element_type=jnp.float32)
        + jnp.dot(sh, ws_ref[...], preferred_element_type=jnp.float32))


def _edge_geom(ev4, wr, ws):
    offs = jnp.linspace(0.0, CUTOFF, NUM_RBF).reshape(1, NUM_RBF)
    return pl.pallas_call(
        _edge_geom_body,
        grid=(E // _BE,),
        in_specs=[
            pl.BlockSpec((_BE, 128), lambda i: (i, 0)),
            pl.BlockSpec((NUM_RBF, D), lambda i: (0, 0)),
            pl.BlockSpec((4, D), lambda i: (0, 0)),
            pl.BlockSpec((1, NUM_RBF), lambda i: (0, 0)),
        ],
        out_specs=pl.BlockSpec((_BE, D), lambda i: (i, 0)),
        out_shape=jax.ShapeDtypeStruct((E, D), jnp.float32),
    )(ev4, wr, ws, offs)




def _out_proj_body(agg0_ref, agg1_ref, x_ref, wo_ref, h_ref):
    agg = agg0_ref[...] + agg1_ref[...]
    h_ref[...] = jnp.dot(agg, wo_ref[...],
                         preferred_element_type=jnp.float32) + x_ref[...]


def _out_proj(agg0, agg1, x, wo):
    return pl.pallas_call(
        _out_proj_body,
        grid=(N // _BN,),
        in_specs=[
            pl.BlockSpec((_BN, D), lambda i: (i, 0)),
            pl.BlockSpec((_BN, D), lambda i: (i, 0)),
            pl.BlockSpec((_BN, D), lambda i: (i, 0)),
            pl.BlockSpec((D, D), lambda i: (0, 0)),
        ],
        out_specs=pl.BlockSpec((_BN, D), lambda i: (i, 0)),
        out_shape=jax.ShapeDtypeStruct((N, D), jnp.float32),
    )(agg0, agg1, x, wo)



_K = K_MASTERS


_KK = K_MASTERS * K_MASTERS


def _master_proj_body(agg_ref, hm_ref, wo_ref, wu_ref, o_ref):
    hg = (jnp.dot(agg_ref[...], wo_ref[...],
                  preferred_element_type=jnp.float32) + hm_ref[...])
    o_ref[...] = jnp.dot(hg, wu_ref[...], preferred_element_type=jnp.float32)


def _master_proj(agg, h_m, wo, wu):
    nm = B * _K
    return pl.pallas_call(
        _master_proj_body,
        grid=(1,),
        in_specs=[
            pl.BlockSpec((nm, D), lambda i: (0, 0)),
            pl.BlockSpec((nm, D), lambda i: (0, 0)),
            pl.BlockSpec((D, D), lambda i: (0, 0)),
            pl.BlockSpec((D, D), lambda i: (0, 0)),
        ],
        out_specs=pl.BlockSpec((nm, D), lambda i: (0, 0)),
        out_shape=jax.ShapeDtypeStruct((nm, D), jnp.float32),
    )(agg, h_m, wo, wu)


def _global_mp_body(hm_ref, pm_ref, sel_s_ref, sel_d_ref, sel_dt_ref,
                    mask_ref, wm_ref, wr_ref, wsv_ref, ws0_ref, o_ref):
    hm = hm_ref[...]
    pm = pm_ref[...]
    sel_s = sel_s_ref[...]
    sel_d = sel_d_ref[...]
    xmg = jnp.dot(hm, wm_ref[...], preferred_element_type=jnp.float32)
    ps = jnp.dot(sel_s, pm, preferred_element_type=jnp.float32)
    pd = jnp.dot(sel_d, pm, preferred_element_type=jnp.float32)
    ev = ps - pd
    n2 = jnp.sum(ev * ev, axis=1, keepdims=True)
    n = jnp.sqrt(n2 + 1e-12)
    shc = (jnp.dot(ev, wsv_ref[...], preferred_element_type=jnp.float32)
           * (SQRT3 / n) + ws0_ref[...])
    offs = lax.broadcasted_iota(
        jnp.int32, (1, NUM_RBF), 1).astype(jnp.float32) * RBF_STEP
    diff = n - offs
    rbf = jnp.exp(RBF_COEFF * diff * diff)
    pre = (jnp.dot(sel_s, xmg, preferred_element_type=jnp.float32)
           + jnp.dot(rbf, wr_ref[...], preferred_element_type=jnp.float32)
           + shc)
    msg = pre * jax.nn.sigmoid(pre) * mask_ref[...]
    o_ref[...] = jnp.dot(sel_dt_ref[...], msg,
                         preferred_element_type=jnp.float32)


def _global_mp(h_m, pm4, wm, wr, ws):
    k = K_MASTERS
    ii = jnp.arange(_KK, dtype=jnp.int32)
    s_of = ii // k
    d_of = ii % k
    sel_s = jax.nn.one_hot(s_of, k, dtype=jnp.float32)
    sel_d = jax.nn.one_hot(d_of, k, dtype=jnp.float32)
    sel_dt = sel_d.T
    mask = (s_of != d_of).astype(jnp.float32).reshape(_KK, 1)
    wsv = jnp.concatenate([ws[1:4], jnp.zeros((1, D), jnp.float32)], axis=0)
    ws0 = ws[0:1]
    return pl.pallas_call(
        _global_mp_body,
        grid=(B,),
        in_specs=[
            pl.BlockSpec((_K, D), lambda g: (g, 0)),
            pl.BlockSpec((_K, 4), lambda g: (g, 0)),
            pl.BlockSpec((_KK, _K), lambda g: (0, 0)),
            pl.BlockSpec((_KK, _K), lambda g: (0, 0)),
            pl.BlockSpec((_K, _KK), lambda g: (0, 0)),
            pl.BlockSpec((_KK, 1), lambda g: (0, 0)),
            pl.BlockSpec((D, D), lambda g: (0, 0)),
            pl.BlockSpec((NUM_RBF, D), lambda g: (0, 0)),
            pl.BlockSpec((4, D), lambda g: (0, 0)),
            pl.BlockSpec((1, D), lambda g: (0, 0)),
        ],
        out_specs=pl.BlockSpec((_K, D), lambda g: (g, 0)),
        out_shape=jax.ShapeDtypeStruct((B * _K, D), jnp.float32),
    )(h_m, pm4, sel_s, sel_d, sel_dt, mask, wm, wr, wsv, ws0)



_EC = 80
_NCHUNK = 125
_NSUB = 16
_ROWS_PER_SUB = 632
_NPAD = _NSUB * _ROWS_PER_SUB


def _posgather_body(pos_hbm, src_hbm, dst_hbm, out_hbm,
                    si0, si1, di0, di1, ps0, ps1, pd0, pd1, ev0, ev1,
                    ssi0, ssi1, sdi0, sdi1, sps0, sps1, spd0, spd1,
                    sev0, sev1):
    c = lax.axis_index("c")
    s = lax.axis_index("s")
    w = c * _NSUB + s
    base = w * (_EC * _NCHUNK)

    sib = (si0, si1)
    dib = (di0, di1)
    psb = (ps0, ps1)
    pdb = (pd0, pd1)
    evb = (ev0, ev1)
    ssib = (ssi0, ssi1)
    sdib = (sdi0, sdi1)
    spsb = (sps0, sps1)
    spdb = (spd0, spd1)
    sevb = (sev0, sev1)

    def fire_idx(j, b):
        pltpu.async_copy(src_hbm.at[w, j], sib[b], ssib[b])
        pltpu.async_copy(dst_hbm.at[w, j], dib[b], sdib[b])

    def wait_idx(j, b):
        pltpu.make_async_copy(src_hbm.at[w, j], sib[b], ssib[b]).wait()
        pltpu.make_async_copy(dst_hbm.at[w, j], dib[b], sdib[b]).wait()

    def fire_gather(b):
        pltpu.async_copy(pos_hbm.at[sib[b]], psb[b], spsb[b])
        pltpu.async_copy(pos_hbm.at[dib[b]], pdb[b], spdb[b])

    def wait_gather(b):
        pltpu.make_async_copy(pos_hbm.at[sib[b]], psb[b], spsb[b]).wait()
        pltpu.make_async_copy(pos_hbm.at[dib[b]], pdb[b], spdb[b]).wait()

    def compute(b):
        def row(r):
            evb[b][r, pl.ds(0, 16)] = (psb[b][r, pl.ds(0, 16)]
                                       - pdb[b][r, pl.ds(0, 16)])

        plsc.parallel_loop(0, _EC)(row)

    def fire_write(j, b):
        pltpu.async_copy(evb[b], out_hbm.at[pl.ds(base + j * _EC, _EC)],
                         sevb[b])

    def wait_write(j, b):
        pltpu.make_async_copy(evb[b],
                              out_hbm.at[pl.ds(base + j * _EC, _EC)],
                              sevb[b]).wait()

    fire_idx(0, 0)
    wait_idx(0, 0)
    fire_gather(0)
    fire_idx(1, 1)

    wait_gather(0)
    wait_idx(1, 1)
    fire_gather(1)
    fire_idx(2, 0)
    compute(0)
    fire_write(0, 0)

    wait_gather(1)
    wait_idx(2, 0)
    fire_gather(0)
    fire_idx(3, 1)
    compute(1)
    fire_write(1, 1)

    def half(j, b):
        wait_gather(b)
        wait_idx(j + 1, 1 - b)
        fire_gather(1 - b)
        fire_idx(j + 2, b)
        wait_write(j - 2, b)
        compute(b)
        fire_write(j, b)

    def step(jj):
        j = 2 + 2 * jj
        half(j, 0)
        half(j + 1, 1)

    pl.loop(0, (_NCHUNK - 3) // 2)(step)
    wait_gather(0)
    wait_write(_NCHUNK - 3, 0)
    compute(0)
    fire_write(_NCHUNK - 1, 0)
    wait_idx(_NCHUNK, 1)
    wait_write(_NCHUNK - 2, 1)
    wait_write(_NCHUNK - 1, 0)


def _sc_pos_gather(pos128, src3d, dst3d):
    mesh = plsc.VectorSubcoreMesh(core_axis_name="c", subcore_axis_name="s")
    f = pl.kernel(
        _posgather_body,
        out_type=jax.ShapeDtypeStruct((E, 128), jnp.float32),
        mesh=mesh,
        scratch_types=(
            [pltpu.VMEM((_EC,), jnp.int32)] * 4
            + [pltpu.VMEM((_EC, 128), jnp.float32)] * 6
            + [pltpu.SemaphoreType.DMA] * 10
        ),
    )
    return f(pos128, src3d, dst3d)


def _scatter_body(xm_hbm, geom_hbm, src_hbm, dst_hbm, zero_hbm, out_hbm,
                  si0, si1, di0, di1, g0, g1, mbuf, agg_sh,
                  ssi0, ssi1, sdi0, sdi1, sg0, sg1, sm, ssc0, ssc1):
    c = lax.axis_index("c")
    s = lax.axis_index("s")
    w = c * _NSUB + s
    base = w * (_EC * _NCHUNK)

    pltpu.sync_copy(zero_hbm.at[pl.ds(s * _ROWS_PER_SUB, _ROWS_PER_SUB)],
                    agg_sh.at[pl.ds(s * _ROWS_PER_SUB, _ROWS_PER_SUB)])
    plsc.subcore_barrier()

    sib = (si0, si1)
    dib = (di0, di1)
    gb = (g0, g1)
    ssib = (ssi0, ssi1)
    sdib = (sdi0, sdi1)
    sgb = (sg0, sg1)
    ssc = (ssc0, ssc1)

    def fire_sidx(j, b):
        pltpu.async_copy(src_hbm.at[w, j], sib[b], ssib[b])

    def wait_sidx(j, b):
        pltpu.make_async_copy(src_hbm.at[w, j], sib[b], ssib[b]).wait()

    def fire_didx(j, b):
        pltpu.async_copy(dst_hbm.at[w, j], dib[b], sdib[b])

    def wait_didx(j, b):
        pltpu.make_async_copy(dst_hbm.at[w, j], dib[b], sdib[b]).wait()

    def fire_gather(j, b):
        pltpu.async_copy(xm_hbm.at[sib[b]], gb[b], sgb[b])

    def wait_gather(j, b):
        pltpu.make_async_copy(xm_hbm.at[sib[b]], gb[b], sgb[b]).wait()

    def fire_geom(j):
        pltpu.async_copy(geom_hbm.at[pl.ds(base + j * _EC, _EC)], mbuf, sm)

    def wait_geom(j):
        pltpu.make_async_copy(geom_hbm.at[pl.ds(base + j * _EC, _EC)],
                              mbuf, sm).wait()

    def compute(b):
        def row(r):
            for k in range(D // 16):
                sl = pl.ds(k * 16, 16)
                v = gb[b][r, sl] + mbuf[r, sl]
                gb[b][r, sl] = v / (1.0 + jnp.exp(-v))

        plsc.parallel_loop(0, _EC)(row)

    def fire_scatter(b):
        pltpu.async_copy(gb[b], agg_sh.at[dib[b]], ssc[b], add=True)

    def wait_scatter(b):
        pltpu.make_async_copy(gb[b], agg_sh.at[dib[b]], ssc[b]).wait()

    fire_sidx(0, 0)
    fire_didx(0, 0)
    wait_sidx(0, 0)
    fire_gather(0, 0)
    fire_geom(0)
    fire_sidx(1, 1)
    fire_didx(1, 1)

    wait_gather(0, 0)
    fire_sidx(2, 0)
    wait_geom(0)
    compute(0)
    fire_geom(1)
    wait_sidx(1, 1)
    fire_gather(1, 1)
    wait_didx(0, 0)
    fire_scatter(0)

    wait_gather(1, 1)
    fire_sidx(3, 1)
    wait_geom(1)
    compute(1)
    fire_geom(2)
    wait_sidx(2, 0)
    fire_gather(2, 0)
    wait_didx(1, 1)
    fire_scatter(1)

    def half(j, b):
        wait_scatter(b)
        fire_didx(j, b)
        wait_gather(j, b)
        fire_sidx(j + 2, b)
        wait_geom(j)
        compute(b)
        fire_geom(j + 1)
        wait_sidx(j + 1, 1 - b)
        fire_gather(j + 1, 1 - b)
        wait_didx(j, b)
        fire_scatter(b)

    def step(jj):
        j = 2 + 2 * jj
        half(j, 0)
        half(j + 1, 1)

    pl.loop(0, (_NCHUNK - 3) // 2)(step)
    wait_scatter(0)
    fire_didx(_NCHUNK - 1, 0)
    wait_gather(_NCHUNK - 1, 0)
    wait_geom(_NCHUNK - 1)
    compute(0)
    wait_didx(_NCHUNK - 1, 0)
    fire_scatter(0)
    wait_sidx(_NCHUNK, 1)
    wait_scatter(1)
    wait_scatter(0)

    plsc.subcore_barrier()
    pltpu.sync_copy(agg_sh.at[pl.ds(s * _ROWS_PER_SUB, _ROWS_PER_SUB)],
                    out_hbm.at[c, pl.ds(s * _ROWS_PER_SUB, _ROWS_PER_SUB)])


def _sc_gather_silu_scatter(xm, geom, src3d, dst3d):
    zeros = jnp.zeros((_NPAD, D), jnp.float32)
    mesh = plsc.VectorSubcoreMesh(core_axis_name="c", subcore_axis_name="s")
    f = pl.kernel(
        _scatter_body,
        out_type=jax.ShapeDtypeStruct((2, _NPAD, D), jnp.float32),
        mesh=mesh,
        scratch_types=[
            pltpu.VMEM((_EC,), jnp.int32),
            pltpu.VMEM((_EC,), jnp.int32),
            pltpu.VMEM((_EC,), jnp.int32),
            pltpu.VMEM((_EC,), jnp.int32),
            pltpu.VMEM((_EC, D), jnp.float32),
            pltpu.VMEM((_EC, D), jnp.float32),
            pltpu.VMEM((_EC, D), jnp.float32),
            pltpu.VMEM_SHARED((_NPAD, D), jnp.float32),
            pltpu.SemaphoreType.DMA,
            pltpu.SemaphoreType.DMA,
            pltpu.SemaphoreType.DMA,
            pltpu.SemaphoreType.DMA,
            pltpu.SemaphoreType.DMA,
            pltpu.SemaphoreType.DMA,
            pltpu.SemaphoreType.DMA,
            pltpu.SemaphoreType.DMA,
            pltpu.SemaphoreType.DMA,
        ],
    )
    parts = f(xm, geom, src3d, dst3d, zeros)
    return parts[:, :N]




def kernel(node_features, pos, edge_index, batch, node_atom,
           Wm_l, Wr_l, Ws_l, Wo_l, w_score,
           Wm_g, Wr_g, Ws_g, Wo_g, W_unpool):
    src, dst = edge_index[0], edge_index[1]
    pos4 = jnp.pad(pos, ((0, 0), (0, 1)))

    xm = _node_matmul(node_features, Wm_l)
    src3d = jnp.pad(src.reshape(2 * _NSUB, _NCHUNK, _EC),
                    ((0, 0), (0, 1), (0, 0)))
    dst3d = jnp.pad(dst.reshape(2 * _NSUB, _NCHUNK, _EC),
                    ((0, 0), (0, 1), (0, 0)))
    pos128 = jnp.pad(pos, ((0, 0), (0, 125)))
    ev128 = _sc_pos_gather(pos128, src3d, dst3d)
    geom = _edge_geom(ev128, Wr_l, Ws_l)
    parts = _sc_gather_silu_scatter(xm, geom, src3d, dst3d)
    h_local = _out_proj(parts[0], parts[1], node_features, Wo_l)
    scores = h_local @ w_score

    _, topk_idx = lax.top_k(scores.reshape(B, NPG), K_MASTERS)
    topk_idx = jnp.sort(topk_idx, axis=1)
    master_idx = (topk_idx + (jnp.arange(B) * NPG)[:, None]).reshape(-1)

    h_m = h_local[master_idx]
    pm4 = pos4[master_idx]
    agg_g = _global_mp(h_m, pm4, Wm_g, Wr_g, Ws_g)
    h_update = _master_proj(agg_g, h_m, Wo_g, W_unpool)
    h_out = h_local.at[master_idx].add(h_update)
    return (h_out, pos, edge_index, batch, node_atom)

# --- scband reference (transcript-rebuilt; emitter-appended) ---
"""Pipeline reference for scband-hmp-equiformer-layer-77017353552168 (READ-ONLY COPY).

The authoritative reference and input builder live on the scoring server;
editing this copy changes nothing except your own understanding.
"""

import jax, jax.numpy as jnp
import numpy as np

N = 10000
E = 320000
D = 128
B = 16
NPG = N // B
K_MASTERS = 32
NUM_RBF = 32
CUTOFF = 5.0


def _safe_norm(v):
    return jnp.sqrt(jnp.sum(v * v, axis=1) + 1e-12)


def _sph_harm_l1(vec):
    # e3nn-style spherical harmonics, lmax=1, normalize=True, normalization='component'
    n = _safe_norm(vec)[:, None]
    vhat = vec / n
    return jnp.concatenate([jnp.ones_like(n), jnp.sqrt(3.0) * vhat], axis=1)  # [E, 4]


def _rbf(d):
    offsets = jnp.linspace(0.0, CUTOFF, NUM_RBF)
    coeff = -0.5 / (CUTOFF / NUM_RBF) ** 2
    return jnp.exp(coeff * (d[:, None] - offsets[None, :]) ** 2)  # [E, NUM_RBF]


def _mp_block(x, node_attr, src, dst, sh, rbf_emb, Wm, Wr, Ws, Wo):
    # Equiformer-style block (simplified): gather -> fused message MLP -> scatter-add -> output proj + residual
    msg = jax.nn.silu(x[src] @ Wm + rbf_emb @ Wr + sh @ Ws)
    agg = jax.ops.segment_sum(msg, dst, num_segments=x.shape[0])
    return (agg * node_attr) @ Wo + x


def _fc_master_edges():
    k = K_MASTERS
    s, d = np.meshgrid(np.arange(k), np.arange(k), indexing='ij')
    s, d = s.flatten(), d.flatten()
    keep = s != d
    s, d = s[keep], d[keep]
    offs = np.arange(B) * k
    src_g = (s[None, :] + offs[:, None]).reshape(-1)
    dst_g = (d[None, :] + offs[:, None]).reshape(-1)
    return jnp.asarray(src_g, dtype=jnp.int32), jnp.asarray(dst_g, dtype=jnp.int32)


def setup_inputs(seed: int = 0):
    key = jax.random.key(seed)
    ks = jax.random.split(key, 16)
    node_features = jax.random.normal(ks[0], (N, D), dtype=jnp.float32)
    pos = jax.random.normal(ks[1], (N, 3), dtype=jnp.float32) * 3.0
    # edges constrained within graphs, no self-loops
    g = jax.random.randint(ks[2], (E,), 0, B, dtype=jnp.int32)
    s = jax.random.randint(ks[3], (E,), 0, NPG, dtype=jnp.int32)
    off = jax.random.randint(ks[4], (E,), 1, NPG, dtype=jnp.int32)
    d = (s + off) % NPG
    edge_index = jnp.stack([g * NPG + s, g * NPG + d]).astype(jnp.int32)
    batch = jnp.repeat(jnp.arange(B, dtype=jnp.int32), NPG)
    node_atom = jax.random.randint(ks[5], (N,), 0, 100, dtype=jnp.int32)

    def w(k, fi, fo):
        return jax.random.normal(k, (fi, fo), dtype=jnp.float32) / jnp.sqrt(float(fi))

    return {
        'node_features': node_features, 'pos': pos, 'edge_index': edge_index,
        'batch': batch, 'node_atom': node_atom,
        'Wm_l': w(ks[6], D, D), 'Wr_l': w(ks[7], NUM_RBF, D), 'Ws_l': w(ks[8], 4, D), 'Wo_l': w(ks[9], D, D),
        'w_score': jax.random.normal(ks[10], (D,), dtype=jnp.float32) / jnp.sqrt(float(D)),
        'Wm_g': w(ks[11], D, D), 'Wr_g': w(ks[12], NUM_RBF, D), 'Ws_g': w(ks[13], 4, D), 'Wo_g': w(ks[14], D, D),
        'W_unpool': w(ks[15], D, D),
    }


def reference(node_features, pos, edge_index, batch, node_atom,
              Wm_l, Wr_l, Ws_l, Wo_l, w_score,
              Wm_g, Wr_g, Ws_g, Wo_g, W_unpool):
    src, dst = edge_index[0], edge_index[1]
    edge_vec = pos[src] - pos[dst]
    edge_sh = _sph_harm_l1(edge_vec)
    edge_rbf = _rbf(_safe_norm(edge_vec))
    node_attr = jnp.ones_like(node_features[:, :1])
    h_local = _mp_block(node_features, node_attr, src, dst, edge_sh, edge_rbf, Wm_l, Wr_l, Ws_l, Wo_l)

    # top-k master pooling per graph (equal-size graphs)
    scores = h_local @ w_score
    _, topk_idx = jax.lax.top_k(scores.reshape(B, NPG), K_MASTERS)
    topk_idx = jnp.sort(topk_idx, axis=1)
    master_idx = (topk_idx + (jnp.arange(B) * NPG)[:, None]).reshape(-1)

    pos_m = pos[master_idx]
    h_m = h_local[master_idx]
    src_g, dst_g = _fc_master_edges()
    evg = pos_m[src_g] - pos_m[dst_g]
    sh_g = _sph_harm_l1(evg)
    rbf_g = _rbf(_safe_norm(evg))
    node_attr_g = jnp.ones_like(h_m[:, :1])
    h_g = _mp_block(h_m, node_attr_g, src_g, dst_g, sh_g, rbf_g, Wm_g, Wr_g, Ws_g, Wo_g)
    h_update = h_g @ W_unpool
    h_out = h_local.at[master_idx].add(h_update)
    return (h_out, pos, edge_index, batch, node_atom)

if __name__ == "__main__":
    import jax
    _d = setup_inputs()
    print(jax.jit(kernel)(*tuple(_d.values())))

</pallas_src>

<mosaic_0001>
#map = affine_map<(d0, d1) -> (0, 0)>
#map1 = affine_map<(d0, d1) -> (0, 0, 0)>
module attributes {stable_mosaic.version = 14 : i64} {
  func.func @_posgather_body(%arg0: i32, %arg1: i32, %arg2: memref<10000x128xf32, #tpu.memory_space<hbm>>, %arg3: memref<32x126x80xi32, #tpu.memory_space<hbm>>, %arg4: memref<32x126x80xi32, #tpu.memory_space<hbm>>, %arg5: memref<320000x128xf32, #tpu.memory_space<hbm>>, %arg6: memref<80xi32, #tpu.memory_space<vmem>>, %arg7: memref<80xi32, #tpu.memory_space<vmem>>, %arg8: memref<80xi32, #tpu.memory_space<vmem>>, %arg9: memref<80xi32, #tpu.memory_space<vmem>>, %arg10: memref<80x128xf32, #tpu.memory_space<vmem>>, %arg11: memref<80x128xf32, #tpu.memory_space<vmem>>, %arg12: memref<80x128xf32, #tpu.memory_space<vmem>>, %arg13: memref<80x128xf32, #tpu.memory_space<vmem>>, %arg14: memref<80x128xf32, #tpu.memory_space<vmem>>, %arg15: memref<80x128xf32, #tpu.memory_space<vmem>>, %arg16: memref<!tpu.dma_semaphore, #tpu.memory_space<semaphore_mem>>, %arg17: memref<!tpu.dma_semaphore, #tpu.memory_space<semaphore_mem>>, %arg18: memref<!tpu.dma_semaphore, #tpu.memory_space<semaphore_mem>>, %arg19: memref<!tpu.dma_semaphore, #tpu.memory_space<semaphore_mem>>, %arg20: memref<!tpu.dma_semaphore, #tpu.memory_space<semaphore_mem>>, %arg21: memref<!tpu.dma_semaphore, #tpu.memory_space<semaphore_mem>>, %arg22: memref<!tpu.dma_semaphore, #tpu.memory_space<semaphore_mem>>, %arg23: memref<!tpu.dma_semaphore, #tpu.memory_space<semaphore_mem>>, %arg24: memref<!tpu.dma_semaphore, #tpu.memory_space<semaphore_mem>>, %arg25: memref<!tpu.dma_semaphore, #tpu.memory_space<semaphore_mem>>) attributes {dimension_semantics = [#tpu.dimension_semantics<core_parallel>, #tpu.dimension_semantics<subcore_parallel>], iteration_bounds = array<i64: 2, 16>, scalar_prefetch = 0 : i64, scratch_operands = 20 : i64, tpu.core_type = #tpu.core_type<sc_vector_subcore>, window_params = [{transform_indices = #map}, {transform_indices = #map1}, {transform_indices = #map1}, {transform_indices = #map}]} {
    %mul3A = arith.constant 16 : i32
    %mul3A_0 = arith.muli %arg0, %mul3A : i32
    %add3A = arith.addi %mul3A_0, %arg1 : i32
    %mul3A_1 = arith.constant 10000 : i32
    %mul3A_2 = arith.muli %add3A, %mul3A_1 : i32
    %dma_start3A = arith.constant 0 : i32
    %dma_start3A_3 = arith.constant 0 : i32
    %dma_start3A_4 = tpu.memref_slice %arg3[%add3A, %dma_start3A, %dma_start3A_3] : memref<32x126x80xi32, #tpu.memory_space<hbm>> -> memref<1x1x80xi32, #tpu.memory_space<hbm>>
    %dma_start3A_5 = tpu.memref_squeeze %dma_start3A_4 : memref<1x1x80xi32, #tpu.memory_space<hbm>> -> memref<80xi32, #tpu.memory_space<hbm>>
    %dma_start3A_6 = arith.constant 0 : i32
    %dma_start3A_7 = tpu.memref_slice %arg3[%add3A, %dma_start3A, %dma_start3A_6] : memref<32x126x80xi32, #tpu.memory_space<hbm>> -> memref<1x1x80xi32, #tpu.memory_space<hbm>>
    %dma_start3A_8 = tpu.memref_squeeze %dma_start3A_7 : memref<1x1x80xi32, #tpu.memory_space<hbm>> -> memref<80xi32, #tpu.memory_space<hbm>>
    tpu.enqueue_dma source(%dma_start3A_8 : memref<80xi32, #tpu.memory_space<hbm>>) target(%arg6 : memref<80xi32, #tpu.memory_space<vmem>>) target_semaphore(%arg16 : memref<!tpu.dma_semaphore, #tpu.memory_space<semaphore_mem>>)
    %dma_start3A_9 = arith.constant 0 : i32
    %dma_start3A_10 = arith.constant 0 : i32
    %dma_start3A_11 = tpu.memref_slice %arg4[%add3A, %dma_start3A_9, %dma_start3A_10] : memref<32x126x80xi32, #tpu.memory_space<hbm>> -> memref<1x1x80xi32, #tpu.memory_space<hbm>>
    %dma_start3A_12 = tpu.memref_squeeze %dma_start3A_11 : memref<1x1x80xi32, #tpu.memory_space<hbm>> -> memref<80xi32, #tpu.memory_space<hbm>>
    %dma_start3A_13 = arith.constant 0 : i32
    %dma_start3A_14 = tpu.memref_slice %arg4[%add3A, %dma_start3A_9, %dma_start3A_13] : memref<32x126x80xi32, #tpu.memory_space<hbm>> -> memref<1x1x80xi32, #tpu.memory_space<hbm>>
    %dma_start3A_15 = tpu.memref_squeeze %dma_start3A_14 : memref<1x1x80xi32, #tpu.memory_space<hbm>> -> memref<80xi32, #tpu.memory_space<hbm>>
    tpu.enqueue_dma source(%dma_start3A_15 : memref<80xi32, #tpu.memory_space<hbm>>) target(%arg8 : memref<80xi32, #tpu.memory_space<vmem>>) target_semaphore(%arg18 : memref<!tpu.dma_semaphore, #tpu.memory_space<semaphore_mem>>)
    %dma_wait3A = arith.constant 0 : i32
    %dma_wait3A_16 = arith.constant 0 : i32
    %dma_wait3A_17 = tpu.memref_slice %arg3[%add3A, %dma_wait3A, %dma_wait3A_16] : memref<32x126x80xi32, #tpu.memory_space<hbm>> -> memref<1x1x80xi32, #tpu.memory_space<hbm>>
    %dma_wait3A_18 = tpu.memref_squeeze %dma_wait3A_17 : memref<1x1x80xi32, #tpu.memory_space<hbm>> -> memref<80xi32, #tpu.memory_space<hbm>>
    %dma_wait3A_19 = arith.constant 0 : i32
    %dma_wait3A_20 = tpu.memref_slice %arg3[%add3A, %dma_wait3A, %dma_wait3A_19] : memref<32x126x80xi32, #tpu.memory_space<hbm>> -> memref<1x1x80xi32, #tpu.memory_space<hbm>>
    %dma_wait3A_21 = tpu.memref_squeeze %dma_wait3A_20 : memref<1x1x80xi32, #tpu.memory_space<hbm>> -> memref<80xi32, #tpu.memory_space<hbm>>
    tpu.wait_dma2 semaphore(%arg16 : memref<!tpu.dma_semaphore, #tpu.memory_space<semaphore_mem>>) src(%dma_wait3A_21 : memref<80xi32, #tpu.memory_space<hbm>>) dst(%arg6 : memref<80xi32, #tpu.memory_space<vmem>>)
    %dma_wait3A_22 = arith.constant 0 : i32
    %dma_wait3A_23 = arith.constant 0 : i32
    %dma_wait3A_24 = tpu.memref_slice %arg4[%add3A, %dma_wait3A_22, %dma_wait3A_23] : memref<32x126x80xi32, #tpu.memory_space<hbm>> -> memref<1x1x80xi32, #tpu.memory_space<hbm>>
    %dma_wait3A_25 = tpu.memref_squeeze %dma_wait3A_24 : memref<1x1x80xi32, #tpu.memory_space<hbm>> -> memref<80xi32, #tpu.memory_space<hbm>>
    %dma_wait3A_26 = arith.constant 0 : i32
    %dma_wait3A_27 = tpu.memref_slice %arg4[%add3A, %dma_wait3A_22, %dma_wait3A_26] : memref<32x126x80xi32, #tpu.memory_space<hbm>> -> memref<1x1x80xi32, #tpu.memory_space<hbm>>
    %dma_wait3A_28 = tpu.memref_squeeze %dma_wait3A_27 : memref<1x1x80xi32, #tpu.memory_space<hbm>> -> memref<80xi32, #tpu.memory_space<hbm>>
    tpu.wait_dma2 semaphore(%arg18 : memref<!tpu.dma_semaphore, #tpu.memory_space<semaphore_mem>>) src(%dma_wait3A_28 : memref<80xi32, #tpu.memory_space<hbm>>) dst(%arg8 : memref<80xi32, #tpu.memory_space<vmem>>)
    %dma_start3A_29 = arith.constant 0 : i32
    %dma_start3A_30 = arith.constant 0 : i32
    %dma_start3A_31 = tpu.memref_slice %arg2[%dma_start3A_29, %dma_start3A_30] : memref<10000x128xf32, #tpu.memory_space<hbm>> -> memref<10000x128xf32, #tpu.memory_space<hbm>>
    tpu.enqueue_indirect_dma source(%dma_start3A_31 : memref<10000x128xf32, #tpu.memory_space<hbm>>) target(%arg10 : memref<80x128xf32, #tpu.memory_space<vmem>>) offsets(%arg6 : memref<80xi32, #tpu.memory_space<vmem>>) semaphore(%arg20 : memref<!tpu.dma_semaphore, #tpu.memory_space<semaphore_mem>>)
    %dma_start3A_32 = arith.constant 0 : i32
    %dma_start3A_33 = arith.constant 0 : i32
    %dma_start3A_34 = tpu.memref_slice %arg2[%dma_start3A_32, %dma_start3A_33] : memref<10000x128xf32, #tpu.memory_space<hbm>> -> memref<10000x128xf32, #tpu.memory_space<hbm>>
    tpu.enqueue_indirect_dma source(%dma_start3A_34 : memref<10000x128xf32, #tpu.memory_space<hbm>>) target(%arg12 : memref<80x128xf32, #tpu.memory_space<vmem>>) offsets(%arg8 : memref<80xi32, #tpu.memory_space<vmem>>) semaphore(%arg22 : memref<!tpu.dma_semaphore, #tpu.memory_space<semaphore_mem>>)
    %dma_start3A_35 = arith.constant 1 : i32
    %dma_start3A_36 = arith.constant 0 : i32
    %dma_start3A_37 = tpu.memref_slice %arg3[%add3A, %dma_start3A_35, %dma_start3A_36] : memref<32x126x80xi32, #tpu.memory_space<hbm>> -> memref<1x1x80xi32, #tpu.memory_space<hbm>>
    %dma_start3A_38 = tpu.memref_squeeze %dma_start3A_37 : memref<1x1x80xi32, #tpu.memory_space<hbm>> -> memref<80xi32, #tpu.memory_space<hbm>>
    %dma_start3A_39 = arith.constant 0 : i32
    %dma_start3A_40 = tpu.memref_slice %arg3[%add3A, %dma_start3A_35, %dma_start3A_39] : memref<32x126x80xi32, #tpu.memory_space<hbm>> -> memref<1x1x80xi32, #tpu.memory_space<hbm>>
    %dma_start3A_41 = tpu.memref_squeeze %dma_start3A_40 : memref<1x1x80xi32, #tpu.memory_space<hbm>> -> memref<80xi32, #tpu.memory_space<hbm>>
    tpu.enqueue_dma source(%dma_start3A_41 : memref<80xi32, #tpu.memory_space<hbm>>) target(%arg7 : memref<80xi32, #tpu.memory_space<vmem>>) target_semaphore(%arg17 : memref<!tpu.dma_semaphore, #tpu.memory_space<semaphore_mem>>)
    %dma_start3A_42 = arith.constant 1 : i32
    %dma_start3A_43 = arith.constant 0 : i32
    %dma_start3A_44 = tpu.memref_slice %arg4[%add3A, %dma_start3A_42, %dma_start3A_43] : memref<32x126x80xi32, #tpu.memory_space<hbm>> -> memref<1x1x80xi32, #tpu.memory_space<hbm>>
    %dma_start3A_45 = tpu.memref_squeeze %dma_start3A_44 : memref<1x1x80xi32, #tpu.memory_space<hbm>> -> memref<80xi32, #tpu.memory_space<hbm>>
    %dma_start3A_46 = arith.constant 0 : i32
    %dma_start3A_47 = tpu.memref_slice %arg4[%add3A, %dma_start3A_42, %dma_start3A_46] : memref<32x126x80xi32, #tpu.memory_space<hbm>> -> memref<1x1x80xi32, #tpu.memory_space<hbm>>
    %dma_start3A_48 = tpu.memref_squeeze %dma_start3A_47 : memref<1x1x80xi32, #tpu.memory_space<hbm>> -> memref<80xi32, #tpu.memory_space<hbm>>
    tpu.enqueue_dma source(%dma_start3A_48 : memref<80xi32, #tpu.memory_space<hbm>>) target(%arg9 : memref<80xi32, #tpu.memory_space<vmem>>) target_semaphore(%arg19 : memref<!tpu.dma_semaphore, #tpu.memory_space<semaphore_mem>>)
    %dma_wait3A_49 = arith.constant 0 : i32
    %dma_wait3A_50 = arith.constant 0 : i32
    %dma_wait3A_51 = tpu.memref_slice %arg2[%dma_wait3A_49, %dma_wait3A_50] : memref<10000x128xf32, #tpu.memory_space<hbm>> -> memref<10000x128xf32, #tpu.memory_space<hbm>>
    tpu.wait_indirect_dma semaphore(%arg20 : memref<!tpu.dma_semaphore, #tpu.memory_space<semaphore_mem>>) src(%dma_wait3A_51 : memref<10000x128xf32, #tpu.memory_space<hbm>>) dst(%arg10 : memref<80x128xf32, #tpu.memory_space<vmem>>)
    %dma_wait3A_52 = arith.constant 0 : i32
    %dma_wait3A_53 = arith.constant 0 : i32
    %dma_wait3A_54 = tpu.memref_slice %arg2[%dma_wait3A_52, %dma_wait3A_53] : memref<10000x128xf32, #tpu.memory_space<hbm>> -> memref<10000x128xf32, #tpu.memory_space<hbm>>
    tpu.wait_indirect_dma semaphore(%arg22 : memref<!tpu.dma_semaphore, #tpu.memory_space<semaphore_mem>>) src(%dma_wait3A_54 : memref<10000x128xf32, #tpu.memory_space<hbm>>) dst(%arg12 : memref<80x128xf32, #tpu.memory_space<vmem>>)
    %dma_wait3A_55 = arith.constant 1 : i32
    %dma_wait3A_56 = arith.constant 0 : i32
    %dma_wait3A_57 = tpu.memref_slice %arg3[%add3A, %dma_wait3A_55, %dma_wait3A_56] : memref<32x126x80xi32, #tpu.memory_space<hbm>> -> memref<1x1x80xi32, #tpu.memory_space<hbm>>
    %dma_wait3A_58 = tpu.memref_squeeze %dma_wait3A_57 : memref<1x1x80xi32, #tpu.memory_space<hbm>> -> memref<80xi32, #tpu.memory_space<hbm>>
    %dma_wait3A_59 = arith.constant 0 : i32
    %dma_wait3A_60 = tpu.memref_slice %arg3[%add3A, %dma_wait3A_55, %dma_wait3A_59] : memref<32x126x80xi32, #tpu.memory_space<hbm>> -> memref<1x1x80xi32, #tpu.memory_space<hbm>>
    %dma_wait3A_61 = tpu.memref_squeeze %dma_wait3A_60 : memref<1x1x80xi32, #tpu.memory_space<hbm>> -> memref<80xi32, #tpu.memory_space<hbm>>
    tpu.wait_dma2 semaphore(%arg17 : memref<!tpu.dma_semaphore, #tpu.memory_space<semaphore_mem>>) src(%dma_wait3A_61 : memref<80xi32, #tpu.memory_space<hbm>>) dst(%arg7 : memref<80xi32, #tpu.memory_space<vmem>>)
    %dma_wait3A_62 = arith.constant 1 : i32
    %dma_wait3A_63 = arith.constant 0 : i32
    %dma_wait3A_64 = tpu.memref_slice %arg4[%add3A, %dma_wait3A_62, %dma_wait3A_63] : memref<32x126x80xi32, #tpu.memory_space<hbm>> -> memref<1x1x80xi32, #tpu.memory_space<hbm>>
    %dma_wait3A_65 = tpu.memref_squeeze %dma_wait3A_64 : memref<1x1x80xi32, #tpu.memory_space<hbm>> -> memref<80xi32, #tpu.memory_space<hbm>>
    %dma_wait3A_66 = arith.constant 0 : i32
    %dma_wait3A_67 = tpu.memref_slice %arg4[%add3A, %dma_wait3A_62, %dma_wait3A_66] : memref<32x126x80xi32, #tpu.memory_space<hbm>> -> memref<1x1x80xi32, #tpu.memory_space<hbm>>
    %dma_wait3A_68 = tpu.memref_squeeze %dma_wait3A_67 : memref<1x1x80xi32, #tpu.memory_space<hbm>> -> memref<80xi32, #tpu.memory_space<hbm>>
    tpu.wait_dma2 semaphore(%arg19 : memref<!tpu.dma_semaphore, #tpu.memory_space<semaphore_mem>>) src(%dma_wait3A_68 : memref<80xi32, #tpu.memory_space<hbm>>) dst(%arg9 : memref<80xi32, #tpu.memory_space<vmem>>)
    %dma_start3A_69 = arith.constant 0 : i32
    %dma_start3A_70 = arith.constant 0 : i32
    %dma_start3A_71 = tpu.memref_slice %arg2[%dma_start3A_69, %dma_start3A_70] : memref<10000x128xf32, #tpu.memory_space<hbm>> -> memref<10000x128xf32, #tpu.memory_space<hbm>>
    tpu.enqueue_indirect_dma source(%dma_start3A_71 : memref<10000x128xf32, #tpu.memory_space<hbm>>) target(%arg11 : memref<80x128xf32, #tpu.memory_space<vmem>>) offsets(%arg7 : memref<80xi32, #tpu.memory_space<vmem>>) semaphore(%arg21 : memref<!tpu.dma_semaphore, #tpu.memory_space<semaphore_mem>>)
    %dma_start3A_72 = arith.constant 0 : i32
    %dma_start3A_73 = arith.constant 0 : i32
    %dma_start3A_74 = tpu.memref_slice %arg2[%dma_start3A_72, %dma_start3A_73] : memref<10000x128xf32, #tpu.memory_space<hbm>> -> memref<10000x128xf32, #tpu.memory_space<hbm>>
    tpu.enqueue_indirect_dma source(%dma_start3A_74 : memref<10000x128xf32, #tpu.memory_space<hbm>>) target(%arg13 : memref<80x128xf32, #tpu.memory_space<vmem>>) offsets(%arg9 : memref<80xi32, #tpu.memory_space<vmem>>) semaphore(%arg23 : memref<!tpu.dma_semaphore, #tpu.memory_space<semaphore_mem>>)
    %dma_start3A_75 = arith.constant 2 : i32
    %dma_start3A_76 = arith.constant 0 : i32
    %dma_start3A_77 = tpu.memref_slice %arg3[%add3A, %dma_start3A_75, %dma_start3A_76] : memref<32x126x80xi32, #tpu.memory_space<hbm>> -> memref<1x1x80xi32, #tpu.memory_space<hbm>>
    %dma_start3A_78 = tpu.memref_squeeze %dma_start3A_77 : memref<1x1x80xi32, #tpu.memory_space<hbm>> -> memref<80xi32, #tpu.memory_space<hbm>>
    %dma_start3A_79 = arith.constant 0 : i32
    %dma_start3A_80 = tpu.memref_slice %arg3[%add3A, %dma_start3A_75, %dma_start3A_79] : memref<32x126x80xi32, #tpu.memory_space<hbm>> -> memref<1x1x80xi32, #tpu.memory_space<hbm>>
    %dma_start3A_81 = tpu.memref_squeeze %dma_start3A_80 : memref<1x1x80xi32, #tpu.memory_space<hbm>> -> memref<80xi32, #tpu.memory_space<hbm>>
    tpu.enqueue_dma source(%dma_start3A_81 : memref<80xi32, #tpu.memory_space<hbm>>) target(%arg6 : memref<80xi32, #tpu.memory_space<vmem>>) target_semaphore(%arg16 : memref<!tpu.dma_semaphore, #tpu.memory_space<semaphore_mem>>)
    %dma_start3A_82 = arith.constant 2 : i32
    %dma_start3A_83 = arith.constant 0 : i32
    %dma_start3A_84 = tpu.memref_slice %arg4[%add3A, %dma_start3A_82, %dma_start3A_83] : memref<32x126x80xi32, #tpu.memory_space<hbm>> -> memref<1x1x80xi32, #tpu.memory_space<hbm>>
    %dma_start3A_85 = tpu.memref_squeeze %dma_start3A_84 : memref<1x1x80xi32, #tpu.memory_space<hbm>> -> memref<80xi32, #tpu.memory_space<hbm>>
    %dma_start3A_86 = arith.constant 0 : i32
    %dma_start3A_87 = tpu.memref_slice %arg4[%add3A, %dma_start3A_82, %dma_start3A_86] : memref<32x126x80xi32, #tpu.memory_space<hbm>> -> memref<1x1x80xi32, #tpu.memory_space<hbm>>
    %dma_start3A_88 = tpu.memref_squeeze %dma_start3A_87 : memref<1x1x80xi32, #tpu.memory_space<hbm>> -> memref<80xi32, #tpu.memory_space<hbm>>
    tpu.enqueue_dma source(%dma_start3A_88 : memref<80xi32, #tpu.memory_space<hbm>>) target(%arg8 : memref<80xi32, #tpu.memory_space<vmem>>) target_semaphore(%arg18 : memref<!tpu.dma_semaphore, #tpu.memory_space<semaphore_mem>>)
    %parallel_loop3A = arith.constant 0 : i32
    %parallel_loop3A_89 = arith.constant 80 : i32
    %parallel_loop3A_90 = arith.constant 1 : i32
    scf.for %parallel_loop3A_197 = %parallel_loop3A to %parallel_loop3A_89 step %parallel_loop3A_90  : i32 {
      %parallel_loop3A_198 = arith.index_cast %parallel_loop3A_197 : i32 to index
      %parallel_loop3A_199 = arith.constant 0 : index
      %parallel_loop3A_200 = tpu.vector_load %arg10[%parallel_loop3A_198, %parallel_loop3A_199] {strides = array<i32>} : memref<80x128xf32, #tpu.memory_space<vmem>>, vector<1x16xf32>,
      %parallel_loop3A_201 = vector.shape_cast %parallel_loop3A_200 : vector<1x16xf32> to vector<16xf32>
      %parallel_loop3A_202 = arith.index_cast %parallel_loop3A_197 : i32 to index
      %parallel_loop3A_203 = arith.constant 0 : index
      %parallel_loop3A_204 = tpu.vector_load %arg12[%parallel_loop3A_202, %parallel_loop3A_203] {strides = array<i32>} : memref<80x128xf32, #tpu.memory_space<vmem>>, vector<1x16xf32>,
      %parallel_loop3A_205 = vector.shape_cast %parallel_loop3A_204 : vector<1x16xf32> to vector<16xf32>
      %parallel_loop3A_206 = arith.subf %parallel_loop3A_201, %parallel_loop3A_205 : vector<16xf32>
      %parallel_loop3A_207 = arith.index_cast %parallel_loop3A_197 : i32 to index
      %parallel_loop3A_208 = arith.constant 0 : index
      %parallel_loop3A_209 = tpu.vector_load %arg14[%parallel_loop3A_207, %parallel_loop3A_208] {strides = array<i32>} : memref<80x128xf32, #tpu.memory_space<vmem>>, vector<1x16xf32>,
      %parallel_loop3A_210 = vector.shape_cast %parallel_loop3A_209 : vector<1x16xf32> to vector<16xf32>
      %parallel_loop3A_211 = vector.shape_cast %parallel_loop3A_206 : vector<16xf32> to vector<1x16xf32>
      tpu.vector_store %arg14[%parallel_loop3A_207, %parallel_loop3A_208], %parallel_loop3A_211 {strides = array<i32>} : memref<80x128xf32, #tpu.memory_space<vmem>>, vector<1x16xf32>,
    } {sc.loop_unroll_factor = 1 : i64, sc.parallel_access}
    %add3A_91 = arith.constant 0 : i32
    %add3A_92 = arith.addi %mul3A_2, %add3A_91 : i32
    %dma_start3A_93 = arith.constant 0 : i32
    %dma_start3A_94 = tpu.memref_slice %arg5[%add3A_92, %dma_start3A_93] : memref<320000x128xf32, #tpu.memory_space<hbm>> -> memref<80x128xf32, #tpu.memory_space<hbm>>
    %dma_start3A_95 = arith.constant 0 : i32
    %dma_start3A_96 = tpu.memref_slice %arg5[%add3A_92, %dma_start3A_95] : memref<320000x128xf32, #tpu.memory_space<hbm>> -> memref<80x128xf32, #tpu.memory_space<hbm>>
    tpu.enqueue_dma source(%arg14 : memref<80x128xf32, #tpu.memory_space<vmem>>) target(%dma_start3A_96 : memref<80x128xf32, #tpu.memory_space<hbm>>) target_semaphore(%arg24 : memref<!tpu.dma_semaphore, #tpu.memory_space<semaphore_mem>>)
    %dma_wait3A_97 = arith.constant 0 : i32
    %dma_wait3A_98 = arith.constant 0 : i32
    %dma_wait3A_99 = tpu.memref_slice %arg2[%dma_wait3A_97, %dma_wait3A_98] : memref<10000x128xf32, #tpu.memory_space<hbm>> -> memref<10000x128xf32, #tpu.memory_space<hbm>>
    tpu.wait_indirect_dma semaphore(%arg21 : memref<!tpu.dma_semaphore, #tpu.memory_space<semaphore_mem>>) src(%dma_wait3A_99 : memref<10000x128xf32, #tpu.memory_space<hbm>>) dst(%arg11 : memref<80x128xf32, #tpu.memory_space<vmem>>)
    %dma_wait3A_100 = arith.constant 0 : i32
    %dma_wait3A_101 = arith.constant 0 : i32
    %dma_wait3A_102 = tpu.memref_slice %arg2[%dma_wait3A_100, %dma_wait3A_101] : memref<10000x128xf32, #tpu.memory_space<hbm>> -> memref<10000x128xf32, #tpu.memory_space<hbm>>
    tpu.wait_indirect_dma semaphore(%arg23 : memref<!tpu.dma_semaphore, #tpu.memory_space<semaphore_mem>>) src(%dma_wait3A_102 : memref<10000x128xf32, #tpu.memory_space<hbm>>) dst(%arg13 : memref<80x128xf32, #tpu.memory_space<vmem>>)
    %dma_wait3A_103 = arith.constant 2 : i32
    %dma_wait3A_104 = arith.constant 0 : i32
    %dma_wait3A_105 = tpu.memref_slice %arg3[%add3A, %dma_wait3A_103, %dma_wait3A_104] : memref<32x126x80xi32, #tpu.memory_space<hbm>> -> memref<1x1x80xi32, #tpu.memory_space<hbm>>
    %dma_wait3A_106 = tpu.memref_squeeze %dma_wait3A_105 : memref<1x1x80xi32, #tpu.memory_space<hbm>> -> memref<80xi32, #tpu.memory_space<hbm>>
    %dma_wait3A_107 = arith.constant 0 : i32
    %dma_wait3A_108 = tpu.memref_slice %arg3[%add3A, %dma_wait3A_103, %dma_wait3A_107] : memref<32x126x80xi32, #tpu.memory_space<hbm>> -> memref<1x1x80xi32, #tpu.memory_space<hbm>>
    %dma_wait3A_109 = tpu.memref_squeeze %dma_wait3A_108 : memref<1x1x80xi32, #tpu.memory_space<hbm>> -> memref<80xi32, #tpu.memory_space<hbm>>
    tpu.wait_dma2 semaphore(%arg16 : memref<!tpu.dma_semaphore, #tpu.memory_space<semaphore_mem>>) src(%dma_wait3A_109 : memref<80xi32, #tpu.memory_space<hbm>>) dst(%arg6 : memref<80xi32, #tpu.memory_space<vmem>>)
    %dma_wait3A_110 = arith.constant 2 : i32
    %dma_wait3A_111 = arith.constant 0 : i32
    %dma_wait3A_112 = tpu.memref_slice %arg4[%add3A, %dma_wait3A_110, %dma_wait3A_111] : memref<32x126x80xi32, #tpu.memory_space<hbm>> -> memref<1x1x80xi32, #tpu.memory_space<hbm>>
    %dma_wait3A_113 = tpu.memref_squeeze %dma_wait3A_112 : memref<1x1x80xi32, #tpu.memory_space<hbm>> -> memref<80xi32, #tpu.memory_space<hbm>>
    %dma_wait3A_114 = arith.constant 0 : i32
    %dma_wait3A_115 = tpu.memref_slice %arg4[%add3A, %dma_wait3A_110, %dma_wait3A_114] : memref<32x126x80xi32, #tpu.memory_space<hbm>> -> memref<1x1x80xi32, #tpu.memory_space<hbm>>
    %dma_wait3A_116 = tpu.memref_squeeze %dma_wait3A_115 : memref<1x1x80xi32, #tpu.memory_space<hbm>> -> memref<80xi32, #tpu.memory_space<hbm>>
    tpu.wait_dma2 semaphore(%arg18 : memref<!tpu.dma_semaphore, #tpu.memory_space<semaphore_mem>>) src(%dma_wait3A_116 : memref<80xi32, #tpu.memory_space<hbm>>) dst(%arg8 : memref<80xi32, #tpu.memory_space<vmem>>)
    %dma_start3A_117 = arith.constant 0 : i32
    %dma_start3A_118 = arith.constant 0 : i32
    %dma_start3A_119 = tpu.memref_slice %arg2[%dma_start3A_117, %dma_start3A_118] : memref<10000x128xf32, #tpu.memory_space<hbm>> -> memref<10000x128xf32, #tpu.memory_space<hbm>>
    tpu.enqueue_indirect_dma source(%dma_start3A_119 : memref<10000x128xf32, #tpu.memory_space<hbm>>) target(%arg10 : memref<80x128xf32, #tpu.memory_space<vmem>>) offsets(%arg6 : memref<80xi32, #tpu.memory_space<vmem>>) semaphore(%arg20 : memref<!tpu.dma_semaphore, #tpu.memory_space<semaphore_mem>>)
    %dma_start3A_120 = arith.constant 0 : i32
    %dma_start3A_121 = arith.constant 0 : i32
    %dma_start3A_122 = tpu.memref_slice %arg2[%dma_start3A_120, %dma_start3A_121] : memref<10000x128xf32, #tpu.memory_space<hbm>> -> memref<10000x128xf32, #tpu.memory_space<hbm>>
    tpu.enqueue_indirect_dma source(%dma_start3A_122 : memref<10000x128xf32, #tpu.memory_space<hbm>>) target(%arg12 : memref<80x128xf32, #tpu.memory_space<vmem>>) offsets(%arg8 : memref<80xi32, #tpu.memory_space<vmem>>) semaphore(%arg22 : memref<!tpu.dma_semaphore, #tpu.memory_space<semaphore_mem>>)
    %dma_start3A_123 = arith.constant 3 : i32
    %dma_start3A_124 = arith.constant 0 : i32
    %dma_start3A_125 = tpu.memref_slice %arg3[%add3A, %dma_start3A_123, %dma_start3A_124] : memref<32x126x80xi32, #tpu.memory_space<hbm>> -> memref<1x1x80xi32, #tpu.memory_space<hbm>>
    %dma_start3A_126 = tpu.memref_squeeze %dma_start3A_125 : memref<1x1x80xi32, #tpu.memory_space<hbm>> -> memref<80xi32, #tpu.memory_space<hbm>>
    %dma_start3A_127 = arith.constant 0 : i32
    %dma_start3A_128 = tpu.memref_slice %arg3[%add3A, %dma_start3A_123, %dma_start3A_127] : memref<32x126x80xi32, #tpu.memory_space<hbm>> -> memref<1x1x80xi32, #tpu.memory_space<hbm>>
    %dma_start3A_129 = tpu.memref_squeeze %dma_start3A_128 : memref<1x1x80xi32, #tpu.memory_space<hbm>> -> memref<80xi32, #tpu.memory_space<hbm>>
    tpu.enqueue_dma source(%dma_start3A_129 : memref<80xi32, #tpu.memory_space<hbm>>) target(%arg7 : memref<80xi32, #tpu.memory_space<vmem>>) target_semaphore(%arg17 : memref<!tpu.dma_semaphore, #tpu.memory_space<semaphore_mem>>)
    %dma_start3A_130 = arith.constant 3 : i32
    %dma_start3A_131 = arith.constant 0 : i32
    %dma_start3A_132 = tpu.memref_slice %arg4[%add3A, %dma_start3A_130, %dma_start3A_131] : memref<32x126x80xi32, #tpu.memory_space<hbm>> -> memref<1x1x80xi32, #tpu.memory_space<hbm>>
    %dma_start3A_133 = tpu.memref_squeeze %dma_start3A_132 : memref<1x1x80xi32, #tpu.memory_space<hbm>> -> memref<80xi32, #tpu.memory_space<hbm>>
    %dma_start3A_134 = arith.constant 0 : i32
    %dma_start3A_135 = tpu.memref_slice %arg4[%add3A, %dma_start3A_130, %dma_start3A_134] : memref<32x126x80xi32, #tpu.memory_space<hbm>> -> memref<1x1x80xi32, #tpu.memory_space<hbm>>
    %dma_start3A_136 = tpu.memref_squeeze %dma_start3A_135 : memref<1x1x80xi32, #tpu.memory_space<hbm>> -> memref<80xi32, #tpu.memory_space<hbm>>
    tpu.enqueue_dma source(%dma_start3A_136 : memref<80xi32, #tpu.memory_space<hbm>>) target(%arg9 : memref<80xi32, #tpu.memory_space<vmem>>) target_semaphore(%arg19 : memref<!tpu.dma_semaphore, #tpu.memory_space<semaphore_mem>>)
    %parallel_loop3A_137 = arith.constant 0 : i32
    %parallel_loop3A_138 = arith.constant 80 : i32
    %parallel_loop3A_139 = arith.constant 1 : i32
    scf.for %parallel_loop3A_197 = %parallel_loop3A_137 to %parallel_loop3A_138 step %parallel_loop3A_139  : i32 {
      %parallel_loop3A_198 = arith.index_cast %parallel_loop3A_197 : i32 to index
      %parallel_loop3A_199 = arith.constant 0 : index
      %parallel_loop3A_200 = tpu.vector_load %arg11[%parallel_loop3A_198, %parallel_loop3A_199] {strides = array<i32>} : memref<80x128xf32, #tpu.memory_space<vmem>>, vector<1x16xf32>,
      %parallel_loop3A_201 = vector.shape_cast %parallel_loop3A_200 : vector<1x16xf32> to vector<16xf32>
      %parallel_loop3A_202 = arith.index_cast %parallel_loop3A_197 : i32 to index
      %parallel_loop3A_203 = arith.constant 0 : index
      %parallel_loop3A_204 = tpu.vector_load %arg13[%parallel_loop3A_202, %parallel_loop3A_203] {strides = array<i32>} : memref<80x128xf32, #tpu.memory_space<vmem>>, vector<1x16xf32>,
      %parallel_loop3A_205 = vector.shape_cast %parallel_loop3A_204 : vector<1x16xf32> to vector<16xf32>
      %parallel_loop3A_206 = arith.subf %parallel_loop3A_201, %parallel_loop3A_205 : vector<16xf32>
      %parallel_loop3A_207 = arith.index_cast %parallel_loop3A_197 : i32 to index
      %parallel_loop3A_208 = arith.constant 0 : index
      %parallel_loop3A_209 = tpu.vector_load %arg15[%parallel_loop3A_207, %parallel_loop3A_208] {strides = array<i32>} : memref<80x128xf32, #tpu.memory_space<vmem>>, vector<1x16xf32>,
      %parallel_loop3A_210 = vector.shape_cast %parallel_loop3A_209 : vector<1x16xf32> to vector<16xf32>
      %parallel_loop3A_211 = vector.shape_cast %parallel_loop3A_206 : vector<16xf32> to vector<1x16xf32>
      tpu.vector_store %arg15[%parallel_loop3A_207, %parallel_loop3A_208], %parallel_loop3A_211 {strides = array<i32>} : memref<80x128xf32, #tpu.memory_space<vmem>>, vector<1x16xf32>,
    } {sc.loop_unroll_factor = 1 : i64, sc.parallel_access}
    %add3A_140 = arith.constant 80 : i32
    %add3A_141 = arith.addi %mul3A_2, %add3A_140 : i32
    %dma_start3A_142 = arith.constant 0 : i32
    %dma_start3A_143 = tpu.memref_slice %arg5[%add3A_141, %dma_start3A_142] : memref<320000x128xf32, #tpu.memory_space<hbm>> -> memref<80x128xf32, #tpu.memory_space<hbm>>
    %dma_start3A_144 = arith.constant 0 : i32
    %dma_start3A_145 = tpu.memref_slice %arg5[%add3A_141, %dma_start3A_144] : memref<320000x128xf32, #tpu.memory_space<hbm>> -> memref<80x128xf32, #tpu.memory_space<hbm>>
    tpu.enqueue_dma source(%arg15 : memref<80x128xf32, #tpu.memory_space<vmem>>) target(%dma_start3A_145 : memref<80x128xf32, #tpu.memory_space<hbm>>) target_semaphore(%arg25 : memref<!tpu.dma_semaphore, #tpu.memory_space<semaphore_mem>>)
    %scan3A = arith.constant 0 : i32
    %scan3A_146 = arith.constant 61 : i32
    %scan3A_147 = arith.addi %scan3A, %scan3A_146 : i32
    %scan3A_148 = arith.constant 1 : i32
    scf.for %scan3A_197 = %scan3A to %scan3A_147 step %scan3A_148  : i32 {
      %mul3A_198 = arith.constant 1 : i32
      %mul3A_199 = arith.muli %scan3A_197, %mul3A_198 : i32
      %add3A_200 = arith.constant 0 : i32
      %add3A_201 = arith.addi %add3A_200, %mul3A_199 : i32
      %mul3A_202 = arith.constant 2 : i32
      %mul3A_203 = arith.muli %mul3A_202, %add3A_201 : i32
      %add3A_204 = arith.constant 2 : i32
      %add3A_205 = arith.addi %add3A_204, %mul3A_203 : i32
      %dma_wait3A_206 = arith.constant 0 : i32
      %dma_wait3A_207 = arith.constant 0 : i32
      %dma_wait3A_208 = tpu.memref_slice %arg2[%dma_wait3A_206, %dma_wait3A_207] : memref<10000x128xf32, #tpu.memory_space<hbm>> -> memref<10000x128xf32, #tpu.memory_space<hbm>>
      tpu.wait_indirect_dma semaphore(%arg20 : memref<!tpu.dma_semaphore, #tpu.memory_space<semaphore_mem>>) src(%dma_wait3A_208 : memref<10000x128xf32, #tpu.memory_space<hbm>>) dst(%arg10 : memref<80x128xf32, #tpu.memory_space<vmem>>)
      %dma_wait3A_209 = arith.constant 0 : i32
      %dma_wait3A_210 = arith.constant 0 : i32
      %dma_wait3A_211 = tpu.memref_slice %arg2[%dma_wait3A_209, %dma_wait3A_210] : memref<10000x128xf32, #tpu.memory_space<hbm>> -> memref<10000x128xf32, #tpu.memory_space<hbm>>
      tpu.wait_indirect_dma semaphore(%arg22 : memref<!tpu.dma_semaphore, #tpu.memory_space<semaphore_mem>>) src(%dma_wait3A_211 : memref<10000x128xf32, #tpu.memory_space<hbm>>) dst(%arg12 : memref<80x128xf32, #tpu.memory_space<vmem>>)
      %add3A_212 = arith.constant 1 : i32
      %add3A_213 = arith.addi %add3A_205, %add3A_212 : i32
      %dma_wait3A_214 = arith.constant 0 : i32
      %dma_wait3A_215 = tpu.memref_slice %arg3[%add3A, %add3A_213, %dma_wait3A_214] : memref<32x126x80xi32, #tpu.memory_space<hbm>> -> memref<1x1x80xi32, #tpu.memory_space<hbm>>
      %dma_wait3A_216 = tpu.memref_squeeze %dma_wait3A_215 : memref<1x1x80xi32, #tpu.memory_space<hbm>> -> memref<80xi32, #tpu.memory_space<hbm>>
      %dma_wait3A_217 = arith.constant 0 : i32
      %dma_wait3A_218 = tpu.memref_slice %arg3[%add3A, %add3A_213, %dma_wait3A_217] : memref<32x126x80xi32, #tpu.memory_space<hbm>> -> memref<1x1x80xi32, #tpu.memory_space<hbm>>
      %dma_wait3A_219 = tpu.memref_squeeze %dma_wait3A_218 : memref<1x1x80xi32, #tpu.memory_space<hbm>> -> memref<80xi32, #tpu.memory_space<hbm>>
      tpu.wait_dma2 semaphore(%arg17 : memref<!tpu.dma_semaphore, #tpu.memory_space<semaphore_mem>>) src(%dma_wait3A_219 : memref<80xi32, #tpu.memory_space<hbm>>) dst(%arg7 : memref<80xi32, #tpu.memory_space<vmem>>)
      %dma_wait3A_220 = arith.constant 0 : i32
      %dma_wait3A_221 = tpu.memref_slice %arg4[%add3A, %add3A_213, %dma_wait3A_220] : memref<32x126x80xi32, #tpu.memory_space<hbm>> -> memref<1x1x80xi32, #tpu.memory_space<hbm>>
      %dma_wait3A_222 = tpu.memref_squeeze %dma_wait3A_221 : memref<1x1x80xi32, #tpu.memory_space<hbm>> -> memref<80xi32, #tpu.memory_space<hbm>>
      %dma_wait3A_223 = arith.constant 0 : i32
      %dma_wait3A_224 = tpu.memref_slice %arg4[%add3A, %add3A_213, %dma_wait3A_223] : memref<32x126x80xi32, #tpu.memory_space<hbm>> -> memref<1x1x80xi32, #tpu.memory_space<hbm>>
      %dma_wait3A_225 = tpu.memref_squeeze %dma_wait3A_224 : memref<1x1x80xi32, #tpu.memory_space<hbm>> -> memref<80xi32, #tpu.memory_space<hbm>>
      tpu.wait_dma2 semaphore(%arg19 : memref<!tpu.dma_semaphore, #tpu.memory_space<semaphore_mem>>) src(%dma_wait3A_225 : memref<80xi32, #tpu.memory_space<hbm>>) dst(%arg9 : memref<80xi32, #tpu.memory_space<vmem>>)
      %dma_start3A_226 = arith.constant 0 : i32
      %dma_start3A_227 = arith.constant 0 : i32
      %dma_start3A_228 = tpu.memref_slice %arg2[%dma_start3A_226, %dma_start3A_227] : memref<10000x128xf32, #tpu.memory_space<hbm>> -> memref<10000x128xf32, #tpu.memory_space<hbm>>
      tpu.enqueue_indirect_dma source(%dma_start3A_228 : memref<10000x128xf32, #tpu.memory_space<hbm>>) target(%arg11 : memref<80x128xf32, #tpu.memory_space<vmem>>) offsets(%arg7 : memref<80xi32, #tpu.memory_space<vmem>>) semaphore(%arg21 : memref<!tpu.dma_semaphore, #tpu.memory_space<semaphore_mem>>)
      %dma_start3A_229 = arith.constant 0 : i32
      %dma_start3A_230 = arith.constant 0 : i32
      %dma_start3A_231 = tpu.memref_slice %arg2[%dma_start3A_229, %dma_start3A_230] : memref<10000x128xf32, #tpu.memory_space<hbm>> -> memref<10000x128xf32, #tpu.memory_space<hbm>>
      tpu.enqueue_indirect_dma source(%dma_start3A_231 : memref<10000x128xf32, #tpu.memory_space<hbm>>) target(%arg13 : memref<80x128xf32, #tpu.memory_space<vmem>>) offsets(%arg9 : memref<80xi32, #tpu.memory_space<vmem>>) semaphore(%arg23 : memref<!tpu.dma_semaphore, #tpu.memory_space<semaphore_mem>>)
      %add3A_232 = arith.constant 2 : i32
      %add3A_233 = arith.addi %add3A_205, %add3A_232 : i32
      %dma_start3A_234 = arith.constant 0 : i32
      %dma_start3A_235 = tpu.memref_slice %arg3[%add3A, %add3A_233, %dma_start3A_234] : memref<32x126x80xi32, #tpu.memory_space<hbm>> -> memref<1x1x80xi32, #tpu.memory_space<hbm>>
      %dma_start3A_236 = tpu.memref_squeeze %dma_start3A_235 : memref<1x1x80xi32, #tpu.memory_space<hbm>> -> memref<80xi32, #tpu.memory_space<hbm>>
      %dma_start3A_237 = arith.constant 0 : i32
      %dma_start3A_238 = tpu.memref_slice %arg3[%add3A, %add3A_233, %dma_start3A_237] : memref<32x126x80xi32, #tpu.memory_space<hbm>> -> memref<1x1x80xi32, #tpu.memory_space<hbm>>
      %dma_start3A_239 = tpu.memref_squeeze %dma_start3A_238 : memref<1x1x80xi32, #tpu.memory_space<hbm>> -> memref<80xi32, #tpu.memory_space<hbm>>
      tpu.enqueue_dma source(%dma_start3A_239 : memref<80xi32, #tpu.memory_space<hbm>>) target(%arg6 : memref<80xi32, #tpu.memory_space<vmem>>) target_semaphore(%arg16 : memref<!tpu.dma_semaphore, #tpu.memory_space<semaphore_mem>>)
      %dma_start3A_240 = arith.constant 0 : i32
      %dma_start3A_241 = tpu.memref_slice %arg4[%add3A, %add3A_233, %dma_start3A_240] : memref<32x126x80xi32, #tpu.memory_space<hbm>> -> memref<1x1x80xi32, #tpu.memory_space<hbm>>
      %dma_start3A_242 = tpu.memref_squeeze %dma_start3A_241 : memref<1x1x80xi32, #tpu.memory_space<hbm>> -> memref<80xi32, #tpu.memory_space<hbm>>
      %dma_start3A_243 = arith.constant 0 : i32
      %dma_start3A_244 = tpu.memref_slice %arg4[%add3A, %add3A_233, %dma_start3A_243] : memref<32x126x80xi32, #tpu.memory_space<hbm>> -> memref<1x1x80xi32, #tpu.memory_space<hbm>>
      %dma_start3A_245 = tpu.memref_squeeze %dma_start3A_244 : memref<1x1x80xi32, #tpu.memory_space<hbm>> -> memref<80xi32, #tpu.memory_space<hbm>>
      tpu.enqueue_dma source(%dma_start3A_245 : memref<80xi32, #tpu.memory_space<hbm>>) target(%arg8 : memref<80xi32, #tpu.memory_space<vmem>>) target_semaphore(%arg18 : memref<!tpu.dma_semaphore, #tpu.memory_space<semaphore_mem>>)
      %sub3A = arith.constant 2 : i32
      %sub3A_246 = arith.subi %add3A_205, %sub3A : i32
      %mul3A_247 = arith.constant 80 : i32
      %mul3A_248 = arith.muli %sub3A_246, %mul3A_247 : i32
      %add3A_249 = arith.addi %mul3A_2, %mul3A_248 : i32
      %dma_wait3A_250 = arith.constant 0 : i32
      %dma_wait3A_251 = tpu.memref_slice %arg5[%add3A_249, %dma_wait3A_250] : memref<320000x128xf32, #tpu.memory_space<hbm>> -> memref<80x128xf32, #tpu.memory_space<hbm>>
      %dma_wait3A_252 = arith.constant 0 : i32
      %dma_wait3A_253 = tpu.memref_slice %arg5[%add3A_249, %dma_wait3A_252] : memref<320000x128xf32, #tpu.memory_space<hbm>> -> memref<80x128xf32, #tpu.memory_space<hbm>>
      tpu.wait_dma2 semaphore(%arg24 : memref<!tpu.dma_semaphore, #tpu.memory_space<semaphore_mem>>) src(%arg14 : memref<80x128xf32, #tpu.memory_space<vmem>>) dst(%dma_wait3A_253 : memref<80x128xf32, #tpu.memory_space<hbm>>)
      %parallel_loop3A_254 = arith.constant 0 : i32
      %parallel_loop3A_255 = arith.constant 80 : i32
      %parallel_loop3A_256 = arith.constant 1 : i32
      scf.for %parallel_loop3A_325 = %parallel_loop3A_254 to %parallel_loop3A_255 step %parallel_loop3A_256  : i32 {
        %parallel_loop3A_326 = arith.index_cast %parallel_loop3A_325 : i32 to index
        %parallel_loop3A_327 = arith.constant 0 : index
        %parallel_loop3A_328 = tpu.vector_load %arg10[%parallel_loop3A_326, %parallel_loop3A_327] {strides = array<i32>} : memref<80x128xf32, #tpu.memory_space<vmem>>, vector<1x16xf32>,
        %parallel_loop3A_329 = vector.shape_cast %parallel_loop3A_328 : vector<1x16xf32> to vector<16xf32>
        %parallel_loop3A_330 = arith.index_cast %parallel_loop3A_325 : i32 to index
        %parallel_loop3A_331 = arith.constant 0 : index
        %parallel_loop3A_332 = tpu.vector_load %arg12[%parallel_loop3A_330, %parallel_loop3A_331] {strides = array<i32>} : memref<80x128xf32, #tpu.memory_space<vmem>>, vector<1x16xf32>,
        %parallel_loop3A_333 = vector.shape_cast %parallel_loop3A_332 : vector<1x16xf32> to vector<16xf32>
        %parallel_loop3A_334 = arith.subf %parallel_loop3A_329, %parallel_loop3A_333 : vector<16xf32>
        %parallel_loop3A_335 = arith.index_cast %parallel_loop3A_325 : i32 to index
        %parallel_loop3A_336 = arith.constant 0 : index
        %parallel_loop3A_337 = tpu.vector_load %arg14[%parallel_loop3A_335, %parallel_loop3A_336] {strides = array<i32>} : memref<80x128xf32, #tpu.memory_space<vmem>>, vector<1x16xf32>,
        %parallel_loop3A_338 = vector.shape_cast %parallel_loop3A_337 : vector<1x16xf32> to vector<16xf32>
        %parallel_loop3A_339 = vector.shape_cast %parallel_loop3A_334 : vector<16xf32> to vector<1x16xf32>
        tpu.vector_store %arg14[%parallel_loop3A_335, %parallel_loop3A_336], %parallel_loop3A_339 {strides = array<i32>} : memref<80x128xf32, #tpu.memory_space<vmem>>, vector<1x16xf32>,
      } {sc.loop_unroll_factor = 1 : i64, sc.parallel_access}
      %mul3A_257 = arith.constant 80 : i32
      %mul3A_258 = arith.muli %add3A_205, %mul3A_257 : i32
      %add3A_259 = arith.addi %mul3A_2, %mul3A_258 : i32
      %dma_start3A_260 = arith.constant 0 : i32
      %dma_start3A_261 = tpu.memref_slice %arg5[%add3A_259, %dma_start3A_260] : memref<320000x128xf32, #tpu.memory_space<hbm>> -> memref<80x128xf32, #tpu.memory_space<hbm>>
      %dma_start3A_262 = arith.constant 0 : i32
      %dma_start3A_263 = tpu.memref_slice %arg5[%add3A_259, %dma_start3A_262] : memref<320000x128xf32, #tpu.memory_space<hbm>> -> memref<80x128xf32, #tpu.memory_space<hbm>>
      tpu.enqueue_dma source(%arg14 : memref<80x128xf32, #tpu.memory_space<vmem>>) target(%dma_start3A_263 : memref<80x128xf32, #tpu.memory_space<hbm>>) target_semaphore(%arg24 : memref<!tpu.dma_semaphore, #tpu.memory_space<semaphore_mem>>)
      %add3A_264 = arith.constant 1 : i32
      %add3A_265 = arith.addi %add3A_205, %add3A_264 : i32
      %dma_wait3A_266 = arith.constant 0 : i32
      %dma_wait3A_267 = arith.constant 0 : i32
      %dma_wait3A_268 = tpu.memref_slice %arg2[%dma_wait3A_266, %dma_wait3A_267] : memref<10000x128xf32, #tpu.memory_space<hbm>> -> memref<10000x128xf32, #tpu.memory_space<hbm>>
      tpu.wait_indirect_dma semaphore(%arg21 : memref<!tpu.dma_semaphore, #tpu.memory_space<semaphore_mem>>) src(%dma_wait3A_268 : memref<10000x128xf32, #tpu.memory_space<hbm>>) dst(%arg11 : memref<80x128xf32, #tpu.memory_space<vmem>>)
      %dma_wait3A_269 = arith.constant 0 : i32
      %dma_wait3A_270 = arith.constant 0 : i32
      %dma_wait3A_271 = tpu.memref_slice %arg2[%dma_wait3A_269, %dma_wait3A_270] : memref<10000x128xf32, #tpu.memory_space<hbm>> -> memref<10000x128xf32, #tpu.memory_space<hbm>>
      tpu.wait_indirect_dma semaphore(%arg23 : memref<!tpu.dma_semaphore, #tpu.memory_space<semaphore_mem>>) src(%dma_wait3A_271 : memref<10000x128xf32, #tpu.memory_space<hbm>>) dst(%arg13 : memref<80x128xf32, #tpu.memory_space<vmem>>)
      %add3A_272 = arith.constant 1 : i32
      %add3A_273 = arith.addi %add3A_265, %add3A_272 : i32
      %dma_wait3A_274 = arith.constant 0 : i32
      %dma_wait3A_275 = tpu.memref_slice %arg3[%add3A, %add3A_273, %dma_wait3A_274] : memref<32x126x80xi32, #tpu.memory_space<hbm>> -> memref<1x1x80xi32, #tpu.memory_space<hbm>>
      %dma_wait3A_276 = tpu.memref_squeeze %dma_wait3A_275 : memref<1x1x80xi32, #tpu.memory_space<hbm>> -> memref<80xi32, #tpu.memory_space<hbm>>
      %dma_wait3A_277 = arith.constant 0 : i32
      %dma_wait3A_278 = tpu.memref_slice %arg3[%add3A, %add3A_273, %dma_wait3A_277] : memref<32x126x80xi32, #tpu.memory_space<hbm>> -> memref<1x1x80xi32, #tpu.memory_space<hbm>>
      %dma_wait3A_279 = tpu.memref_squeeze %dma_wait3A_278 : memref<1x1x80xi32, #tpu.memory_space<hbm>> -> memref<80xi32, #tpu.memory_space<hbm>>
      tpu.wait_dma2 semaphore(%arg16 : memref<!tpu.dma_semaphore, #tpu.memory_space<semaphore_mem>>) src(%dma_wait3A_279 : memref<80xi32, #tpu.memory_space<hbm>>) dst(%arg6 : memref<80xi32, #tpu.memory_space<vmem>>)
      %dma_wait3A_280 = arith.constant 0 : i32
      %dma_wait3A_281 = tpu.memref_slice %arg4[%add3A, %add3A_273, %dma_wait3A_280] : memref<32x126x80xi32, #tpu.memory_space<hbm>> -> memref<1x1x80xi32, #tpu.memory_space<hbm>>
      %dma_wait3A_282 = tpu.memref_squeeze %dma_wait3A_281 : memref<1x1x80xi32, #tpu.memory_space<hbm>> -> memref<80xi32, #tpu.memory_space<hbm>>
      %dma_wait3A_283 = arith.constant 0 : i32
      %dma_wait3A_284 = tpu.memref_slice %arg4[%add3A, %add3A_273, %dma_wait3A_283] : memref<32x126x80xi32, #tpu.memory_space<hbm>> -> memref<1x1x80xi32, #tpu.memory_space<hbm>>
      %dma_wait3A_285 = tpu.memref_squeeze %dma_wait3A_284 : memref<1x1x80xi32, #tpu.memory_space<hbm>> -> memref<80xi32, #tpu.memory_space<hbm>>
      tpu.wait_dma2 semaphore(%arg18 : memref<!tpu.dma_semaphore, #tpu.memory_space<semaphore_mem>>) src(%dma_wait3A_285 : memref<80xi32, #tpu.memory_space<hbm>>) dst(%arg8 : memref<80xi32, #tpu.memory_space<vmem>>)
      %dma_start3A_286 = arith.constant 0 : i32
      %dma_start3A_287 = arith.constant 0 : i32
      %dma_start3A_288 = tpu.memref_slice %arg2[%dma_start3A_286, %dma_start3A_287] : memref<10000x128xf32, #tpu.memory_space<hbm>> -> memref<10000x128xf32, #tpu.memory_space<hbm>>
      tpu.enqueue_indirect_dma source(%dma_start3A_288 : memref<10000x128xf32, #tpu.memory_space<hbm>>) target(%arg10 : memref<80x128xf32, #tpu.memory_space<vmem>>) offsets(%arg6 : memref<80xi32, #tpu.memory_space<vmem>>) semaphore(%arg20 : memref<!tpu.dma_semaphore, #tpu.memory_space<semaphore_mem>>)
      %dma_start3A_289 = arith.constant 0 : i32
      %dma_start3A_290 = arith.constant 0 : i32
      %dma_start3A_291 = tpu.memref_slice %arg2[%dma_start3A_289, %dma_start3A_290] : memref<10000x128xf32, #tpu.memory_space<hbm>> -> memref<10000x128xf32, #tpu.memory_space<hbm>>
      tpu.enqueue_indirect_dma source(%dma_start3A_291 : memref<10000x128xf32, #tpu.memory_space<hbm>>) target(%arg12 : memref<80x128xf32, #tpu.memory_space<vmem>>) offsets(%arg8 : memref<80xi32, #tpu.memory_space<vmem>>) semaphore(%arg22 : memref<!tpu.dma_semaphore, #tpu.memory_space<semaphore_mem>>)
      %add3A_292 = arith.constant 2 : i32
      %add3A_293 = arith.addi %add3A_265, %add3A_292 : i32
      %dma_start3A_294 = arith.constant 0 : i32
      %dma_start3A_295 = tpu.memref_slice %arg3[%add3A, %add3A_293, %dma_start3A_294] : memref<32x126x80xi32, #tpu.memory_space<hbm>> -> memref<1x1x80xi32, #tpu.memory_space<hbm>>
      %dma_start3A_296 = tpu.memref_squeeze %dma_start3A_295 : memref<1x1x80xi32, #tpu.memory_space<hbm>> -> memref<80xi32, #tpu.memory_space<hbm>>
      %dma_start3A_297 = arith.constant 0 : i32
      %dma_start3A_298 = tpu.memref_slice %arg3[%add3A, %add3A_293, %dma_start3A_297] : memref<32x126x80xi32, #tpu.memory_space<hbm>> -> memref<1x1x80xi32, #tpu.memory_space<hbm>>
      %dma_start3A_299 = tpu.memref_squeeze %dma_start3A_298 : memref<1x1x80xi32, #tpu.memory_space<hbm>> -> memref<80xi32, #tpu.memory_space<hbm>>
      tpu.enqueue_dma source(%dma_start3A_299 : memref<80xi32, #tpu.memory_space<hbm>>) target(%arg7 : memref<80xi32, #tpu.memory_space<vmem>>) target_semaphore(%arg17 : memref<!tpu.dma_semaphore, #tpu.memory_space<semaphore_mem>>)
      %dma_start3A_300 = arith.constant 0 : i32
      %dma_start3A_301 = tpu.memref_slice %arg4[%add3A, %add3A_293, %dma_start3A_300] : memref<32x126x80xi32, #tpu.memory_space<hbm>> -> memref<1x1x80xi32, #tpu.memory_space<hbm>>
      %dma_start3A_302 = tpu.memref_squeeze %dma_start3A_301 : memref<1x1x80xi32, #tpu.memory_space<hbm>> -> memref<80xi32, #tpu.memory_space<hbm>>
      %dma_start3A_303 = arith.constant 0 : i32
      %dma_start3A_304 = tpu.memref_slice %arg4[%add3A, %add3A_293, %dma_start3A_303] : memref<32x126x80xi32, #tpu.memory_space<hbm>> -> memref<1x1x80xi32, #tpu.memory_space<hbm>>
      %dma_start3A_305 = tpu.memref_squeeze %dma_start3A_304 : memref<1x1x80xi32, #tpu.memory_space<hbm>> -> memref<80xi32, #tpu.memory_space<hbm>>
      tpu.enqueue_dma source(%dma_start3A_305 : memref<80xi32, #tpu.memory_space<hbm>>) target(%arg9 : memref<80xi32, #tpu.memory_space<vmem>>) target_semaphore(%arg19 : memref<!tpu.dma_semaphore, #tpu.memory_space<semaphore_mem>>)
      %sub3A_306 = arith.constant 2 : i32
      %sub3A_307 = arith.subi %add3A_265, %sub3A_306 : i32
      %mul3A_308 = arith.constant 80 : i32
      %mul3A_309 = arith.muli %sub3A_307, %mul3A_308 : i32
      %add3A_310 = arith.addi %mul3A_2, %mul3A_309 : i32
      %dma_wait3A_311 = arith.constant 0 : i32
      %dma_wait3A_312 = tpu.memref_slice %arg5[%add3A_310, %dma_wait3A_311] : memref<320000x128xf32, #tpu.memory_space<hbm>> -> memref<80x128xf32, #tpu.memory_space<hbm>>
      %dma_wait3A_313 = arith.constant 0 : i32
      %dma_wait3A_314 = tpu.memref_slice %arg5[%add3A_310, %dma_wait3A_313] : memref<320000x128xf32, #tpu.memory_space<hbm>> -> memref<80x128xf32, #tpu.memory_space<hbm>>
      tpu.wait_dma2 semaphore(%arg25 : memref<!tpu.dma_semaphore, #tpu.memory_space<semaphore_mem>>) src(%arg15 : memref<80x128xf32, #tpu.memory_space<vmem>>) dst(%dma_wait3A_314 : memref<80x128xf32, #tpu.memory_space<hbm>>)
      %parallel_loop3A_315 = arith.constant 0 : i32
      %parallel_loop3A_316 = arith.constant 80 : i32
      %parallel_loop3A_317 = arith.constant 1 : i32
      scf.for %parallel_loop3A_325 = %parallel_loop3A_315 to %parallel_loop3A_316 step %parallel_loop3A_317  : i32 {
        %parallel_loop3A_326 = arith.index_cast %parallel_loop3A_325 : i32 to index
        %parallel_loop3A_327 = arith.constant 0 : index
        %parallel_loop3A_328 = tpu.vector_load %arg11[%parallel_loop3A_326, %parallel_loop3A_327] {strides = array<i32>} : memref<80x128xf32, #tpu.memory_space<vmem>>, vector<1x16xf32>,
        %parallel_loop3A_329 = vector.shape_cast %parallel_loop3A_328 : vector<1x16xf32> to vector<16xf32>
        %parallel_loop3A_330 = arith.index_cast %parallel_loop3A_325 : i32 to index
        %parallel_loop3A_331 = arith.constant 0 : index
        %parallel_loop3A_332 = tpu.vector_load %arg13[%parallel_loop3A_330, %parallel_loop3A_331] {strides = array<i32>} : memref<80x128xf32, #tpu.memory_space<vmem>>, vector<1x16xf32>,
        %parallel_loop3A_333 = vector.shape_cast %parallel_loop3A_332 : vector<1x16xf32> to vector<16xf32>
        %parallel_loop3A_334 = arith.subf %parallel_loop3A_329, %parallel_loop3A_333 : vector<16xf32>
        %parallel_loop3A_335 = arith.index_cast %parallel_loop3A_325 : i32 to index
        %parallel_loop3A_336 = arith.constant 0 : index
        %parallel_loop3A_337 = tpu.vector_load %arg15[%parallel_loop3A_335, %parallel_loop3A_336] {strides = array<i32>} : memref<80x128xf32, #tpu.memory_space<vmem>>, vector<1x16xf32>,
        %parallel_loop3A_338 = vector.shape_cast %parallel_loop3A_337 : vector<1x16xf32> to vector<16xf32>
        %parallel_loop3A_339 = vector.shape_cast %parallel_loop3A_334 : vector<16xf32> to vector<1x16xf32>
        tpu.vector_store %arg15[%parallel_loop3A_335, %parallel_loop3A_336], %parallel_loop3A_339 {strides = array<i32>} : memref<80x128xf32, #tpu.memory_space<vmem>>, vector<1x16xf32>,
      } {sc.loop_unroll_factor = 1 : i64, sc.parallel_access}
      %mul3A_318 = arith.constant 80 : i32
      %mul3A_319 = arith.muli %add3A_265, %mul3A_318 : i32
      %add3A_320 = arith.addi %mul3A_2, %mul3A_319 : i32
      %dma_start3A_321 = arith.constant 0 : i32
      %dma_start3A_322 = tpu.memref_slice %arg5[%add3A_320, %dma_start3A_321] : memref<320000x128xf32, #tpu.memory_space<hbm>> -> memref<80x128xf32, #tpu.memory_space<hbm>>
      %dma_start3A_323 = arith.constant 0 : i32
      %dma_start3A_324 = tpu.memref_slice %arg5[%add3A_320, %dma_start3A_323] : memref<320000x128xf32, #tpu.memory_space<hbm>> -> memref<80x128xf32, #tpu.memory_space<hbm>>
      tpu.enqueue_dma source(%arg15 : memref<80x128xf32, #tpu.memory_space<vmem>>) target(%dma_start3A_324 : memref<80x128xf32, #tpu.memory_space<hbm>>) target_semaphore(%arg25 : memref<!tpu.dma_semaphore, #tpu.memory_space<semaphore_mem>>)
    }
    %scan3A_149 = arith.constant 61 : i32
    %dma_wait3A_150 = arith.constant 0 : i32
    %dma_wait3A_151 = arith.constant 0 : i32
    %dma_wait3A_152 = tpu.memref_slice %arg2[%dma_wait3A_150, %dma_wait3A_151] : memref<10000x128xf32, #tpu.memory_space<hbm>> -> memref<10000x128xf32, #tpu.memory_space<hbm>>
    tpu.wait_indirect_dma semaphore(%arg20 : memref<!tpu.dma_semaphore, #tpu.memory_space<semaphore_mem>>) src(%dma_wait3A_152 : memref<10000x128xf32, #tpu.memory_space<hbm>>) dst(%arg10 : memref<80x128xf32, #tpu.memory_space<vmem>>)
    %dma_wait3A_153 = arith.constant 0 : i32
    %dma_wait3A_154 = arith.constant 0 : i32
    %dma_wait3A_155 = tpu.memref_slice %arg2[%dma_wait3A_153, %dma_wait3A_154] : memref<10000x128xf32, #tpu.memory_space<hbm>> -> memref<10000x128xf32, #tpu.memory_space<hbm>>
    tpu.wait_indirect_dma semaphore(%arg22 : memref<!tpu.dma_semaphore, #tpu.memory_space<semaphore_mem>>) src(%dma_wait3A_155 : memref<10000x128xf32, #tpu.memory_space<hbm>>) dst(%arg12 : memref<80x128xf32, #tpu.memory_space<vmem>>)
    %add3A_156 = arith.constant 9760 : i32
    %add3A_157 = arith.addi %mul3A_2, %add3A_156 : i32
    %dma_wait3A_158 = arith.constant 0 : i32
    %dma_wait3A_159 = tpu.memref_slice %arg5[%add3A_157, %dma_wait3A_158] : memref<320000x128xf32, #tpu.memory_space<hbm>> -> memref<80x128xf32, #tpu.memory_space<hbm>>
    %dma_wait3A_160 = arith.constant 0 : i32
    %dma_wait3A_161 = tpu.memref_slice %arg5[%add3A_157, %dma_wait3A_160] : memref<320000x128xf32, #tpu.memory_space<hbm>> -> memref<80x128xf32, #tpu.memory_space<hbm>>
    tpu.wait_dma2 semaphore(%arg24 : memref<!tpu.dma_semaphore, #tpu.memory_space<semaphore_mem>>) src(%arg14 : memref<80x128xf32, #tpu.memory_space<vmem>>) dst(%dma_wait3A_161 : memref<80x128xf32, #tpu.memory_space<hbm>>)
    %parallel_loop3A_162 = arith.constant 0 : i32
    %parallel_loop3A_163 = arith.constant 80 : i32
    %parallel_loop3A_164 = arith.constant 1 : i32
    scf.for %parallel_loop3A_197 = %parallel_loop3A_162 to %parallel_loop3A_163 step %parallel_loop3A_164  : i32 {
      %parallel_loop3A_198 = arith.index_cast %parallel_loop3A_197 : i32 to index
      %parallel_loop3A_199 = arith.constant 0 : index
      %parallel_loop3A_200 = tpu.vector_load %arg10[%parallel_loop3A_198, %parallel_loop3A_199] {strides = array<i32>} : memref<80x128xf32, #tpu.memory_space<vmem>>, vector<1x16xf32>,
      %parallel_loop3A_201 = vector.shape_cast %parallel_loop3A_200 : vector<1x16xf32> to vector<16xf32>
      %parallel_loop3A_202 = arith.index_cast %parallel_loop3A_197 : i32 to index
      %parallel_loop3A_203 = arith.constant 0 : index
      %parallel_loop3A_204 = tpu.vector_load %arg12[%parallel_loop3A_202, %parallel_loop3A_203] {strides = array<i32>} : memref<80x128xf32, #tpu.memory_space<vmem>>, vector<1x16xf32>,
      %parallel_loop3A_205 = vector.shape_cast %parallel_loop3A_204 : vector<1x16xf32> to vector<16xf32>
      %parallel_loop3A_206 = arith.subf %parallel_loop3A_201, %parallel_loop3A_205 : vector<16xf32>
      %parallel_loop3A_207 = arith.index_cast %parallel_loop3A_197 : i32 to index
      %parallel_loop3A_208 = arith.constant 0 : index
      %parallel_loop3A_209 = tpu.vector_load %arg14[%parallel_loop3A_207, %parallel_loop3A_208] {strides = array<i32>} : memref<80x128xf32, #tpu.memory_space<vmem>>, vector<1x16xf32>,
      %parallel_loop3A_210 = vector.shape_cast %parallel_loop3A_209 : vector<1x16xf32> to vector<16xf32>
      %parallel_loop3A_211 = vector.shape_cast %parallel_loop3A_206 : vector<16xf32> to vector<1x16xf32>
      tpu.vector_store %arg14[%parallel_loop3A_207, %parallel_loop3A_208], %parallel_loop3A_211 {strides = array<i32>} : memref<80x128xf32, #tpu.memory_space<vmem>>, vector<1x16xf32>,
    } {sc.loop_unroll_factor = 1 : i64, sc.parallel_access}
    %add3A_165 = arith.constant 9920 : i32
    %add3A_166 = arith.addi %mul3A_2, %add3A_165 : i32
    %dma_start3A_167 = arith.constant 0 : i32
    %dma_start3A_168 = tpu.memref_slice %arg5[%add3A_166, %dma_start3A_167] : memref<320000x128xf32, #tpu.memory_space<hbm>> -> memref<80x128xf32, #tpu.memory_space<hbm>>
    %dma_start3A_169 = arith.constant 0 : i32
    %dma_start3A_170 = tpu.memref_slice %arg5[%add3A_166, %dma_start3A_169] : memref<320000x128xf32, #tpu.memory_space<hbm>> -> memref<80x128xf32, #tpu.memory_space<hbm>>
    tpu.enqueue_dma source(%arg14 : memref<80x128xf32, #tpu.memory_space<vmem>>) target(%dma_start3A_170 : memref<80x128xf32, #tpu.memory_space<hbm>>) target_semaphore(%arg24 : memref<!tpu.dma_semaphore, #tpu.memory_space<semaphore_mem>>)
    %dma_wait3A_171 = arith.constant 125 : i32
    %dma_wait3A_172 = arith.constant 0 : i32
    %dma_wait3A_173 = tpu.memref_slice %arg3[%add3A, %dma_wait3A_171, %dma_wait3A_172] : memref<32x126x80xi32, #tpu.memory_space<hbm>> -> memref<1x1x80xi32, #tpu.memory_space<hbm>>
    %dma_wait3A_174 = tpu.memref_squeeze %dma_wait3A_173 : memref<1x1x80xi32, #tpu.memory_space<hbm>> -> memref<80xi32, #tpu.memory_space<hbm>>
    %dma_wait3A_175 = arith.constant 0 : i32
    %dma_wait3A_176 = tpu.memref_slice %arg3[%add3A, %dma_wait3A_171, %dma_wait3A_175] : memref<32x126x80xi32, #tpu.memory_space<hbm>> -> memref<1x1x80xi32, #tpu.memory_space<hbm>>
    %dma_wait3A_177 = tpu.memref_squeeze %dma_wait3A_176 : memref<1x1x80xi32, #tpu.memory_space<hbm>> -> memref<80xi32, #tpu.memory_space<hbm>>
    tpu.wait_dma2 semaphore(%arg17 : memref<!tpu.dma_semaphore, #tpu.memory_space<semaphore_mem>>) src(%dma_wait3A_177 : memref<80xi32, #tpu.memory_space<hbm>>) dst(%arg7 : memref<80xi32, #tpu.memory_space<vmem>>)
    %dma_wait3A_178 = arith.constant 125 : i32
    %dma_wait3A_179 = arith.constant 0 : i32
    %dma_wait3A_180 = tpu.memref_slice %arg4[%add3A, %dma_wait3A_178, %dma_wait3A_179] : memref<32x126x80xi32, #tpu.memory_space<hbm>> -> memref<1x1x80xi32, #tpu.memory_space<hbm>>
    %dma_wait3A_181 = tpu.memref_squeeze %dma_wait3A_180 : memref<1x1x80xi32, #tpu.memory_space<hbm>> -> memref<80xi32, #tpu.memory_space<hbm>>
    %dma_wait3A_182 = arith.constant 0 : i32
    %dma_wait3A_183 = tpu.memref_slice %arg4[%add3A, %dma_wait3A_178, %dma_wait3A_182] : memref<32x126x80xi32, #tpu.memory_space<hbm>> -> memref<1x1x80xi32, #tpu.memory_space<hbm>>
    %dma_wait3A_184 = tpu.memref_squeeze %dma_wait3A_183 : memref<1x1x80xi32, #tpu.memory_space<hbm>> -> memref<80xi32, #tpu.memory_space<hbm>>
    tpu.wait_dma2 semaphore(%arg19 : memref<!tpu.dma_semaphore, #tpu.memory_space<semaphore_mem>>) src(%dma_wait3A_184 : memref<80xi32, #tpu.memory_space<hbm>>) dst(%arg9 : memref<80xi32, #tpu.memory_space<vmem>>)
    %add3A_185 = arith.constant 9840 : i32
    %add3A_186 = arith.addi %mul3A_2, %add3A_185 : i32
    %dma_wait3A_187 = arith.constant 0 : i32
    %dma_wait3A_188 = tpu.memref_slice %arg5[%add3A_186, %dma_wait3A_187] : memref<320000x128xf32, #tpu.memory_space<hbm>> -> memref<80x128xf32, #tpu.memory_space<hbm>>
    %dma_wait3A_189 = arith.constant 0 : i32
    %dma_wait3A_190 = tpu.memref_slice %arg5[%add3A_186, %dma_wait3A_189] : memref<320000x128xf32, #tpu.memory_space<hbm>> -> memref<80x128xf32, #tpu.memory_space<hbm>>
    tpu.wait_dma2 semaphore(%arg25 : memref<!tpu.dma_semaphore, #tpu.memory_space<semaphore_mem>>) src(%arg15 : memref<80x128xf32, #tpu.memory_space<vmem>>) dst(%dma_wait3A_190 : memref<80x128xf32, #tpu.memory_space<hbm>>)
    %add3A_191 = arith.constant 9920 : i32
    %add3A_192 = arith.addi %mul3A_2, %add3A_191 : i32
    %dma_wait3A_193 = arith.constant 0 : i32
    %dma_wait3A_194 = tpu.memref_slice %arg5[%add3A_192, %dma_wait3A_193] : memref<320000x128xf32, #tpu.memory_space<hbm>> -> memref<80x128xf32, #tpu.memory_space<hbm>>
    %dma_wait3A_195 = arith.constant 0 : i32
    %dma_wait3A_196 = tpu.memref_slice %arg5[%add3A_192, %dma_wait3A_195] : memref<320000x128xf32, #tpu.memory_space<hbm>> -> memref<80x128xf32, #tpu.memory_space<hbm>>
    tpu.wait_dma2 semaphore(%arg24 : memref<!tpu.dma_semaphore, #tpu.memory_space<semaphore_mem>>) src(%arg14 : memref<80x128xf32, #tpu.memory_space<vmem>>) dst(%dma_wait3A_196 : memref<80x128xf32, #tpu.memory_space<hbm>>)
    return
  }
}

#map = affine_map<(d0, d1) -> (0, 0)>
#map1 = affine_map<(d0, d1) -> (0, 0, 0)>
module attributes {stable_mosaic.version = 14 : i64} {
  func.func @_scatter_body(%arg0: i32, %arg1: i32, %arg2: memref<10000x128xf32, #tpu.memory_space<hbm>>, %arg3: memref<320000x128xf32, #tpu.memory_space<hbm>>, %arg4: memref<32x126x80xi32, #tpu.memory_space<hbm>>, %arg5: memref<32x126x80xi32, #tpu.memory_space<hbm>>, %arg6: memref<10112x128xf32, #tpu.memory_space<hbm>>, %arg7: memref<2x10112x128xf32, #tpu.memory_space<hbm>>, %arg8: memref<80xi32, #tpu.memory_space<vmem>>, %arg9: memref<80xi32, #tpu.memory_space<vmem>>, %arg10: memref<80xi32, #tpu.memory_space<vmem>>, %arg11: memref<80xi32, #tpu.memory_space<vmem>>, %arg12: memref<80x128xf32, #tpu.memory_space<vmem>>, %arg13: memref<80x128xf32, #tpu.memory_space<vmem>>, %arg14: memref<80x128xf32, #tpu.memory_space<vmem>>, %arg15: memref<10112x128xf32, #tpu.memory_space<vmem_shared>>, %arg16: memref<!tpu.dma_semaphore, #tpu.memory_space<semaphore_mem>>, %arg17: memref<!tpu.dma_semaphore, #tpu.memory_space<semaphore_mem>>, %arg18: memref<!tpu.dma_semaphore, #tpu.memory_space<semaphore_mem>>, %arg19: memref<!tpu.dma_semaphore, #tpu.memory_space<semaphore_mem>>, %arg20: memref<!tpu.dma_semaphore, #tpu.memory_space<semaphore_mem>>, %arg21: memref<!tpu.dma_semaphore, #tpu.memory_space<semaphore_mem>>, %arg22: memref<!tpu.dma_semaphore, #tpu.memory_space<semaphore_mem>>, %arg23: memref<!tpu.dma_semaphore, #tpu.memory_space<semaphore_mem>>, %arg24: memref<!tpu.dma_semaphore, #tpu.memory_space<semaphore_mem>>) attributes {dimension_semantics = [#tpu.dimension_semantics<core_parallel>, #tpu.dimension_semantics<subcore_parallel>], iteration_bounds = array<i64: 2, 16>, scalar_prefetch = 0 : i64, scratch_operands = 17 : i64, tpu.core_type = #tpu.core_type<sc_vector_subcore>, window_params = [{transform_indices = #map}, {transform_indices = #map}, {transform_indices = #map1}, {transform_indices = #map1}, {transform_indices = #map}, {transform_indices = #map1}]} {
    %mul3A = arith.constant 16 : i32
    %mul3A_0 = arith.muli %arg0, %mul3A : i32
    %add3A = arith.addi %mul3A_0, %arg1 : i32
    %mul3A_1 = arith.constant 10000 : i32
    %mul3A_2 = arith.muli %add3A, %mul3A_1 : i32
    %mul3A_3 = arith.constant 632 : i32
    %mul3A_4 = arith.muli %arg1, %mul3A_3 : i32
    %mul3A_5 = arith.constant 632 : i32
    %mul3A_6 = arith.muli %arg1, %mul3A_5 : i32
    "tpu.region"() ({
      %run_scoped3A = tpu.sem_alloc : memref<!tpu.dma_semaphore, #tpu.memory_space<semaphore_mem>>
      %dma_start3A_192 = arith.constant 0 : i32
      %dma_start3A_193 = tpu.memref_slice %arg15[%mul3A_6, %dma_start3A_192] : memref<10112x128xf32, #tpu.memory_space<vmem_shared>> -> memref<632x128xf32, #tpu.memory_space<vmem_shared>>
      %dma_start3A_194 = arith.constant 0 : i32
      %dma_start3A_195 = tpu.memref_slice %arg6[%mul3A_4, %dma_start3A_194] : memref<10112x128xf32, #tpu.memory_space<hbm>> -> memref<632x128xf32, #tpu.memory_space<hbm>>
      tpu.enqueue_dma source(%dma_start3A_195 : memref<632x128xf32, #tpu.memory_space<hbm>>) target(%dma_start3A_193 : memref<632x128xf32, #tpu.memory_space<vmem_shared>>) target_semaphore(%run_scoped3A : memref<!tpu.dma_semaphore, #tpu.memory_space<semaphore_mem>>)
      %dma_wait3A_196 = arith.constant 0 : i32
      %dma_wait3A_197 = tpu.memref_slice %arg15[%mul3A_6, %dma_wait3A_196] : memref<10112x128xf32, #tpu.memory_space<vmem_shared>> -> memref<632x128xf32, #tpu.memory_space<vmem_shared>>
      %dma_wait3A_198 = arith.constant 0 : i32
      %dma_wait3A_199 = tpu.memref_slice %arg6[%mul3A_4, %dma_wait3A_198] : memref<10112x128xf32, #tpu.memory_space<hbm>> -> memref<632x128xf32, #tpu.memory_space<hbm>>
      tpu.wait_dma2 semaphore(%run_scoped3A : memref<!tpu.dma_semaphore, #tpu.memory_space<semaphore_mem>>) src(%dma_wait3A_199 : memref<632x128xf32, #tpu.memory_space<hbm>>) dst(%dma_wait3A_197 : memref<632x128xf32, #tpu.memory_space<vmem_shared>>)
      tpu.yield
    }) : () -> ()
    %barrier3A = arith.constant 0 : index
    tpu.barrier barrier_id(%barrier3A)
    %dma_start3A = arith.constant 0 : i32
    %dma_start3A_7 = arith.constant 0 : i32
    %dma_start3A_8 = tpu.memref_slice %arg4[%add3A, %dma_start3A, %dma_start3A_7] : memref<32x126x80xi32, #tpu.memory_space<hbm>> -> memref<1x1x80xi32, #tpu.memory_space<hbm>>
    %dma_start3A_9 = tpu.memref_squeeze %dma_start3A_8 : memref<1x1x80xi32, #tpu.memory_space<hbm>> -> memref<80xi32, #tpu.memory_space<hbm>>
    %dma_start3A_10 = arith.constant 0 : i32
    %dma_start3A_11 = tpu.memref_slice %arg4[%add3A, %dma_start3A, %dma_start3A_10] : memref<32x126x80xi32, #tpu.memory_space<hbm>> -> memref<1x1x80xi32, #tpu.memory_space<hbm>>
    %dma_start3A_12 = tpu.memref_squeeze %dma_start3A_11 : memref<1x1x80xi32, #tpu.memory_space<hbm>> -> memref<80xi32, #tpu.memory_space<hbm>>
    tpu.enqueue_dma source(%dma_start3A_12 : memref<80xi32, #tpu.memory_space<hbm>>) target(%arg8 : memref<80xi32, #tpu.memory_space<vmem>>) target_semaphore(%arg16 : memref<!tpu.dma_semaphore, #tpu.memory_space<semaphore_mem>>)
    %dma_start3A_13 = arith.constant 0 : i32
    %dma_start3A_14 = arith.constant 0 : i32
    %dma_start3A_15 = tpu.memref_slice %arg5[%add3A, %dma_start3A_13, %dma_start3A_14] : memref<32x126x80xi32, #tpu.memory_space<hbm>> -> memref<1x1x80xi32, #tpu.memory_space<hbm>>
    %dma_start3A_16 = tpu.memref_squeeze %dma_start3A_15 : memref<1x1x80xi32, #tpu.memory_space<hbm>> -> memref<80xi32, #tpu.memory_space<hbm>>
    %dma_start3A_17 = arith.constant 0 : i32
    %dma_start3A_18 = tpu.memref_slice %arg5[%add3A, %dma_start3A_13, %dma_start3A_17] : memref<32x126x80xi32, #tpu.memory_space<hbm>> -> memref<1x1x80xi32, #tpu.memory_space<hbm>>
    %dma_start3A_19 = tpu.memref_squeeze %dma_start3A_18 : memref<1x1x80xi32, #tpu.memory_space<hbm>> -> memref<80xi32, #tpu.memory_space<hbm>>
    tpu.enqueue_dma source(%dma_start3A_19 : memref<80xi32, #tpu.memory_space<hbm>>) target(%arg10 : memref<80xi32, #tpu.memory_space<vmem>>) target_semaphore(%arg18 : memref<!tpu.dma_semaphore, #tpu.memory_space<semaphore_mem>>)
    %dma_wait3A = arith.constant 0 : i32
    %dma_wait3A_20 = arith.constant 0 : i32
    %dma_wait3A_21 = tpu.memref_slice %arg4[%add3A, %dma_wait3A, %dma_wait3A_20] : memref<32x126x80xi32, #tpu.memory_space<hbm>> -> memref<1x1x80xi32, #tpu.memory_space<hbm>>
    %dma_wait3A_22 = tpu.memref_squeeze %dma_wait3A_21 : memref<1x1x80xi32, #tpu.memory_space<hbm>> -> memref<80xi32, #tpu.memory_space<hbm>>
    %dma_wait3A_23 = arith.constant 0 : i32
    %dma_wait3A_24 = tpu.memref_slice %arg4[%add3A, %dma_wait3A, %dma_wait3A_23] : memref<32x126x80xi32, #tpu.memory_space<hbm>> -> memref<1x1x80xi32, #tpu.memory_space<hbm>>
    %dma_wait3A_25 = tpu.memref_squeeze %dma_wait3A_24 : memref<1x1x80xi32, #tpu.memory_space<hbm>> -> memref<80xi32, #tpu.memory_space<hbm>>
    tpu.wait_dma2 semaphore(%arg16 : memref<!tpu.dma_semaphore, #tpu.memory_space<semaphore_mem>>) src(%dma_wait3A_25 : memref<80xi32, #tpu.memory_space<hbm>>) dst(%arg8 : memref<80xi32, #tpu.memory_space<vmem>>)
    %dma_start3A_26 = arith.constant 0 : i32
    %dma_start3A_27 = arith.constant 0 : i32
    %dma_start3A_28 = tpu.memref_slice %arg2[%dma_start3A_26, %dma_start3A_27] : memref<10000x128xf32, #tpu.memory_space<hbm>> -> memref<10000x128xf32, #tpu.memory_space<hbm>>
    tpu.enqueue_indirect_dma source(%dma_start3A_28 : memref<10000x128xf32, #tpu.memory_space<hbm>>) target(%arg12 : memref<80x128xf32, #tpu.memory_space<vmem>>) offsets(%arg8 : memref<80xi32, #tpu.memory_space<vmem>>) semaphore(%arg20 : memref<!tpu.dma_semaphore, #tpu.memory_space<semaphore_mem>>)
    %add3A_29 = arith.constant 0 : i32
    %add3A_30 = arith.addi %mul3A_2, %add3A_29 : i32
    %dma_start3A_31 = arith.constant 0 : i32
    %dma_start3A_32 = tpu.memref_slice %arg3[%add3A_30, %dma_start3A_31] : memref<320000x128xf32, #tpu.memory_space<hbm>> -> memref<80x128xf32, #tpu.memory_space<hbm>>
    %dma_start3A_33 = arith.constant 0 : i32
    %dma_start3A_34 = tpu.memref_slice %arg3[%add3A_30, %dma_start3A_33] : memref<320000x128xf32, #tpu.memory_space<hbm>> -> memref<80x128xf32, #tpu.memory_space<hbm>>
    tpu.enqueue_dma source(%dma_start3A_34 : memref<80x128xf32, #tpu.memory_space<hbm>>) target(%arg14 : memref<80x128xf32, #tpu.memory_space<vmem>>) target_semaphore(%arg22 : memref<!tpu.dma_semaphore, #tpu.memory_space<semaphore_mem>>)
    %dma_start3A_35 = arith.constant 1 : i32
    %dma_start3A_36 = arith.constant 0 : i32
    %dma_start3A_37 = tpu.memref_slice %arg4[%add3A, %dma_start3A_35, %dma_start3A_36] : memref<32x126x80xi32, #tpu.memory_space<hbm>> -> memref<1x1x80xi32, #tpu.memory_space<hbm>>
    %dma_start3A_38 = tpu.memref_squeeze %dma_start3A_37 : memref<1x1x80xi32, #tpu.memory_space<hbm>> -> memref<80xi32, #tpu.memory_space<hbm>>
    %dma_start3A_39 = arith.constant 0 : i32
    %dma_start3A_40 = tpu.memref_slice %arg4[%add3A, %dma_start3A_35, %dma_start3A_39] : memref<32x126x80xi32, #tpu.memory_space<hbm>> -> memref<1x1x80xi32, #tpu.memory_space<hbm>>
    %dma_start3A_41 = tpu.memref_squeeze %dma_start3A_40 : memref<1x1x80xi32, #tpu.memory_space<hbm>> -> memref<80xi32, #tpu.memory_space<hbm>>
    tpu.enqueue_dma source(%dma_start3A_41 : memref<80xi32, #tpu.memory_space<hbm>>) target(%arg9 : memref<80xi32, #tpu.memory_space<vmem>>) target_semaphore(%arg17 : memref<!tpu.dma_semaphore, #tpu.memory_space<semaphore_mem>>)
    %dma_start3A_42 = arith.constant 1 : i32
    %dma_start3A_43 = arith.constant 0 : i32
    %dma_start3A_44 = tpu.memref_slice %arg5[%add3A, %dma_start3A_42, %dma_start3A_43] : memref<32x126x80xi32, #tpu.memory_space<hbm>> -> memref<1x1x80xi32, #tpu.memory_space<hbm>>
    %dma_start3A_45 = tpu.memref_squeeze %dma_start3A_44 : memref<1x1x80xi32, #tpu.memory_space<hbm>> -> memref<80xi32, #tpu.memory_space<hbm>>
    %dma_start3A_46 = arith.constant 0 : i32
    %dma_start3A_47 = tpu.memref_slice %arg5[%add3A, %dma_start3A_42, %dma_start3A_46] : memref<32x126x80xi32, #tpu.memory_space<hbm>> -> memref<1x1x80xi32, #tpu.memory_space<hbm>>
    %dma_start3A_48 = tpu.memref_squeeze %dma_start3A_47 : memref<1x1x80xi32, #tpu.memory_space<hbm>> -> memref<80xi32, #tpu.memory_space<hbm>>
    tpu.enqueue_dma source(%dma_start3A_48 : memref<80xi32, #tpu.memory_space<hbm>>) target(%arg11 : memref<80xi32, #tpu.memory_space<vmem>>) target_semaphore(%arg19 : memref<!tpu.dma_semaphore, #tpu.memory_space<semaphore_mem>>)
    %dma_wait3A_49 = arith.constant 0 : i32
    %dma_wait3A_50 = arith.constant 0 : i32
    %dma_wait3A_51 = tpu.memref_slice %arg2[%dma_wait3A_49, %dma_wait3A_50] : memref<10000x128xf32, #tpu.memory_space<hbm>> -> memref<10000x128xf32, #tpu.memory_space<hbm>>
    tpu.wait_indirect_dma semaphore(%arg20 : memref<!tpu.dma_semaphore, #tpu.memory_space<semaphore_mem>>) src(%dma_wait3A_51 : memref<10000x128xf32, #tpu.memory_space<hbm>>) dst(%arg12 : memref<80x128xf32, #tpu.memory_space<vmem>>)
    %dma_start3A_52 = arith.constant 2 : i32
    %dma_start3A_53 = arith.constant 0 : i32
    %dma_start3A_54 = tpu.memref_slice %arg4[%add3A, %dma_start3A_52, %dma_start3A_53] : memref<32x126x80xi32, #tpu.memory_space<hbm>> -> memref<1x1x80xi32, #tpu.memory_space<hbm>>
    %dma_start3A_55 = tpu.memref_squeeze %dma_start3A_54 : memref<1x1x80xi32, #tpu.memory_space<hbm>> -> memref<80xi32, #tpu.memory_space<hbm>>
    %dma_start3A_56 = arith.constant 0 : i32
    %dma_start3A_57 = tpu.memref_slice %arg4[%add3A, %dma_start3A_52, %dma_start3A_56] : memref<32x126x80xi32, #tpu.memory_space<hbm>> -> memref<1x1x80xi32, #tpu.memory_space<hbm>>
    %dma_start3A_58 = tpu.memref_squeeze %dma_start3A_57 : memref<1x1x80xi32, #tpu.memory_space<hbm>> -> memref<80xi32, #tpu.memory_space<hbm>>
    tpu.enqueue_dma source(%dma_start3A_58 : memref<80xi32, #tpu.memory_space<hbm>>) target(%arg8 : memref<80xi32, #tpu.memory_space<vmem>>) target_semaphore(%arg16 : memref<!tpu.dma_semaphore, #tpu.memory_space<semaphore_mem>>)
    %add3A_59 = arith.constant 0 : i32
    %add3A_60 = arith.addi %mul3A_2, %add3A_59 : i32
    %dma_wait3A_61 = arith.constant 0 : i32
    %dma_wait3A_62 = tpu.memref_slice %arg3[%add3A_60, %dma_wait3A_61] : memref<320000x128xf32, #tpu.memory_space<hbm>> -> memref<80x128xf32, #tpu.memory_space<hbm>>
    %dma_wait3A_63 = arith.constant 0 : i32
    %dma_wait3A_64 = tpu.memref_slice %arg3[%add3A_60, %dma_wait3A_63] : memref<320000x128xf32, #tpu.memory_space<hbm>> -> memref<80x128xf32, #tpu.memory_space<hbm>>
    tpu.wait_dma2 semaphore(%arg22 : memref<!tpu.dma_semaphore, #tpu.memory_space<semaphore_mem>>) src(%dma_wait3A_64 : memref<80x128xf32, #tpu.memory_space<hbm>>) dst(%arg14 : memref<80x128xf32, #tpu.memory_space<vmem>>)
    %parallel_loop3A = arith.constant 0 : i32
    %parallel_loop3A_65 = arith.constant 80 : i32
    %parallel_loop3A_66 = arith.constant 1 : i32
    scf.for %parallel_loop3A_192 = %parallel_loop3A to %parallel_loop3A_65 step %parallel_loop3A_66  : i32 {
      %parallel_loop3A_193 = arith.index_cast %parallel_loop3A_192 : i32 to index
      %parallel_loop3A_194 = arith.constant 0 : index
      %parallel_loop3A_195 = tpu.vector_load %arg12[%parallel_loop3A_193, %parallel_loop3A_194] {strides = array<i32>} : memref<80x128xf32, #tpu.memory_space<vmem>>, vector<1x16xf32>,
      %parallel_loop3A_196 = vector.shape_cast %parallel_loop3A_195 : vector<1x16xf32> to vector<16xf32>
      %parallel_loop3A_197 = arith.index_cast %parallel_loop3A_192 : i32 to index
      %parallel_loop3A_198 = arith.constant 0 : index
      %parallel_loop3A_199 = tpu.vector_load %arg14[%parallel_loop3A_197, %parallel_loop3A_198] {strides = array<i32>} : memref<80x128xf32, #tpu.memory_space<vmem>>, vector<1x16xf32>,
      %parallel_loop3A_200 = vector.shape_cast %parallel_loop3A_199 : vector<1x16xf32> to vector<16xf32>
      %parallel_loop3A_201 = arith.addf %parallel_loop3A_196, %parallel_loop3A_200 : vector<16xf32>
      %parallel_loop3A_202 = arith.constant 0.000000e+00 : f32
      %parallel_loop3A_203 = vector.broadcast %parallel_loop3A_202 : f32 to vector<16xf32>
      %parallel_loop3A_204 = arith.subf %parallel_loop3A_203, %parallel_loop3A_201 : vector<16xf32>
      %parallel_loop3A_205 = math.exp %parallel_loop3A_204 : vector<16xf32>
      %parallel_loop3A_206 = arith.constant 1.000000e+00 : f32
      %parallel_loop3A_207 = vector.broadcast %parallel_loop3A_206 : f32 to vector<16xf32>
      %parallel_loop3A_208 = arith.addf %parallel_loop3A_207, %parallel_loop3A_205 : vector<16xf32>
      %parallel_loop3A_209 = arith.divf %parallel_loop3A_201, %parallel_loop3A_208 : vector<16xf32>
      %parallel_loop3A_210 = arith.index_cast %parallel_loop3A_192 : i32 to index
      %parallel_loop3A_211 = arith.constant 0 : index
      %parallel_loop3A_212 = tpu.vector_load %arg12[%parallel_loop3A_210, %parallel_loop3A_211] {strides = array<i32>} : memref<80x128xf32, #tpu.memory_space<vmem>>, vector<1x16xf32>,
      %parallel_loop3A_213 = vector.shape_cast %parallel_loop3A_212 : vector<1x16xf32> to vector<16xf32>
      %parallel_loop3A_214 = vector.shape_cast %parallel_loop3A_209 : vector<16xf32> to vector<1x16xf32>
      tpu.vector_store %arg12[%parallel_loop3A_210, %parallel_loop3A_211], %parallel_loop3A_214 {strides = array<i32>} : memref<80x128xf32, #tpu.memory_space<vmem>>, vector<1x16xf32>,
      %parallel_loop3A_215 = arith.index_cast %parallel_loop3A_192 : i32 to index
      %parallel_loop3A_216 = arith.constant 16 : index
      %parallel_loop3A_217 = tpu.vector_load %arg12[%parallel_loop3A_215, %parallel_loop3A_216] {strides = array<i32>} : memref<80x128xf32, #tpu.memory_space<vmem>>, vector<1x16xf32>,
      %parallel_loop3A_218 = vector.shape_cast %parallel_loop3A_217 : vector<1x16xf32> to vector<16xf32>
      %parallel_loop3A_219 = arith.index_cast %parallel_loop3A_192 : i32 to index
      %parallel_loop3A_220 = arith.constant 16 : index
      %parallel_loop3A_221 = tpu.vector_load %arg14[%parallel_loop3A_219, %parallel_loop3A_220] {strides = array<i32>} : memref<80x128xf32, #tpu.memory_space<vmem>>, vector<1x16xf32>,
      %parallel_loop3A_222 = vector.shape_cast %parallel_loop3A_221 : vector<1x16xf32> to vector<16xf32>
      %parallel_loop3A_223 = arith.addf %parallel_loop3A_218, %parallel_loop3A_222 : vector<16xf32>
      %parallel_loop3A_224 = arith.constant 0.000000e+00 : f32
      %parallel_loop3A_225 = vector.broadcast %parallel_loop3A_224 : f32 to vector<16xf32>
      %parallel_loop3A_226 = arith.subf %parallel_loop3A_225, %parallel_loop3A_223 : vector<16xf32>
      %parallel_loop3A_227 = math.exp %parallel_loop3A_226 : vector<16xf32>
      %parallel_loop3A_228 = arith.constant 1.000000e+00 : f32
      %parallel_loop3A_229 = vector.broadcast %parallel_loop3A_228 : f32 to vector<16xf32>
      %parallel_loop3A_230 = arith.addf %parallel_loop3A_229, %parallel_loop3A_227 : vector<16xf32>
      %parallel_loop3A_231 = arith.divf %parallel_loop3A_223, %parallel_loop3A_230 : vector<16xf32>
      %parallel_loop3A_232 = arith.index_cast %parallel_loop3A_192 : i32 to index
      %parallel_loop3A_233 = arith.constant 16 : index
      %parallel_loop3A_234 = tpu.vector_load %arg12[%parallel_loop3A_232, %parallel_loop3A_233] {strides = array<i32>} : memref<80x128xf32, #tpu.memory_space<vmem>>, vector<1x16xf32>,
      %parallel_loop3A_235 = vector.shape_cast %parallel_loop3A_234 : vector<1x16xf32> to vector<16xf32>
      %parallel_loop3A_236 = vector.shape_cast %parallel_loop3A_231 : vector<16xf32> to vector<1x16xf32>
      tpu.vector_store %arg12[%parallel_loop3A_232, %parallel_loop3A_233], %parallel_loop3A_236 {strides = array<i32>} : memref<80x128xf32, #tpu.memory_space<vmem>>, vector<1x16xf32>,
      %parallel_loop3A_237 = arith.index_cast %parallel_loop3A_192 : i32 to index
      %parallel_loop3A_238 = arith.constant 32 : index
      %parallel_loop3A_239 = tpu.vector_load %arg12[%parallel_loop3A_237, %parallel_loop3A_238] {strides = array<i32>} : memref<80x128xf32, #tpu.memory_space<vmem>>, vector<1x16xf32>,
      %parallel_loop3A_240 = vector.shape_cast %parallel_loop3A_239 : vector<1x16xf32> to vector<16xf32>
      %parallel_loop3A_241 = arith.index_cast %parallel_loop3A_192 : i32 to index
      %parallel_loop3A_242 = arith.constant 32 : index
      %parallel_loop3A_243 = tpu.vector_load %arg14[%parallel_loop3A_241, %parallel_loop3A_242] {strides = array<i32>} : memref<80x128xf32, #tpu.memory_space<vmem>>, vector<1x16xf32>,
      %parallel_loop3A_244 = vector.shape_cast %parallel_loop3A_243 : vector<1x16xf32> to vector<16xf32>
      %parallel_loop3A_245 = arith.addf %parallel_loop3A_240, %parallel_loop3A_244 : vector<16xf32>
      %parallel_loop3A_246 = arith.constant 0.000000e+00 : f32
      %parallel_loop3A_247 = vector.broadcast %parallel_loop3A_246 : f32 to vector<16xf32>
      %parallel_loop3A_248 = arith.subf %parallel_loop3A_247, %parallel_loop3A_245 : vector<16xf32>
      %parallel_loop3A_249 = math.exp %parallel_loop3A_248 : vector<16xf32>
      %parallel_loop3A_250 = arith.constant 1.000000e+00 : f32
      %parallel_loop3A_251 = vector.broadcast %parallel_loop3A_250 : f32 to vector<16xf32>
      %parallel_loop3A_252 = arith.addf %parallel_loop3A_251, %parallel_loop3A_249 : vector<16xf32>
      %parallel_loop3A_253 = arith.divf %parallel_loop3A_245, %parallel_loop3A_252 : vector<16xf32>
      %parallel_loop3A_254 = arith.index_cast %parallel_loop3A_192 : i32 to index
      %parallel_loop3A_255 = arith.constant 32 : index
      %parallel_loop3A_256 = tpu.vector_load %arg12[%parallel_loop3A_254, %parallel_loop3A_255] {strides = array<i32>} : memref<80x128xf32, #tpu.memory_space<vmem>>, vector<1x16xf32>,
      %parallel_loop3A_257 = vector.shape_cast %parallel_loop3A_256 : vector<1x16xf32> to vector<16xf32>
      %parallel_loop3A_258 = vector.shape_cast %parallel_loop3A_253 : vector<16xf32> to vector<1x16xf32>
      tpu.vector_store %arg12[%parallel_loop3A_254, %parallel_loop3A_255], %parallel_loop3A_258 {strides = array<i32>} : memref<80x128xf32, #tpu.memory_space<vmem>>, vector<1x16xf32>,
      %parallel_loop3A_259 = arith.index_cast %parallel_loop3A_192 : i32 to index
      %parallel_loop3A_260 = arith.constant 48 : index
      %parallel_loop3A_261 = tpu.vector_load %arg12[%parallel_loop3A_259, %parallel_loop3A_260] {strides = array<i32>} : memref<80x128xf32, #tpu.memory_space<vmem>>, vector<1x16xf32>,
      %parallel_loop3A_262 = vector.shape_cast %parallel_loop3A_261 : vector<1x16xf32> to vector<16xf32>
      %parallel_loop3A_263 = arith.index_cast %parallel_loop3A_192 : i32 to index
      %parallel_loop3A_264 = arith.constant 48 : index
      %parallel_loop3A_265 = tpu.vector_load %arg14[%parallel_loop3A_263, %parallel_loop3A_264] {strides = array<i32>} : memref<80x128xf32, #tpu.memory_space<vmem>>, vector<1x16xf32>,
      %parallel_loop3A_266 = vector.shape_cast %parallel_loop3A_265 : vector<1x16xf32> to vector<16xf32>
      %parallel_loop3A_267 = arith.addf %parallel_loop3A_262, %parallel_loop3A_266 : vector<16xf32>
      %parallel_loop3A_268 = arith.constant 0.000000e+00 : f32
      %parallel_loop3A_269 = vector.broadcast %parallel_loop3A_268 : f32 to vector<16xf32>
      %parallel_loop3A_270 = arith.subf %parallel_loop3A_269, %parallel_loop3A_267 : vector<16xf32>
      %parallel_loop3A_271 = math.exp %parallel_loop3A_270 : vector<16xf32>
      %parallel_loop3A_272 = arith.constant 1.000000e+00 : f32
      %parallel_loop3A_273 = vector.broadcast %parallel_loop3A_272 : f32 to vector<16xf32>
      %parallel_loop3A_274 = arith.addf %parallel_loop3A_273, %parallel_loop3A_271 : vector<16xf32>
      %parallel_loop3A_275 = arith.divf %parallel_loop3A_267, %parallel_loop3A_274 : vector<16xf32>
      %parallel_loop3A_276 = arith.index_cast %parallel_loop3A_192 : i32 to index
      %parallel_loop3A_277 = arith.constant 48 : index
      %parallel_loop3A_278 = tpu.vector_load %arg12[%parallel_loop3A_276, %parallel_loop3A_277] {strides = array<i32>} : memref<80x128xf32, #tpu.memory_space<vmem>>, vector<1x16xf32>,
      %parallel_loop3A_279 = vector.shape_cast %parallel_loop3A_278 : vector<1x16xf32> to vector<16xf32>
      %parallel_loop3A_280 = vector.shape_cast %parallel_loop3A_275 : vector<16xf32> to vector<1x16xf32>
      tpu.vector_store %arg12[%parallel_loop3A_276, %parallel_loop3A_277], %parallel_loop3A_280 {strides = array<i32>} : memref<80x128xf32, #tpu.memory_space<vmem>>, vector<1x16xf32>,
      %parallel_loop3A_281 = arith.index_cast %parallel_loop3A_192 : i32 to index
      %parallel_loop3A_282 = arith.constant 64 : index
      %parallel_loop3A_283 = tpu.vector_load %arg12[%parallel_loop3A_281, %parallel_loop3A_282] {strides = array<i32>} : memref<80x128xf32, #tpu.memory_space<vmem>>, vector<1x16xf32>,
      %parallel_loop3A_284 = vector.shape_cast %parallel_loop3A_283 : vector<1x16xf32> to vector<16xf32>
      %parallel_loop3A_285 = arith.index_cast %parallel_loop3A_192 : i32 to index
      %parallel_loop3A_286 = arith.constant 64 : index
      %parallel_loop3A_287 = tpu.vector_load %arg14[%parallel_loop3A_285, %parallel_loop3A_286] {strides = array<i32>} : memref<80x128xf32, #tpu.memory_space<vmem>>, vector<1x16xf32>,
      %parallel_loop3A_288 = vector.shape_cast %parallel_loop3A_287 : vector<1x16xf32> to vector<16xf32>
      %parallel_loop3A_289 = arith.addf %parallel_loop3A_284, %parallel_loop3A_288 : vector<16xf32>
      %parallel_loop3A_290 = arith.constant 0.000000e+00 : f32
      %parallel_loop3A_291 = vector.broadcast %parallel_loop3A_290 : f32 to vector<16xf32>
      %parallel_loop3A_292 = arith.subf %parallel_loop3A_291, %parallel_loop3A_289 : vector<16xf32>
      %parallel_loop3A_293 = math.exp %parallel_loop3A_292 : vector<16xf32>
      %parallel_loop3A_294 = arith.constant 1.000000e+00 : f32
      %parallel_loop3A_295 = vector.broadcast %parallel_loop3A_294 : f32 to vector<16xf32>
      %parallel_loop3A_296 = arith.addf %parallel_loop3A_295, %parallel_loop3A_293 : vector<16xf32>
      %parallel_loop3A_297 = arith.divf %parallel_loop3A_289, %parallel_loop3A_296 : vector<16xf32>
      %parallel_loop3A_298 = arith.index_cast %parallel_loop3A_192 : i32 to index
      %parallel_loop3A_299 = arith.constant 64 : index
      %parallel_loop3A_300 = tpu.vector_load %arg12[%parallel_loop3A_298, %parallel_loop3A_299] {strides = array<i32>} : memref<80x128xf32, #tpu.memory_space<vmem>>, vector<1x16xf32>,
      %parallel_loop3A_301 = vector.shape_cast %parallel_loop3A_300 : vector<1x16xf32> to vector<16xf32>
      %parallel_loop3A_302 = vector.shape_cast %parallel_loop3A_297 : vector<16xf32> to vector<1x16xf32>
      tpu.vector_store %arg12[%parallel_loop3A_298, %parallel_loop3A_299], %parallel_loop3A_302 {strides = array<i32>} : memref<80x128xf32, #tpu.memory_space<vmem>>, vector<1x16xf32>,
      %parallel_loop3A_303 = arith.index_cast %parallel_loop3A_192 : i32 to index
      %parallel_loop3A_304 = arith.constant 80 : index
      %parallel_loop3A_305 = tpu.vector_load %arg12[%parallel_loop3A_303, %parallel_loop3A_304] {strides = array<i32>} : memref<80x128xf32, #tpu.memory_space<vmem>>, vector<1x16xf32>,
      %parallel_loop3A_306 = vector.shape_cast %parallel_loop3A_305 : vector<1x16xf32> to vector<16xf32>
      %parallel_loop3A_307 = arith.index_cast %parallel_loop3A_192 : i32 to index
      %parallel_loop3A_308 = arith.constant 80 : index
      %parallel_loop3A_309 = tpu.vector_load %arg14[%parallel_loop3A_307, %parallel_loop3A_308] {strides = array<i32>} : memref<80x128xf32, #tpu.memory_space<vmem>>, vector<1x16xf32>,
      %parallel_loop3A_310 = vector.shape_cast %parallel_loop3A_309 : vector<1x16xf32> to vector<16xf32>
      %parallel_loop3A_311 = arith.addf %parallel_loop3A_306, %parallel_loop3A_310 : vector<16xf32>
      %parallel_loop3A_312 = arith.constant 0.000000e+00 : f32
      %parallel_loop3A_313 = vector.broadcast %parallel_loop3A_312 : f32 to vector<16xf32>
      %parallel_loop3A_314 = arith.subf %parallel_loop3A_313, %parallel_loop3A_311 : vector<16xf32>
      %parallel_loop3A_315 = math.exp %parallel_loop3A_314 : vector<16xf32>
      %parallel_loop3A_316 = arith.constant 1.000000e+00 : f32
      %parallel_loop3A_317 = vector.broadcast %parallel_loop3A_316 : f32 to vector<16xf32>
      %parallel_loop3A_318 = arith.addf %parallel_loop3A_317, %parallel_loop3A_315 : vector<16xf32>
      %parallel_loop3A_319 = arith.divf %parallel_loop3A_311, %parallel_loop3A_318 : vector<16xf32>
      %parallel_loop3A_320 = arith.index_cast %parallel_loop3A_192 : i32 to index
      %parallel_loop3A_321 = arith.constant 80 : index
      %parallel_loop3A_322 = tpu.vector_load %arg12[%parallel_loop3A_320, %parallel_loop3A_321] {strides = array<i32>} : memref<80x128xf32, #tpu.memory_space<vmem>>, vector<1x16xf32>,
      %parallel_loop3A_323 = vector.shape_cast %parallel_loop3A_322 : vector<1x16xf32> to vector<16xf32>
      %parallel_loop3A_324 = vector.shape_cast %parallel_loop3A_319 : vector<16xf32> to vector<1x16xf32>
      tpu.vector_store %arg12[%parallel_loop3A_320, %parallel_loop3A_321], %parallel_loop3A_324 {strides = array<i32>} : memref<80x128xf32, #tpu.memory_space<vmem>>, vector<1x16xf32>,
      %parallel_loop3A_325 = arith.index_cast %parallel_loop3A_192 : i32 to index
      %parallel_loop3A_326 = arith.constant 96 : index
      %parallel_loop3A_327 = tpu.vector_load %arg12[%parallel_loop3A_325, %parallel_loop3A_326] {strides = array<i32>} : memref<80x128xf32, #tpu.memory_space<vmem>>, vector<1x16xf32>,
      %parallel_loop3A_328 = vector.shape_cast %parallel_loop3A_327 : vector<1x16xf32> to vector<16xf32>
      %parallel_loop3A_329 = arith.index_cast %parallel_loop3A_192 : i32 to index
      %parallel_loop3A_330 = arith.constant 96 : index
      %parallel_loop3A_331 = tpu.vector_load %arg14[%parallel_loop3A_329, %parallel_loop3A_330] {strides = array<i32>} : memref<80x128xf32, #tpu.memory_space<vmem>>, vector<1x16xf32>,
      %parallel_loop3A_332 = vector.shape_cast %parallel_loop3A_331 : vector<1x16xf32> to vector<16xf32>
      %parallel_loop3A_333 = arith.addf %parallel_loop3A_328, %parallel_loop3A_332 : vector<16xf32>
      %parallel_loop3A_334 = arith.constant 0.000000e+00 : f32
      %parallel_loop3A_335 = vector.broadcast %parallel_loop3A_334 : f32 to vector<16xf32>
      %parallel_loop3A_336 = arith.subf %parallel_loop3A_335, %parallel_loop3A_333 : vector<16xf32>
      %parallel_loop3A_337 = math.exp %parallel_loop3A_336 : vector<16xf32>
      %parallel_loop3A_338 = arith.constant 1.000000e+00 : f32
      %parallel_loop3A_339 = vector.broadcast %parallel_loop3A_338 : f32 to vector<16xf32>
      %parallel_loop3A_340 = arith.addf %parallel_loop3A_339, %parallel_loop3A_337 : vector<16xf32>
      %parallel_loop3A_341 = arith.divf %parallel_loop3A_333, %parallel_loop3A_340 : vector<16xf32>
      %parallel_loop3A_342 = arith.index_cast %parallel_loop3A_192 : i32 to index
      %parallel_loop3A_343 = arith.constant 96 : index
      %parallel_loop3A_344 = tpu.vector_load %arg12[%parallel_loop3A_342, %parallel_loop3A_343] {strides = array<i32>} : memref<80x128xf32, #tpu.memory_space<vmem>>, vector<1x16xf32>,
      %parallel_loop3A_345 = vector.shape_cast %parallel_loop3A_344 : vector<1x16xf32> to vector<16xf32>
      %parallel_loop3A_346 = vector.shape_cast %parallel_loop3A_341 : vector<16xf32> to vector<1x16xf32>
      tpu.vector_store %arg12[%parallel_loop3A_342, %parallel_loop3A_343], %parallel_loop3A_346 {strides = array<i32>} : memref<80x128xf32, #tpu.memory_space<vmem>>, vector<1x16xf32>,
      %parallel_loop3A_347 = arith.index_cast %parallel_loop3A_192 : i32 to index
      %parallel_loop3A_348 = arith.constant 112 : index
      %parallel_loop3A_349 = tpu.vector_load %arg12[%parallel_loop3A_347, %parallel_loop3A_348] {strides = array<i32>} : memref<80x128xf32, #tpu.memory_space<vmem>>, vector<1x16xf32>,
      %parallel_loop3A_350 = vector.shape_cast %parallel_loop3A_349 : vector<1x16xf32> to vector<16xf32>
      %parallel_loop3A_351 = arith.index_cast %parallel_loop3A_192 : i32 to index
      %parallel_loop3A_352 = arith.constant 112 : index
      %parallel_loop3A_353 = tpu.vector_load %arg14[%parallel_loop3A_351, %parallel_loop3A_352] {strides = array<i32>} : memref<80x128xf32, #tpu.memory_space<vmem>>, vector<1x16xf32>,
      %parallel_loop3A_354 = vector.shape_cast %parallel_loop3A_353 : vector<1x16xf32> to vector<16xf32>
      %parallel_loop3A_355 = arith.addf %parallel_loop3A_350, %parallel_loop3A_354 : vector<16xf32>
      %parallel_loop3A_356 = arith.constant 0.000000e+00 : f32
      %parallel_loop3A_357 = vector.broadcast %parallel_loop3A_356 : f32 to vector<16xf32>
      %parallel_loop3A_358 = arith.subf %parallel_loop3A_357, %parallel_loop3A_355 : vector<16xf32>
      %parallel_loop3A_359 = math.exp %parallel_loop3A_358 : vector<16xf32>
      %parallel_loop3A_360 = arith.constant 1.000000e+00 : f32
      %parallel_loop3A_361 = vector.broadcast %parallel_loop3A_360 : f32 to vector<16xf32>
      %parallel_loop3A_362 = arith.addf %parallel_loop3A_361, %parallel_loop3A_359 : vector<16xf32>
      %parallel_loop3A_363 = arith.divf %parallel_loop3A_355, %parallel_loop3A_362 : vector<16xf32>
      %parallel_loop3A_364 = arith.index_cast %parallel_loop3A_192 : i32 to index
      %parallel_loop3A_365 = arith.constant 112 : index
      %parallel_loop3A_366 = tpu.vector_load %arg12[%parallel_loop3A_364, %parallel_loop3A_365] {strides = array<i32>} : memref<80x128xf32, #tpu.memory_space<vmem>>, vector<1x16xf32>,
      %parallel_loop3A_367 = vector.shape_cast %parallel_loop3A_366 : vector<1x16xf32> to vector<16xf32>
      %parallel_loop3A_368 = vector.shape_cast %parallel_loop3A_363 : vector<16xf32> to vector<1x16xf32>
      tpu.vector_store %arg12[%parallel_loop3A_364, %parallel_loop3A_365], %parallel_loop3A_368 {strides = array<i32>} : memref<80x128xf32, #tpu.memory_space<vmem>>, vector<1x16xf32>,
    } {sc.loop_unroll_factor = 1 : i64, sc.parallel_access}
    %add3A_67 = arith.constant 80 : i32
    %add3A_68 = arith.addi %mul3A_2, %add3A_67 : i32
    %dma_start3A_69 = arith.constant 0 : i32
    %dma_start3A_70 = tpu.memref_slice %arg3[%add3A_68, %dma_start3A_69] : memref<320000x128xf32, #tpu.memory_space<hbm>> -> memref<80x128xf32, #tpu.memory_space<hbm>>
    %dma_start3A_71 = arith.constant 0 : i32
    %dma_start3A_72 = tpu.memref_slice %arg3[%add3A_68, %dma_start3A_71] : memref<320000x128xf32, #tpu.memory_space<hbm>> -> memref<80x128xf32, #tpu.memory_space<hbm>>
    tpu.enqueue_dma source(%dma_start3A_72 : memref<80x128xf32, #tpu.memory_space<hbm>>) target(%arg14 : memref<80x128xf32, #tpu.memory_space<vmem>>) target_semaphore(%arg22 : memref<!tpu.dma_semaphore, #tpu.memory_space<semaphore_mem>>)
    %dma_wait3A_73 = arith.constant 1 : i32
    %dma_wait3A_74 = arith.constant 0 : i32
    %dma_wait3A_75 = tpu.memref_slice %arg4[%add3A, %dma_wait3A_73, %dma_wait3A_74] : memref<32x126x80xi32, #tpu.memory_space<hbm>> -> memref<1x1x80xi32, #tpu.memory_space<hbm>>
    %dma_wait3A_76 = tpu.memref_squeeze %dma_wait3A_75 : memref<1x1x80xi32, #tpu.memory_space<hbm>> -> memref<80xi32, #tpu.memory_space<hbm>>
    %dma_wait3A_77 = arith.constant 0 : i32
    %dma_wait3A_78 = tpu.memref_slice %arg4[%add3A, %dma_wait3A_73, %dma_wait3A_77] : memref<32x126x80xi32, #tpu.memory_space<hbm>> -> memref<1x1x80xi32, #tpu.memory_space<hbm>>
    %dma_wait3A_79 = tpu.memref_squeeze %dma_wait3A_78 : memref<1x1x80xi32, #tpu.memory_space<hbm>> -> memref<80xi32, #tpu.memory_space<hbm>>
    tpu.wait_dma2 semaphore(%arg17 : memref<!tpu.dma_semaphore, #tpu.memory_space<semaphore_mem>>) src(%dma_wait3A_79 : memref<80xi32, #tpu.memory_space<hbm>>) dst(%arg9 : memref<80xi32, #tpu.memory_space<vmem>>)
    %dma_start3A_80 = arith.constant 0 : i32
    %dma_start3A_81 = arith.constant 0 : i32
    %dma_start3A_82 = tpu.memref_slice %arg2[%dma_start3A_80, %dma_start3A_81] : memref<10000x128xf32, #tpu.memory_space<hbm>> -> memref<10000x128xf32, #tpu.memory_space<hbm>>
    tpu.enqueue_indirect_dma source(%dma_start3A_82 : memref<10000x128xf32, #tpu.memory_space<hbm>>) target(%arg13 : memref<80x128xf32, #tpu.memory_space<vmem>>) offsets(%arg9 : memref<80xi32, #tpu.memory_space<vmem>>) semaphore(%arg21 : memref<!tpu.dma_semaphore, #tpu.memory_space<semaphore_mem>>)
    %dma_wait3A_83 = arith.constant 0 : i32
    %dma_wait3A_84 = arith.constant 0 : i32
    %dma_wait3A_85 = tpu.memref_slice %arg5[%add3A, %dma_wait3A_83, %dma_wait3A_84] : memref<32x126x80xi32, #tpu.memory_space<hbm>> -> memref<1x1x80xi32, #tpu.memory_space<hbm>>
    %dma_wait3A_86 = tpu.memref_squeeze %dma_wait3A_85 : memref<1x1x80xi32, #tpu.memory_space<hbm>> -> memref<80xi32, #tpu.memory_space<hbm>>
    %dma_wait3A_87 = arith.constant 0 : i32
    %dma_wait3A_88 = tpu.memref_slice %arg5[%add3A, %dma_wait3A_83, %dma_wait3A_87] : memref<32x126x80xi32, #tpu.memory_space<hbm>> -> memref<1x1x80xi32, #tpu.memory_space<hbm>>
    %dma_wait3A_89 = tpu.memref_squeeze %dma_wait3A_88 : memref<1x1x80xi32, #tpu.memory_space<hbm>> -> memref<80xi32, #tpu.memory_space<hbm>>
    tpu.wait_dma2 semaphore(%arg18 : memref<!tpu.dma_semaphore, #tpu.memory_space<semaphore_mem>>) src(%dma_wait3A_89 : memref<80xi32, #tpu.memory_space<hbm>>) dst(%arg10 : memref<80xi32, #tpu.memory_space<vmem>>)
    %dma_start3A_90 = arith.constant 0 : i32
    %dma_start3A_91 = arith.constant 0 : i32
    %dma_start3A_92 = tpu.memref_slice %arg15[%dma_start3A_90, %dma_start3A_91] : memref<10112x128xf32, #tpu.memory_space<vmem_shared>> -> memref<10112x128xf32, #tpu.memory_space<vmem_shared>>
    tpu.enqueue_indirect_dma source(%arg12 : memref<80x128xf32, #tpu.memory_space<vmem>>) target(%dma_start3A_92 : memref<10112x128xf32, #tpu.memory_space<vmem_shared>>) offsets(%arg10 : memref<80xi32, #tpu.memory_space<vmem>>) semaphore(%arg23 : memref<!tpu.dma_semaphore, #tpu.memory_space<semaphore_mem>>) {add = true}
    %dma_wait3A_93 = arith.constant 0 : i32
    %dma_wait3A_94 = arith.constant 0 : i32
    %dma_wait3A_95 = tpu.memref_slice %arg2[%dma_wait3A_93, %dma_wait3A_94] : memref<10000x128xf32, #tpu.memory_space<hbm>> -> memref<10000x128xf32, #tpu.memory_space<hbm>>
    tpu.wait_indirect_dma semaphore(%arg21 : memref<!tpu.dma_semaphore, #tpu.memory_space<semaphore_mem>>) src(%dma_wait3A_95 : memref<10000x128xf32, #tpu.memory_space<hbm>>) dst(%arg13 : memref<80x128xf32, #tpu.memory_space<vmem>>)
    %dma_start3A_96 = arith.constant 3 : i32
    %dma_start3A_97 = arith.constant 0 : i32
    %dma_start3A_98 = tpu.memref_slice %arg4[%add3A, %dma_start3A_96, %dma_start3A_97] : memref<32x126x80xi32, #tpu.memory_space<hbm>> -> memref<1x1x80xi32, #tpu.memory_space<hbm>>
    %dma_start3A_99 = tpu.memref_squeeze %dma_start3A_98 : memref<1x1x80xi32, #tpu.memory_space<hbm>> -> memref<80xi32, #tpu.memory_space<hbm>>
    %dma_start3A_100 = arith.constant 0 : i32
    %dma_start3A_101 = tpu.memref_slice %arg4[%add3A, %dma_start3A_96, %dma_start3A_100] : memref<32x126x80xi32, #tpu.memory_space<hbm>> -> memref<1x1x80xi32, #tpu.memory_space<hbm>>
    %dma_start3A_102 = tpu.memref_squeeze %dma_start3A_101 : memref<1x1x80xi32, #tpu.memory_space<hbm>> -> memref<80xi32, #tpu.memory_space<hbm>>
    tpu.enqueue_dma source(%dma_start3A_102 : memref<80xi32, #tpu.memory_space<hbm>>) target(%arg9 : memref<80xi32, #tpu.memory_space<vmem>>) target_semaphore(%arg17 : memref<!tpu.dma_semaphore, #tpu.memory_space<semaphore_mem>>)
    %add3A_103 = arith.constant 80 : i32
    %add3A_104 = arith.addi %mul3A_2, %add3A_103 : i32
    %dma_wait3A_105 = arith.constant 0 : i32
    %dma_wait3A_106 = tpu.memref_slice %arg3[%add3A_104, %dma_wait3A_105] : memref<320000x128xf32, #tpu.memory_space<hbm>> -> memref<80x128xf32, #tpu.memory_space<hbm>>
    %dma_wait3A_107 = arith.constant 0 : i32
    %dma_wait3A_108 = tpu.memref_slice %arg3[%add3A_104, %dma_wait3A_107] : memref<320000x128xf32, #tpu.memory_space<hbm>> -> memref<80x128xf32, #tpu.memory_space<hbm>>
    tpu.wait_dma2 semaphore(%arg22 : memref<!tpu.dma_semaphore, #tpu.memory_space<semaphore_mem>>) src(%dma_wait3A_108 : memref<80x128xf32, #tpu.memory_space<hbm>>) dst(%arg14 : memref<80x128xf32, #tpu.memory_space<vmem>>)
    %parallel_loop3A_109 = arith.constant 0 : i32
    %parallel_loop3A_110 = arith.constant 80 : i32
    %parallel_loop3A_111 = arith.constant 1 : i32
    scf.for %parallel_loop3A_192 = %parallel_loop3A_109 to %parallel_loop3A_110 step %parallel_loop3A_111  : i32 {
      %parallel_loop3A_193 = arith.index_cast %parallel_loop3A_192 : i32 to index
      %parallel_loop3A_194 = arith.constant 0 : index
      %parallel_loop3A_195 = tpu.vector_load %arg13[%parallel_loop3A_193, %parallel_loop3A_194] {strides = array<i32>} : memref<80x128xf32, #tpu.memory_space<vmem>>, vector<1x16xf32>,
      %parallel_loop3A_196 = vector.shape_cast %parallel_loop3A_195 : vector<1x16xf32> to vector<16xf32>
      %parallel_loop3A_197 = arith.index_cast %parallel_loop3A_192 : i32 to index
      %parallel_loop3A_198 = arith.constant 0 : index
      %parallel_loop3A_199 = tpu.vector_load %arg14[%parallel_loop3A_197, %parallel_loop3A_198] {strides = array<i32>} : memref<80x128xf32, #tpu.memory_space<vmem>>, vector<1x16xf32>,
      %parallel_loop3A_200 = vector.shape_cast %parallel_loop3A_199 : vector<1x16xf32> to vector<16xf32>
      %parallel_loop3A_201 = arith.addf %parallel_loop3A_196, %parallel_loop3A_200 : vector<16xf32>
      %parallel_loop3A_202 = arith.constant 0.000000e+00 : f32
      %parallel_loop3A_203 = vector.broadcast %parallel_loop3A_202 : f32 to vector<16xf32>
      %parallel_loop3A_204 = arith.subf %parallel_loop3A_203, %parallel_loop3A_201 : vector<16xf32>
      %parallel_loop3A_205 = math.exp %parallel_loop3A_204 : vector<16xf32>
      %parallel_loop3A_206 = arith.constant 1.000000e+00 : f32
      %parallel_loop3A_207 = vector.broadcast %parallel_loop3A_206 : f32 to vector<16xf32>
      %parallel_loop3A_208 = arith.addf %parallel_loop3A_207, %parallel_loop3A_205 : vector<16xf32>
      %parallel_loop3A_209 = arith.divf %parallel_loop3A_201, %parallel_loop3A_208 : vector<16xf32>
      %parallel_loop3A_210 = arith.index_cast %parallel_loop3A_192 : i32 to index
      %parallel_loop3A_211 = arith.constant 0 : index
      %parallel_loop3A_212 = tpu.vector_load %arg13[%parallel_loop3A_210, %parallel_loop3A_211] {strides = array<i32>} : memref<80x128xf32, #tpu.memory_space<vmem>>, vector<1x16xf32>,
      %parallel_loop3A_213 = vector.shape_cast %parallel_loop3A_212 : vector<1x16xf32> to vector<16xf32>
      %parallel_loop3A_214 = vector.shape_cast %parallel_loop3A_209 : vector<16xf32> to vector<1x16xf32>
      tpu.vector_store %arg13[%parallel_loop3A_210, %parallel_loop3A_211], %parallel_loop3A_214 {strides = array<i32>} : memref<80x128xf32, #tpu.memory_space<vmem>>, vector<1x16xf32>,
      %parallel_loop3A_215 = arith.index_cast %parallel_loop3A_192 : i32 to index
      %parallel_loop3A_216 = arith.constant 16 : index
      %parallel_loop3A_217 = tpu.vector_load %arg13[%parallel_loop3A_215, %parallel_loop3A_216] {strides = array<i32>} : memref<80x128xf32, #tpu.memory_space<vmem>>, vector<1x16xf32>,
      %parallel_loop3A_218 = vector.shape_cast %parallel_loop3A_217 : vector<1x16xf32> to vector<16xf32>
      %parallel_loop3A_219 = arith.index_cast %parallel_loop3A_192 : i32 to index
      %parallel_loop3A_220 = arith.constant 16 : index
      %parallel_loop3A_221 = tpu.vector_load %arg14[%parallel_loop3A_219, %parallel_loop3A_220] {strides = array<i32>} : memref<80x128xf32, #tpu.memory_space<vmem>>, vector<1x16xf32>,
      %parallel_loop3A_222 = vector.shape_cast %parallel_loop3A_221 : vector<1x16xf32> to vector<16xf32>
      %parallel_loop3A_223 = arith.addf %parallel_loop3A_218, %parallel_loop3A_222 : vector<16xf32>
      %parallel_loop3A_224 = arith.constant 0.000000e+00 : f32
      %parallel_loop3A_225 = vector.broadcast %parallel_loop3A_224 : f32 to vector<16xf32>
      %parallel_loop3A_226 = arith.subf %parallel_loop3A_225, %parallel_loop3A_223 : vector<16xf32>
      %parallel_loop3A_227 = math.exp %parallel_loop3A_226 : vector<16xf32>
      %parallel_loop3A_228 = arith.constant 1.000000e+00 : f32
      %parallel_loop3A_229 = vector.broadcast %parallel_loop3A_228 : f32 to vector<16xf32>
      %parallel_loop3A_230 = arith.addf %parallel_loop3A_229, %parallel_loop3A_227 : vector<16xf32>
      %parallel_loop3A_231 = arith.divf %parallel_loop3A_223, %parallel_loop3A_230 : vector<16xf32>
      %parallel_loop3A_232 = arith.index_cast %parallel_loop3A_192 : i32 to index
      %parallel_loop3A_233 = arith.constant 16 : index
      %parallel_loop3A_234 = tpu.vector_load %arg13[%parallel_loop3A_232, %parallel_loop3A_233] {strides = array<i32>} : memref<80x128xf32, #tpu.memory_space<vmem>>, vector<1x16xf32>,
      %parallel_loop3A_235 = vector.shape_cast %parallel_loop3A_234 : vector<1x16xf32> to vector<16xf32>
      %parallel_loop3A_236 = vector.shape_cast %parallel_loop3A_231 : vector<16xf32> to vector<1x16xf32>
      tpu.vector_store %arg13[%parallel_loop3A_232, %parallel_loop3A_233], %parallel_loop3A_236 {strides = array<i32>} : memref<80x128xf32, #tpu.memory_space<vmem>>, vector<1x16xf32>,
      %parallel_loop3A_237 = arith.index_cast %parallel_loop3A_192 : i32 to index
      %parallel_loop3A_238 = arith.constant 32 : index
      %parallel_loop3A_239 = tpu.vector_load %arg13[%parallel_loop3A_237, %parallel_loop3A_238] {strides = array<i32>} : memref<80x128xf32, #tpu.memory_space<vmem>>, vector<1x16xf32>,
      %parallel_loop3A_240 = vector.shape_cast %parallel_loop3A_239 : vector<1x16xf32> to vector<16xf32>
      %parallel_loop3A_241 = arith.index_cast %parallel_loop3A_192 : i32 to index
      %parallel_loop3A_242 = arith.constant 32 : index
      %parallel_loop3A_243 = tpu.vector_load %arg14[%parallel_loop3A_241, %parallel_loop3A_242] {strides = array<i32>} : memref<80x128xf32, #tpu.memory_space<vmem>>, vector<1x16xf32>,
      %parallel_loop3A_244 = vector.shape_cast %parallel_loop3A_243 : vector<1x16xf32> to vector<16xf32>
      %parallel_loop3A_245 = arith.addf %parallel_loop3A_240, %parallel_loop3A_244 : vector<16xf32>
      %parallel_loop3A_246 = arith.constant 0.000000e+00 : f32
      %parallel_loop3A_247 = vector.broadcast %parallel_loop3A_246 : f32 to vector<16xf32>
      %parallel_loop3A_248 = arith.subf %parallel_loop3A_247, %parallel_loop3A_245 : vector<16xf32>
      %parallel_loop3A_249 = math.exp %parallel_loop3A_248 : vector<16xf32>
      %parallel_loop3A_250 = arith.constant 1.000000e+00 : f32
      %parallel_loop3A_251 = vector.broadcast %parallel_loop3A_250 : f32 to vector<16xf32>
      %parallel_loop3A_252 = arith.addf %parallel_loop3A_251, %parallel_loop3A_249 : vector<16xf32>
      %parallel_loop3A_253 = arith.divf %parallel_loop3A_245, %parallel_loop3A_252 : vector<16xf32>
      %parallel_loop3A_254 = arith.index_cast %parallel_loop3A_192 : i32 to index
      %parallel_loop3A_255 = arith.constant 32 : index
      %parallel_loop3A_256 = tpu.vector_load %arg13[%parallel_loop3A_254, %parallel_loop3A_255] {strides = array<i32>} : memref<80x128xf32, #tpu.memory_space<vmem>>, vector<1x16xf32>,
      %parallel_loop3A_257 = vector.shape_cast %parallel_loop3A_256 : vector<1x16xf32> to vector<16xf32>
      %parallel_loop3A_258 = vector.shape_cast %parallel_loop3A_253 : vector<16xf32> to vector<1x16xf32>
      tpu.vector_store %arg13[%parallel_loop3A_254, %parallel_loop3A_255], %parallel_loop3A_258 {strides = array<i32>} : memref<80x128xf32, #tpu.memory_space<vmem>>, vector<1x16xf32>,
      %parallel_loop3A_259 = arith.index_cast %parallel_loop3A_192 : i32 to index
      %parallel_loop3A_260 = arith.constant 48 : index
      %parallel_loop3A_261 = tpu.vector_load %arg13[%parallel_loop3A_259, %parallel_loop3A_260] {strides = array<i32>} : memref<80x128xf32, #tpu.memory_space<vmem>>, vector<1x16xf32>,
      %parallel_loop3A_262 = vector.shape_cast %parallel_loop3A_261 : vector<1x16xf32> to vector<16xf32>
      %parallel_loop3A_263 = arith.index_cast %parallel_loop3A_192 : i32 to index
      %parallel_loop3A_264 = arith.constant 48 : index
      %parallel_loop3A_265 = tpu.vector_load %arg14[%parallel_loop3A_263, %parallel_loop3A_264] {strides = array<i32>} : memref<80x128xf32, #tpu.memory_space<vmem>>, vector<1x16xf32>,
      %parallel_loop3A_266 = vector.shape_cast %parallel_loop3A_265 : vector<1x16xf32> to vector<16xf32>
      %parallel_loop3A_267 = arith.addf %parallel_loop3A_262, %parallel_loop3A_266 : vector<16xf32>
      %parallel_loop3A_268 = arith.constant 0.000000e+00 : f32
      %parallel_loop3A_269 = vector.broadcast %parallel_loop3A_268 : f32 to vector<16xf32>
      %parallel_loop3A_270 = arith.subf %parallel_loop3A_269, %parallel_loop3A_267 : vector<16xf32>
      %parallel_loop3A_271 = math.exp %parallel_loop3A_270 : vector<16xf32>
      %parallel_loop3A_272 = arith.constant 1.000000e+00 : f32
      %parallel_loop3A_273 = vector.broadcast %parallel_loop3A_272 : f32 to vector<16xf32>
      %parallel_loop3A_274 = arith.addf %parallel_loop3A_273, %parallel_loop3A_271 : vector<16xf32>
      %parallel_loop3A_275 = arith.divf %parallel_loop3A_267, %parallel_loop3A_274 : vector<16xf32>
      %parallel_loop3A_276 = arith.index_cast %parallel_loop3A_192 : i32 to index
      %parallel_loop3A_277 = arith.constant 48 : index
      %parallel_loop3A_278 = tpu.vector_load %arg13[%parallel_loop3A_276, %parallel_loop3A_277] {strides = array<i32>} : memref<80x128xf32, #tpu.memory_space<vmem>>, vector<1x16xf32>,
      %parallel_loop3A_279 = vector.shape_cast %parallel_loop3A_278 : vector<1x16xf32> to vector<16xf32>
      %parallel_loop3A_280 = vector.shape_cast %parallel_loop3A_275 : vector<16xf32> to vector<1x16xf32>
      tpu.vector_store %arg13[%parallel_loop3A_276, %parallel_loop3A_277], %parallel_loop3A_280 {strides = array<i32>} : memref<80x128xf32, #tpu.memory_space<vmem>>, vector<1x16xf32>,
      %parallel_loop3A_281 = arith.index_cast %parallel_loop3A_192 : i32 to index
      %parallel_loop3A_282 = arith.constant 64 : index
      %parallel_loop3A_283 = tpu.vector_load %arg13[%parallel_loop3A_281, %parallel_loop3A_282] {strides = array<i32>} : memref<80x128xf32, #tpu.memory_space<vmem>>, vector<1x16xf32>,
      %parallel_loop3A_284 = vector.shape_cast %parallel_loop3A_283 : vector<1x16xf32> to vector<16xf32>
      %parallel_loop3A_285 = arith.index_cast %parallel_loop3A_192 : i32 to index
      %parallel_loop3A_286 = arith.constant 64 : index
      %parallel_loop3A_287 = tpu.vector_load %arg14[%parallel_loop3A_285, %parallel_loop3A_286] {strides = array<i32>} : memref<80x128xf32, #tpu.memory_space<vmem>>, vector<1x16xf32>,
      %parallel_loop3A_288 = vector.shape_cast %parallel_loop3A_287 : vector<1x16xf32> to vector<16xf32>
      %parallel_loop3A_289 = arith.addf %parallel_loop3A_284, %parallel_loop3A_288 : vector<16xf32>
      %parallel_loop3A_290 = arith.constant 0.000000e+00 : f32
      %parallel_loop3A_291 = vector.broadcast %parallel_loop3A_290 : f32 to vector<16xf32>
      %parallel_loop3A_292 = arith.subf %parallel_loop3A_291, %parallel_loop3A_289 : vector<16xf32>
      %parallel_loop3A_293 = math.exp %parallel_loop3A_292 : vector<16xf32>
      %parallel_loop3A_294 = arith.constant 1.000000e+00 : f32
      %parallel_loop3A_295 = vector.broadcast %parallel_loop3A_294 : f32 to vector<16xf32>
      %parallel_loop3A_296 = arith.addf %parallel_loop3A_295, %parallel_loop3A_293 : vector<16xf32>
      %parallel_loop3A_297 = arith.divf %parallel_loop3A_289, %parallel_loop3A_296 : vector<16xf32>
      %parallel_loop3A_298 = arith.index_cast %parallel_loop3A_192 : i32 to index
      %parallel_loop3A_299 = arith.constant 64 : index
      %parallel_loop3A_300 = tpu.vector_load %arg13[%parallel_loop3A_298, %parallel_loop3A_299] {strides = array<i32>} : memref<80x128xf32, #tpu.memory_space<vmem>>, vector<1x16xf32>,
      %parallel_loop3A_301 = vector.shape_cast %parallel_loop3A_300 : vector<1x16xf32> to vector<16xf32>
      %parallel_loop3A_302 = vector.shape_cast %parallel_loop3A_297 : vector<16xf32> to vector<1x16xf32>
      tpu.vector_store %arg13[%parallel_loop3A_298, %parallel_loop3A_299], %parallel_loop3A_302 {strides = array<i32>} : memref<80x128xf32, #tpu.memory_space<vmem>>, vector<1x16xf32>,
      %parallel_loop3A_303 = arith.index_cast %parallel_loop3A_192 : i32 to index
      %parallel_loop3A_304 = arith.constant 80 : index
      %parallel_loop3A_305 = tpu.vector_load %arg13[%parallel_loop3A_303, %parallel_loop3A_304] {strides = array<i32>} : memref<80x128xf32, #tpu.memory_space<vmem>>, vector<1x16xf32>,
      %parallel_loop3A_306 = vector.shape_cast %parallel_loop3A_305 : vector<1x16xf32> to vector<16xf32>
      %parallel_loop3A_307 = arith.index_cast %parallel_loop3A_192 : i32 to index
      %parallel_loop3A_308 = arith.constant 80 : index
      %parallel_loop3A_309 = tpu.vector_load %arg14[%parallel_loop3A_307, %parallel_loop3A_308] {strides = array<i32>} : memref<80x128xf32, #tpu.memory_space<vmem>>, vector<1x16xf32>,
      %parallel_loop3A_310 = vector.shape_cast %parallel_loop3A_309 : vector<1x16xf32> to vector<16xf32>
      %parallel_loop3A_311 = arith.addf %parallel_loop3A_306, %parallel_loop3A_310 : vector<16xf32>
      %parallel_loop3A_312 = arith.constant 0.000000e+00 : f32
      %parallel_loop3A_313 = vector.broadcast %parallel_loop3A_312 : f32 to vector<16xf32>
      %parallel_loop3A_314 = arith.subf %parallel_loop3A_313, %parallel_loop3A_311 : vector<16xf32>
      %parallel_loop3A_315 = math.exp %parallel_loop3A_314 : vector<16xf32>
      %parallel_loop3A_316 = arith.constant 1.000000e+00 : f32
      %parallel_loop3A_317 = vector.broadcast %parallel_loop3A_316 : f32 to vector<16xf32>
      %parallel_loop3A_318 = arith.addf %parallel_loop3A_317, %parallel_loop3A_315 : vector<16xf32>
      %parallel_loop3A_319 = arith.divf %parallel_loop3A_311, %parallel_loop3A_318 : vector<16xf32>
      %parallel_loop3A_320 = arith.index_cast %parallel_loop3A_192 : i32 to index
      %parallel_loop3A_321 = arith.constant 80 : index
      %parallel_loop3A_322 = tpu.vector_load %arg13[%parallel_loop3A_320, %parallel_loop3A_321] {strides = array<i32>} : memref<80x128xf32, #tpu.memory_space<vmem>>, vector<1x16xf32>,
      %parallel_loop3A_323 = vector.shape_cast %parallel_loop3A_322 : vector<1x16xf32> to vector<16xf32>
      %parallel_loop3A_324 = vector.shape_cast %parallel_loop3A_319 : vector<16xf32> to vector<1x16xf32>
      tpu.vector_store %arg13[%parallel_loop3A_320, %parallel_loop3A_321], %parallel_loop3A_324 {strides = array<i32>} : memref<80x128xf32, #tpu.memory_space<vmem>>, vector<1x16xf32>,
      %parallel_loop3A_325 = arith.index_cast %parallel_loop3A_192 : i32 to index
      %parallel_loop3A_326 = arith.constant 96 : index
      %parallel_loop3A_327 = tpu.vector_load %arg13[%parallel_loop3A_325, %parallel_loop3A_326] {strides = array<i32>} : memref<80x128xf32, #tpu.memory_space<vmem>>, vector<1x16xf32>,
      %parallel_loop3A_328 = vector.shape_cast %parallel_loop3A_327 : vector<1x16xf32> to vector<16xf32>
      %parallel_loop3A_329 = arith.index_cast %parallel_loop3A_192 : i32 to index
      %parallel_loop3A_330 = arith.constant 96 : index
      %parallel_loop3A_331 = tpu.vector_load %arg14[%parallel_loop3A_329, %parallel_loop3A_330] {strides = array<i32>} : memref<80x128xf32, #tpu.memory_space<vmem>>, vector<1x16xf32>,
      %parallel_loop3A_332 = vector.shape_cast %parallel_loop3A_331 : vector<1x16xf32> to vector<16xf32>
      %parallel_loop3A_333 = arith.addf %parallel_loop3A_328, %parallel_loop3A_332 : vector<16xf32>
      %parallel_loop3A_334 = arith.constant 0.000000e+00 : f32
      %parallel_loop3A_335 = vector.broadcast %parallel_loop3A_334 : f32 to vector<16xf32>
      %parallel_loop3A_336 = arith.subf %parallel_loop3A_335, %parallel_loop3A_333 : vector<16xf32>
      %parallel_loop3A_337 = math.exp %parallel_loop3A_336 : vector<16xf32>
      %parallel_loop3A_338 = arith.constant 1.000000e+00 : f32
      %parallel_loop3A_339 = vector.broadcast %parallel_loop3A_338 : f32 to vector<16xf32>
      %parallel_loop3A_340 = arith.addf %parallel_loop3A_339, %parallel_loop3A_337 : vector<16xf32>
      %parallel_loop3A_341 = arith.divf %parallel_loop3A_333, %parallel_loop3A_340 : vector<16xf32>
      %parallel_loop3A_342 = arith.index_cast %parallel_loop3A_192 : i32 to index
      %parallel_loop3A_343 = arith.constant 96 : index
      %parallel_loop3A_344 = tpu.vector_load %arg13[%parallel_loop3A_342, %parallel_loop3A_343] {strides = array<i32>} : memref<80x128xf32, #tpu.memory_space<vmem>>, vector<1x16xf32>,
      %parallel_loop3A_345 = vector.shape_cast %parallel_loop3A_344 : vector<1x16xf32> to vector<16xf32>
      %parallel_loop3A_346 = vector.shape_cast %parallel_loop3A_341 : vector<16xf32> to vector<1x16xf32>
      tpu.vector_store %arg13[%parallel_loop3A_342, %parallel_loop3A_343], %parallel_loop3A_346 {strides = array<i32>} : memref<80x128xf32, #tpu.memory_space<vmem>>, vector<1x16xf32>,
      %parallel_loop3A_347 = arith.index_cast %parallel_loop3A_192 : i32 to index
      %parallel_loop3A_348 = arith.constant 112 : index
      %parallel_loop3A_349 = tpu.vector_load %arg13[%parallel_loop3A_347, %parallel_loop3A_348] {strides = array<i32>} : memref<80x128xf32, #tpu.memory_space<vmem>>, vector<1x16xf32>,
      %parallel_loop3A_350 = vector.shape_cast %parallel_loop3A_349 : vector<1x16xf32> to vector<16xf32>
      %parallel_loop3A_351 = arith.index_cast %parallel_loop3A_192 : i32 to index
      %parallel_loop3A_352 = arith.constant 112 : index
      %parallel_loop3A_353 = tpu.vector_load %arg14[%parallel_loop3A_351, %parallel_loop3A_352] {strides = array<i32>} : memref<80x128xf32, #tpu.memory_space<vmem>>, vector<1x16xf32>,
      %parallel_loop3A_354 = vector.shape_cast %parallel_loop3A_353 : vector<1x16xf32> to vector<16xf32>
      %parallel_loop3A_355 = arith.addf %parallel_loop3A_350, %parallel_loop3A_354 : vector<16xf32>
      %parallel_loop3A_356 = arith.constant 0.000000e+00 : f32
      %parallel_loop3A_357 = vector.broadcast %parallel_loop3A_356 : f32 to vector<16xf32>
      %parallel_loop3A_358 = arith.subf %parallel_loop3A_357, %parallel_loop3A_355 : vector<16xf32>
      %parallel_loop3A_359 = math.exp %parallel_loop3A_358 : vector<16xf32>
      %parallel_loop3A_360 = arith.constant 1.000000e+00 : f32
      %parallel_loop3A_361 = vector.broadcast %parallel_loop3A_360 : f32 to vector<16xf32>
      %parallel_loop3A_362 = arith.addf %parallel_loop3A_361, %parallel_loop3A_359 : vector<16xf32>
      %parallel_loop3A_363 = arith.divf %parallel_loop3A_355, %parallel_loop3A_362 : vector<16xf32>
      %parallel_loop3A_364 = arith.index_cast %parallel_loop3A_192 : i32 to index
      %parallel_loop3A_365 = arith.constant 112 : index
      %parallel_loop3A_366 = tpu.vector_load %arg13[%parallel_loop3A_364, %parallel_loop3A_365] {strides = array<i32>} : memref<80x128xf32, #tpu.memory_space<vmem>>, vector<1x16xf32>,
      %parallel_loop3A_367 = vector.shape_cast %parallel_loop3A_366 : vector<1x16xf32> to vector<16xf32>
      %parallel_loop3A_368 = vector.shape_cast %parallel_loop3A_363 : vector<16xf32> to vector<1x16xf32>
      tpu.vector_store %arg13[%parallel_loop3A_364, %parallel_loop3A_365], %parallel_loop3A_368 {strides = array<i32>} : memref<80x128xf32, #tpu.memory_space<vmem>>, vector<1x16xf32>,
    } {sc.loop_unroll_factor = 1 : i64, sc.parallel_access}
    %add3A_112 = arith.constant 160 : i32
    %add3A_113 = arith.addi %mul3A_2, %add3A_112 : i32
    %dma_start3A_114 = arith.constant 0 : i32
    %dma_start3A_115 = tpu.memref_slice %arg3[%add3A_113, %dma_start3A_114] : memref<320000x128xf32, #tpu.memory_space<hbm>> -> memref<80x128xf32, #tpu.memory_space<hbm>>
    %dma_start3A_116 = arith.constant 0 : i32
    %dma_start3A_117 = tpu.memref_slice %arg3[%add3A_113, %dma_start3A_116] : memref<320000x128xf32, #tpu.memory_space<hbm>> -> memref<80x128xf32, #tpu.memory_space<hbm>>
    tpu.enqueue_dma source(%dma_start3A_117 : memref<80x128xf32, #tpu.memory_space<hbm>>) target(%arg14 : memref<80x128xf32, #tpu.memory_space<vmem>>) target_semaphore(%arg22 : memref<!tpu.dma_semaphore, #tpu.memory_space<semaphore_mem>>)
    %dma_wait3A_118 = arith.constant 2 : i32
    %dma_wait3A_119 = arith.constant 0 : i32
    %dma_wait3A_120 = tpu.memref_slice %arg4[%add3A, %dma_wait3A_118, %dma_wait3A_119] : memref<32x126x80xi32, #tpu.memory_space<hbm>> -> memref<1x1x80xi32, #tpu.memory_space<hbm>>
    %dma_wait3A_121 = tpu.memref_squeeze %dma_wait3A_120 : memref<1x1x80xi32, #tpu.memory_space<hbm>> -> memref<80xi32, #tpu.memory_space<hbm>>
    %dma_wait3A_122 = arith.constant 0 : i32
    %dma_wait3A_123 = tpu.memref_slice %arg4[%add3A, %dma_wait3A_118, %dma_wait3A_122] : memref<32x126x80xi32, #tpu.memory_space<hbm>> -> memref<1x1x80xi32, #tpu.memory_space<hbm>>
    %dma_wait3A_124 = tpu.memref_squeeze %dma_wait3A_123 : memref<1x1x80xi32, #tpu.memory_space<hbm>> -> memref<80xi32, #tpu.memory_space<hbm>>
    tpu.wait_dma2 semaphore(%arg16 : memref<!tpu.dma_semaphore, #tpu.memory_space<semaphore_mem>>) src(%dma_wait3A_124 : memref<80xi32, #tpu.memory_space<hbm>>) dst(%arg8 : memref<80xi32, #tpu.memory_space<vmem>>)
    %dma_start3A_125 = arith.constant 0 : i32
    %dma_start3A_126 = arith.constant 0 : i32
    %dma_start3A_127 = tpu.memref_slice %arg2[%dma_start3A_125, %dma_start3A_126] : memref<10000x128xf32, #tpu.memory_space<hbm>> -> memref<10000x128xf32, #tpu.memory_space<hbm>>
    tpu.enqueue_indirect_dma source(%dma_start3A_127 : memref<10000x128xf32, #tpu.memory_space<hbm>>) target(%arg12 : memref<80x128xf32, #tpu.memory_space<vmem>>) offsets(%arg8 : memref<80xi32, #tpu.memory_space<vmem>>) semaphore(%arg20 : memref<!tpu.dma_semaphore, #tpu.memory_space<semaphore_mem>>)
    %dma_wait3A_128 = arith.constant 1 : i32
    %dma_wait3A_129 = arith.constant 0 : i32
    %dma_wait3A_130 = tpu.memref_slice %arg5[%add3A, %dma_wait3A_128, %dma_wait3A_129] : memref<32x126x80xi32, #tpu.memory_space<hbm>> -> memref<1x1x80xi32, #tpu.memory_space<hbm>>
    %dma_wait3A_131 = tpu.memref_squeeze %dma_wait3A_130 : memref<1x1x80xi32, #tpu.memory_space<hbm>> -> memref<80xi32, #tpu.memory_space<hbm>>
    %dma_wait3A_132 = arith.constant 0 : i32
    %dma_wait3A_133 = tpu.memref_slice %arg5[%add3A, %dma_wait3A_128, %dma_wait3A_132] : memref<32x126x80xi32, #tpu.memory_space<hbm>> -> memref<1x1x80xi32, #tpu.memory_space<hbm>>
    %dma_wait3A_134 = tpu.memref_squeeze %dma_wait3A_133 : memref<1x1x80xi32, #tpu.memory_space<hbm>> -> memref<80xi32, #tpu.memory_space<hbm>>
    tpu.wait_dma2 semaphore(%arg19 : memref<!tpu.dma_semaphore, #tpu.memory_space<semaphore_mem>>) src(%dma_wait3A_134 : memref<80xi32, #tpu.memory_space<hbm>>) dst(%arg11 : memref<80xi32, #tpu.memory_space<vmem>>)
    %dma_start3A_135 = arith.constant 0 : i32
    %dma_start3A_136 = arith.constant 0 : i32
    %dma_start3A_137 = tpu.memref_slice %arg15[%dma_start3A_135, %dma_start3A_136] : memref<10112x128xf32, #tpu.memory_space<vmem_shared>> -> memref<10112x128xf32, #tpu.memory_space<vmem_shared>>
    tpu.enqueue_indirect_dma source(%arg13 : memref<80x128xf32, #tpu.memory_space<vmem>>) target(%dma_start3A_137 : memref<10112x128xf32, #tpu.memory_space<vmem_shared>>) offsets(%arg11 : memref<80xi32, #tpu.memory_space<vmem>>) semaphore(%arg24 : memref<!tpu.dma_semaphore, #tpu.memory_space<semaphore_mem>>) {add = true}
    %scan3A = arith.constant 0 : i32
    %scan3A_138 = arith.constant 61 : i32
    %scan3A_139 = arith.addi %scan3A, %scan3A_138 : i32
    %scan3A_140 = arith.constant 1 : i32
    scf.for %scan3A_192 = %scan3A to %scan3A_139 step %scan3A_140  : i32 {
      %mul3A_193 = arith.constant 1 : i32
      %mul3A_194 = arith.muli %scan3A_192, %mul3A_193 : i32
      %add3A_195 = arith.constant 0 : i32
      %add3A_196 = arith.addi %add3A_195, %mul3A_194 : i32
      %mul3A_197 = arith.constant 2 : i32
      %mul3A_198 = arith.muli %mul3A_197, %add3A_196 : i32
      %add3A_199 = arith.constant 2 : i32
      %add3A_200 = arith.addi %add3A_199, %mul3A_198 : i32
      %dma_wait3A_201 = arith.constant 0 : i32
      %dma_wait3A_202 = arith.constant 0 : i32
      %dma_wait3A_203 = tpu.memref_slice %arg15[%dma_wait3A_201, %dma_wait3A_202] : memref<10112x128xf32, #tpu.memory_space<vmem_shared>> -> memref<10112x128xf32, #tpu.memory_space<vmem_shared>>
      tpu.wait_indirect_dma semaphore(%arg23 : memref<!tpu.dma_semaphore, #tpu.memory_space<semaphore_mem>>) src(%arg12 : memref<80x128xf32, #tpu.memory_space<vmem>>) dst(%dma_wait3A_203 : memref<10112x128xf32, #tpu.memory_space<vmem_shared>>)
      %dma_start3A_204 = arith.constant 0 : i32
      %dma_start3A_205 = tpu.memref_slice %arg5[%add3A, %add3A_200, %dma_start3A_204] : memref<32x126x80xi32, #tpu.memory_space<hbm>> -> memref<1x1x80xi32, #tpu.memory_space<hbm>>
      %dma_start3A_206 = tpu.memref_squeeze %dma_start3A_205 : memref<1x1x80xi32, #tpu.memory_space<hbm>> -> memref<80xi32, #tpu.memory_space<hbm>>
      %dma_start3A_207 = arith.constant 0 : i32
      %dma_start3A_208 = tpu.memref_slice %arg5[%add3A, %add3A_200, %dma_start3A_207] : memref<32x126x80xi32, #tpu.memory_space<hbm>> -> memref<1x1x80xi32, #tpu.memory_space<hbm>>
      %dma_start3A_209 = tpu.memref_squeeze %dma_start3A_208 : memref<1x1x80xi32, #tpu.memory_space<hbm>> -> memref<80xi32, #tpu.memory_space<hbm>>
      tpu.enqueue_dma source(%dma_start3A_209 : memref<80xi32, #tpu.memory_space<hbm>>) target(%arg10 : memref<80xi32, #tpu.memory_space<vmem>>) target_semaphore(%arg18 : memref<!tpu.dma_semaphore, #tpu.memory_space<semaphore_mem>>)
      %dma_wait3A_210 = arith.constant 0 : i32
      %dma_wait3A_211 = arith.constant 0 : i32
      %dma_wait3A_212 = tpu.memref_slice %arg2[%dma_wait3A_210, %dma_wait3A_211] : memref<10000x128xf32, #tpu.memory_space<hbm>> -> memref<10000x128xf32, #tpu.memory_space<hbm>>
      tpu.wait_indirect_dma semaphore(%arg20 : memref<!tpu.dma_semaphore, #tpu.memory_space<semaphore_mem>>) src(%dma_wait3A_212 : memref<10000x128xf32, #tpu.memory_space<hbm>>) dst(%arg12 : memref<80x128xf32, #tpu.memory_space<vmem>>)
      %add3A_213 = arith.constant 2 : i32
      %add3A_214 = arith.addi %add3A_200, %add3A_213 : i32
      %dma_start3A_215 = arith.constant 0 : i32
      %dma_start3A_216 = tpu.memref_slice %arg4[%add3A, %add3A_214, %dma_start3A_215] : memref<32x126x80xi32, #tpu.memory_space<hbm>> -> memref<1x1x80xi32, #tpu.memory_space<hbm>>
      %dma_start3A_217 = tpu.memref_squeeze %dma_start3A_216 : memref<1x1x80xi32, #tpu.memory_space<hbm>> -> memref<80xi32, #tpu.memory_space<hbm>>
      %dma_start3A_218 = arith.constant 0 : i32
      %dma_start3A_219 = tpu.memref_slice %arg4[%add3A, %add3A_214, %dma_start3A_218] : memref<32x126x80xi32, #tpu.memory_space<hbm>> -> memref<1x1x80xi32, #tpu.memory_space<hbm>>
      %dma_start3A_220 = tpu.memref_squeeze %dma_start3A_219 : memref<1x1x80xi32, #tpu.memory_space<hbm>> -> memref<80xi32, #tpu.memory_space<hbm>>
      tpu.enqueue_dma source(%dma_start3A_220 : memref<80xi32, #tpu.memory_space<hbm>>) target(%arg8 : memref<80xi32, #tpu.memory_space<vmem>>) target_semaphore(%arg16 : memref<!tpu.dma_semaphore, #tpu.memory_space<semaphore_mem>>)
      %mul3A_221 = arith.constant 80 : i32
      %mul3A_222 = arith.muli %add3A_200, %mul3A_221 : i32
      %add3A_223 = arith.addi %mul3A_2, %mul3A_222 : i32
      %dma_wait3A_224 = arith.constant 0 : i32
      %dma_wait3A_225 = tpu.memref_slice %arg3[%add3A_223, %dma_wait3A_224] : memref<320000x128xf32, #tpu.memory_space<hbm>> -> memref<80x128xf32, #tpu.memory_space<hbm>>
      %dma_wait3A_226 = arith.constant 0 : i32
      %dma_wait3A_227 = tpu.memref_slice %arg3[%add3A_223, %dma_wait3A_226] : memref<320000x128xf32, #tpu.memory_space<hbm>> -> memref<80x128xf32, #tpu.memory_space<hbm>>
      tpu.wait_dma2 semaphore(%arg22 : memref<!tpu.dma_semaphore, #tpu.memory_space<semaphore_mem>>) src(%dma_wait3A_227 : memref<80x128xf32, #tpu.memory_space<hbm>>) dst(%arg14 : memref<80x128xf32, #tpu.memory_space<vmem>>)
      %parallel_loop3A_228 = arith.constant 0 : i32
      %parallel_loop3A_229 = arith.constant 80 : i32
      %parallel_loop3A_230 = arith.constant 1 : i32
      scf.for %parallel_loop3A_325 = %parallel_loop3A_228 to %parallel_loop3A_229 step %parallel_loop3A_230  : i32 {
        %parallel_loop3A_326 = arith.index_cast %parallel_loop3A_325 : i32 to index
        %parallel_loop3A_327 = arith.constant 0 : index
        %parallel_loop3A_328 = tpu.vector_load %arg12[%parallel_loop3A_326, %parallel_loop3A_327] {strides = array<i32>} : memref<80x128xf32, #tpu.memory_space<vmem>>, vector<1x16xf32>,
        %parallel_loop3A_329 = vector.shape_cast %parallel_loop3A_328 : vector<1x16xf32> to vector<16xf32>
        %parallel_loop3A_330 = arith.index_cast %parallel_loop3A_325 : i32 to index
        %parallel_loop3A_331 = arith.constant 0 : index
        %parallel_loop3A_332 = tpu.vector_load %arg14[%parallel_loop3A_330, %parallel_loop3A_331] {strides = array<i32>} : memref<80x128xf32, #tpu.memory_space<vmem>>, vector<1x16xf32>,
        %parallel_loop3A_333 = vector.shape_cast %parallel_loop3A_332 : vector<1x16xf32> to vector<16xf32>
        %parallel_loop3A_334 = arith.addf %parallel_loop3A_329, %parallel_loop3A_333 : vector<16xf32>
        %parallel_loop3A_335 = arith.constant 0.000000e+00 : f32
        %parallel_loop3A_336 = vector.broadcast %parallel_loop3A_335 : f32 to vector<16xf32>
        %parallel_loop3A_337 = arith.subf %parallel_loop3A_336, %parallel_loop3A_334 : vector<16xf32>
        %parallel_loop3A_338 = math.exp %parallel_loop3A_337 : vector<16xf32>
        %parallel_loop3A_339 = arith.constant 1.000000e+00 : f32
        %parallel_loop3A_340 = vector.broadcast %parallel_loop3A_339 : f32 to vector<16xf32>
        %parallel_loop3A_341 = arith.addf %parallel_loop3A_340, %parallel_loop3A_338 : vector<16xf32>
        %parallel_loop3A_342 = arith.divf %parallel_loop3A_334, %parallel_loop3A_341 : vector<16xf32>
        %parallel_loop3A_343 = arith.index_cast %parallel_loop3A_325 : i32 to index
        %parallel_loop3A_344 = arith.constant 0 : index
        %parallel_loop3A_345 = tpu.vector_load %arg12[%parallel_loop3A_343, %parallel_loop3A_344] {strides = array<i32>} : memref<80x128xf32, #tpu.memory_space<vmem>>, vector<1x16xf32>,
        %parallel_loop3A_346 = vector.shape_cast %parallel_loop3A_345 : vector<1x16xf32> to vector<16xf32>
        %parallel_loop3A_347 = vector.shape_cast %parallel_loop3A_342 : vector<16xf32> to vector<1x16xf32>
        tpu.vector_store %arg12[%parallel_loop3A_343, %parallel_loop3A_344], %parallel_loop3A_347 {strides = array<i32>} : memref<80x128xf32, #tpu.memory_space<vmem>>, vector<1x16xf32>,
        %parallel_loop3A_348 = arith.index_cast %parallel_loop3A_325 : i32 to index
        %parallel_loop3A_349 = arith.constant 16 : index
        %parallel_loop3A_350 = tpu.vector_load %arg12[%parallel_loop3A_348, %parallel_loop3A_349] {strides = array<i32>} : memref<80x128xf32, #tpu.memory_space<vmem>>, vector<1x16xf32>,
        %parallel_loop3A_351 = vector.shape_cast %parallel_loop3A_350 : vector<1x16xf32> to vector<16xf32>
        %parallel_loop3A_352 = arith.index_cast %parallel_loop3A_325 : i32 to index
        %parallel_loop3A_353 = arith.constant 16 : index
        %parallel_loop3A_354 = tpu.vector_load %arg14[%parallel_loop3A_352, %parallel_loop3A_353] {strides = array<i32>} : memref<80x128xf32, #tpu.memory_space<vmem>>, vector<1x16xf32>,
        %parallel_loop3A_355 = vector.shape_cast %parallel_loop3A_354 : vector<1x16xf32> to vector<16xf32>
        %parallel_loop3A_356 = arith.addf %parallel_loop3A_351, %parallel_loop3A_355 : vector<16xf32>
        %parallel_loop3A_357 = arith.constant 0.000000e+00 : f32
        %parallel_loop3A_358 = vector.broadcast %parallel_loop3A_357 : f32 to vector<16xf32>
        %parallel_loop3A_359 = arith.subf %parallel_loop3A_358, %parallel_loop3A_356 : vector<16xf32>
        %parallel_loop3A_360 = math.exp %parallel_loop3A_359 : vector<16xf32>
        %parallel_loop3A_361 = arith.constant 1.000000e+00 : f32
        %parallel_loop3A_362 = vector.broadcast %parallel_loop3A_361 : f32 to vector<16xf32>
        %parallel_loop3A_363 = arith.addf %parallel_loop3A_362, %parallel_loop3A_360 : vector<16xf32>
        %parallel_loop3A_364 = arith.divf %parallel_loop3A_356, %parallel_loop3A_363 : vector<16xf32>
        %parallel_loop3A_365 = arith.index_cast %parallel_loop3A_325 : i32 to index
        %parallel_loop3A_366 = arith.constant 16 : index
        %parallel_loop3A_367 = tpu.vector_load %arg12[%parallel_loop3A_365, %parallel_loop3A_366] {strides = array<i32>} : memref<80x128xf32, #tpu.memory_space<vmem>>, vector<1x16xf32>,
        %parallel_loop3A_368 = vector.shape_cast %parallel_loop3A_367 : vector<1x16xf32> to vector<16xf32>
        %parallel_loop3A_369 = vector.shape_cast %parallel_loop3A_364 : vector<16xf32> to vector<1x16xf32>
        tpu.vector_store %arg12[%parallel_loop3A_365, %parallel_loop3A_366], %parallel_loop3A_369 {strides = array<i32>} : memref<80x128xf32, #tpu.memory_space<vmem>>, vector<1x16xf32>,
        %parallel_loop3A_370 = arith.index_cast %parallel_loop3A_325 : i32 to index
        %parallel_loop3A_371 = arith.constant 32 : index
        %parallel_loop3A_372 = tpu.vector_load %arg12[%parallel_loop3A_370, %parallel_loop3A_371] {strides = array<i32>} : memref<80x128xf32, #tpu.memory_space<vmem>>, vector<1x16xf32>,
        %parallel_loop3A_373 = vector.shape_cast %parallel_loop3A_372 : vector<1x16xf32> to vector<16xf32>
        %parallel_loop3A_374 = arith.index_cast %parallel_loop3A_325 : i32 to index
        %parallel_loop3A_375 = arith.constant 32 : index
        %parallel_loop3A_376 = tpu.vector_load %arg14[%parallel_loop3A_374, %parallel_loop3A_375] {strides = array<i32>} : memref<80x128xf32, #tpu.memory_space<vmem>>, vector<1x16xf32>,
        %parallel_loop3A_377 = vector.shape_cast %parallel_loop3A_376 : vector<1x16xf32> to vector<16xf32>
        %parallel_loop3A_378 = arith.addf %parallel_loop3A_373, %parallel_loop3A_377 : vector<16xf32>
        %parallel_loop3A_379 = arith.constant 0.000000e+00 : f32
        %parallel_loop3A_380 = vector.broadcast %parallel_loop3A_379 : f32 to vector<16xf32>
        %parallel_loop3A_381 = arith.subf %parallel_loop3A_380, %parallel_loop3A_378 : vector<16xf32>
        %parallel_loop3A_382 = math.exp %parallel_loop3A_381 : vector<16xf32>
        %parallel_loop3A_383 = arith.constant 1.000000e+00 : f32
        %parallel_loop3A_384 = vector.broadcast %parallel_loop3A_383 : f32 to vector<16xf32>
        %parallel_loop3A_385 = arith.addf %parallel_loop3A_384, %parallel_loop3A_382 : vector<16xf32>
        %parallel_loop3A_386 = arith.divf %parallel_loop3A_378, %parallel_loop3A_385 : vector<16xf32>
        %parallel_loop3A_387 = arith.index_cast %parallel_loop3A_325 : i32 to index
        %parallel_loop3A_388 = arith.constant 32 : index
        %parallel_loop3A_389 = tpu.vector_load %arg12[%parallel_loop3A_387, %parallel_loop3A_388] {strides = array<i32>} : memref<80x128xf32, #tpu.memory_space<vmem>>, vector<1x16xf32>,
        %parallel_loop3A_390 = vector.shape_cast %parallel_loop3A_389 : vector<1x16xf32> to vector<16xf32>
        %parallel_loop3A_391 = vector.shape_cast %parallel_loop3A_386 : vector<16xf32> to vector<1x16xf32>
        tpu.vector_store %arg12[%parallel_loop3A_387, %parallel_loop3A_388], %parallel_loop3A_391 {strides = array<i32>} : memref<80x128xf32, #tpu.memory_space<vmem>>, vector<1x16xf32>,
        %parallel_loop3A_392 = arith.index_cast %parallel_loop3A_325 : i32 to index
        %parallel_loop3A_393 = arith.constant 48 : index
        %parallel_loop3A_394 = tpu.vector_load %arg12[%parallel_loop3A_392, %parallel_loop3A_393] {strides = array<i32>} : memref<80x128xf32, #tpu.memory_space<vmem>>, vector<1x16xf32>,
        %parallel_loop3A_395 = vector.shape_cast %parallel_loop3A_394 : vector<1x16xf32> to vector<16xf32>
        %parallel_loop3A_396 = arith.index_cast %parallel_loop3A_325 : i32 to index
        %parallel_loop3A_397 = arith.constant 48 : index
        %parallel_loop3A_398 = tpu.vector_load %arg14[%parallel_loop3A_396, %parallel_loop3A_397] {strides = array<i32>} : memref<80x128xf32, #tpu.memory_space<vmem>>, vector<1x16xf32>,
        %parallel_loop3A_399 = vector.shape_cast %parallel_loop3A_398 : vector<1x16xf32> to vector<16xf32>
        %parallel_loop3A_400 = arith.addf %parallel_loop3A_395, %parallel_loop3A_399 : vector<16xf32>
        %parallel_loop3A_401 = arith.constant 0.000000e+00 : f32
        %parallel_loop3A_402 = vector.broadcast %parallel_loop3A_401 : f32 to vector<16xf32>
        %parallel_loop3A_403 = arith.subf %parallel_loop3A_402, %parallel_loop3A_400 : vector<16xf32>
        %parallel_loop3A_404 = math.exp %parallel_loop3A_403 : vector<16xf32>
        %parallel_loop3A_405 = arith.constant 1.000000e+00 : f32
        %parallel_loop3A_406 = vector.broadcast %parallel_loop3A_405 : f32 to vector<16xf32>
        %parallel_loop3A_407 = arith.addf %parallel_loop3A_406, %parallel_loop3A_404 : vector<16xf32>
        %parallel_loop3A_408 = arith.divf %parallel_loop3A_400, %parallel_loop3A_407 : vector<16xf32>
        %parallel_loop3A_409 = arith.index_cast %parallel_loop3A_325 : i32 to index
        %parallel_loop3A_410 = arith.constant 48 : index
        %parallel_loop3A_411 = tpu.vector_load %arg12[%parallel_loop3A_409, %parallel_loop3A_410] {strides = array<i32>} : memref<80x128xf32, #tpu.memory_space<vmem>>, vector<1x16xf32>,
        %parallel_loop3A_412 = vector.shape_cast %parallel_loop3A_411 : vector<1x16xf32> to vector<16xf32>
        %parallel_loop3A_413 = vector.shape_cast %parallel_loop3A_408 : vector<16xf32> to vector<1x16xf32>
        tpu.vector_store %arg12[%parallel_loop3A_409, %parallel_loop3A_410], %parallel_loop3A_413 {strides = array<i32>} : memref<80x128xf32, #tpu.memory_space<vmem>>, vector<1x16xf32>,
        %parallel_loop3A_414 = arith.index_cast %parallel_loop3A_325 : i32 to index
        %parallel_loop3A_415 = arith.constant 64 : index
        %parallel_loop3A_416 = tpu.vector_load %arg12[%parallel_loop3A_414, %parallel_loop3A_415] {strides = array<i32>} : memref<80x128xf32, #tpu.memory_space<vmem>>, vector<1x16xf32>,
        %parallel_loop3A_417 = vector.shape_cast %parallel_loop3A_416 : vector<1x16xf32> to vector<16xf32>
        %parallel_loop3A_418 = arith.index_cast %parallel_loop3A_325 : i32 to index
        %parallel_loop3A_419 = arith.constant 64 : index
        %parallel_loop3A_420 = tpu.vector_load %arg14[%parallel_loop3A_418, %parallel_loop3A_419] {strides = array<i32>} : memref<80x128xf32, #tpu.memory_space<vmem>>, vector<1x16xf32>,
        %parallel_loop3A_421 = vector.shape_cast %parallel_loop3A_420 : vector<1x16xf32> to vector<16xf32>
        %parallel_loop3A_422 = arith.addf %parallel_loop3A_417, %parallel_loop3A_421 : vector<16xf32>
        %parallel_loop3A_423 = arith.constant 0.000000e+00 : f32
        %parallel_loop3A_424 = vector.broadcast %parallel_loop3A_423 : f32 to vector<16xf32>
        %parallel_loop3A_425 = arith.subf %parallel_loop3A_424, %parallel_loop3A_422 : vector<16xf32>
        %parallel_loop3A_426 = math.exp %parallel_loop3A_425 : vector<16xf32>
        %parallel_loop3A_427 = arith.constant 1.000000e+00 : f32
        %parallel_loop3A_428 = vector.broadcast %parallel_loop3A_427 : f32 to vector<16xf32>
        %parallel_loop3A_429 = arith.addf %parallel_loop3A_428, %parallel_loop3A_426 : vector<16xf32>
        %parallel_loop3A_430 = arith.divf %parallel_loop3A_422, %parallel_loop3A_429 : vector<16xf32>
        %parallel_loop3A_431 = arith.index_cast %parallel_loop3A_325 : i32 to index
        %parallel_loop3A_432 = arith.constant 64 : index
        %parallel_loop3A_433 = tpu.vector_load %arg12[%parallel_loop3A_431, %parallel_loop3A_432] {strides = array<i32>} : memref<80x128xf32, #tpu.memory_space<vmem>>, vector<1x16xf32>,
        %parallel_loop3A_434 = vector.shape_cast %parallel_loop3A_433 : vector<1x16xf32> to vector<16xf32>
        %parallel_loop3A_435 = vector.shape_cast %parallel_loop3A_430 : vector<16xf32> to vector<1x16xf32>
        tpu.vector_store %arg12[%parallel_loop3A_431, %parallel_loop3A_432], %parallel_loop3A_435 {strides = array<i32>} : memref<80x128xf32, #tpu.memory_space<vmem>>, vector<1x16xf32>,
        %parallel_loop3A_436 = arith.index_cast %parallel_loop3A_325 : i32 to index
        %parallel_loop3A_437 = arith.constant 80 : index
        %parallel_loop3A_438 = tpu.vector_load %arg12[%parallel_loop3A_436, %parallel_loop3A_437] {strides = array<i32>} : memref<80x128xf32, #tpu.memory_space<vmem>>, vector<1x16xf32>,
        %parallel_loop3A_439 = vector.shape_cast %parallel_loop3A_438 : vector<1x16xf32> to vector<16xf32>
        %parallel_loop3A_440 = arith.index_cast %parallel_loop3A_325 : i32 to index
        %parallel_loop3A_441 = arith.constant 80 : index
        %parallel_loop3A_442 = tpu.vector_load %arg14[%parallel_loop3A_440, %parallel_loop3A_441] {strides = array<i32>} : memref<80x128xf32, #tpu.memory_space<vmem>>, vector<1x16xf32>,
        %parallel_loop3A_443 = vector.shape_cast %parallel_loop3A_442 : vector<1x16xf32> to vector<16xf32>
        %parallel_loop3A_444 = arith.addf %parallel_loop3A_439, %parallel_loop3A_443 : vector<16xf32>
        %parallel_loop3A_445 = arith.constant 0.000000e+00 : f32
        %parallel_loop3A_446 = vector.broadcast %parallel_loop3A_445 : f32 to vector<16xf32>
        %parallel_loop3A_447 = arith.subf %parallel_loop3A_446, %parallel_loop3A_444 : vector<16xf32>
        %parallel_loop3A_448 = math.exp %parallel_loop3A_447 : vector<16xf32>
        %parallel_loop3A_449 = arith.constant 1.000000e+00 : f32
        %parallel_loop3A_450 = vector.broadcast %parallel_loop3A_449 : f32 to vector<16xf32>
        %parallel_loop3A_451 = arith.addf %parallel_loop3A_450, %parallel_loop3A_448 : vector<16xf32>
        %parallel_loop3A_452 = arith.divf %parallel_loop3A_444, %parallel_loop3A_451 : vector<16xf32>
        %parallel_loop3A_453 = arith.index_cast %parallel_loop3A_325 : i32 to index
        %parallel_loop3A_454 = arith.constant 80 : index
        %parallel_loop3A_455 = tpu.vector_load %arg12[%parallel_loop3A_453, %parallel_loop3A_454] {strides = array<i32>} : memref<80x128xf32, #tpu.memory_space<vmem>>, vector<1x16xf32>,
        %parallel_loop3A_456 = vector.shape_cast %parallel_loop3A_455 : vector<1x16xf32> to vector<16xf32>
        %parallel_loop3A_457 = vector.shape_cast %parallel_loop3A_452 : vector<16xf32> to vector<1x16xf32>
        tpu.vector_store %arg12[%parallel_loop3A_453, %parallel_loop3A_454], %parallel_loop3A_457 {strides = array<i32>} : memref<80x128xf32, #tpu.memory_space<vmem>>, vector<1x16xf32>,
        %parallel_loop3A_458 = arith.index_cast %parallel_loop3A_325 : i32 to index
        %parallel_loop3A_459 = arith.constant 96 : index
        %parallel_loop3A_460 = tpu.vector_load %arg12[%parallel_loop3A_458, %parallel_loop3A_459] {strides = array<i32>} : memref<80x128xf32, #tpu.memory_space<vmem>>, vector<1x16xf32>,
        %parallel_loop3A_461 = vector.shape_cast %parallel_loop3A_460 : vector<1x16xf32> to vector<16xf32>
        %parallel_loop3A_462 = arith.index_cast %parallel_loop3A_325 : i32 to index
        %parallel_loop3A_463 = arith.constant 96 : index
        %parallel_loop3A_464 = tpu.vector_load %arg14[%parallel_loop3A_462, %parallel_loop3A_463] {strides = array<i32>} : memref<80x128xf32, #tpu.memory_space<vmem>>, vector<1x16xf32>,
        %parallel_loop3A_465 = vector.shape_cast %parallel_loop3A_464 : vector<1x16xf32> to vector<16xf32>
        %parallel_loop3A_466 = arith.addf %parallel_loop3A_461, %parallel_loop3A_465 : vector<16xf32>
        %parallel_loop3A_467 = arith.constant 0.000000e+00 : f32
        %parallel_loop3A_468 = vector.broadcast %parallel_loop3A_467 : f32 to vector<16xf32>
        %parallel_loop3A_469 = arith.subf %parallel_loop3A_468, %parallel_loop3A_466 : vector<16xf32>
        %parallel_loop3A_470 = math.exp %parallel_loop3A_469 : vector<16xf32>
        %parallel_loop3A_471 = arith.constant 1.000000e+00 : f32
        %parallel_loop3A_472 = vector.broadcast %parallel_loop3A_471 : f32 to vector<16xf32>
        %parallel_loop3A_473 = arith.addf %parallel_loop3A_472, %parallel_loop3A_470 : vector<16xf32>
        %parallel_loop3A_474 = arith.divf %parallel_loop3A_466, %parallel_loop3A_473 : vector<16xf32>
        %parallel_loop3A_475 = arith.index_cast %parallel_loop3A_325 : i32 to index
        %parallel_loop3A_476 = arith.constant 96 : index
        %parallel_loop3A_477 = tpu.vector_load %arg12[%parallel_loop3A_475, %parallel_loop3A_476] {strides = array<i32>} : memref<80x128xf32, #tpu.memory_space<vmem>>, vector<1x16xf32>,
        %parallel_loop3A_478 = vector.shape_cast %parallel_loop3A_477 : vector<1x16xf32> to vector<16xf32>
        %parallel_loop3A_479 = vector.shape_cast %parallel_loop3A_474 : vector<16xf32> to vector<1x16xf32>
        tpu.vector_store %arg12[%parallel_loop3A_475, %parallel_loop3A_476], %parallel_loop3A_479 {strides = array<i32>} : memref<80x128xf32, #tpu.memory_space<vmem>>, vector<1x16xf32>,
        %parallel_loop3A_480 = arith.index_cast %parallel_loop3A_325 : i32 to index
        %parallel_loop3A_481 = arith.constant 112 : index
        %parallel_loop3A_482 = tpu.vector_load %arg12[%parallel_loop3A_480, %parallel_loop3A_481] {strides = array<i32>} : memref<80x128xf32, #tpu.memory_space<vmem>>, vector<1x16xf32>,
        %parallel_loop3A_483 = vector.shape_cast %parallel_loop3A_482 : vector<1x16xf32> to vector<16xf32>
        %parallel_loop3A_484 = arith.index_cast %parallel_loop3A_325 : i32 to index
        %parallel_loop3A_485 = arith.constant 112 : index
        %parallel_loop3A_486 = tpu.vector_load %arg14[%parallel_loop3A_484, %parallel_loop3A_485] {strides = array<i32>} : memref<80x128xf32, #tpu.memory_space<vmem>>, vector<1x16xf32>,
        %parallel_loop3A_487 = vector.shape_cast %parallel_loop3A_486 : vector<1x16xf32> to vector<16xf32>
        %parallel_loop3A_488 = arith.addf %parallel_loop3A_483, %parallel_loop3A_487 : vector<16xf32>
        %parallel_loop3A_489 = arith.constant 0.000000e+00 : f32
        %parallel_loop3A_490 = vector.broadcast %parallel_loop3A_489 : f32 to vector<16xf32>
        %parallel_loop3A_491 = arith.subf %parallel_loop3A_490, %parallel_loop3A_488 : vector<16xf32>
        %parallel_loop3A_492 = math.exp %parallel_loop3A_491 : vector<16xf32>
        %parallel_loop3A_493 = arith.constant 1.000000e+00 : f32
        %parallel_loop3A_494 = vector.broadcast %parallel_loop3A_493 : f32 to vector<16xf32>
        %parallel_loop3A_495 = arith.addf %parallel_loop3A_494, %parallel_loop3A_492 : vector<16xf32>
        %parallel_loop3A_496 = arith.divf %parallel_loop3A_488, %parallel_loop3A_495 : vector<16xf32>
        %parallel_loop3A_497 = arith.index_cast %parallel_loop3A_325 : i32 to index
        %parallel_loop3A_498 = arith.constant 112 : index
        %parallel_loop3A_499 = tpu.vector_load %arg12[%parallel_loop3A_497, %parallel_loop3A_498] {strides = array<i32>} : memref<80x128xf32, #tpu.memory_space<vmem>>, vector<1x16xf32>,
        %parallel_loop3A_500 = vector.shape_cast %parallel_loop3A_499 : vector<1x16xf32> to vector<16xf32>
        %parallel_loop3A_501 = vector.shape_cast %parallel_loop3A_496 : vector<16xf32> to vector<1x16xf32>
        tpu.vector_store %arg12[%parallel_loop3A_497, %parallel_loop3A_498], %parallel_loop3A_501 {strides = array<i32>} : memref<80x128xf32, #tpu.memory_space<vmem>>, vector<1x16xf32>,
      } {sc.loop_unroll_factor = 1 : i64, sc.parallel_access}
      %add3A_231 = arith.constant 1 : i32
      %add3A_232 = arith.addi %add3A_200, %add3A_231 : i32
      %mul3A_233 = arith.constant 80 : i32
      %mul3A_234 = arith.muli %add3A_232, %mul3A_233 : i32
      %add3A_235 = arith.addi %mul3A_2, %mul3A_234 : i32
      %dma_start3A_236 = arith.constant 0 : i32
      %dma_start3A_237 = tpu.memref_slice %arg3[%add3A_235, %dma_start3A_236] : memref<320000x128xf32, #tpu.memory_space<hbm>> -> memref<80x128xf32, #tpu.memory_space<hbm>>
      %dma_start3A_238 = arith.constant 0 : i32
      %dma_start3A_239 = tpu.memref_slice %arg3[%add3A_235, %dma_start3A_238] : memref<320000x128xf32, #tpu.memory_space<hbm>> -> memref<80x128xf32, #tpu.memory_space<hbm>>
      tpu.enqueue_dma source(%dma_start3A_239 : memref<80x128xf32, #tpu.memory_space<hbm>>) target(%arg14 : memref<80x128xf32, #tpu.memory_space<vmem>>) target_semaphore(%arg22 : memref<!tpu.dma_semaphore, #tpu.memory_space<semaphore_mem>>)
      %add3A_240 = arith.constant 1 : i32
      %add3A_241 = arith.addi %add3A_200, %add3A_240 : i32
      %dma_wait3A_242 = arith.constant 0 : i32
      %dma_wait3A_243 = tpu.memref_slice %arg4[%add3A, %add3A_241, %dma_wait3A_242] : memref<32x126x80xi32, #tpu.memory_space<hbm>> -> memref<1x1x80xi32, #tpu.memory_space<hbm>>
      %dma_wait3A_244 = tpu.memref_squeeze %dma_wait3A_243 : memref<1x1x80xi32, #tpu.memory_space<hbm>> -> memref<80xi32, #tpu.memory_space<hbm>>
      %dma_wait3A_245 = arith.constant 0 : i32
      %dma_wait3A_246 = tpu.memref_slice %arg4[%add3A, %add3A_241, %dma_wait3A_245] : memref<32x126x80xi32, #tpu.memory_space<hbm>> -> memref<1x1x80xi32, #tpu.memory_space<hbm>>
      %dma_wait3A_247 = tpu.memref_squeeze %dma_wait3A_246 : memref<1x1x80xi32, #tpu.memory_space<hbm>> -> memref<80xi32, #tpu.memory_space<hbm>>
      tpu.wait_dma2 semaphore(%arg17 : memref<!tpu.dma_semaphore, #tpu.memory_space<semaphore_mem>>) src(%dma_wait3A_247 : memref<80xi32, #tpu.memory_space<hbm>>) dst(%arg9 : memref<80xi32, #tpu.memory_space<vmem>>)
      %add3A_248 = arith.constant 1 : i32
      %add3A_249 = arith.addi %add3A_200, %add3A_248 : i32
      %dma_start3A_250 = arith.constant 0 : i32
      %dma_start3A_251 = arith.constant 0 : i32
      %dma_start3A_252 = tpu.memref_slice %arg2[%dma_start3A_250, %dma_start3A_251] : memref<10000x128xf32, #tpu.memory_space<hbm>> -> memref<10000x128xf32, #tpu.memory_space<hbm>>
      tpu.enqueue_indirect_dma source(%dma_start3A_252 : memref<10000x128xf32, #tpu.memory_space<hbm>>) target(%arg13 : memref<80x128xf32, #tpu.memory_space<vmem>>) offsets(%arg9 : memref<80xi32, #tpu.memory_space<vmem>>) semaphore(%arg21 : memref<!tpu.dma_semaphore, #tpu.memory_space<semaphore_mem>>)
      %dma_wait3A_253 = arith.constant 0 : i32
      %dma_wait3A_254 = tpu.memref_slice %arg5[%add3A, %add3A_200, %dma_wait3A_253] : memref<32x126x80xi32, #tpu.memory_space<hbm>> -> memref<1x1x80xi32, #tpu.memory_space<hbm>>
      %dma_wait3A_255 = tpu.memref_squeeze %dma_wait3A_254 : memref<1x1x80xi32, #tpu.memory_space<hbm>> -> memref<80xi32, #tpu.memory_space<hbm>>
      %dma_wait3A_256 = arith.constant 0 : i32
      %dma_wait3A_257 = tpu.memref_slice %arg5[%add3A, %add3A_200, %dma_wait3A_256] : memref<32x126x80xi32, #tpu.memory_space<hbm>> -> memref<1x1x80xi32, #tpu.memory_space<hbm>>
      %dma_wait3A_258 = tpu.memref_squeeze %dma_wait3A_257 : memref<1x1x80xi32, #tpu.memory_space<hbm>> -> memref<80xi32, #tpu.memory_space<hbm>>
      tpu.wait_dma2 semaphore(%arg18 : memref<!tpu.dma_semaphore, #tpu.memory_space<semaphore_mem>>) src(%dma_wait3A_258 : memref<80xi32, #tpu.memory_space<hbm>>) dst(%arg10 : memref<80xi32, #tpu.memory_space<vmem>>)
      %dma_start3A_259 = arith.constant 0 : i32
      %dma_start3A_260 = arith.constant 0 : i32
      %dma_start3A_261 = tpu.memref_slice %arg15[%dma_start3A_259, %dma_start3A_260] : memref<10112x128xf32, #tpu.memory_space<vmem_shared>> -> memref<10112x128xf32, #tpu.memory_space<vmem_shared>>
      tpu.enqueue_indirect_dma source(%arg12 : memref<80x128xf32, #tpu.memory_space<vmem>>) target(%dma_start3A_261 : memref<10112x128xf32, #tpu.memory_space<vmem_shared>>) offsets(%arg10 : memref<80xi32, #tpu.memory_space<vmem>>) semaphore(%arg23 : memref<!tpu.dma_semaphore, #tpu.memory_space<semaphore_mem>>) {add = true}
      %add3A_262 = arith.constant 1 : i32
      %add3A_263 = arith.addi %add3A_200, %add3A_262 : i32
      %dma_wait3A_264 = arith.constant 0 : i32
      %dma_wait3A_265 = arith.constant 0 : i32
      %dma_wait3A_266 = tpu.memref_slice %arg15[%dma_wait3A_264, %dma_wait3A_265] : memref<10112x128xf32, #tpu.memory_space<vmem_shared>> -> memref<10112x128xf32, #tpu.memory_space<vmem_shared>>
      tpu.wait_indirect_dma semaphore(%arg24 : memref<!tpu.dma_semaphore, #tpu.memory_space<semaphore_mem>>) src(%arg13 : memref<80x128xf32, #tpu.memory_space<vmem>>) dst(%dma_wait3A_266 : memref<10112x128xf32, #tpu.memory_space<vmem_shared>>)
      %dma_start3A_267 = arith.constant 0 : i32
      %dma_start3A_268 = tpu.memref_slice %arg5[%add3A, %add3A_263, %dma_start3A_267] : memref<32x126x80xi32, #tpu.memory_space<hbm>> -> memref<1x1x80xi32, #tpu.memory_space<hbm>>
      %dma_start3A_269 = tpu.memref_squeeze %dma_start3A_268 : memref<1x1x80xi32, #tpu.memory_space<hbm>> -> memref<80xi32, #tpu.memory_space<hbm>>
      %dma_start3A_270 = arith.constant 0 : i32
      %dma_start3A_271 = tpu.memref_slice %arg5[%add3A, %add3A_263, %dma_start3A_270] : memref<32x126x80xi32, #tpu.memory_space<hbm>> -> memref<1x1x80xi32, #tpu.memory_space<hbm>>
      %dma_start3A_272 = tpu.memref_squeeze %dma_start3A_271 : memref<1x1x80xi32, #tpu.memory_space<hbm>> -> memref<80xi32, #tpu.memory_space<hbm>>
      tpu.enqueue_dma source(%dma_start3A_272 : memref<80xi32, #tpu.memory_space<hbm>>) target(%arg11 : memref<80xi32, #tpu.memory_space<vmem>>) target_semaphore(%arg19 : memref<!tpu.dma_semaphore, #tpu.memory_space<semaphore_mem>>)
      %dma_wait3A_273 = arith.constant 0 : i32
      %dma_wait3A_274 = arith.constant 0 : i32
      %dma_wait3A_275 = tpu.memref_slice %arg2[%dma_wait3A_273, %dma_wait3A_274] : memref<10000x128xf32, #tpu.memory_space<hbm>> -> memref<10000x128xf32, #tpu.memory_space<hbm>>
      tpu.wait_indirect_dma semaphore(%arg21 : memref<!tpu.dma_semaphore, #tpu.memory_space<semaphore_mem>>) src(%dma_wait3A_275 : memref<10000x128xf32, #tpu.memory_space<hbm>>) dst(%arg13 : memref<80x128xf32, #tpu.memory_space<vmem>>)
      %add3A_276 = arith.constant 2 : i32
      %add3A_277 = arith.addi %add3A_263, %add3A_276 : i32
      %dma_start3A_278 = arith.constant 0 : i32
      %dma_start3A_279 = tpu.memref_slice %arg4[%add3A, %add3A_277, %dma_start3A_278] : memref<32x126x80xi32, #tpu.memory_space<hbm>> -> memref<1x1x80xi32, #tpu.memory_space<hbm>>
      %dma_start3A_280 = tpu.memref_squeeze %dma_start3A_279 : memref<1x1x80xi32, #tpu.memory_space<hbm>> -> memref<80xi32, #tpu.memory_space<hbm>>
      %dma_start3A_281 = arith.constant 0 : i32
      %dma_start3A_282 = tpu.memref_slice %arg4[%add3A, %add3A_277, %dma_start3A_281] : memref<32x126x80xi32, #tpu.memory_space<hbm>> -> memref<1x1x80xi32, #tpu.memory_space<hbm>>
      %dma_start3A_283 = tpu.memref_squeeze %dma_start3A_282 : memref<1x1x80xi32, #tpu.memory_space<hbm>> -> memref<80xi32, #tpu.memory_space<hbm>>
      tpu.enqueue_dma source(%dma_start3A_283 : memref<80xi32, #tpu.memory_space<hbm>>) target(%arg9 : memref<80xi32, #tpu.memory_space<vmem>>) target_semaphore(%arg17 : memref<!tpu.dma_semaphore, #tpu.memory_space<semaphore_mem>>)
      %mul3A_284 = arith.constant 80 : i32
      %mul3A_285 = arith.muli %add3A_263, %mul3A_284 : i32
      %add3A_286 = arith.addi %mul3A_2, %mul3A_285 : i32
      %dma_wait3A_287 = arith.constant 0 : i32
      %dma_wait3A_288 = tpu.memref_slice %arg3[%add3A_286, %dma_wait3A_287] : memref<320000x128xf32, #tpu.memory_space<hbm>> -> memref<80x128xf32, #tpu.memory_space<hbm>>
      %dma_wait3A_289 = arith.constant 0 : i32
      %dma_wait3A_290 = tpu.memref_slice %arg3[%add3A_286, %dma_wait3A_289] : memref<320000x128xf32, #tpu.memory_space<hbm>> -> memref<80x128xf32, #tpu.memory_space<hbm>>
      tpu.wait_dma2 semaphore(%arg22 : memref<!tpu.dma_semaphore, #tpu.memory_space<semaphore_mem>>) src(%dma_wait3A_290 : memref<80x128xf32, #tpu.memory_space<hbm>>) dst(%arg14 : memref<80x128xf32, #tpu.memory_space<vmem>>)
      %parallel_loop3A_291 = arith.constant 0 : i32
      %parallel_loop3A_292 = arith.constant 80 : i32
      %parallel_loop3A_293 = arith.constant 1 : i32
      scf.for %parallel_loop3A_325 = %parallel_loop3A_291 to %parallel_loop3A_292 step %parallel_loop3A_293  : i32 {
        %parallel_loop3A_326 = arith.index_cast %parallel_loop3A_325 : i32 to index
        %parallel_loop3A_327 = arith.constant 0 : index
        %parallel_loop3A_328 = tpu.vector_load %arg13[%parallel_loop3A_326, %parallel_loop3A_327] {strides = array<i32>} : memref<80x128xf32, #tpu.memory_space<vmem>>, vector<1x16xf32>,
        %parallel_loop3A_329 = vector.shape_cast %parallel_loop3A_328 : vector<1x16xf32> to vector<16xf32>
        %parallel_loop3A_330 = arith.index_cast %parallel_loop3A_325 : i32 to index
        %parallel_loop3A_331 = arith.constant 0 : index
        %parallel_loop3A_332 = tpu.vector_load %arg14[%parallel_loop3A_330, %parallel_loop3A_331] {strides = array<i32>} : memref<80x128xf32, #tpu.memory_space<vmem>>, vector<1x16xf32>,
        %parallel_loop3A_333 = vector.shape_cast %parallel_loop3A_332 : vector<1x16xf32> to vector<16xf32>
        %parallel_loop3A_334 = arith.addf %parallel_loop3A_329, %parallel_loop3A_333 : vector<16xf32>
        %parallel_loop3A_335 = arith.constant 0.000000e+00 : f32
        %parallel_loop3A_336 = vector.broadcast %parallel_loop3A_335 : f32 to vector<16xf32>
        %parallel_loop3A_337 = arith.subf %parallel_loop3A_336, %parallel_loop3A_334 : vector<16xf32>
        %parallel_loop3A_338 = math.exp %parallel_loop3A_337 : vector<16xf32>
        %parallel_loop3A_339 = arith.constant 1.000000e+00 : f32
        %parallel_loop3A_340 = vector.broadcast %parallel_loop3A_339 : f32 to vector<16xf32>
        %parallel_loop3A_341 = arith.addf %parallel_loop3A_340, %parallel_loop3A_338 : vector<16xf32>
        %parallel_loop3A_342 = arith.divf %parallel_loop3A_334, %parallel_loop3A_341 : vector<16xf32>
        %parallel_loop3A_343 = arith.index_cast %parallel_loop3A_325 : i32 to index
        %parallel_loop3A_344 = arith.constant 0 : index
        %parallel_loop3A_345 = tpu.vector_load %arg13[%parallel_loop3A_343, %parallel_loop3A_344] {strides = array<i32>} : memref<80x128xf32, #tpu.memory_space<vmem>>, vector<1x16xf32>,
        %parallel_loop3A_346 = vector.shape_cast %parallel_loop3A_345 : vector<1x16xf32> to vector<16xf32>
        %parallel_loop3A_347 = vector.shape_cast %parallel_loop3A_342 : vector<16xf32> to vector<1x16xf32>
        tpu.vector_store %arg13[%parallel_loop3A_343, %parallel_loop3A_344], %parallel_loop3A_347 {strides = array<i32>} : memref<80x128xf32, #tpu.memory_space<vmem>>, vector<1x16xf32>,
        %parallel_loop3A_348 = arith.index_cast %parallel_loop3A_325 : i32 to index
        %parallel_loop3A_349 = arith.constant 16 : index
        %parallel_loop3A_350 = tpu.vector_load %arg13[%parallel_loop3A_348, %parallel_loop3A_349] {strides = array<i32>} : memref<80x128xf32, #tpu.memory_space<vmem>>, vector<1x16xf32>,
        %parallel_loop3A_351 = vector.shape_cast %parallel_loop3A_350 : vector<1x16xf32> to vector<16xf32>
        %parallel_loop3A_352 = arith.index_cast %parallel_loop3A_325 : i32 to index
        %parallel_loop3A_353 = arith.constant 16 : index
        %parallel_loop3A_354 = tpu.vector_load %arg14[%parallel_loop3A_352, %parallel_loop3A_353] {strides = array<i32>} : memref<80x128xf32, #tpu.memory_space<vmem>>, vector<1x16xf32>,
        %parallel_loop3A_355 = vector.shape_cast %parallel_loop3A_354 : vector<1x16xf32> to vector<16xf32>
        %parallel_loop3A_356 = arith.addf %parallel_loop3A_351, %parallel_loop3A_355 : vector<16xf32>
        %parallel_loop3A_357 = arith.constant 0.000000e+00 : f32
        %parallel_loop3A_358 = vector.broadcast %parallel_loop3A_357 : f32 to vector<16xf32>
        %parallel_loop3A_359 = arith.subf %parallel_loop3A_358, %parallel_loop3A_356 : vector<16xf32>
        %parallel_loop3A_360 = math.exp %parallel_loop3A_359 : vector<16xf32>
        %parallel_loop3A_361 = arith.constant 1.000000e+00 : f32
        %parallel_loop3A_362 = vector.broadcast %parallel_loop3A_361 : f32 to vector<16xf32>
        %parallel_loop3A_363 = arith.addf %parallel_loop3A_362, %parallel_loop3A_360 : vector<16xf32>
        %parallel_loop3A_364 = arith.divf %parallel_loop3A_356, %parallel_loop3A_363 : vector<16xf32>
        %parallel_loop3A_365 = arith.index_cast %parallel_loop3A_325 : i32 to index
        %parallel_loop3A_366 = arith.constant 16 : index
        %parallel_loop3A_367 = tpu.vector_load %arg13[%parallel_loop3A_365, %parallel_loop3A_366] {strides = array<i32>} : memref<80x128xf32, #tpu.memory_space<vmem>>, vector<1x16xf32>,
        %parallel_loop3A_368 = vector.shape_cast %parallel_loop3A_367 : vector<1x16xf32> to vector<16xf32>
        %parallel_loop3A_369 = vector.shape_cast %parallel_loop3A_364 : vector<16xf32> to vector<1x16xf32>
        tpu.vector_store %arg13[%parallel_loop3A_365, %parallel_loop3A_366], %parallel_loop3A_369 {strides = array<i32>} : memref<80x128xf32, #tpu.memory_space<vmem>>, vector<1x16xf32>,
        %parallel_loop3A_370 = arith.index_cast %parallel_loop3A_325 : i32 to index
        %parallel_loop3A_371 = arith.constant 32 : index
        %parallel_loop3A_372 = tpu.vector_load %arg13[%parallel_loop3A_370, %parallel_loop3A_371] {strides = array<i32>} : memref<80x128xf32, #tpu.memory_space<vmem>>, vector<1x16xf32>,
        %parallel_loop3A_373 = vector.shape_cast %parallel_loop3A_372 : vector<1x16xf32> to vector<16xf32>
        %parallel_loop3A_374 = arith.index_cast %parallel_loop3A_325 : i32 to index
        %parallel_loop3A_375 = arith.constant 32 : index
        %parallel_loop3A_376 = tpu.vector_load %arg14[%parallel_loop3A_374, %parallel_loop3A_375] {strides = array<i32>} : memref<80x128xf32, #tpu.memory_space<vmem>>, vector<1x16xf32>,
        %parallel_loop3A_377 = vector.shape_cast %parallel_loop3A_376 : vector<1x16xf32> to vector<16xf32>
        %parallel_loop3A_378 = arith.addf %parallel_loop3A_373, %parallel_loop3A_377 : vector<16xf32>
        %parallel_loop3A_379 = arith.constant 0.000000e+00 : f32
        %parallel_loop3A_380 = vector.broadcast %parallel_loop3A_379 : f32 to vector<16xf32>
        %parallel_loop3A_381 = arith.subf %parallel_loop3A_380, %parallel_loop3A_378 : vector<16xf32>
        %parallel_loop3A_382 = math.exp %parallel_loop3A_381 : vector<16xf32>
        %parallel_loop3A_383 = arith.constant 1.000000e+00 : f32
        %parallel_loop3A_384 = vector.broadcast %parallel_loop3A_383 : f32 to vector<16xf32>
        %parallel_loop3A_385 = arith.addf %parallel_loop3A_384, %parallel_loop3A_382 : vector<16xf32>
        %parallel_loop3A_386 = arith.divf %parallel_loop3A_378, %parallel_loop3A_385 : vector<16xf32>
        %parallel_loop3A_387 = arith.index_cast %parallel_loop3A_325 : i32 to index
        %parallel_loop3A_388 = arith.constant 32 : index
        %parallel_loop3A_389 = tpu.vector_load %arg13[%parallel_loop3A_387, %parallel_loop3A_388] {strides = array<i32>} : memref<80x128xf32, #tpu.memory_space<vmem>>, vector<1x16xf32>,
        %parallel_loop3A_390 = vector.shape_cast %parallel_loop3A_389 : vector<1x16xf32> to vector<16xf32>
        %parallel_loop3A_391 = vector.shape_cast %parallel_loop3A_386 : vector<16xf32> to vector<1x16xf32>
        tpu.vector_store %arg13[%parallel_loop3A_387, %parallel_loop3A_388], %parallel_loop3A_391 {strides = array<i32>} : memref<80x128xf32, #tpu.memory_space<vmem>>, vector<1x16xf32>,
        %parallel_loop3A_392 = arith.index_cast %parallel_loop3A_325 : i32 to index
        %parallel_loop3A_393 = arith.constant 48 : index
        %parallel_loop3A_394 = tpu.vector_load %arg13[%parallel_loop3A_392, %parallel_loop3A_393] {strides = array<i32>} : memref<80x128xf32, #tpu.memory_space<vmem>>, vector<1x16xf32>,
        %parallel_loop3A_395 = vector.shape_cast %parallel_loop3A_394 : vector<1x16xf32> to vector<16xf32>
        %parallel_loop3A_396 = arith.index_cast %parallel_loop3A_325 : i32 to index
        %parallel_loop3A_397 = arith.constant 48 : index
        %parallel_loop3A_398 = tpu.vector_load %arg14[%parallel_loop3A_396, %parallel_loop3A_397] {strides = array<i32>} : memref<80x128xf32, #tpu.memory_space<vmem>>, vector<1x16xf32>,
        %parallel_loop3A_399 = vector.shape_cast %parallel_loop3A_398 : vector<1x16xf32> to vector<16xf32>
        %parallel_loop3A_400 = arith.addf %parallel_loop3A_395, %parallel_loop3A_399 : vector<16xf32>
        %parallel_loop3A_401 = arith.constant 0.000000e+00 : f32
        %parallel_loop3A_402 = vector.broadcast %parallel_loop3A_401 : f32 to vector<16xf32>
        %parallel_loop3A_403 = arith.subf %parallel_loop3A_402, %parallel_loop3A_400 : vector<16xf32>
        %parallel_loop3A_404 = math.exp %parallel_loop3A_403 : vector<16xf32>
        %parallel_loop3A_405 = arith.constant 1.000000e+00 : f32
        %parallel_loop3A_406 = vector.broadcast %parallel_loop3A_405 : f32 to vector<16xf32>
        %parallel_loop3A_407 = arith.addf %parallel_loop3A_406, %parallel_loop3A_404 : vector<16xf32>
        %parallel_loop3A_408 = arith.divf %parallel_loop3A_400, %parallel_loop3A_407 : vector<16xf32>
        %parallel_loop3A_409 = arith.index_cast %parallel_loop3A_325 : i32 to index
        %parallel_loop3A_410 = arith.constant 48 : index
        %parallel_loop3A_411 = tpu.vector_load %arg13[%parallel_loop3A_409, %parallel_loop3A_410] {strides = array<i32>} : memref<80x128xf32, #tpu.memory_space<vmem>>, vector<1x16xf32>,
        %parallel_loop3A_412 = vector.shape_cast %parallel_loop3A_411 : vector<1x16xf32> to vector<16xf32>
        %parallel_loop3A_413 = vector.shape_cast %parallel_loop3A_408 : vector<16xf32> to vector<1x16xf32>
        tpu.vector_store %arg13[%parallel_loop3A_409, %parallel_loop3A_410], %parallel_loop3A_413 {strides = array<i32>} : memref<80x128xf32, #tpu.memory_space<vmem>>, vector<1x16xf32>,
        %parallel_loop3A_414 = arith.index_cast %parallel_loop3A_325 : i32 to index
        %parallel_loop3A_415 = arith.constant 64 : index
        %parallel_loop3A_416 = tpu.vector_load %arg13[%parallel_loop3A_414, %parallel_loop3A_415] {strides = array<i32>} : memref<80x128xf32, #tpu.memory_space<vmem>>, vector<1x16xf32>,
        %parallel_loop3A_417 = vector.shape_cast %parallel_loop3A_416 : vector<1x16xf32> to vector<16xf32>
        %parallel_loop3A_418 = arith.index_cast %parallel_loop3A_325 : i32 to index
        %parallel_loop3A_419 = arith.constant 64 : index
        %parallel_loop3A_420 = tpu.vector_load %arg14[%parallel_loop3A_418, %parallel_loop3A_419] {strides = array<i32>} : memref<80x128xf32, #tpu.memory_space<vmem>>, vector<1x16xf32>,
        %parallel_loop3A_421 = vector.shape_cast %parallel_loop3A_420 : vector<1x16xf32> to vector<16xf32>
        %parallel_loop3A_422 = arith.addf %parallel_loop3A_417, %parallel_loop3A_421 : vector<16xf32>
        %parallel_loop3A_423 = arith.constant 0.000000e+00 : f32
        %parallel_loop3A_424 = vector.broadcast %parallel_loop3A_423 : f32 to vector<16xf32>
        %parallel_loop3A_425 = arith.subf %parallel_loop3A_424, %parallel_loop3A_422 : vector<16xf32>
        %parallel_loop3A_426 = math.exp %parallel_loop3A_425 : vector<16xf32>
        %parallel_loop3A_427 = arith.constant 1.000000e+00 : f32
        %parallel_loop3A_428 = vector.broadcast %parallel_loop3A_427 : f32 to vector<16xf32>
        %parallel_loop3A_429 = arith.addf %parallel_loop3A_428, %parallel_loop3A_426 : vector<16xf32>
        %parallel_loop3A_430 = arith.divf %parallel_loop3A_422, %parallel_loop3A_429 : vector<16xf32>
        %parallel_loop3A_431 = arith.index_cast %parallel_loop3A_325 : i32 to index
        %parallel_loop3A_432 = arith.constant 64 : index
        %parallel_loop3A_433 = tpu.vector_load %arg13[%parallel_loop3A_431, %parallel_loop3A_432] {strides = array<i32>} : memref<80x128xf32, #tpu.memory_space<vmem>>, vector<1x16xf32>,
        %parallel_loop3A_434 = vector.shape_cast %parallel_loop3A_433 : vector<1x16xf32> to vector<16xf32>
        %parallel_loop3A_435 = vector.shape_cast %parallel_loop3A_430 : vector<16xf32> to vector<1x16xf32>
        tpu.vector_store %arg13[%parallel_loop3A_431, %parallel_loop3A_432], %parallel_loop3A_435 {strides = array<i32>} : memref<80x128xf32, #tpu.memory_space<vmem>>, vector<1x16xf32>,
        %parallel_loop3A_436 = arith.index_cast %parallel_loop3A_325 : i32 to index
        %parallel_loop3A_437 = arith.constant 80 : index
        %parallel_loop3A_438 = tpu.vector_load %arg13[%parallel_loop3A_436, %parallel_loop3A_437] {strides = array<i32>} : memref<80x128xf32, #tpu.memory_space<vmem>>, vector<1x16xf32>,
        %parallel_loop3A_439 = vector.shape_cast %parallel_loop3A_438 : vector<1x16xf32> to vector<16xf32>
        %parallel_loop3A_440 = arith.index_cast %parallel_loop3A_325 : i32 to index
        %parallel_loop3A_441 = arith.constant 80 : index
        %parallel_loop3A_442 = tpu.vector_load %arg14[%parallel_loop3A_440, %parallel_loop3A_441] {strides = array<i32>} : memref<80x128xf32, #tpu.memory_space<vmem>>, vector<1x16xf32>,
        %parallel_loop3A_443 = vector.shape_cast %parallel_loop3A_442 : vector<1x16xf32> to vector<16xf32>
        %parallel_loop3A_444 = arith.addf %parallel_loop3A_439, %parallel_loop3A_443 : vector<16xf32>
        %parallel_loop3A_445 = arith.constant 0.000000e+00 : f32
        %parallel_loop3A_446 = vector.broadcast %parallel_loop3A_445 : f32 to vector<16xf32>
        %parallel_loop3A_447 = arith.subf %parallel_loop3A_446, %parallel_loop3A_444 : vector<16xf32>
        %parallel_loop3A_448 = math.exp %parallel_loop3A_447 : vector<16xf32>
        %parallel_loop3A_449 = arith.constant 1.000000e+00 : f32
        %parallel_loop3A_450 = vector.broadcast %parallel_loop3A_449 : f32 to vector<16xf32>
        %parallel_loop3A_451 = arith.addf %parallel_loop3A_450, %parallel_loop3A_448 : vector<16xf32>
        %parallel_loop3A_452 = arith.divf %parallel_loop3A_444, %parallel_loop3A_451 : vector<16xf32>
        %parallel_loop3A_453 = arith.index_cast %parallel_loop3A_325 : i32 to index
        %parallel_loop3A_454 = arith.constant 80 : index
        %parallel_loop3A_455 = tpu.vector_load %arg13[%parallel_loop3A_453, %parallel_loop3A_454] {strides = array<i32>} : memref<80x128xf32, #tpu.memory_space<vmem>>, vector<1x16xf32>,
        %parallel_loop3A_456 = vector.shape_cast %parallel_loop3A_455 : vector<1x16xf32> to vector<16xf32>
        %parallel_loop3A_457 = vector.shape_cast %parallel_loop3A_452 : vector<16xf32> to vector<1x16xf32>
        tpu.vector_store %arg13[%parallel_loop3A_453, %parallel_loop3A_454], %parallel_loop3A_457 {strides = array<i32>} : memref<80x128xf32, #tpu.memory_space<vmem>>, vector<1x16xf32>,
        %parallel_loop3A_458 = arith.index_cast %parallel_loop3A_325 : i32 to index
        %parallel_loop3A_459 = arith.constant 96 : index
        %parallel_loop3A_460 = tpu.vector_load %arg13[%parallel_loop3A_458, %parallel_loop3A_459] {strides = array<i32>} : memref<80x128xf32, #tpu.memory_space<vmem>>, vector<1x16xf32>,
        %parallel_loop3A_461 = vector.shape_cast %parallel_loop3A_460 : vector<1x16xf32> to vector<16xf32>
        %parallel_loop3A_462 = arith.index_cast %parallel_loop3A_325 : i32 to index
        %parallel_loop3A_463 = arith.constant 96 : index
        %parallel_loop3A_464 = tpu.vector_load %arg14[%parallel_loop3A_462, %parallel_loop3A_463] {strides = array<i32>} : memref<80x128xf32, #tpu.memory_space<vmem>>, vector<1x16xf32>,
        %parallel_loop3A_465 = vector.shape_cast %parallel_loop3A_464 : vector<1x16xf32> to vector<16xf32>
        %parallel_loop3A_466 = arith.addf %parallel_loop3A_461, %parallel_loop3A_465 : vector<16xf32>
        %parallel_loop3A_467 = arith.constant 0.000000e+00 : f32
        %parallel_loop3A_468 = vector.broadcast %parallel_loop3A_467 : f32 to vector<16xf32>
        %parallel_loop3A_469 = arith.subf %parallel_loop3A_468, %parallel_loop3A_466 : vector<16xf32>
        %parallel_loop3A_470 = math.exp %parallel_loop3A_469 : vector<16xf32>
        %parallel_loop3A_471 = arith.constant 1.000000e+00 : f32
        %parallel_loop3A_472 = vector.broadcast %parallel_loop3A_471 : f32 to vector<16xf32>
        %parallel_loop3A_473 = arith.addf %parallel_loop3A_472, %parallel_loop3A_470 : vector<16xf32>
        %parallel_loop3A_474 = arith.divf %parallel_loop3A_466, %parallel_loop3A_473 : vector<16xf32>
        %parallel_loop3A_475 = arith.index_cast %parallel_loop3A_325 : i32 to index
        %parallel_loop3A_476 = arith.constant 96 : index
        %parallel_loop3A_477 = tpu.vector_load %arg13[%parallel_loop3A_475, %parallel_loop3A_476] {strides = array<i32>} : memref<80x128xf32, #tpu.memory_space<vmem>>, vector<1x16xf32>,
        %parallel_loop3A_478 = vector.shape_cast %parallel_loop3A_477 : vector<1x16xf32> to vector<16xf32>
        %parallel_loop3A_479 = vector.shape_cast %parallel_loop3A_474 : vector<16xf32> to vector<1x16xf32>
        tpu.vector_store %arg13[%parallel_loop3A_475, %parallel_loop3A_476], %parallel_loop3A_479 {strides = array<i32>} : memref<80x128xf32, #tpu.memory_space<vmem>>, vector<1x16xf32>,
        %parallel_loop3A_480 = arith.index_cast %parallel_loop3A_325 : i32 to index
        %parallel_loop3A_481 = arith.constant 112 : index
        %parallel_loop3A_482 = tpu.vector_load %arg13[%parallel_loop3A_480, %parallel_loop3A_481] {strides = array<i32>} : memref<80x128xf32, #tpu.memory_space<vmem>>, vector<1x16xf32>,
        %parallel_loop3A_483 = vector.shape_cast %parallel_loop3A_482 : vector<1x16xf32> to vector<16xf32>
        %parallel_loop3A_484 = arith.index_cast %parallel_loop3A_325 : i32 to index
        %parallel_loop3A_485 = arith.constant 112 : index
        %parallel_loop3A_486 = tpu.vector_load %arg14[%parallel_loop3A_484, %parallel_loop3A_485] {strides = array<i32>} : memref<80x128xf32, #tpu.memory_space<vmem>>, vector<1x16xf32>,
        %parallel_loop3A_487 = vector.shape_cast %parallel_loop3A_486 : vector<1x16xf32> to vector<16xf32>
        %parallel_loop3A_488 = arith.addf %parallel_loop3A_483, %parallel_loop3A_487 : vector<16xf32>
        %parallel_loop3A_489 = arith.constant 0.000000e+00 : f32
        %parallel_loop3A_490 = vector.broadcast %parallel_loop3A_489 : f32 to vector<16xf32>
        %parallel_loop3A_491 = arith.subf %parallel_loop3A_490, %parallel_loop3A_488 : vector<16xf32>
        %parallel_loop3A_492 = math.exp %parallel_loop3A_491 : vector<16xf32>
        %parallel_loop3A_493 = arith.constant 1.000000e+00 : f32
        %parallel_loop3A_494 = vector.broadcast %parallel_loop3A_493 : f32 to vector<16xf32>
        %parallel_loop3A_495 = arith.addf %parallel_loop3A_494, %parallel_loop3A_492 : vector<16xf32>
        %parallel_loop3A_496 = arith.divf %parallel_loop3A_488, %parallel_loop3A_495 : vector<16xf32>
        %parallel_loop3A_497 = arith.index_cast %parallel_loop3A_325 : i32 to index
        %parallel_loop3A_498 = arith.constant 112 : index
        %parallel_loop3A_499 = tpu.vector_load %arg13[%parallel_loop3A_497, %parallel_loop3A_498] {strides = array<i32>} : memref<80x128xf32, #tpu.memory_space<vmem>>, vector<1x16xf32>,
        %parallel_loop3A_500 = vector.shape_cast %parallel_loop3A_499 : vector<1x16xf32> to vector<16xf32>
        %parallel_loop3A_501 = vector.shape_cast %parallel_loop3A_496 : vector<16xf32> to vector<1x16xf32>
        tpu.vector_store %arg13[%parallel_loop3A_497, %parallel_loop3A_498], %parallel_loop3A_501 {strides = array<i32>} : memref<80x128xf32, #tpu.memory_space<vmem>>, vector<1x16xf32>,
      } {sc.loop_unroll_factor = 1 : i64, sc.parallel_access}
      %add3A_294 = arith.constant 1 : i32
      %add3A_295 = arith.addi %add3A_263, %add3A_294 : i32
      %mul3A_296 = arith.constant 80 : i32
      %mul3A_297 = arith.muli %add3A_295, %mul3A_296 : i32
      %add3A_298 = arith.addi %mul3A_2, %mul3A_297 : i32
      %dma_start3A_299 = arith.constant 0 : i32
      %dma_start3A_300 = tpu.memref_slice %arg3[%add3A_298, %dma_start3A_299] : memref<320000x128xf32, #tpu.memory_space<hbm>> -> memref<80x128xf32, #tpu.memory_space<hbm>>
      %dma_start3A_301 = arith.constant 0 : i32
      %dma_start3A_302 = tpu.memref_slice %arg3[%add3A_298, %dma_start3A_301] : memref<320000x128xf32, #tpu.memory_space<hbm>> -> memref<80x128xf32, #tpu.memory_space<hbm>>
      tpu.enqueue_dma source(%dma_start3A_302 : memref<80x128xf32, #tpu.memory_space<hbm>>) target(%arg14 : memref<80x128xf32, #tpu.memory_space<vmem>>) target_semaphore(%arg22 : memref<!tpu.dma_semaphore, #tpu.memory_space<semaphore_mem>>)
      %add3A_303 = arith.constant 1 : i32
      %add3A_304 = arith.addi %add3A_263, %add3A_303 : i32
      %dma_wait3A_305 = arith.constant 0 : i32
      %dma_wait3A_306 = tpu.memref_slice %arg4[%add3A, %add3A_304, %dma_wait3A_305] : memref<32x126x80xi32, #tpu.memory_space<hbm>> -> memref<1x1x80xi32, #tpu.memory_space<hbm>>
      %dma_wait3A_307 = tpu.memref_squeeze %dma_wait3A_306 : memref<1x1x80xi32, #tpu.memory_space<hbm>> -> memref<80xi32, #tpu.memory_space<hbm>>
      %dma_wait3A_308 = arith.constant 0 : i32
      %dma_wait3A_309 = tpu.memref_slice %arg4[%add3A, %add3A_304, %dma_wait3A_308] : memref<32x126x80xi32, #tpu.memory_space<hbm>> -> memref<1x1x80xi32, #tpu.memory_space<hbm>>
      %dma_wait3A_310 = tpu.memref_squeeze %dma_wait3A_309 : memref<1x1x80xi32, #tpu.memory_space<hbm>> -> memref<80xi32, #tpu.memory_space<hbm>>
      tpu.wait_dma2 semaphore(%arg16 : memref<!tpu.dma_semaphore, #tpu.memory_space<semaphore_mem>>) src(%dma_wait3A_310 : memref<80xi32, #tpu.memory_space<hbm>>) dst(%arg8 : memref<80xi32, #tpu.memory_space<vmem>>)
      %add3A_311 = arith.constant 1 : i32
      %add3A_312 = arith.addi %add3A_263, %add3A_311 : i32
      %dma_start3A_313 = arith.constant 0 : i32
      %dma_start3A_314 = arith.constant 0 : i32
      %dma_start3A_315 = tpu.memref_slice %arg2[%dma_start3A_313, %dma_start3A_314] : memref<10000x128xf32, #tpu.memory_space<hbm>> -> memref<10000x128xf32, #tpu.memory_space<hbm>>
      tpu.enqueue_indirect_dma source(%dma_start3A_315 : memref<10000x128xf32, #tpu.memory_space<hbm>>) target(%arg12 : memref<80x128xf32, #tpu.memory_space<vmem>>) offsets(%arg8 : memref<80xi32, #tpu.memory_space<vmem>>) semaphore(%arg20 : memref<!tpu.dma_semaphore, #tpu.memory_space<semaphore_mem>>)
      %dma_wait3A_316 = arith.constant 0 : i32
      %dma_wait3A_317 = tpu.memref_slice %arg5[%add3A, %add3A_263, %dma_wait3A_316] : memref<32x126x80xi32, #tpu.memory_space<hbm>> -> memref<1x1x80xi32, #tpu.memory_space<hbm>>
      %dma_wait3A_318 = tpu.memref_squeeze %dma_wait3A_317 : memref<1x1x80xi32, #tpu.memory_space<hbm>> -> memref<80xi32, #tpu.memory_space<hbm>>
      %dma_wait3A_319 = arith.constant 0 : i32
      %dma_wait3A_320 = tpu.memref_slice %arg5[%add3A, %add3A_263, %dma_wait3A_319] : memref<32x126x80xi32, #tpu.memory_space<hbm>> -> memref<1x1x80xi32, #tpu.memory_space<hbm>>
      %dma_wait3A_321 = tpu.memref_squeeze %dma_wait3A_320 : memref<1x1x80xi32, #tpu.memory_space<hbm>> -> memref<80xi32, #tpu.memory_space<hbm>>
      tpu.wait_dma2 semaphore(%arg19 : memref<!tpu.dma_semaphore, #tpu.memory_space<semaphore_mem>>) src(%dma_wait3A_321 : memref<80xi32, #tpu.memory_space<hbm>>) dst(%arg11 : memref<80xi32, #tpu.memory_space<vmem>>)
      %dma_start3A_322 = arith.constant 0 : i32
      %dma_start3A_323 = arith.constant 0 : i32
      %dma_start3A_324 = tpu.memref_slice %arg15[%dma_start3A_322, %dma_start3A_323] : memref<10112x128xf32, #tpu.memory_space<vmem_shared>> -> memref<10112x128xf32, #tpu.memory_space<vmem_shared>>
      tpu.enqueue_indirect_dma source(%arg13 : memref<80x128xf32, #tpu.memory_space<vmem>>) target(%dma_start3A_324 : memref<10112x128xf32, #tpu.memory_space<vmem_shared>>) offsets(%arg11 : memref<80xi32, #tpu.memory_space<vmem>>) semaphore(%arg24 : memref<!tpu.dma_semaphore, #tpu.memory_space<semaphore_mem>>) {add = true}
    }
    %scan3A_141 = arith.constant 61 : i32
    %dma_wait3A_142 = arith.constant 0 : i32
    %dma_wait3A_143 = arith.constant 0 : i32
    %dma_wait3A_144 = tpu.memref_slice %arg15[%dma_wait3A_142, %dma_wait3A_143] : memref<10112x128xf32, #tpu.memory_space<vmem_shared>> -> memref<10112x128xf32, #tpu.memory_space<vmem_shared>>
    tpu.wait_indirect_dma semaphore(%arg23 : memref<!tpu.dma_semaphore, #tpu.memory_space<semaphore_mem>>) src(%arg12 : memref<80x128xf32, #tpu.memory_space<vmem>>) dst(%dma_wait3A_144 : memref<10112x128xf32, #tpu.memory_space<vmem_shared>>)
    %dma_start3A_145 = arith.constant 124 : i32
    %dma_start3A_146 = arith.constant 0 : i32
    %dma_start3A_147 = tpu.memref_slice %arg5[%add3A, %dma_start3A_145, %dma_start3A_146] : memref<32x126x80xi32, #tpu.memory_space<hbm>> -> memref<1x1x80xi32, #tpu.memory_space<hbm>>
    %dma_start3A_148 = tpu.memref_squeeze %dma_start3A_147 : memref<1x1x80xi32, #tpu.memory_space<hbm>> -> memref<80xi32, #tpu.memory_space<hbm>>
    %dma_start3A_149 = arith.constant 0 : i32
    %dma_start3A_150 = tpu.memref_slice %arg5[%add3A, %dma_start3A_145, %dma_start3A_149] : memref<32x126x80xi32, #tpu.memory_space<hbm>> -> memref<1x1x80xi32, #tpu.memory_space<hbm>>
    %dma_start3A_151 = tpu.memref_squeeze %dma_start3A_150 : memref<1x1x80xi32, #tpu.memory_space<hbm>> -> memref<80xi32, #tpu.memory_space<hbm>>
    tpu.enqueue_dma source(%dma_start3A_151 : memref<80xi32, #tpu.memory_space<hbm>>) target(%arg10 : memref<80xi32, #tpu.memory_space<vmem>>) target_semaphore(%arg18 : memref<!tpu.dma_semaphore, #tpu.memory_space<semaphore_mem>>)
    %dma_wait3A_152 = arith.constant 0 : i32
    %dma_wait3A_153 = arith.constant 0 : i32
    %dma_wait3A_154 = tpu.memref_slice %arg2[%dma_wait3A_152, %dma_wait3A_153] : memref<10000x128xf32, #tpu.memory_space<hbm>> -> memref<10000x128xf32, #tpu.memory_space<hbm>>
    tpu.wait_indirect_dma semaphore(%arg20 : memref<!tpu.dma_semaphore, #tpu.memory_space<semaphore_mem>>) src(%dma_wait3A_154 : memref<10000x128xf32, #tpu.memory_space<hbm>>) dst(%arg12 : memref<80x128xf32, #tpu.memory_space<vmem>>)
    %add3A_155 = arith.constant 9920 : i32
    %add3A_156 = arith.addi %mul3A_2, %add3A_155 : i32
    %dma_wait3A_157 = arith.constant 0 : i32
    %dma_wait3A_158 = tpu.memref_slice %arg3[%add3A_156, %dma_wait3A_157] : memref<320000x128xf32, #tpu.memory_space<hbm>> -> memref<80x128xf32, #tpu.memory_space<hbm>>
    %dma_wait3A_159 = arith.constant 0 : i32
    %dma_wait3A_160 = tpu.memref_slice %arg3[%add3A_156, %dma_wait3A_159] : memref<320000x128xf32, #tpu.memory_space<hbm>> -> memref<80x128xf32, #tpu.memory_space<hbm>>
    tpu.wait_dma2 semaphore(%arg22 : memref<!tpu.dma_semaphore, #tpu.memory_space<semaphore_mem>>) src(%dma_wait3A_160 : memref<80x128xf32, #tpu.memory_space<hbm>>) dst(%arg14 : memref<80x128xf32, #tpu.memory_space<vmem>>)
    %parallel_loop3A_161 = arith.constant 0 : i32
    %parallel_loop3A_162 = arith.constant 80 : i32
    %parallel_loop3A_163 = arith.constant 1 : i32
    scf.for %parallel_loop3A_192 = %parallel_loop3A_161 to %parallel_loop3A_162 step %parallel_loop3A_163  : i32 {
      %parallel_loop3A_193 = arith.index_cast %parallel_loop3A_192 : i32 to index
      %parallel_loop3A_194 = arith.constant 0 : index
      %parallel_loop3A_195 = tpu.vector_load %arg12[%parallel_loop3A_193, %parallel_loop3A_194] {strides = array<i32>} : memref<80x128xf32, #tpu.memory_space<vmem>>, vector<1x16xf32>,
      %parallel_loop3A_196 = vector.shape_cast %parallel_loop3A_195 : vector<1x16xf32> to vector<16xf32>
      %parallel_loop3A_197 = arith.index_cast %parallel_loop3A_192 : i32 to index
      %parallel_loop3A_198 = arith.constant 0 : index
      %parallel_loop3A_199 = tpu.vector_load %arg14[%parallel_loop3A_197, %parallel_loop3A_198] {strides = array<i32>} : memref<80x128xf32, #tpu.memory_space<vmem>>, vector<1x16xf32>,
      %parallel_loop3A_200 = vector.shape_cast %parallel_loop3A_199 : vector<1x16xf32> to vector<16xf32>
      %parallel_loop3A_201 = arith.addf %parallel_loop3A_196, %parallel_loop3A_200 : vector<16xf32>
      %parallel_loop3A_202 = arith.constant 0.000000e+00 : f32
      %parallel_loop3A_203 = vector.broadcast %parallel_loop3A_202 : f32 to vector<16xf32>
      %parallel_loop3A_204 = arith.subf %parallel_loop3A_203, %parallel_loop3A_201 : vector<16xf32>
      %parallel_loop3A_205 = math.exp %parallel_loop3A_204 : vector<16xf32>
      %parallel_loop3A_206 = arith.constant 1.000000e+00 : f32
      %parallel_loop3A_207 = vector.broadcast %parallel_loop3A_206 : f32 to vector<16xf32>
      %parallel_loop3A_208 = arith.addf %parallel_loop3A_207, %parallel_loop3A_205 : vector<16xf32>
      %parallel_loop3A_209 = arith.divf %parallel_loop3A_201, %parallel_loop3A_208 : vector<16xf32>
      %parallel_loop3A_210 = arith.index_cast %parallel_loop3A_192 : i32 to index
      %parallel_loop3A_211 = arith.constant 0 : index
      %parallel_loop3A_212 = tpu.vector_load %arg12[%parallel_loop3A_210, %parallel_loop3A_211] {strides = array<i32>} : memref<80x128xf32, #tpu.memory_space<vmem>>, vector<1x16xf32>,
      %parallel_loop3A_213 = vector.shape_cast %parallel_loop3A_212 : vector<1x16xf32> to vector<16xf32>
      %parallel_loop3A_214 = vector.shape_cast %parallel_loop3A_209 : vector<16xf32> to vector<1x16xf32>
      tpu.vector_store %arg12[%parallel_loop3A_210, %parallel_loop3A_211], %parallel_loop3A_214 {strides = array<i32>} : memref<80x128xf32, #tpu.memory_space<vmem>>, vector<1x16xf32>,
      %parallel_loop3A_215 = arith.index_cast %parallel_loop3A_192 : i32 to index
      %parallel_loop3A_216 = arith.constant 16 : index
      %parallel_loop3A_217 = tpu.vector_load %arg12[%parallel_loop3A_215, %parallel_loop3A_216] {strides = array<i32>} : memref<80x128xf32, #tpu.memory_space<vmem>>, vector<1x16xf32>,
      %parallel_loop3A_218 = vector.shape_cast %parallel_loop3A_217 : vector<1x16xf32> to vector<16xf32>
      %parallel_loop3A_219 = arith.index_cast %parallel_loop3A_192 : i32 to index
      %parallel_loop3A_220 = arith.constant 16 : index
      %parallel_loop3A_221 = tpu.vector_load %arg14[%parallel_loop3A_219, %parallel_loop3A_220] {strides = array<i32>} : memref<80x128xf32, #tpu.memory_space<vmem>>, vector<1x16xf32>,
      %parallel_loop3A_222 = vector.shape_cast %parallel_loop3A_221 : vector<1x16xf32> to vector<16xf32>
      %parallel_loop3A_223 = arith.addf %parallel_loop3A_218, %parallel_loop3A_222 : vector<16xf32>
      %parallel_loop3A_224 = arith.constant 0.000000e+00 : f32
      %parallel_loop3A_225 = vector.broadcast %parallel_loop3A_224 : f32 to vector<16xf32>
      %parallel_loop3A_226 = arith.subf %parallel_loop3A_225, %parallel_loop3A_223 : vector<16xf32>
      %parallel_loop3A_227 = math.exp %parallel_loop3A_226 : vector<16xf32>
      %parallel_loop3A_228 = arith.constant 1.000000e+00 : f32
      %parallel_loop3A_229 = vector.broadcast %parallel_loop3A_228 : f32 to vector<16xf32>
      %parallel_loop3A_230 = arith.addf %parallel_loop3A_229, %parallel_loop3A_227 : vector<16xf32>
      %parallel_loop3A_231 = arith.divf %parallel_loop3A_223, %parallel_loop3A_230 : vector<16xf32>
      %parallel_loop3A_232 = arith.index_cast %parallel_loop3A_192 : i32 to index
      %parallel_loop3A_233 = arith.constant 16 : index
      %parallel_loop3A_234 = tpu.vector_load %arg12[%parallel_loop3A_232, %parallel_loop3A_233] {strides = array<i32>} : memref<80x128xf32, #tpu.memory_space<vmem>>, vector<1x16xf32>,
      %parallel_loop3A_235 = vector.shape_cast %parallel_loop3A_234 : vector<1x16xf32> to vector<16xf32>
      %parallel_loop3A_236 = vector.shape_cast %parallel_loop3A_231 : vector<16xf32> to vector<1x16xf32>
      tpu.vector_store %arg12[%parallel_loop3A_232, %parallel_loop3A_233], %parallel_loop3A_236 {strides = array<i32>} : memref<80x128xf32, #tpu.memory_space<vmem>>, vector<1x16xf32>,
      %parallel_loop3A_237 = arith.index_cast %parallel_loop3A_192 : i32 to index
      %parallel_loop3A_238 = arith.constant 32 : index
      %parallel_loop3A_239 = tpu.vector_load %arg12[%parallel_loop3A_237, %parallel_loop3A_238] {strides = array<i32>} : memref<80x128xf32, #tpu.memory_space<vmem>>, vector<1x16xf32>,
      %parallel_loop3A_240 = vector.shape_cast %parallel_loop3A_239 : vector<1x16xf32> to vector<16xf32>
      %parallel_loop3A_241 = arith.index_cast %parallel_loop3A_192 : i32 to index
      %parallel_loop3A_242 = arith.constant 32 : index
      %parallel_loop3A_243 = tpu.vector_load %arg14[%parallel_loop3A_241, %parallel_loop3A_242] {strides = array<i32>} : memref<80x128xf32, #tpu.memory_space<vmem>>, vector<1x16xf32>,
      %parallel_loop3A_244 = vector.shape_cast %parallel_loop3A_243 : vector<1x16xf32> to vector<16xf32>
      %parallel_loop3A_245 = arith.addf %parallel_loop3A_240, %parallel_loop3A_244 : vector<16xf32>
      %parallel_loop3A_246 = arith.constant 0.000000e+00 : f32
      %parallel_loop3A_247 = vector.broadcast %parallel_loop3A_246 : f32 to vector<16xf32>
      %parallel_loop3A_248 = arith.subf %parallel_loop3A_247, %parallel_loop3A_245 : vector<16xf32>
      %parallel_loop3A_249 = math.exp %parallel_loop3A_248 : vector<16xf32>
      %parallel_loop3A_250 = arith.constant 1.000000e+00 : f32
      %parallel_loop3A_251 = vector.broadcast %parallel_loop3A_250 : f32 to vector<16xf32>
      %parallel_loop3A_252 = arith.addf %parallel_loop3A_251, %parallel_loop3A_249 : vector<16xf32>
      %parallel_loop3A_253 = arith.divf %parallel_loop3A_245, %parallel_loop3A_252 : vector<16xf32>
      %parallel_loop3A_254 = arith.index_cast %parallel_loop3A_192 : i32 to index
      %parallel_loop3A_255 = arith.constant 32 : index
      %parallel_loop3A_256 = tpu.vector_load %arg12[%parallel_loop3A_254, %parallel_loop3A_255] {strides = array<i32>} : memref<80x128xf32, #tpu.memory_space<vmem>>, vector<1x16xf32>,
      %parallel_loop3A_257 = vector.shape_cast %parallel_loop3A_256 : vector<1x16xf32> to vector<16xf32>
      %parallel_loop3A_258 = vector.shape_cast %parallel_loop3A_253 : vector<16xf32> to vector<1x16xf32>
      tpu.vector_store %arg12[%parallel_loop3A_254, %parallel_loop3A_255], %parallel_loop3A_258 {strides = array<i32>} : memref<80x128xf32, #tpu.memory_space<vmem>>, vector<1x16xf32>,
      %parallel_loop3A_259 = arith.index_cast %parallel_loop3A_192 : i32 to index
      %parallel_loop3A_260 = arith.constant 48 : index
      %parallel_loop3A_261 = tpu.vector_load %arg12[%parallel_loop3A_259, %parallel_loop3A_260] {strides = array<i32>} : memref<80x128xf32, #tpu.memory_space<vmem>>, vector<1x16xf32>,
      %parallel_loop3A_262 = vector.shape_cast %parallel_loop3A_261 : vector<1x16xf32> to vector<16xf32>
      %parallel_loop3A_263 = arith.index_cast %parallel_loop3A_192 : i32 to index
      %parallel_loop3A_264 = arith.constant 48 : index
      %parallel_loop3A_265 = tpu.vector_load %arg14[%parallel_loop3A_263, %parallel_loop3A_264] {strides = array<i32>} : memref<80x128xf32, #tpu.memory_space<vmem>>, vector<1x16xf32>,
      %parallel_loop3A_266 = vector.shape_cast %parallel_loop3A_265 : vector<1x16xf32> to vector<16xf32>
      %parallel_loop3A_267 = arith.addf %parallel_loop3A_262, %parallel_loop3A_266 : vector<16xf32>
      %parallel_loop3A_268 = arith.constant 0.000000e+00 : f32
      %parallel_loop3A_269 = vector.broadcast %parallel_loop3A_268 : f32 to vector<16xf32>
      %parallel_loop3A_270 = arith.subf %parallel_loop3A_269, %parallel_loop3A_267 : vector<16xf32>
      %parallel_loop3A_271 = math.exp %parallel_loop3A_270 : vector<16xf32>
      %parallel_loop3A_272 = arith.constant 1.000000e+00 : f32
      %parallel_loop3A_273 = vector.broadcast %parallel_loop3A_272 : f32 to vector<16xf32>
      %parallel_loop3A_274 = arith.addf %parallel_loop3A_273, %parallel_loop3A_271 : vector<16xf32>
      %parallel_loop3A_275 = arith.divf %parallel_loop3A_267, %parallel_loop3A_274 : vector<16xf32>
      %parallel_loop3A_276 = arith.index_cast %parallel_loop3A_192 : i32 to index
      %parallel_loop3A_277 = arith.constant 48 : index
      %parallel_loop3A_278 = tpu.vector_load %arg12[%parallel_loop3A_276, %parallel_loop3A_277] {strides = array<i32>} : memref<80x128xf32, #tpu.memory_space<vmem>>, vector<1x16xf32>,
      %parallel_loop3A_279 = vector.shape_cast %parallel_loop3A_278 : vector<1x16xf32> to vector<16xf32>
      %parallel_loop3A_280 = vector.shape_cast %parallel_loop3A_275 : vector<16xf32> to vector<1x16xf32>
      tpu.vector_store %arg12[%parallel_loop3A_276, %parallel_loop3A_277], %parallel_loop3A_280 {strides = array<i32>} : memref<80x128xf32, #tpu.memory_space<vmem>>, vector<1x16xf32>,
      %parallel_loop3A_281 = arith.index_cast %parallel_loop3A_192 : i32 to index
      %parallel_loop3A_282 = arith.constant 64 : index
      %parallel_loop3A_283 = tpu.vector_load %arg12[%parallel_loop3A_281, %parallel_loop3A_282] {strides = array<i32>} : memref<80x128xf32, #tpu.memory_space<vmem>>, vector<1x16xf32>,
      %parallel_loop3A_284 = vector.shape_cast %parallel_loop3A_283 : vector<1x16xf32> to vector<16xf32>
      %parallel_loop3A_285 = arith.index_cast %parallel_loop3A_192 : i32 to index
      %parallel_loop3A_286 = arith.constant 64 : index
      %parallel_loop3A_287 = tpu.vector_load %arg14[%parallel_loop3A_285, %parallel_loop3A_286] {strides = array<i32>} : memref<80x128xf32, #tpu.memory_space<vmem>>, vector<1x16xf32>,
      %parallel_loop3A_288 = vector.shape_cast %parallel_loop3A_287 : vector<1x16xf32> to vector<16xf32>
      %parallel_loop3A_289 = arith.addf %parallel_loop3A_284, %parallel_loop3A_288 : vector<16xf32>
      %parallel_loop3A_290 = arith.constant 0.000000e+00 : f32
      %parallel_loop3A_291 = vector.broadcast %parallel_loop3A_290 : f32 to vector<16xf32>
      %parallel_loop3A_292 = arith.subf %parallel_loop3A_291, %parallel_loop3A_289 : vector<16xf32>
      %parallel_loop3A_293 = math.exp %parallel_loop3A_292 : vector<16xf32>
      %parallel_loop3A_294 = arith.constant 1.000000e+00 : f32
      %parallel_loop3A_295 = vector.broadcast %parallel_loop3A_294 : f32 to vector<16xf32>
      %parallel_loop3A_296 = arith.addf %parallel_loop3A_295, %parallel_loop3A_293 : vector<16xf32>
      %parallel_loop3A_297 = arith.divf %parallel_loop3A_289, %parallel_loop3A_296 : vector<16xf32>
      %parallel_loop3A_298 = arith.index_cast %parallel_loop3A_192 : i32 to index
      %parallel_loop3A_299 = arith.constant 64 : index
      %parallel_loop3A_300 = tpu.vector_load %arg12[%parallel_loop3A_298, %parallel_loop3A_299] {strides = array<i32>} : memref<80x128xf32, #tpu.memory_space<vmem>>, vector<1x16xf32>,
      %parallel_loop3A_301 = vector.shape_cast %parallel_loop3A_300 : vector<1x16xf32> to vector<16xf32>
      %parallel_loop3A_302 = vector.shape_cast %parallel_loop3A_297 : vector<16xf32> to vector<1x16xf32>
      tpu.vector_store %arg12[%parallel_loop3A_298, %parallel_loop3A_299], %parallel_loop3A_302 {strides = array<i32>} : memref<80x128xf32, #tpu.memory_space<vmem>>, vector<1x16xf32>,
      %parallel_loop3A_303 = arith.index_cast %parallel_loop3A_192 : i32 to index
      %parallel_loop3A_304 = arith.constant 80 : index
      %parallel_loop3A_305 = tpu.vector_load %arg12[%parallel_loop3A_303, %parallel_loop3A_304] {strides = array<i32>} : memref<80x128xf32, #tpu.memory_space<vmem>>, vector<1x16xf32>,
      %parallel_loop3A_306 = vector.shape_cast %parallel_loop3A_305 : vector<1x16xf32> to vector<16xf32>
      %parallel_loop3A_307 = arith.index_cast %parallel_loop3A_192 : i32 to index
      %parallel_loop3A_308 = arith.constant 80 : index
      %parallel_loop3A_309 = tpu.vector_load %arg14[%parallel_loop3A_307, %parallel_loop3A_308] {strides = array<i32>} : memref<80x128xf32, #tpu.memory_space<vmem>>, vector<1x16xf32>,
      %parallel_loop3A_310 = vector.shape_cast %parallel_loop3A_309 : vector<1x16xf32> to vector<16xf32>
      %parallel_loop3A_311 = arith.addf %parallel_loop3A_306, %parallel_loop3A_310 : vector<16xf32>
      %parallel_loop3A_312 = arith.constant 0.000000e+00 : f32
      %parallel_loop3A_313 = vector.broadcast %parallel_loop3A_312 : f32 to vector<16xf32>
      %parallel_loop3A_314 = arith.subf %parallel_loop3A_313, %parallel_loop3A_311 : vector<16xf32>
      %parallel_loop3A_315 = math.exp %parallel_loop3A_314 : vector<16xf32>
      %parallel_loop3A_316 = arith.constant 1.000000e+00 : f32
      %parallel_loop3A_317 = vector.broadcast %parallel_loop3A_316 : f32 to vector<16xf32>
      %parallel_loop3A_318 = arith.addf %parallel_loop3A_317, %parallel_loop3A_315 : vector<16xf32>
      %parallel_loop3A_319 = arith.divf %parallel_loop3A_311, %parallel_loop3A_318 : vector<16xf32>
      %parallel_loop3A_320 = arith.index_cast %parallel_loop3A_192 : i32 to index
      %parallel_loop3A_321 = arith.constant 80 : index
      %parallel_loop3A_322 = tpu.vector_load %arg12[%parallel_loop3A_320, %parallel_loop3A_321] {strides = array<i32>} : memref<80x128xf32, #tpu.memory_space<vmem>>, vector<1x16xf32>,
      %parallel_loop3A_323 = vector.shape_cast %parallel_loop3A_322 : vector<1x16xf32> to vector<16xf32>
      %parallel_loop3A_324 = vector.shape_cast %parallel_loop3A_319 : vector<16xf32> to vector<1x16xf32>
      tpu.vector_store %arg12[%parallel_loop3A_320, %parallel_loop3A_321], %parallel_loop3A_324 {strides = array<i32>} : memref<80x128xf32, #tpu.memory_space<vmem>>, vector<1x16xf32>,
      %parallel_loop3A_325 = arith.index_cast %parallel_loop3A_192 : i32 to index
      %parallel_loop3A_326 = arith.constant 96 : index
      %parallel_loop3A_327 = tpu.vector_load %arg12[%parallel_loop3A_325, %parallel_loop3A_326] {strides = array<i32>} : memref<80x128xf32, #tpu.memory_space<vmem>>, vector<1x16xf32>,
      %parallel_loop3A_328 = vector.shape_cast %parallel_loop3A_327 : vector<1x16xf32> to vector<16xf32>
      %parallel_loop3A_329 = arith.index_cast %parallel_loop3A_192 : i32 to index
      %parallel_loop3A_330 = arith.constant 96 : index
      %parallel_loop3A_331 = tpu.vector_load %arg14[%parallel_loop3A_329, %parallel_loop3A_330] {strides = array<i32>} : memref<80x128xf32, #tpu.memory_space<vmem>>, vector<1x16xf32>,
      %parallel_loop3A_332 = vector.shape_cast %parallel_loop3A_331 : vector<1x16xf32> to vector<16xf32>
      %parallel_loop3A_333 = arith.addf %parallel_loop3A_328, %parallel_loop3A_332 : vector<16xf32>
      %parallel_loop3A_334 = arith.constant 0.000000e+00 : f32
      %parallel_loop3A_335 = vector.broadcast %parallel_loop3A_334 : f32 to vector<16xf32>
      %parallel_loop3A_336 = arith.subf %parallel_loop3A_335, %parallel_loop3A_333 : vector<16xf32>
      %parallel_loop3A_337 = math.exp %parallel_loop3A_336 : vector<16xf32>
      %parallel_loop3A_338 = arith.constant 1.000000e+00 : f32
      %parallel_loop3A_339 = vector.broadcast %parallel_loop3A_338 : f32 to vector<16xf32>
      %parallel_loop3A_340 = arith.addf %parallel_loop3A_339, %parallel_loop3A_337 : vector<16xf32>
      %parallel_loop3A_341 = arith.divf %parallel_loop3A_333, %parallel_loop3A_340 : vector<16xf32>
      %parallel_loop3A_342 = arith.index_cast %parallel_loop3A_192 : i32 to index
      %parallel_loop3A_343 = arith.constant 96 : index
      %parallel_loop3A_344 = tpu.vector_load %arg12[%parallel_loop3A_342, %parallel_loop3A_343] {strides = array<i32>} : memref<80x128xf32, #tpu.memory_space<vmem>>, vector<1x16xf32>,
      %parallel_loop3A_345 = vector.shape_cast %parallel_loop3A_344 : vector<1x16xf32> to vector<16xf32>
      %parallel_loop3A_346 = vector.shape_cast %parallel_loop3A_341 : vector<16xf32> to vector<1x16xf32>
      tpu.vector_store %arg12[%parallel_loop3A_342, %parallel_loop3A_343], %parallel_loop3A_346 {strides = array<i32>} : memref<80x128xf32, #tpu.memory_space<vmem>>, vector<1x16xf32>,
      %parallel_loop3A_347 = arith.index_cast %parallel_loop3A_192 : i32 to index
      %parallel_loop3A_348 = arith.constant 112 : index
      %parallel_loop3A_349 = tpu.vector_load %arg12[%parallel_loop3A_347, %parallel_loop3A_348] {strides = array<i32>} : memref<80x128xf32, #tpu.memory_space<vmem>>, vector<1x16xf32>,
      %parallel_loop3A_350 = vector.shape_cast %parallel_loop3A_349 : vector<1x16xf32> to vector<16xf32>
      %parallel_loop3A_351 = arith.index_cast %parallel_loop3A_192 : i32 to index
      %parallel_loop3A_352 = arith.constant 112 : index
      %parallel_loop3A_353 = tpu.vector_load %arg14[%parallel_loop3A_351, %parallel_loop3A_352] {strides = array<i32>} : memref<80x128xf32, #tpu.memory_space<vmem>>, vector<1x16xf32>,
      %parallel_loop3A_354 = vector.shape_cast %parallel_loop3A_353 : vector<1x16xf32> to vector<16xf32>
      %parallel_loop3A_355 = arith.addf %parallel_loop3A_350, %parallel_loop3A_354 : vector<16xf32>
      %parallel_loop3A_356 = arith.constant 0.000000e+00 : f32
      %parallel_loop3A_357 = vector.broadcast %parallel_loop3A_356 : f32 to vector<16xf32>
      %parallel_loop3A_358 = arith.subf %parallel_loop3A_357, %parallel_loop3A_355 : vector<16xf32>
      %parallel_loop3A_359 = math.exp %parallel_loop3A_358 : vector<16xf32>
      %parallel_loop3A_360 = arith.constant 1.000000e+00 : f32
      %parallel_loop3A_361 = vector.broadcast %parallel_loop3A_360 : f32 to vector<16xf32>
      %parallel_loop3A_362 = arith.addf %parallel_loop3A_361, %parallel_loop3A_359 : vector<16xf32>
      %parallel_loop3A_363 = arith.divf %parallel_loop3A_355, %parallel_loop3A_362 : vector<16xf32>
      %parallel_loop3A_364 = arith.index_cast %parallel_loop3A_192 : i32 to index
      %parallel_loop3A_365 = arith.constant 112 : index
      %parallel_loop3A_366 = tpu.vector_load %arg12[%parallel_loop3A_364, %parallel_loop3A_365] {strides = array<i32>} : memref<80x128xf32, #tpu.memory_space<vmem>>, vector<1x16xf32>,
      %parallel_loop3A_367 = vector.shape_cast %parallel_loop3A_366 : vector<1x16xf32> to vector<16xf32>
      %parallel_loop3A_368 = vector.shape_cast %parallel_loop3A_363 : vector<16xf32> to vector<1x16xf32>
      tpu.vector_store %arg12[%parallel_loop3A_364, %parallel_loop3A_365], %parallel_loop3A_368 {strides = array<i32>} : memref<80x128xf32, #tpu.memory_space<vmem>>, vector<1x16xf32>,
    } {sc.loop_unroll_factor = 1 : i64, sc.parallel_access}
    %dma_wait3A_164 = arith.constant 124 : i32
    %dma_wait3A_165 = arith.constant 0 : i32
    %dma_wait3A_166 = tpu.memref_slice %arg5[%add3A, %dma_wait3A_164, %dma_wait3A_165] : memref<32x126x80xi32, #tpu.memory_space<hbm>> -> memref<1x1x80xi32, #tpu.memory_space<hbm>>
    %dma_wait3A_167 = tpu.memref_squeeze %dma_wait3A_166 : memref<1x1x80xi32, #tpu.memory_space<hbm>> -> memref<80xi32, #tpu.memory_space<hbm>>
    %dma_wait3A_168 = arith.constant 0 : i32
    %dma_wait3A_169 = tpu.memref_slice %arg5[%add3A, %dma_wait3A_164, %dma_wait3A_168] : memref<32x126x80xi32, #tpu.memory_space<hbm>> -> memref<1x1x80xi32, #tpu.memory_space<hbm>>
    %dma_wait3A_170 = tpu.memref_squeeze %dma_wait3A_169 : memref<1x1x80xi32, #tpu.memory_space<hbm>> -> memref<80xi32, #tpu.memory_space<hbm>>
    tpu.wait_dma2 semaphore(%arg18 : memref<!tpu.dma_semaphore, #tpu.memory_space<semaphore_mem>>) src(%dma_wait3A_170 : memref<80xi32, #tpu.memory_space<hbm>>) dst(%arg10 : memref<80xi32, #tpu.memory_space<vmem>>)
    %dma_start3A_171 = arith.constant 0 : i32
    %dma_start3A_172 = arith.constant 0 : i32
    %dma_start3A_173 = tpu.memref_slice %arg15[%dma_start3A_171, %dma_start3A_172] : memref<10112x128xf32, #tpu.memory_space<vmem_shared>> -> memref<10112x128xf32, #tpu.memory_space<vmem_shared>>
    tpu.enqueue_indirect_dma source(%arg12 : memref<80x128xf32, #tpu.memory_space<vmem>>) target(%dma_start3A_173 : memref<10112x128xf32, #tpu.memory_space<vmem_shared>>) offsets(%arg10 : memref<80xi32, #tpu.memory_space<vmem>>) semaphore(%arg23 : memref<!tpu.dma_semaphore, #tpu.memory_space<semaphore_mem>>) {add = true}
    %dma_wait3A_174 = arith.constant 125 : i32
    %dma_wait3A_175 = arith.constant 0 : i32
    %dma_wait3A_176 = tpu.memref_slice %arg4[%add3A, %dma_wait3A_174, %dma_wait3A_175] : memref<32x126x80xi32, #tpu.memory_space<hbm>> -> memref<1x1x80xi32, #tpu.memory_space<hbm>>
    %dma_wait3A_177 = tpu.memref_squeeze %dma_wait3A_176 : memref<1x1x80xi32, #tpu.memory_space<hbm>> -> memref<80xi32, #tpu.memory_space<hbm>>
    %dma_wait3A_178 = arith.constant 0 : i32
    %dma_wait3A_179 = tpu.memref_slice %arg4[%add3A, %dma_wait3A_174, %dma_wait3A_178] : memref<32x126x80xi32, #tpu.memory_space<hbm>> -> memref<1x1x80xi32, #tpu.memory_space<hbm>>
    %dma_wait3A_180 = tpu.memref_squeeze %dma_wait3A_179 : memref<1x1x80xi32, #tpu.memory_space<hbm>> -> memref<80xi32, #tpu.memory_space<hbm>>
    tpu.wait_dma2 semaphore(%arg17 : memref<!tpu.dma_semaphore, #tpu.memory_space<semaphore_mem>>) src(%dma_wait3A_180 : memref<80xi32, #tpu.memory_space<hbm>>) dst(%arg9 : memref<80xi32, #tpu.memory_space<vmem>>)
    %dma_wait3A_181 = arith.constant 0 : i32
    %dma_wait3A_182 = arith.constant 0 : i32
    %dma_wait3A_183 = tpu.memref_slice %arg15[%dma_wait3A_181, %dma_wait3A_182] : memref<10112x128xf32, #tpu.memory_space<vmem_shared>> -> memref<10112x128xf32, #tpu.memory_space<vmem_shared>>
    tpu.wait_indirect_dma semaphore(%arg24 : memref<!tpu.dma_semaphore, #tpu.memory_space<semaphore_mem>>) src(%arg13 : memref<80x128xf32, #tpu.memory_space<vmem>>) dst(%dma_wait3A_183 : memref<10112x128xf32, #tpu.memory_space<vmem_shared>>)
    %dma_wait3A_184 = arith.constant 0 : i32
    %dma_wait3A_185 = arith.constant 0 : i32
    %dma_wait3A_186 = tpu.memref_slice %arg15[%dma_wait3A_184, %dma_wait3A_185] : memref<10112x128xf32, #tpu.memory_space<vmem_shared>> -> memref<10112x128xf32, #tpu.memory_space<vmem_shared>>
    tpu.wait_indirect_dma semaphore(%arg23 : memref<!tpu.dma_semaphore, #tpu.memory_space<semaphore_mem>>) src(%arg12 : memref<80x128xf32, #tpu.memory_space<vmem>>) dst(%dma_wait3A_186 : memref<10112x128xf32, #tpu.memory_space<vmem_shared>>)
    %barrier3A_187 = arith.constant 0 : index
    tpu.barrier barrier_id(%barrier3A_187)
    %mul3A_188 = arith.constant 632 : i32
    %mul3A_189 = arith.muli %arg1, %mul3A_188 : i32
    %mul3A_190 = arith.constant 632 : i32
    %mul3A_191 = arith.muli %arg1, %mul3A_190 : i32
    "tpu.region"() ({
      %run_scoped3A = tpu.sem_alloc : memref<!tpu.dma_semaphore, #tpu.memory_space<semaphore_mem>>
      %dma_start3A_192 = arith.constant 0 : i32
      %dma_start3A_193 = tpu.memref_slice %arg7[%arg0, %mul3A_191, %dma_start3A_192] : memref<2x10112x128xf32, #tpu.memory_space<hbm>> -> memref<1x632x128xf32, #tpu.memory_space<hbm>>
      %dma_start3A_194 = tpu.memref_squeeze %dma_start3A_193 : memref<1x632x128xf32, #tpu.memory_space<hbm>> -> memref<632x128xf32, #tpu.memory_space<hbm>>
      %dma_start3A_195 = arith.constant 0 : i32
      %dma_start3A_196 = tpu.memref_slice %arg15[%mul3A_189, %dma_start3A_195] : memref<10112x128xf32, #tpu.memory_space<vmem_shared>> -> memref<632x128xf32, #tpu.memory_space<vmem_shared>>
      tpu.enqueue_dma source(%dma_start3A_196 : memref<632x128xf32, #tpu.memory_space<vmem_shared>>) target(%dma_start3A_194 : memref<632x128xf32, #tpu.memory_space<hbm>>) target_semaphore(%run_scoped3A : memref<!tpu.dma_semaphore, #tpu.memory_space<semaphore_mem>>)
      %dma_wait3A_197 = arith.constant 0 : i32
      %dma_wait3A_198 = tpu.memref_slice %arg7[%arg0, %mul3A_191, %dma_wait3A_197] : memref<2x10112x128xf32, #tpu.memory_space<hbm>> -> memref<1x632x128xf32, #tpu.memory_space<hbm>>
      %dma_wait3A_199 = tpu.memref_squeeze %dma_wait3A_198 : memref<1x632x128xf32, #tpu.memory_space<hbm>> -> memref<632x128xf32, #tpu.memory_space<hbm>>
      %dma_wait3A_200 = arith.constant 0 : i32
      %dma_wait3A_201 = tpu.memref_slice %arg15[%mul3A_189, %dma_wait3A_200] : memref<10112x128xf32, #tpu.memory_space<vmem_shared>> -> memref<632x128xf32, #tpu.memory_space<vmem_shared>>
      tpu.wait_dma2 semaphore(%run_scoped3A : memref<!tpu.dma_semaphore, #tpu.memory_space<semaphore_mem>>) src(%dma_wait3A_201 : memref<632x128xf32, #tpu.memory_space<vmem_shared>>) dst(%dma_wait3A_199 : memref<632x128xf32, #tpu.memory_space<hbm>>)
      tpu.yield
    }) : () -> ()
    return
  }
}

module attributes {stable_mosaic.version = 14 : i64} {
  func.func @_matmul_body(%arg0: i32, %arg1: memref<2000x128xf32, #tpu.memory_space<vmem>>, %arg2: memref<128x128xf32, #tpu.memory_space<vmem>>, %arg3: memref<2000x128xf32, #tpu.memory_space<vmem>>) attributes {dimension_semantics = [#tpu.dimension_semantics<arbitrary>], iteration_bounds = array<i64: 5>, scalar_prefetch = 0 : i64, scratch_operands = 0 : i64, tpu.core_type = #tpu.core_type<tc>, window_params = [{transform_indices = @transform_0, window_bounds = array<i64: 2000, 128>}, {pipeline_mode = #tpu.pipeline_mode<synchronous>, transform_indices = @transform_1, window_bounds = array<i64: 128, 128>}, {transform_indices = @transform_2, window_bounds = array<i64: 2000, 128>}]} {
    %get3A = arith.constant 0 : index
    %get3A_0 = arith.constant 0 : index
    %get3A_1 = vector.load %arg1[%get3A, %get3A_0] : memref<2000x128xf32, #tpu.memory_space<vmem>>, vector<2000x128xf32>
    %get3A_2 = arith.constant 0 : index
    %get3A_3 = arith.constant 0 : index
    %get3A_4 = vector.load %arg2[%get3A_2, %get3A_3] : memref<128x128xf32, #tpu.memory_space<vmem>>, vector<128x128xf32>
    %dot_general3A = arith.constant dense<0.000000e+00> : vector<2000x128xf32>
    %dot_general3A_5 = tpu.matmul %get3A_1, %get3A_4, %dot_general3A {dimension_numbers = #tpu.dot_dimension_numbers<[1], [0], [0], [1], [0, 0, 1, 1], [], []>, transpose_lhs_hint = false} : vector<2000x128xf32>, vector<128x128xf32>, vector<2000x128xf32> -> vector<2000x128xf32>
    %swap3A = arith.constant 0 : index
    %swap3A_6 = arith.constant 0 : index
    %swap3A_7 = vector.load %arg3[%swap3A, %swap3A_6] : memref<2000x128xf32, #tpu.memory_space<vmem>>, vector<2000x128xf32>
    tpu.vector_store %arg3[%swap3A, %swap3A_6], %dot_general3A_5 {strides = array<i32>} : memref<2000x128xf32, #tpu.memory_space<vmem>>, vector<2000x128xf32>,
    return
  }
  func.func @transform_0(%arg0: i32) -> (i32, i32) {
    %c0_i32 = arith.constant 0 : i32
    %c0_i32_0 = arith.constant 0 : i32
    return %arg0, %c0_i32 : i32, i32
  }
  func.func @transform_1(%arg0: i32) -> (i32, i32) {
    %c0_i32 = arith.constant 0 : i32
    %c0_i32_0 = arith.constant 0 : i32
    %c0_i32_1 = arith.constant 0 : i32
    return %c0_i32, %c0_i32_0 : i32, i32
  }
  func.func @transform_2(%arg0: i32) -> (i32, i32) {
    %c0_i32 = arith.constant 0 : i32
    %c0_i32_0 = arith.constant 0 : i32
    return %arg0, %c0_i32 : i32, i32
  }
}

module attributes {stable_mosaic.version = 14 : i64} {
  func.func @_edge_geom_body(%arg0: i32, %arg1: memref<3200x128xf32, #tpu.memory_space<vmem>>, %arg2: memref<32x128xf32, #tpu.memory_space<vmem>>, %arg3: memref<4x128xf32, #tpu.memory_space<vmem>>, %arg4: memref<1x32xf32, #tpu.memory_space<vmem>>, %arg5: memref<3200x128xf32, #tpu.memory_space<vmem>>) attributes {dimension_semantics = [#tpu.dimension_semantics<arbitrary>], iteration_bounds = array<i64: 100>, scalar_prefetch = 0 : i64, scratch_operands = 0 : i64, tpu.core_type = #tpu.core_type<tc>, window_params = [{transform_indices = @transform_0, window_bounds = array<i64: 3200, 128>}, {pipeline_mode = #tpu.pipeline_mode<synchronous>, transform_indices = @transform_1, window_bounds = array<i64: 32, 128>}, {pipeline_mode = #tpu.pipeline_mode<synchronous>, transform_indices = @transform_2, window_bounds = array<i64: 4, 128>}, {pipeline_mode = #tpu.pipeline_mode<synchronous>, transform_indices = @transform_3, window_bounds = array<i64: 1, 32>}, {transform_indices = @transform_4, window_bounds = array<i64: 3200, 128>}]} {
    %get3A = arith.constant 0 : index
    %get3A_0 = arith.constant 0 : index
    %get3A_1 = vector.load %arg1[%get3A, %get3A_0] : memref<3200x128xf32, #tpu.memory_space<vmem>>, vector<3200x128xf32>
    %slice3A = vector.extract_strided_slice %get3A_1 {offsets = [0, 0], sizes = [3200, 4], strides = [1, 1]} : vector<3200x128xf32> to vector<3200x4xf32>
    %mul3A = arith.mulf %slice3A, %slice3A : vector<3200x4xf32>
    %reduce_sum3A = arith.constant dense<0.000000e+00> : vector<3200xf32>
    %reduce_sum3A_2 = vector.multi_reduction <add>, %mul3A, %reduce_sum3A [1] : vector<3200x4xf32> to vector<3200xf32>
    %broadcast_in_dim3A = vector.shape_cast %reduce_sum3A_2 : vector<3200xf32> to vector<3200x1xf32>
    %add3A = arith.constant 9.99999996E-13 : f32
    %add3A_3 = vector.broadcast %add3A : f32 to vector<3200x1xf32>
    %add3A_4 = arith.addf %broadcast_in_dim3A, %add3A_3 : vector<3200x1xf32>
    %sqrt3A = math.sqrt %add3A_4 : vector<3200x1xf32>
    %div3A = vector.broadcast %sqrt3A : vector<3200x1xf32> to vector<3200x4xf32>
    %div3A_5 = arith.divf %slice3A, %div3A : vector<3200x4xf32>
    %broadcast_in_dim3A_6 = arith.constant 1.000000e+00 : f32
    %broadcast_in_dim3A_7 = vector.broadcast %broadcast_in_dim3A_6 : f32 to vector<3200x1xf32>
    %slice3A_8 = vector.extract_strided_slice %div3A_5 {offsets = [0, 0], sizes = [3200, 3], strides = [1, 1]} : vector<3200x4xf32> to vector<3200x3xf32>
    %mul3A_9 = arith.constant 1.73205078 : f32
    %mul3A_10 = vector.broadcast %mul3A_9 : f32 to vector<3200x3xf32>
    %mul3A_11 = arith.mulf %mul3A_10, %slice3A_8 : vector<3200x3xf32>
    %concatenate3A = tpu.concatenate %broadcast_in_dim3A_7, %mul3A_11 in 1 : vector<3200x1xf32>, vector<3200x3xf32> -> vector<3200x4xf32>
    %get3A_12 = arith.constant 0 : index
    %get3A_13 = arith.constant 0 : index
    %get3A_14 = vector.load %arg4[%get3A_12, %get3A_13] : memref<1x32xf32, #tpu.memory_space<vmem>>, vector<1x32xf32>
    %sub3A = vector.broadcast %sqrt3A : vector<3200x1xf32> to vector<3200x32xf32>
    %sub3A_15 = vector.broadcast %get3A_14 : vector<1x32xf32> to vector<3200x32xf32>
    %sub3A_16 = arith.subf %sub3A, %sub3A_15 : vector<3200x32xf32>
    %mul3A_17 = arith.mulf %sub3A_16, %sub3A_16 : vector<3200x32xf32>
    %mul3A_18 = arith.constant -2.048000e+01 : f32
    %mul3A_19 = vector.broadcast %mul3A_18 : f32 to vector<3200x32xf32>
    %mul3A_20 = arith.mulf %mul3A_19, %mul3A_17 : vector<3200x32xf32>
    %exp3A = math.exp %mul3A_20 : vector<3200x32xf32>
    %get3A_21 = arith.constant 0 : index
    %get3A_22 = arith.constant 0 : index
    %get3A_23 = vector.load %arg2[%get3A_21, %get3A_22] : memref<32x128xf32, #tpu.memory_space<vmem>>, vector<32x128xf32>
    %dot_general3A = arith.constant dense<0.000000e+00> : vector<3200x128xf32>
    %dot_general3A_24 = tpu.matmul %exp3A, %get3A_23, %dot_general3A {dimension_numbers = #tpu.dot_dimension_numbers<[1], [0], [0], [1], [0, 0, 1, 1], [], []>, transpose_lhs_hint = false} : vector<3200x32xf32>, vector<32x128xf32>, vector<3200x128xf32> -> vector<3200x128xf32>
    %get3A_25 = arith.constant 0 : index
    %get3A_26 = arith.constant 0 : index
    %get3A_27 = vector.load %arg3[%get3A_25, %get3A_26] : memref<4x128xf32, #tpu.memory_space<vmem>>, vector<4x128xf32>
    %dot_general3A_28 = arith.constant dense<0.000000e+00> : vector<3200x128xf32>
    %dot_general3A_29 = tpu.matmul %concatenate3A, %get3A_27, %dot_general3A_28 {dimension_numbers = #tpu.dot_dimension_numbers<[1], [0], [0], [1], [0, 0, 1, 1], [], []>, transpose_lhs_hint = false} : vector<3200x4xf32>, vector<4x128xf32>, vector<3200x128xf32> -> vector<3200x128xf32>
    %add3A_30 = arith.addf %dot_general3A_24, %dot_general3A_29 : vector<3200x128xf32>
    %swap3A = arith.constant 0 : index
    %swap3A_31 = arith.constant 0 : index
    %swap3A_32 = vector.load %arg5[%swap3A, %swap3A_31] : memref<3200x128xf32, #tpu.memory_space<vmem>>, vector<3200x128xf32>
    tpu.vector_store %arg5[%swap3A, %swap3A_31], %add3A_30 {strides = array<i32>} : memref<3200x128xf32, #tpu.memory_space<vmem>>, vector<3200x128xf32>,
    return
  }
  func.func @transform_0(%arg0: i32) -> (i32, i32) {
    %c0_i32 = arith.constant 0 : i32
    %c0_i32_0 = arith.constant 0 : i32
    return %arg0, %c0_i32 : i32, i32
  }
  func.func @transform_1(%arg0: i32) -> (i32, i32) {
    %c0_i32 = arith.constant 0 : i32
    %c0_i32_0 = arith.constant 0 : i32
    %c0_i32_1 = arith.constant 0 : i32
    return %c0_i32, %c0_i32_0 : i32, i32
  }
  func.func @transform_2(%arg0: i32) -> (i32, i32) {
    %c0_i32 = arith.constant 0 : i32
    %c0_i32_0 = arith.constant 0 : i32
    %c0_i32_1 = arith.constant 0 : i32
    return %c0_i32, %c0_i32_0 : i32, i32
  }
  func.func @transform_3(%arg0: i32) -> (i32, i32) {
    %c0_i32 = arith.constant 0 : i32
    %c0_i32_0 = arith.constant 0 : i32
    %c0_i32_1 = arith.constant 0 : i32
    return %c0_i32, %c0_i32_0 : i32, i32
  }
  func.func @transform_4(%arg0: i32) -> (i32, i32) {
    %c0_i32 = arith.constant 0 : i32
    %c0_i32_0 = arith.constant 0 : i32
    return %arg0, %c0_i32 : i32, i32
  }
}

module attributes {stable_mosaic.version = 14 : i64} {
  func.func @_out_proj_body(%arg0: i32, %arg1: memref<2000x128xf32, #tpu.memory_space<vmem>>, %arg2: memref<2000x128xf32, #tpu.memory_space<vmem>>, %arg3: memref<2000x128xf32, #tpu.memory_space<vmem>>, %arg4: memref<128x128xf32, #tpu.memory_space<vmem>>, %arg5: memref<2000x128xf32, #tpu.memory_space<vmem>>) attributes {dimension_semantics = [#tpu.dimension_semantics<arbitrary>], iteration_bounds = array<i64: 5>, scalar_prefetch = 0 : i64, scratch_operands = 0 : i64, tpu.core_type = #tpu.core_type<tc>, window_params = [{transform_indices = @transform_0, window_bounds = array<i64: 2000, 128>}, {transform_indices = @transform_1, window_bounds = array<i64: 2000, 128>}, {transform_indices = @transform_2, window_bounds = array<i64: 2000, 128>}, {pipeline_mode = #tpu.pipeline_mode<synchronous>, transform_indices = @transform_3, window_bounds = array<i64: 128, 128>}, {transform_indices = @transform_4, window_bounds = array<i64: 2000, 128>}]} {
    %get3A = arith.constant 0 : index
    %get3A_0 = arith.constant 0 : index
    %get3A_1 = vector.load %arg1[%get3A, %get3A_0] : memref<2000x128xf32, #tpu.memory_space<vmem>>, vector<2000x128xf32>
    %get3A_2 = arith.constant 0 : index
    %get3A_3 = arith.constant 0 : index
    %get3A_4 = vector.load %arg2[%get3A_2, %get3A_3] : memref<2000x128xf32, #tpu.memory_space<vmem>>, vector<2000x128xf32>
    %add3A = arith.addf %get3A_1, %get3A_4 : vector<2000x128xf32>
    %get3A_5 = arith.constant 0 : index
    %get3A_6 = arith.constant 0 : index
    %get3A_7 = vector.load %arg4[%get3A_5, %get3A_6] : memref<128x128xf32, #tpu.memory_space<vmem>>, vector<128x128xf32>
    %dot_general3A = arith.constant dense<0.000000e+00> : vector<2000x128xf32>
    %dot_general3A_8 = tpu.matmul %add3A, %get3A_7, %dot_general3A {dimension_numbers = #tpu.dot_dimension_numbers<[1], [0], [0], [1], [0, 0, 1, 1], [], []>, transpose_lhs_hint = false} : vector<2000x128xf32>, vector<128x128xf32>, vector<2000x128xf32> -> vector<2000x128xf32>
    %get3A_9 = arith.constant 0 : index
    %get3A_10 = arith.constant 0 : index
    %get3A_11 = vector.load %arg3[%get3A_9, %get3A_10] : memref<2000x128xf32, #tpu.memory_space<vmem>>, vector<2000x128xf32>
    %add3A_12 = arith.addf %dot_general3A_8, %get3A_11 : vector<2000x128xf32>
    %swap3A = arith.constant 0 : index
    %swap3A_13 = arith.constant 0 : index
    %swap3A_14 = vector.load %arg5[%swap3A, %swap3A_13] : memref<2000x128xf32, #tpu.memory_space<vmem>>, vector<2000x128xf32>
    tpu.vector_store %arg5[%swap3A, %swap3A_13], %add3A_12 {strides = array<i32>} : memref<2000x128xf32, #tpu.memory_space<vmem>>, vector<2000x128xf32>,
    return
  }
  func.func @transform_0(%arg0: i32) -> (i32, i32) {
    %c0_i32 = arith.constant 0 : i32
    %c0_i32_0 = arith.constant 0 : i32
    return %arg0, %c0_i32 : i32, i32
  }
  func.func @transform_1(%arg0: i32) -> (i32, i32) {
    %c0_i32 = arith.constant 0 : i32
    %c0_i32_0 = arith.constant 0 : i32
    return %arg0, %c0_i32 : i32, i32
  }
  func.func @transform_2(%arg0: i32) -> (i32, i32) {
    %c0_i32 = arith.constant 0 : i32
    %c0_i32_0 = arith.constant 0 : i32
    return %arg0, %c0_i32 : i32, i32
  }
  func.func @transform_3(%arg0: i32) -> (i32, i32) {
    %c0_i32 = arith.constant 0 : i32
    %c0_i32_0 = arith.constant 0 : i32
    %c0_i32_1 = arith.constant 0 : i32
    return %c0_i32, %c0_i32_0 : i32, i32
  }
  func.func @transform_4(%arg0: i32) -> (i32, i32) {
    %c0_i32 = arith.constant 0 : i32
    %c0_i32_0 = arith.constant 0 : i32
    return %arg0, %c0_i32 : i32, i32
  }
}

module attributes {stable_mosaic.version = 14 : i64} {
  func.func @_global_mp_body(%arg0: i32, %arg1: memref<32x128xf32, #tpu.memory_space<vmem>>, %arg2: memref<32x4xf32, #tpu.memory_space<vmem>>, %arg3: memref<1024x32xf32, #tpu.memory_space<vmem>>, %arg4: memref<1024x32xf32, #tpu.memory_space<vmem>>, %arg5: memref<32x1024xf32, #tpu.memory_space<vmem>>, %arg6: memref<1024x1xf32, #tpu.memory_space<vmem>>, %arg7: memref<128x128xf32, #tpu.memory_space<vmem>>, %arg8: memref<32x128xf32, #tpu.memory_space<vmem>>, %arg9: memref<4x128xf32, #tpu.memory_space<vmem>>, %arg10: memref<1x128xf32, #tpu.memory_space<vmem>>, %arg11: memref<32x128xf32, #tpu.memory_space<vmem>>) attributes {dimension_semantics = [#tpu.dimension_semantics<arbitrary>], iteration_bounds = array<i64: 16>, scalar_prefetch = 0 : i64, scratch_operands = 0 : i64, tpu.core_type = #tpu.core_type<tc>, window_params = [{transform_indices = @transform_0, window_bounds = array<i64: 32, 128>}, {transform_indices = @transform_1, window_bounds = array<i64: 32, 4>}, {pipeline_mode = #tpu.pipeline_mode<synchronous>, transform_indices = @transform_2, window_bounds = array<i64: 1024, 32>}, {pipeline_mode = #tpu.pipeline_mode<synchronous>, transform_indices = @transform_3, window_bounds = array<i64: 1024, 32>}, {pipeline_mode = #tpu.pipeline_mode<synchronous>, transform_indices = @transform_4, window_bounds = array<i64: 32, 1024>}, {pipeline_mode = #tpu.pipeline_mode<synchronous>, transform_indices = @transform_5, window_bounds = array<i64: 1024, 1>}, {pipeline_mode = #tpu.pipeline_mode<synchronous>, transform_indices = @transform_6, window_bounds = array<i64: 128, 128>}, {pipeline_mode = #tpu.pipeline_mode<synchronous>, transform_indices = @transform_7, window_bounds = array<i64: 32, 128>}, {pipeline_mode = #tpu.pipeline_mode<synchronous>, transform_indices = @transform_8, window_bounds = array<i64: 4, 128>}, {pipeline_mode = #tpu.pipeline_mode<synchronous>, transform_indices = @transform_9, window_bounds = array<i64: 1, 128>}, {transform_indices = @transform_10, window_bounds = array<i64: 32, 128>}]} {
    %get3A = arith.constant 0 : index
    %get3A_0 = arith.constant 0 : index
    %get3A_1 = vector.load %arg1[%get3A, %get3A_0] : memref<32x128xf32, #tpu.memory_space<vmem>>, vector<32x128xf32>
    %get3A_2 = arith.constant 0 : index
    %get3A_3 = arith.constant 0 : index
    %get3A_4 = vector.load %arg2[%get3A_2, %get3A_3] : memref<32x4xf32, #tpu.memory_space<vmem>>, vector<32x4xf32>
    %get3A_5 = arith.constant 0 : index
    %get3A_6 = arith.constant 0 : index
    %get3A_7 = vector.load %arg3[%get3A_5, %get3A_6] : memref<1024x32xf32, #tpu.memory_space<vmem>>, vector<1024x32xf32>
    %get3A_8 = arith.constant 0 : index
    %get3A_9 = arith.constant 0 : index
    %get3A_10 = vector.load %arg4[%get3A_8, %get3A_9] : memref<1024x32xf32, #tpu.memory_space<vmem>>, vector<1024x32xf32>
    %get3A_11 = arith.constant 0 : index
    %get3A_12 = arith.constant 0 : index
    %get3A_13 = vector.load %arg7[%get3A_11, %get3A_12] : memref<128x128xf32, #tpu.memory_space<vmem>>, vector<128x128xf32>
    %dot_general3A = arith.constant dense<0.000000e+00> : vector<32x128xf32>
    %dot_general3A_14 = tpu.matmul %get3A_1, %get3A_13, %dot_general3A {dimension_numbers = #tpu.dot_dimension_numbers<[1], [0], [0], [1], [0, 0, 1, 1], [], []>, transpose_lhs_hint = false} : vector<32x128xf32>, vector<128x128xf32>, vector<32x128xf32> -> vector<32x128xf32>
    %dot_general3A_15 = arith.constant dense<0.000000e+00> : vector<1024x4xf32>
    %dot_general3A_16 = tpu.matmul %get3A_7, %get3A_4, %dot_general3A_15 {dimension_numbers = #tpu.dot_dimension_numbers<[1], [0], [0], [1], [0, 0, 1, 1], [], []>, transpose_lhs_hint = false} : vector<1024x32xf32>, vector<32x4xf32>, vector<1024x4xf32> -> vector<1024x4xf32>
    %dot_general3A_17 = arith.constant dense<0.000000e+00> : vector<1024x4xf32>
    %dot_general3A_18 = tpu.matmul %get3A_10, %get3A_4, %dot_general3A_17 {dimension_numbers = #tpu.dot_dimension_numbers<[1], [0], [0], [1], [0, 0, 1, 1], [], []>, transpose_lhs_hint = false} : vector<1024x32xf32>, vector<32x4xf32>, vector<1024x4xf32> -> vector<1024x4xf32>
    %sub3A = arith.subf %dot_general3A_16, %dot_general3A_18 : vector<1024x4xf32>
    %mul3A = arith.mulf %sub3A, %sub3A : vector<1024x4xf32>
    %reduce_sum3A = arith.constant dense<0.000000e+00> : vector<1024xf32>
    %reduce_sum3A_19 = vector.multi_reduction <add>, %mul3A, %reduce_sum3A [1] : vector<1024x4xf32> to vector<1024xf32>
    %broadcast_in_dim3A = vector.shape_cast %reduce_sum3A_19 : vector<1024xf32> to vector<1024x1xf32>
    %add3A = arith.constant 9.99999996E-13 : f32
    %add3A_20 = vector.broadcast %add3A : f32 to vector<1024x1xf32>
    %add3A_21 = arith.addf %broadcast_in_dim3A, %add3A_20 : vector<1024x1xf32>
    %sqrt3A = math.sqrt %add3A_21 : vector<1024x1xf32>
    %get3A_22 = arith.constant 0 : index
    %get3A_23 = arith.constant 0 : index
    %get3A_24 = vector.load %arg9[%get3A_22, %get3A_23] : memref<4x128xf32, #tpu.memory_space<vmem>>, vector<4x128xf32>
    %dot_general3A_25 = arith.constant dense<0.000000e+00> : vector<1024x128xf32>
    %dot_general3A_26 = tpu.matmul %sub3A, %get3A_24, %dot_general3A_25 {dimension_numbers = #tpu.dot_dimension_numbers<[1], [0], [0], [1], [0, 0, 1, 1], [], []>, transpose_lhs_hint = false} : vector<1024x4xf32>, vector<4x128xf32>, vector<1024x128xf32> -> vector<1024x128xf32>
    %div3A = arith.constant 1.73205078 : f32
    %div3A_27 = vector.broadcast %div3A : f32 to vector<1024x1xf32>
    %div3A_28 = arith.divf %div3A_27, %sqrt3A : vector<1024x1xf32>
    %mul3A_29 = vector.broadcast %div3A_28 : vector<1024x1xf32> to vector<1024x128xf32>
    %mul3A_30 = arith.mulf %dot_general3A_26, %mul3A_29 : vector<1024x128xf32>
    %get3A_31 = arith.constant 0 : index
    %get3A_32 = arith.constant 0 : index
    %get3A_33 = vector.load %arg10[%get3A_31, %get3A_32] : memref<1x128xf32, #tpu.memory_space<vmem>>, vector<1x128xf32>
    %add3A_34 = vector.broadcast %get3A_33 : vector<1x128xf32> to vector<1024x128xf32>
    %add3A_35 = arith.addf %mul3A_30, %add3A_34 : vector<1024x128xf32>
    %iota3A = tpu.iota {dimensions = array<i32: 1>} : vector<1x32xi32>
    %convert_element_type3A = arith.sitofp %iota3A : vector<1x32xi32> to vector<1x32xf32>
    %mul3A_36 = arith.constant 0.161290318 : f32
    %mul3A_37 = vector.broadcast %mul3A_36 : f32 to vector<1x32xf32>
    %mul3A_38 = arith.mulf %convert_element_type3A, %mul3A_37 : vector<1x32xf32>
    %sub3A_39 = vector.broadcast %sqrt3A : vector<1024x1xf32> to vector<1024x32xf32>
    %sub3A_40 = vector.broadcast %mul3A_38 : vector<1x32xf32> to vector<1024x32xf32>
    %sub3A_41 = arith.subf %sub3A_39, %sub3A_40 : vector<1024x32xf32>
    %mul3A_42 = arith.constant -2.048000e+01 : f32
    %mul3A_43 = vector.broadcast %mul3A_42 : f32 to vector<1024x32xf32>
    %mul3A_44 = arith.mulf %mul3A_43, %sub3A_41 : vector<1024x32xf32>
    %mul3A_45 = arith.mulf %mul3A_44, %sub3A_41 : vector<1024x32xf32>
    %exp3A = math.exp %mul3A_45 : vector<1024x32xf32>
    %dot_general3A_46 = arith.constant dense<0.000000e+00> : vector<1024x128xf32>
    %dot_general3A_47 = tpu.matmul %get3A_7, %dot_general3A_14, %dot_general3A_46 {dimension_numbers = #tpu.dot_dimension_numbers<[1], [0], [0], [1], [0, 0, 1, 1], [], []>, transpose_lhs_hint = false} : vector<1024x32xf32>, vector<32x128xf32>, vector<1024x128xf32> -> vector<1024x128xf32>
    %get3A_48 = arith.constant 0 : index
    %get3A_49 = arith.constant 0 : index
    %get3A_50 = vector.load %arg8[%get3A_48, %get3A_49] : memref<32x128xf32, #tpu.memory_space<vmem>>, vector<32x128xf32>
    %dot_general3A_51 = arith.constant dense<0.000000e+00> : vector<1024x128xf32>
    %dot_general3A_52 = tpu.matmul %exp3A, %get3A_50, %dot_general3A_51 {dimension_numbers = #tpu.dot_dimension_numbers<[1], [0], [0], [1], [0, 0, 1, 1], [], []>, transpose_lhs_hint = false} : vector<1024x32xf32>, vector<32x128xf32>, vector<1024x128xf32> -> vector<1024x128xf32>
    %add3A_53 = arith.addf %dot_general3A_47, %dot_general3A_52 : vector<1024x128xf32>
    %add3A_54 = arith.addf %add3A_53, %add3A_35 : vector<1024x128xf32>
    %logistic3A = arith.negf %add3A_54 : vector<1024x128xf32>
    %logistic3A_55 = math.exp %logistic3A : vector<1024x128xf32>
    %logistic3A_56 = arith.constant 1.000000e+00 : f32
    %logistic3A_57 = vector.broadcast %logistic3A_56 : f32 to vector<1024x128xf32>
    %logistic3A_58 = arith.addf %logistic3A_57, %logistic3A_55 : vector<1024x128xf32>
    %logistic3A_59 = arith.divf %logistic3A_57, %logistic3A_58 : vector<1024x128xf32>
    %mul3A_60 = arith.mulf %add3A_54, %logistic3A_59 : vector<1024x128xf32>
    %get3A_61 = arith.constant 0 : index
    %get3A_62 = arith.constant 0 : index
    %get3A_63 = vector.load %arg6[%get3A_61, %get3A_62] : memref<1024x1xf32, #tpu.memory_space<vmem>>, vector<1024x1xf32>
    %mul3A_64 = vector.broadcast %get3A_63 : vector<1024x1xf32> to vector<1024x128xf32>
    %mul3A_65 = arith.mulf %mul3A_60, %mul3A_64 : vector<1024x128xf32>
    %get3A_66 = arith.constant 0 : index
    %get3A_67 = arith.constant 0 : index
    %get3A_68 = vector.load %arg5[%get3A_66, %get3A_67] : memref<32x1024xf32, #tpu.memory_space<vmem>>, vector<32x1024xf32>
    %dot_general3A_69 = arith.constant dense<0.000000e+00> : vector<32x128xf32>
    %dot_general3A_70 = tpu.matmul %get3A_68, %mul3A_65, %dot_general3A_69 {dimension_numbers = #tpu.dot_dimension_numbers<[1], [0], [0], [1], [0, 0, 1, 1], [], []>, transpose_lhs_hint = false} : vector<32x1024xf32>, vector<1024x128xf32>, vector<32x128xf32> -> vector<32x128xf32>
    %swap3A = arith.constant 0 : index
    %swap3A_71 = arith.constant 0 : index
    %swap3A_72 = vector.load %arg11[%swap3A, %swap3A_71] : memref<32x128xf32, #tpu.memory_space<vmem>>, vector<32x128xf32>
    tpu.vector_store %arg11[%swap3A, %swap3A_71], %dot_general3A_70 {strides = array<i32>} : memref<32x128xf32, #tpu.memory_space<vmem>>, vector<32x128xf32>,
    return
  }
  func.func @transform_0(%arg0: i32) -> (i32, i32) {
    %c0_i32 = arith.constant 0 : i32
    %c0_i32_0 = arith.constant 0 : i32
    return %arg0, %c0_i32 : i32, i32
  }
  func.func @transform_1(%arg0: i32) -> (i32, i32) {
    %c0_i32 = arith.constant 0 : i32
    %c0_i32_0 = arith.constant 0 : i32
    return %arg0, %c0_i32 : i32, i32
  }
  func.func @transform_2(%arg0: i32) -> (i32, i32) {
    %c0_i32 = arith.constant 0 : i32
    %c0_i32_0 = arith.constant 0 : i32
    %c0_i32_1 = arith.constant 0 : i32
    return %c0_i32, %c0_i32_0 : i32, i32
  }
  func.func @transform_3(%arg0: i32) -> (i32, i32) {
    %c0_i32 = arith.constant 0 : i32
    %c0_i32_0 = arith.constant 0 : i32
    %c0_i32_1 = arith.constant 0 : i32
    return %c0_i32, %c0_i32_0 : i32, i32
  }
  func.func @transform_4(%arg0: i32) -> (i32, i32) {
    %c0_i32 = arith.constant 0 : i32
    %c0_i32_0 = arith.constant 0 : i32
    %c0_i32_1 = arith.constant 0 : i32
    return %c0_i32, %c0_i32_0 : i32, i32
  }
  func.func @transform_5(%arg0: i32) -> (i32, i32) {
    %c0_i32 = arith.constant 0 : i32
    %c0_i32_0 = arith.constant 0 : i32
    %c0_i32_1 = arith.constant 0 : i32
    return %c0_i32, %c0_i32_0 : i32, i32
  }
  func.func @transform_6(%arg0: i32) -> (i32, i32) {
    %c0_i32 = arith.constant 0 : i32
    %c0_i32_0 = arith.constant 0 : i32
    %c0_i32_1 = arith.constant 0 : i32
    return %c0_i32, %c0_i32_0 : i32, i32
  }
  func.func @transform_7(%arg0: i32) -> (i32, i32) {
    %c0_i32 = arith.constant 0 : i32
    %c0_i32_0 = arith.constant 0 : i32
    %c0_i32_1 = arith.constant 0 : i32
    return %c0_i32, %c0_i32_0 : i32, i32
  }
  func.func @transform_8(%arg0: i32) -> (i32, i32) {
    %c0_i32 = arith.constant 0 : i32
    %c0_i32_0 = arith.constant 0 : i32
    %c0_i32_1 = arith.constant 0 : i32
    return %c0_i32, %c0_i32_0 : i32, i32
  }
  func.func @transform_9(%arg0: i32) -> (i32, i32) {
    %c0_i32 = arith.constant 0 : i32
    %c0_i32_0 = arith.constant 0 : i32
    %c0_i32_1 = arith.constant 0 : i32
    return %c0_i32, %c0_i32_0 : i32, i32
  }
  func.func @transform_10(%arg0: i32) -> (i32, i32) {
    %c0_i32 = arith.constant 0 : i32
    %c0_i32_0 = arith.constant 0 : i32
    return %arg0, %c0_i32 : i32, i32
  }
}

module attributes {stable_mosaic.version = 14 : i64} {
  func.func @_master_proj_body(%arg0: i32, %arg1: memref<512x128xf32, #tpu.memory_space<vmem>>, %arg2: memref<512x128xf32, #tpu.memory_space<vmem>>, %arg3: memref<128x128xf32, #tpu.memory_space<vmem>>, %arg4: memref<128x128xf32, #tpu.memory_space<vmem>>, %arg5: memref<512x128xf32, #tpu.memory_space<vmem>>) attributes {dimension_semantics = [#tpu.dimension_semantics<arbitrary>], iteration_bounds = array<i64: 1>, scalar_prefetch = 0 : i64, scratch_operands = 0 : i64, tpu.core_type = #tpu.core_type<tc>, window_params = [{pipeline_mode = #tpu.pipeline_mode<synchronous>, transform_indices = @transform_0, window_bounds = array<i64: 512, 128>}, {pipeline_mode = #tpu.pipeline_mode<synchronous>, transform_indices = @transform_1, window_bounds = array<i64: 512, 128>}, {pipeline_mode = #tpu.pipeline_mode<synchronous>, transform_indices = @transform_2, window_bounds = array<i64: 128, 128>}, {pipeline_mode = #tpu.pipeline_mode<synchronous>, transform_indices = @transform_3, window_bounds = array<i64: 128, 128>}, {pipeline_mode = #tpu.pipeline_mode<synchronous>, transform_indices = @transform_4, window_bounds = array<i64: 512, 128>}]} {
    %get3A = arith.constant 0 : index
    %get3A_0 = arith.constant 0 : index
    %get3A_1 = vector.load %arg1[%get3A, %get3A_0] : memref<512x128xf32, #tpu.memory_space<vmem>>, vector<512x128xf32>
    %get3A_2 = arith.constant 0 : index
    %get3A_3 = arith.constant 0 : index
    %get3A_4 = vector.load %arg3[%get3A_2, %get3A_3] : memref<128x128xf32, #tpu.memory_space<vmem>>, vector<128x128xf32>
    %dot_general3A = arith.constant dense<0.000000e+00> : vector<512x128xf32>
    %dot_general3A_5 = tpu.matmul %get3A_1, %get3A_4, %dot_general3A {dimension_numbers = #tpu.dot_dimension_numbers<[1], [0], [0], [1], [0, 0, 1, 1], [], []>, transpose_lhs_hint = false} : vector<512x128xf32>, vector<128x128xf32>, vector<512x128xf32> -> vector<512x128xf32>
    %get3A_6 = arith.constant 0 : index
    %get3A_7 = arith.constant 0 : index
    %get3A_8 = vector.load %arg2[%get3A_6, %get3A_7] : memref<512x128xf32, #tpu.memory_space<vmem>>, vector<512x128xf32>
    %add3A = arith.addf %dot_general3A_5, %get3A_8 : vector<512x128xf32>
    %get3A_9 = arith.constant 0 : index
    %get3A_10 = arith.constant 0 : index
    %get3A_11 = vector.load %arg4[%get3A_9, %get3A_10] : memref<128x128xf32, #tpu.memory_space<vmem>>, vector<128x128xf32>
    %dot_general3A_12 = arith.constant dense<0.000000e+00> : vector<512x128xf32>
    %dot_general3A_13 = tpu.matmul %add3A, %get3A_11, %dot_general3A_12 {dimension_numbers = #tpu.dot_dimension_numbers<[1], [0], [0], [1], [0, 0, 1, 1], [], []>, transpose_lhs_hint = false} : vector<512x128xf32>, vector<128x128xf32>, vector<512x128xf32> -> vector<512x128xf32>
    %swap3A = arith.constant 0 : index
    %swap3A_14 = arith.constant 0 : index
    %swap3A_15 = vector.load %arg5[%swap3A, %swap3A_14] : memref<512x128xf32, #tpu.memory_space<vmem>>, vector<512x128xf32>
    tpu.vector_store %arg5[%swap3A, %swap3A_14], %dot_general3A_13 {strides = array<i32>} : memref<512x128xf32, #tpu.memory_space<vmem>>, vector<512x128xf32>,
    return
  }
  func.func @transform_0(%arg0: i32) -> (i32, i32) {
    %c0_i32 = arith.constant 0 : i32
    %c0_i32_0 = arith.constant 0 : i32
    %c0_i32_1 = arith.constant 0 : i32
    return %c0_i32, %c0_i32_0 : i32, i32
  }
  func.func @transform_1(%arg0: i32) -> (i32, i32) {
    %c0_i32 = arith.constant 0 : i32
    %c0_i32_0 = arith.constant 0 : i32
    %c0_i32_1 = arith.constant 0 : i32
    return %c0_i32, %c0_i32_0 : i32, i32
  }
  func.func @transform_2(%arg0: i32) -> (i32, i32) {
    %c0_i32 = arith.constant 0 : i32
    %c0_i32_0 = arith.constant 0 : i32
    %c0_i32_1 = arith.constant 0 : i32
    return %c0_i32, %c0_i32_0 : i32, i32
  }
  func.func @transform_3(%arg0: i32) -> (i32, i32) {
    %c0_i32 = arith.constant 0 : i32
    %c0_i32_0 = arith.constant 0 : i32
    %c0_i32_1 = arith.constant 0 : i32
    return %c0_i32, %c0_i32_0 : i32, i32
  }
  func.func @transform_4(%arg0: i32) -> (i32, i32) {
    %c0_i32 = arith.constant 0 : i32
    %c0_i32_0 = arith.constant 0 : i32
    %c0_i32_1 = arith.constant 0 : i32
    return %c0_i32, %c0_i32_0 : i32, i32
  }
}

</mosaic_0001>

<sc_bundles>
// kernel: kernel.12.cloned.1.call-start
scs
__scs_entry_jumppad:
0x0: {  	(pc) =	sbr.rel $0x88, $3  }
0x1: {  	(tag) =	ssettag $0x0;
	lr =	simm.s32 $0x1  }
0x2: {  	[smem:$0x3F92] =	sst lr;
	_ =	strace $0xD0000000  }
0x3: {  	_ = 	snop  }
0x4: {  	_ = 	snop  }
0x5: {  	_ = 	snop  }
0x6: {  	_ = 	snop  }
0x7: {  	_ = 	snop  }
__scs_overlays_trampoline_lowered:
0x8: {  	[smem:$0x3FA1] =	sst s0  }
0x9: {  	[smem:$0x3FA2] =	sst s1  }
0xa: {  	[smem:$0x3FA3] =	sst s2  }
0xb: {  	[smem:$0x3FA4] =	sst s3  }
0xc: {  	[smem:$0x3FA5] =	sst s4  }
0xd: {  	[smem:$0x3FA6] =	sst s5  }
0xe: {  	[smem:$0x3FA7] =	sst s6  }
0xf: {  	[smem:$0x3FA8] =	sst s7  }
0x10: {  	[smem:$0x3FA9] =	sst s8  }
0x11: {  	[smem:$0x3FAA] =	sst s9;
	s0 =	simm.s32 @!p0 $0x0  }
0x12: {  	s1 =	sld [smem:$0x3F90];
	s0 =	simm.s32 @p0 $0x1  }
0x13: {  	[smem:$0x3FAB] =	sst s0;
	s0 =	simm.s32 @!p1 $0x0  }
0x14: {  	s2 =	sld [smem:$0x3F8F];
	s0 =	simm.s32 @p1 $0x1  }
0x15: {  	[smem:$0x3FAC] =	sst s0;
	s0 =	simm.s32 @!p2 $0x0  }
0x16: {  	s3 =	sld [smem:$0x3FDB];
	s0 =	simm.s32 @p2 $0x1  }
0x17: {  	s4 =	simm.s32 $0x1BF5;
	[smem:$0x3FAE] =	sst s0  }
0x18: {  	s0 =	sld [smem:$0x3F91];
	_ =	swait.ge [sflag:s4], $0x0  }
0x19: {  	s7 =	sld [smem:$0x3F92]  }
0x1a: {  	s8 =	sadd.s32 $0xFFFFE003, lr  }
0x1b: {  	s9 =	sadd.s32 $0xFFFFFEF7, lr;
	s5 =	simm.s32 $0xFFFFFFFF;
	p2 =	slt.u32 s8, $0xFFFFF086  }
0x1c: {  	p1 =	slt.u32 s9, $0xF7A;
	s5 =	simm.s32 @!p2 $0x0  }
0x1d: {  	s5 =	simm.s32 @p1 $0x1;
	p0 =	seq.s32 s7, s2  }
0x1e: {  	s7 =	smul.u32 @!p0 $0xF7A, s2;
	p2 =	seq.s32 @!p0 s5, $0x0  }
0x1f: {  	s9 =	smul.u32 $0xF7A, s1;
	s8 =	simm.s32 @!p0 $0x1BF5;
	p2 =	por !p2, p0  }
0x20: {  	[sflag:s8] =	ssyncset.s32 @!p0 $0xFFFFF086;
	s6 =	sadd.s32 @!p0 s3, s7;
	s7 =	simm.s32 @!p0 $0x108  }
0x21: {  	s3 =	sadd.s32 s3, s9;
	s6 =	sadd.s32 @!p0 $0x88, s6;
	s7 =	simm.s32 @p2 $0x1082  }
0x22: {  	[simem:s7], [sflag:s8] =	dma.local @!p0 [hbm:s6], $0xF7A  }
0x23: {  	s9 =	sor.u32 $0xD0000000, s2;
	s6 =	simm.s32 $0x108;
	_ =	swait.ge @!p0 [sflag:s8], $0x0  }
0x24: {  	s3 =	sadd.s32 $0x88, s3;
	s6 =	simm.s32 @!p1 $0x1082;
	[sflag:s4] =	ssyncset.s32 $0xFFFFF086  }
0x25: {  	[simem:s6], [sflag:s4] =	dma.local [hbm:s3], $0xF7A  }
0x26: {  	[smem:$0x3F92] =	sst s1;
	(tag) =	ssettag s2;
	_ =	strace s9  }
0x27: {  	s1 =	sld [smem:$0x3FA2]  }
0x28: {  	s2 =	sld [smem:$0x3FA3]  }
0x29: {  	s4 =	sld [smem:$0x3FA5]  }
0x2a: {  	p0 =	seq.s32 s5, $0x0;
	s5 =	sld [smem:$0x3FA6]  }
0x2b: {  	s6 =	sld [smem:$0x3FA7]  }
0x2c: {  	s7 =	sld [smem:$0x3FA8]  }
0x2d: {  	s3 =	simm.s32 $0x108;
	s8 =	sld [smem:$0x3FA9]  }
0x2e: {  	s3 =	simm.s32 @!p0 $0x1082;
	s9 =	sld [smem:$0x3FAA]  }
0x2f: {  	lr =	sadd.s32 s0, s3;
	s0 =	sld [smem:$0x3FA1]  }
0x30: {  	s3 =	sld [smem:$0x3FA4]  }
0x31: {  	[smem:$0x3FAD] =	sst s10  }
0x32: {  	s10 =	sld [smem:$0x3FAB];
	_ =	sdelay $0x3  }
0x33: {  	p0 =	seq.s32 s10, $0x1;
	s10 =	sld [smem:$0x3FAD];
	_ =	sdelay $0x3  }
0x34: {  	[smem:$0x3FAD] =	sst s10  }
0x35: {  	s10 =	sld [smem:$0x3FAC];
	_ =	sdelay $0x3  }
0x36: {  	p1 =	seq.s32 s10, $0x1;
	s10 =	sld [smem:$0x3FAD];
	_ =	sdelay $0x3  }
0x37: {  	[smem:$0x3FAD] =	sst s10  }
0x38: {  	s10 =	sld [smem:$0x3FAE]  }
0x39: {  	_ = 	snop;
	(pc) =	sbr.ind lr, $3  }
0x3a: {  	_ = 	snop  }
0x3b: {  	_ = 	snop  }
0x3c: {  	p2 =	seq.s32 s10, $0x1;
	s10 =	sld [smem:$0x3FAD]  }
0x3d: {  	_ =	shalt  }
0x3e: {  	_ =	shalt  }
0x3f: {  	_ =	shalt  }
0x40: {  	_ =	shalt  }
0x41: {  	_ =	shalt  }
0x42: {  	_ =	shalt  }
0x43: {  	_ =	shalt  }
0x44: {  	_ =	shalt  }
0x45: {  	_ =	shalt  }
0x46: {  	_ =	shalt  }
0x47: {  	_ =	shalt  }
0x48: {  	_ =	shalt  }
0x49: {  	_ =	shalt  }
0x4a: {  	_ =	shalt  }
0x4b: {  	_ =	shalt  }
0x4c: {  	_ =	shalt  }
0x4d: {  	_ =	shalt  }
0x4e: {  	_ =	shalt  }
0x4f: {  	_ =	shalt  }
0x50: {  	_ =	shalt  }
0x51: {  	_ =	shalt  }
0x52: {  	_ =	shalt  }
0x53: {  	_ =	shalt  }
0x54: {  	_ =	shalt  }
0x55: {  	_ =	shalt  }
0x56: {  	_ =	shalt  }
0x57: {  	_ =	shalt  }
0x58: {  	_ =	shalt  }
0x59: {  	_ =	shalt  }
0x5a: {  	_ =	shalt  }
0x5b: {  	_ =	shalt  }
0x5c: {  	_ =	shalt  }
0x5d: {  	_ =	shalt  }
0x5e: {  	_ =	shalt  }
0x5f: {  	_ =	shalt  }
0x60: {  	_ =	shalt  }
0x61: {  	_ =	shalt  }
0x62: {  	_ =	shalt  }
0x63: {  	_ =	shalt  }
0x64: {  	_ =	shalt  }
0x65: {  	_ =	shalt  }
0x66: {  	_ =	shalt  }
0x67: {  	_ =	shalt  }
0x68: {  	_ =	shalt  }
0x69: {  	_ =	shalt  }
0x6a: {  	_ =	shalt  }
0x6b: {  	_ =	shalt  }
0x6c: {  	_ =	shalt  }
0x6d: {  	_ =	shalt  }
0x6e: {  	_ =	shalt  }
0x6f: {  	_ =	shalt  }
0x70: {  	_ =	shalt  }
0x71: {  	_ =	shalt  }
0x72: {  	_ =	shalt  }
0x73: {  	_ =	shalt  }
0x74: {  	_ =	shalt  }
0x75: {  	_ =	shalt  }
0x76: {  	_ =	shalt  }
0x77: {  	_ =	shalt  }
0x78: {  	_ =	shalt  }
0x79: {  	_ =	shalt  }
0x7a: {  	_ =	shalt  }
0x7b: {  	_ =	shalt  }
0x7c: {  	_ =	shalt  }
0x7d: {  	_ =	shalt  }
0x7e: {  	_ =	shalt  }
0x7f: {  	_ =	shalt  }
0x80: {  	_ =	shalt  }
0x81: {  	_ =	shalt  }
0x82: {  	_ =	shalt  }
0x83: {  	_ =	shalt  }
0x84: {  	_ =	shalt  }
0x85: {  	_ =	shalt  }
0x86: {  	_ =	shalt  }
0x87: {  	_ =	shalt  }
.Lfunc_end0:
.L_simem_size_0:
called_computation.2_lowered:
.L_overlay_start_0:
0x88: {  	s2 =	sld [smem:$0x3FD9]  }
0x89: {  	s3 =	sld [smem:$0x3FFE];
	_ =	sdelay $0x1  }
0x8a: {  	s1 =	srdreg.scid  }
0x8b: {  	s0 =	sand.u32 $0x1, s1  }
0x8c: {  	s14 =	sshll.u32 s0, $0xA;
	s2 =	sadd.s32 s3, s2  }
0x8d: {  	s2 =	sadd.s32 s2, s14  }
0x8e: {  	[smem:$0x3FB9] =	sst s2  }
0x8f: {  	_ = 	snop  }
0x90: {  	s2 =	sld [smem:$0x3FD0];
	_ =	sdelay $0x2  }
0x91: {  	s15 =	simm.s32 $0xA;
	s4 =	simm.s32 $0x10  }
0x92: {  	[smem:s4], [sflag:s15] =	dma.local [hbm:s2], $0x1  }
0x93: {  	_ =	swait.eq [sflag:s15], $0x1  }
0x94: {  	[sflag:s15] =	ssyncset.done $0x0  }
0x95: {  	s16 =	sld [smem:$0x10];
	[sflag:s15] =	ssyncadd.s32 $0xFFFFFFFF  }
0x96: {  	s17 =	sld [smem:$0x12];
	(tm) =	ssettm $0x1  }
0x97: {  	s18 =	sld [smem:$0x3FFB];
	_ =	sdelay $0x3  }
0x98: {  	_ =	strace s18  }
0x99: {  	s4 =	sld [smem:$0x3FFC];
	_ =	sdelay $0x3  }
0x9a: {  	_ =	strace s4  }
0x9b: {  	s4 =	sld [smem:$0x3FFD];
	_ =	sdelay $0x3  }
0x9c: {  	_ =	strace s4  }
0x9d: {  	_ =	strace $0x8FFFFFFF  }
0x9e: {  	s19 =	sld [smem:$0x3FDB];
	_ =	sdelay $0x1  }
0x9f: {  	s5 =	simm.s32 $_scs_section_size  }
0xa0: {  	s6 =	simm.s32 $_size__tile_overlayer_lowered;
	s7 =	simm.s32 $_tile_overlayer_lowered  }
0xa1: {  	s22 =	simm.s32 $0x1BFF;
	s21 =	sshll.u32 s7, $0x1;
	s4 =	sadd.s32 s5, s19  }
0xa2: {  	s8 =	simm.s32 $0x0;
	s20 =	sshll.u32 s6, $0x1;
	s6 =	sadd.s32 s21, s4  }
0xa3: {  	[timem:s8], [sflag:s22] =	dma.local [hbm:s6], s20  }
0xa4: {  	_ =	swait.ge [sflag:s22], s20  }
0xa5: {  	s5 =	ssub.s32 $0x0, s20;
	[sflag:s22] =	ssyncset.done $0x0  }
0xa6: {  	[sflag:s22] =	ssyncadd.s32 s5;
	_ =	sdelay $0x1  }
0xa7: {  	s23 =	simm.s32 $0x1B8B  }
0xa8: {  	_ =	swait.ge [sflag:s23], $0x1  }
0xa9: {  	[sflag:s23] =	ssyncset.done $0x0  }
0xaa: {  	s25 =	simm.s32 $0x1B8E;
	s24 =	sld [smem:$0x3FFE];
	[sflag:s23] =	ssyncadd.s32 $0xFFFFFFFF  }
0xab: {  	s26 =	simm.s32 $execute0_lowered;
	[smem:$0x3FD2] =	sst s25  }
0xac: {  	s6 =	sshll.u32 s26, $0x1;
	_ =	strace $0x80000049;
	[dreg:$0x1] =	wrdreg $0xFFFFFFFF  }
0xad: {  	s28 =	simm.s32 $_size_execute0_lowered;
	s4 =	sadd.s32 s4, s6;
	[dreg:$0x0] =	wrdreg $0x0  }
0xae: {  	s6 =	sshll.u32 s28, $0x1;
	[dreg:$0x2] =	wrdreg s4  }
0xaf: {  	[dreg:$0x3] =	wrdreg s6  }
0xb0: {  	[dreg:$0x4] =	wrdreg $0xC0  }
0xb1: {  	_ =	task [dreg:s8], $0x5FFFF  }
0xb2: {  	[dreg:$0x1] =	wrdreg $0xFFFFFFFF  }
0xb3: {  	[dreg:$0x0] =	wrdreg $0x60  }
0xb4: {  	[dreg:$0x2] =	wrdreg s16  }
0xb5: {  	[dreg:$0x3] =	wrdreg s24  }
0xb6: {  	[dreg:$0x4] =	wrdreg s17  }
0xb7: {  	[dreg:$0x5] =	wrdreg $0x7A000  }
0xb8: {  	[dreg:$0x6] =	wrdreg $0x9  }
0xb9: {  	_ =	task.clear_ibuf [dreg:s8], $0x7FFFF;
	_ =	strace $0x90000049  }
0xba: {  	s29 =	simm.s32 $0x9;
	_ =	strace $0x8000004B  }
0xbb: {  	_ =	swait.ge [sflag:s29], $0x1  }
0xbc: {  	[sflag:s29] =	ssyncadd.s32 $0xFFFFFFFF  }
0xbd: {  	_ =	strace $0x9000004B  }
0xbe: {  	_ =	sfence  }
0xbf: {  	s30 =	sld [smem:$0x0];
	_ =	sdelay $0x2  }
0xc0: {  	s31 =	sshll.u32 s1, $0xD;
	s1 =	sshrl.u32 s1, $0x2  }
0xc1: {  	s3 =	sand.u32 $0x4000, s31;
	s1 =	sadd.s32 s1, s30  }
0xc2: {  	s0 =	sor.u32 s3, s0;
	s1 =	sshll.u32 s1, $0x11  }
0xc3: {  	s0 =	sor.u32 s1, s0  }
0xc4: {  	s0 =	sadd.s32 $0x8F2B, s0  }
0xc5: {  	[sflag:s0] =	ssyncadd.remote.s32 $0x1  }
0xc6: {  	_ =	sfence.sel $0xFFFF  }
0xc7: {  	[dreg:$0x0] =	wrdreg $0xFFFFFFFF;
	(pc) =	sbr.abs _section_cstart, $3  }
0xc8: {  	[dreg:$0x1] =	wrdreg $0xFFFFFFFF  }
0xc9: {  	_ =	task.clear_ibuf [dreg:s8], $0x2FFFF;
	_ =	strace $0x9FFFFFFF  }
0xca: {  	(tm) =	ssettm $0x7FFFFFFF  }
0xcb: {  	_ =	shalt  }
tec
execute0_lowered:
.L_overlay_start_1:
0x0: {  	(tag) =	ssettag $0x1  }
0x1: {  	s23 =	rddreg [dreg:$0x0]  }
0x2: {  	s9 =	rddreg [dreg:$0x1]  }
0x3: {  	s10 =	rddreg [dreg:$0x2]  }
0x4: {  	s25 =	rddreg [dreg:$0x3]  }
0x5: {  	s5 =	stileid.u32;
	s0 =	srdreg.scid;
	s6 =	simm.s32 $0x0  }
0x6: {  	s28 =	simm.s32 $0x1;
	s29 =	simm.s32 $0x50;
	s30 =	simm.s32 $0x200  }
0x7: {  	s31 =	simm.s32 $0x5200;
	s1 =	smul.u32 $0x13C00, s5;
	s0 =	sand.u32 $0x1, s0  }
0x8: {  	[smem:$0x7FF] =	sst s6;
	s7 =	sadd.s32 $0x540400, s9;
	s4 =	smul.u32 $0x4F000, s5  }
0x9: {  	s14 =	sshll.u32 s5, $0x6;
	s2 =	smul.u32 $0x13C000, s0;
	_ =	strace $0x8000004A  }
0xa: {  	s13 =	ssub.s32 $0x2, s0;
	s0 =	sshll.u32 s0, $0x4;
	s3 =	sshrl.u32 s1, $0x3  }
0xb: {  	s8 =	sshrl.u32 s13, $0x1;
	s0 =	sor.u32 s5, s0;
	s4 =	sshrl.u32 s4, $0x2  }
0xc: {  	s5 =	sor.u32 $0x1C0A, s14;
	s3 =	sadd.s32 s3, s9;
	s1 =	sadd.s32 s1, s2  }
0xd: {  	s2 =	ssub.s32 s13, s8;
	s8 =	smul.u32 $0x2710, s0;
	s4 =	sadd.s32 s4, s25  }
0xe: {  	s15 =	smul.u32 $0x27100, s0;
	s12 =	sshll.u32 s0, $0xE;
	s16 =	sshll.u32 s0, $0xB  }
0xf: {  	s0 =	smul.u32 $0x138800, s0;
	[dreg:$0x7] =	wrdreg s5;
	s1 =	sshrl.u32 s1, $0x3  }
0x10: {  	[dreg:$0x5] =	wrdreg s4;
	s3 =	sadd.s32 $0x37200, s3;
	s11 =	sadd.s32 s10, s16  }
0x11: {  	s13 =	sadd.s32 s9, s16;
	s4 =	sor.u32 $0x10, s16;
	[dreg:$0x6] =	wrdreg s3  }
0x12: {  	s26 =	smax.u32 s2, $0x1;
	s2 =	simm.s32 $0xA;
	[dreg:$0x8] =	wrdreg s11  }
0x13: {  	s16 =	simm.s32 $0x2A00;
	s1 =	sadd.s32 s1, s9;
	[dreg:$0x9] =	wrdreg s13  }
0x14: {  	s3 =	sadd.s32 s7, s15;
	s17 =	sadd.s32 s10, s4;
	[dreg:$0x13] =	wrdreg s26  }
0x15: {  	s0 =	sshrl.u32 s0, $0x3;
	s18 =	sadd.s32 s9, s4;
	[dreg:$0xa] =	wrdreg s3  }
0x16: {  	s19 =	sadd.s32 $0x20, s11;
	s21 =	sadd.s32 $0x30, s11;
	[dreg:$0xb] =	wrdreg s17  }
0x17: {  	s22 =	sadd.s32 $0x7C0, s13;
	s26 =	simm.s32 $0x100;
	[dreg:$0xc] =	wrdreg s18  }
0x18: {  	s9 =	simm.s32 $0x5;
	s10 =	simm.s32 $0x7;
	[dreg:$0xd] =	wrdreg s19  }
0x19: {  	s15 =	simm.s32 $0x2;
	s0 =	sadd.s32 s7, s0;
	[dreg:$0xf] =	wrdreg s21  }
0x1a: {  	[dreg:$0x11] =	wrdreg s22;
	s24 =	sadd.s32 $0x5EA00, s1;
	s17 =	simm.s32 $0x3  }
0x1b: {  	s18 =	simm.s32 $0x6;
	s19 =	simm.s32 $0x4;
	s21 =	simm.s32 $0x9  }
0x1c: {  	s3 =	simm.s32 $0x0;
	s20 =	sadd.s32 $0x500, s0;
	[dreg:$0x12] =	wrdreg s24  }
0x1d: {  	s0 =	sadd.s32 $0xA00, s0;
	s24 =	simm.s32 $0x0;
	[dreg:$0xe] =	wrdreg s20  }
0x1e: {  	[dreg:$0x10] =	wrdreg s0;
	s0 =	simm.s32 $0x80;
	s20 =	simm.s32 $0x8  }
.LBB2_1:
0x1f: {  	[dreg:$0x14] =	wrdreg s3  }
0x20: {  	s1 =	rddreg [dreg:$0x5]  }
0x21: {  	s22 =	rddreg [dreg:$0x6];
	s14 =	sshrl.u32 s1, $0x3  }
0x22: {  	[dreg:$0x15] =	wrdreg s14  }
0x23: {  	[spmem:s14], [sflag:s5] =	dma.local [hbm:s22], $0x2780  }
0x24: {  	_ =	swait.ge [sflag:s2], $0x2780  }
0x25: {  	[sflag:s2] =	ssyncset.done $0x0  }
0x26: {  	[sflag:s2] =	ssyncadd.s32 $0xFFFFD880  }
0x27: {  	[bflag:$0x0] =	sbarrier.arrive $0xFFFF  }
0x28: {  	s3 =	rddreg [dreg:$0x8]  }
0x29: {  	[tilespmem:s6], [sflag:$0x1] =	stream.linear.gather [hbm4b:s3+s6], $0x80, $0x38;
	[tilespmem:$0x1B600] =	vst v63  }
0x2a: {  	s4 =	rddreg [dreg:$0x9]  }
0x2b: {  	[tilespmem:s26], [sflag:$0x3] =	stream.linear.gather [hbm4b:s4+s6], $0x80, $0x38;
	[tilespmem:$0x1B600] =	vst v63  }
0x2c: {  	_ =	swait.ge [sflag:s28], $0x80  }
0x2d: {  	[sflag:s28] =	ssyncset.done $0x0  }
0x2e: {  	[sflag:s28] =	ssyncadd.s32 $0xFFFFFF80  }
0x2f: {  	[tilespmem:s30], [sflag:$0x5] =	stream.indirect.gather [hbm4b:s23+s29], $0x80, s6, s29, $0xb8;
	[tilespmem:$0x1B600] =	vst v63  }
0x30: {  	s5 =	rddreg [dreg:$0xa]  }
0x31: {  	[tilespmem:s31], [sflag:$0x7] =	stream.linear.gather [hbm4b:s5+s6], $0x2800, $0x38;
	[tilespmem:$0x1B600] =	vst v63  }
0x32: {  	s11 =	rddreg [dreg:$0xb]  }
0x33: {  	[tilespmem:s0], [sflag:$0x2] =	stream.linear.gather [hbm4b:s11+s6], $0x80, $0x38;
	[tilespmem:$0x1B600] =	vst v63  }
0x34: {  	s14 =	simm.s32 $0x180;
	s13 =	rddreg [dreg:$0xc]  }
0x35: {  	[tilespmem:s14], [sflag:$0x4] =	stream.linear.gather [hbm4b:s13+s6], $0x80, $0x38;
	[tilespmem:$0x1B600] =	vst v63  }
0x36: {  	_ =	swait.ge [sflag:s9], $0x2800  }
0x37: {  	[sflag:s9] =	ssyncset.done $0x0  }
0x38: {  	s22 =	rddreg [dreg:$0xd];
	[sflag:s9] =	ssyncadd.s32 $0xFFFFD800  }
0x39: {  	[tilespmem:s6], [sflag:$0x1] =	stream.linear.gather [hbm4b:s22+s6], $0x80, $0x38;
	[tilespmem:$0x1B600] =	vst v63  }
0x3a: {  	_ =	swait.ge [sflag:s10], $0x2800  }
0x3b: {  	[sflag:s10] =	ssyncset.done $0x0  }
0x3c: {  	s13 =	simm.s32 $0x0;
	[sflag:s10] =	ssyncadd.s32 $0xFFFFD800  }
0x3d: {  	v0 =	vld [tilespmem:s13+$0x5270]  }
0x3e: {  	v1 =	vld [tilespmem:s13+$0x5200]  }
0x3f: {  	v2 =	vld [tilespmem:s13+$0x5230]  }
0x40: {  	v3 =	vld [tilespmem:s13+$0x5260]  }
0x41: {  	v4 =	vld [tilespmem:s13+$0x5240]  }
0x42: {  	v5 =	vld [tilespmem:s13+$0x5250]  }
0x43: {  	v6 =	vld [tilespmem:s13+$0x250]  }
0x44: {  	v7 =	vld [tilespmem:s13+$0x240]  }
0x45: {  	v12 =	vld [tilespmem:s13+$0x5220]  }
0x46: {  	v9 =	vld [tilespmem:s13+$0x210]  }
0x47: {  	v8 =	vld [tilespmem:s13+$0x270]  }
0x48: {  	v11 =	vld [tilespmem:s13+$0x230];
	v17 =	vadd.f32 v5, v6  }
0x49: {  	v15 =	vld [tilespmem:s13+$0x200];
	v13 =	vadd.f32 v4, v7  }
0x4a: {  	s11 =	simm.s32 $0x80;
	v5 =	vld [tilespmem:s13+$0x260];
	v6 =	vsub.f32 $0.0e+00, v17  }
0x4b: {  	v16 =	vld [tilespmem:s11+$0x5270];
	v14 =	vsub.f32 $0.0e+00, v13  }
0x4c: {  	v19 =	vld [tilespmem:s11+$0x250];
	v10 =	vadd.f32 v0, v8;
	v0 =	vmul.f32 $1.442695020e+00, v6  }
0x4d: {  	v20 =	vld [tilespmem:s11+$0x5230];
	v11 =	vadd.f32 v2, v11;
	v2 =	vmul.f32 $1.442695020e+00, v14  }
0x4e: {  	v4 =	vld [tilespmem:s13+$0x5210];
	(erf) = vpow2.f32 v0  }
0x4f: {  	v22 =	vld [tilespmem:s11+$0x230];
	v8 =	vadd.f32 v3, v5;
	v0 =	vsub.f32 $0.0e+00, v10;
	(erf) = vpow2.f32 v2  }
0x50: {  	v7 =	vld [tilespmem:s13+$0x220];
	v2 =	vsub.f32 $0.0e+00, v11  }
0x51: {  	v14 =	vld [tilespmem:s11+$0x5250];
	v6 =	vsub.f32 $0.0e+00, v8;
	v0 =	vmul.f32 $1.442695020e+00, v0  }
0x52: {  	v5 =	vld [tilespmem:s11+$0x5240];
	v2 =	vmul.f32 $1.442695020e+00, v2  }
0x53: {  	v9 =	vadd.f32 v4, v9;
	v4 =	vmul.f32 $1.442695020e+00, v6;
	v6 =	vld [tilespmem:s11+$0x240];
	(erf) = vpow2.f32 v0  }
0x54: {  	v18 =	vadd.f32 v1, v15;
	v1 =	vld [tilespmem:s11+$0x210];
	(erf) = vpow2.f32 v2  }
0x55: {  	v15 =	vld [tilespmem:s11+$0x5210];
	v0 =	vsub.f32 $0.0e+00, v9;
	(erf) = vpow2.f32 v4  }
0x56: {  	v2 =	vld [tilespmem:s11+$0x270];
	v4 =	vsub.f32 $0.0e+00, v18  }
0x57: {  	v3 =	vld [tilespmem:s11+$0x5200];
	v21 =	vmul.f32 $1.442695020e+00, v0;
	v0 =	vadd.f32 v14, v19;
	v14 =	vpop (erf)  }
0x58: {  	v19 =	vld [tilespmem:s11+$0x200];
	v4 =	vmul.f32 $1.442695020e+00, v4;
	v6 =	vadd.f32 v5, v6;
	v5 =	vpop (erf)  }
0x59: {  	v23 =	vld [tilespmem:s11+$0x5260];
	(erf) = vpow2.f32 v21;
	v21 =	vsub.f32 $0.0e+00, v0;
	v24 =	vadd.f32 $1.000000000e+00, v5  }
0x5a: {  	s4 =	simm.s32 $0x100;
	v25 =	vld [tilespmem:s11+$0x5220];
	v1 =	vadd.f32 v15, v1;
	(erf) = vpow2.f32 v4;
	v4 =	vsub.f32 $0.0e+00, v6  }
0x5b: {  	v26 =	vld [tilespmem:s4+$0x5200];
	v14 =	vadd.f32 $1.000000000e+00, v14;
	v2 =	vadd.f32 v16, v2;
	v15 =	vmul.f32 $1.442695020e+00, v21  }
0x5c: {  	v16 =	vld [tilespmem:s11+$0x260];
	v5 =	vadd.f32 v12, v7;
	v7 =	vmul.f32 $1.442695020e+00, v4;
	v12 =	vpop (erf);
	(erf) = vrcp.f32 v24  }
0x5d: {  	v28 =	vld [tilespmem:s4+$0x5240];
	v3 =	vadd.f32 v3, v19;
	v19 =	vsub.f32 $0.0e+00, v1;
	(erf) = vpow2.f32 v15;
	v24 =	vpop (erf)  }
0x5e: {  	v31 =	vld [tilespmem:s4+$0x240];
	v4 =	vadd.f32 v20, v22;
	v22 =	vsub.f32 $0.0e+00, v5;
	(erf) = vpow2.f32 v7;
	v20 =	vpop (erf)  }
0x5f: {  	v33 =	vld [tilespmem:s4+$0x210];
	v27 =	vsub.f32 $0.0e+00, v2;
	v20 =	vadd.f32 $1.000000000e+00, v20  }
0x60: {  	v35 =	vld [tilespmem:s4+$0x5210];
	v29 =	vsub.f32 $0.0e+00, v4;
	v22 =	vmul.f32 $1.442695020e+00, v22;
	(erf) = vrcp.f32 v14  }
0x61: {  	v7 =	vadd.f32 v23, v16;
	v16 =	vld [tilespmem:s4+$0x5250];
	v14 =	vmul.f32 $1.442695020e+00, v27;
	(erf) = vrcp.f32 v20  }
0x62: {  	v27 =	vld [tilespmem:s4+$0x250];
	v29 =	vmul.f32 $1.442695020e+00, v29;
	v23 =	vpop (erf);
	v20 =	vsub.f32 $0.0e+00, v3;
	(erf) = vpow2.f32 v22  }
0x63: {  	v15 =	vld [tilespmem:s4+$0x5270];
	v24 =	vadd.f32 $1.000000000e+00, v24;
	v30 =	vpop (erf);
	v22 =	vsub.f32 $0.0e+00, v7;
	(erf) = vpow2.f32 v14  }
0x64: {  	v14 =	vmul.f32 $1.442695020e+00, v20;
	v20 =	vadd.f32 $1.000000000e+00, v30;
	v30 =	vld [tilespmem:s4+$0x270];
	(erf) = vpow2.f32 v29  }
0x65: {  	v21 =	vld [tilespmem:s11+$0x220];
	v12 =	vadd.f32 $1.000000000e+00, v12;
	v29 =	vmul.f32 $1.442695020e+00, v22;
	v32 =	vpop (erf);
	(erf) = vrcp.f32 v24  }
0x66: {  	v37 =	vld [tilespmem:s4+$0x200];
	v34 =	vadd.f32 $1.000000000e+00, v23;
	v23 =	vpop (erf);
	v36 =	vmul.f32 v32, v13;
	(erf) = vrcp.f32 v20  }
0x67: {  	v22 =	vld [tilespmem:s4+$0x5230];
	v23 =	vadd.f32 $1.000000000e+00, v23;
	v13 =	vpop (erf);
	(erf) = vrcp.f32 v12;
	v12 =	vadd.f32 v16, v27  }
0x68: {  	v19 =	vmul.f32 $1.442695020e+00, v19;
	v24 =	vld [tilespmem:s4+$0x5260];
	v38 =	vadd.f32 $1.000000000e+00, v13;
	v16 =	vadd.f32 v28, v31  }
0x69: {  	v20 =	vpop (erf);
	(erf) = vpow2.f32 v29;
	v13 =	vadd.f32 v15, v30;
	v30 =	vld [tilespmem:s4+$0x260];
	v27 =	vsub.f32 $0.0e+00, v12  }
0x6a: {  	v28 =	vld [tilespmem:s4+$0x230];
	v15 =	vadd.f32 v25, v21;
	v21 =	vmul.f32 v20, v17;
	(erf) = vpow2.f32 v19;
	v25 =	vpop (erf)  }
0x6b: {  	v31 =	vsub.f32 $0.0e+00, v16;
	(erf) = vpow2.f32 v14;
	v14 =	vadd.f32 v35, v33;
	v17 =	vpop (erf)  }
0x6c: {  	v20 =	vld [tilespmem:s4+$0x220];
	(erf) = vrcp.f32 v34;
	v33 =	vmul.f32 $1.442695020e+00, v27;
	v29 =	vpop (erf);
	v32 =	vadd.f32 $1.000000000e+00, v17  }
0x6d: {  	s14 =	simm.s32 $0x600;
	[tilespmem:s13+$0x240] =	vst v36;
	v19 =	vld [tilespmem:s4+$0x5220];
	v17 =	vadd.f32 v26, v37;
	v26 =	vsub.f32 $0.0e+00, v14;
	(erf) = vrcp.f32 v38;
	v27 =	vpop (erf)  }
.LBB2_2:
0x6e: {  	v30 =	vadd.f32 v24, v30  }
0x6f: {  	s3 =	sshra.s32 s14, $0x2;
	p0 =	sne.s32 s14, $0x9E00;
	s14 =	sadd.s32 $0x200, s14;
	(erf) = vpow2.f32 v33;
	v39 =	vmul.f32 v25, v8;
	v24 =	vpop (erf);
	v28 =	vadd.f32 v22, v28  }
0x70: {  	v31 =	vmul.f32 $1.442695020e+00, v31;
	v25 =	vld [tilespmem:s3+$0x5270];
	v33 =	vsub.f32 $0.0e+00, v17;
	v37 =	vmul.f32 v24, v11;
	v22 =	vpop (erf)  }
0x71: {  	v34 =	vld [tilespmem:s3+$0x5200];
	v35 =	vsub.f32 $0.0e+00, v30;
	v18 =	vmul.f32 v22, v18;
	[tilespmem:s13+$0x260] =	vst v39;
	(erf) = vrcp.f32 v32;
	v8 =	vpop (erf)  }
0x72: {  	v38 =	vsub.f32 $0.0e+00, v13;
	v29 =	vadd.f32 $1.000000000e+00, v29;
	v22 =	vld [tilespmem:s3+$0x5230];
	v36 =	vpop (erf);
	[tilespmem:s13+$0x230] =	vst v37;
	v39 =	vmul.f32 v8, v10  }
0x73: {  	v27 =	vadd.f32 $1.000000000e+00, v27;
	v33 =	vmul.f32 $1.442695020e+00, v33;
	v10 =	vsub.f32 $0.0e+00, v15;
	v24 =	vld [tilespmem:s3+$0x5260];
	v11 =	vpop (erf);
	[tilespmem:s13+$0x200] =	vst v18  }
0x74: {  	v18 =	vmul.f32 $1.442695020e+00, v38;
	v37 =	vld [tilespmem:s3+$0x5240];
	(erf) = vpow2.f32 v31;
	v31 =	vadd.f32 $1.000000000e+00, v36;
	v32 =	vpop (erf);
	[tilespmem:s13+$0x270] =	vst v39  }
0x75: {  	v38 =	vsub.f32 $0.0e+00, v28;
	v35 =	vmul.f32 $1.442695020e+00, v35;
	v10 =	vmul.f32 $1.442695020e+00, v10;
	v36 =	vld [tilespmem:s3+$0x5220];
	v8 =	vpop (erf)  }
0x76: {  	v32 =	vadd.f32 $1.000000000e+00, v32;
	v39 =	vld [tilespmem:s3+$0x5250];
	(erf) = vrcp.f32 v23;
	v9 =	vmul.f32 v8, v9;
	v8 =	vmovc v7;
	v7 =	vmovc v30  }
0x77: {  	v26 =	vmul.f32 $1.442695020e+00, v26;
	v40 =	vadd.f32 $1.000000000e+00, v11;
	v30 =	vld [tilespmem:s3+$0x250];
	v11 =	vpop (erf);
	(erf) = vrcp.f32 v31  }
0x78: {  	v43 =	vmul.f32 $1.442695020e+00, v38;
	v31 =	vld [tilespmem:s3+$0x240];
	v23 =	vpop (erf);
	(erf) = vpow2.f32 v10;
	[tilespmem:s13+$0x210] =	vst v9  }
0x79: {  	v41 =	vld [tilespmem:s3+$0x210];
	v23 =	vadd.f32 $1.000000000e+00, v23;
	(erf) = vpow2.f32 v18;
	v18 =	vmul.f32 v11, v6;
	[tilespmem:s13+$0x250] =	vst v21;
	v11 =	vmovc v4;
	v4 =	vmovc v28  }
0x7a: {  	v38 =	vmov v19;
	v21 =	vld [tilespmem:s3+$0x270];
	(erf) = vpow2.f32 v43;
	v9 =	vpop (erf);
	v19 =	vmov v36  }
0x7b: {  	v42 =	vmovc v0;
	v0 =	vmovc v12;
	v36 =	vld [tilespmem:s3+$0x5210];
	[tilespmem:s11+$0x240] =	vst v18;
	(erf) = vrcp.f32 v27;
	v44 =	vmul.f32 v9, v5;
	v27 =	vmov v20  }
0x7c: {  	v10 =	vmovc v2;
	v2 =	vmovc v13;
	v6 =	vmov v16;
	v5 =	vmov v15;
	v28 =	vld [tilespmem:s3+$0x230];
	(erf) = vrcp.f32 v32  }
0x7d: {  	v9 =	vmov v1;
	v1 =	vmov v14;
	v20 =	vld [tilespmem:s3+$0x220];
	v13 =	vpop (erf);
	(erf) = vrcp.f32 v29;
	[tilespmem:s13+$0x220] =	vst v44;
	s13 =	smov.u32 s11;
	s11 =	smov.u32 s4;
	s4 =	smov.u32 s3  }
0x7e: {  	v12 =	vadd.f32 v39, v30;
	v18 =	vmovc v3;
	v3 =	vmovc v17;
	v43 =	vld [tilespmem:s4+$0x200];
	v39 =	vadd.f32 $1.000000000e+00, v13;
	(erf) = vpow2.f32 v35  }
.Ltmp0:
0x7f: {  	v15 =	vadd.f32 v38, v27;
	v30 =	vld [tilespmem:s4+$0x260];
	v13 =	vadd.f32 v25, v21;
	(erf) = vpow2.f32 v26;
	v17 =	vpop (erf);
	(pc) =	sbr.rel @p0 .LBB2_2-.Ltmp0, $4  }
0x80: {  	v16 =	vadd.f32 v37, v31;
	v26 =	vsub.f32 $0.0e+00, v12;
	(erf) = vpow2.f32 v33;
	v25 =	vpop (erf)  }
0x81: {  	v14 =	vadd.f32 v36, v41;
	v21 =	vmul.f32 v17, v42;
	(erf) = vrcp.f32 v40;
	v17 =	vpop (erf)  }
0x82: {  	v31 =	vsub.f32 $0.0e+00, v16;
	v33 =	vmul.f32 $1.442695020e+00, v26;
	v29 =	vpop (erf);
	v32 =	vadd.f32 $1.000000000e+00, v17  }
0x83: {  	v26 =	vsub.f32 $0.0e+00, v14;
	v17 =	vadd.f32 v34, v43;
	v27 =	vpop (erf);
	(erf) = vrcp.f32 v39  }
0x84: {  	v34 =	vpop (erf)  }
0x85: {  	v35 =	vpop (erf)  }
0x86: {  	v51 =	vpop (erf)  }
0x87: {  	(erf) = vpow2.f32 v33;
	v31 =	vmul.f32 $1.442695020e+00, v31;
	v22 =	vadd.f32 v22, v28;
	v28 =	vpop (erf)  }
0x88: {  	v52 =	vsub.f32 $0.0e+00, v15;
	(erf) = vrcp.f32 v32;
	v28 =	vadd.f32 $1.000000000e+00, v28  }
0x89: {  	v36 =	vsub.f32 $0.0e+00, v13;
	(erf) = vpow2.f32 v31;
	v31 =	vsub.f32 $0.0e+00, v22  }
0x8a: {  	v32 =	vmul.f32 $1.442695020e+00, v52  }
0x8b: {  	(erf) = vrcp.f32 v23;
	v23 =	vmul.f32 $1.442695020e+00, v36  }
0x8c: {  	v24 =	vadd.f32 v24, v30;
	v30 =	vmul.f32 $1.442695020e+00, v31;
	(erf) = vrcp.f32 v28;
	v28 =	vpop (erf)  }
0x8d: {  	v27 =	vadd.f32 $1.000000000e+00, v27;
	(erf) = vpow2.f32 v32;
	v31 =	vpop (erf)  }
0x8e: {  	(erf) = vpow2.f32 v23;
	v23 =	vsub.f32 $0.0e+00, v24;
	v31 =	vadd.f32 $1.000000000e+00, v31  }
0x8f: {  	v29 =	vadd.f32 $1.000000000e+00, v29;
	v53 =	vpop (erf);
	(erf) = vpow2.f32 v30  }
0x90: {  	v30 =	vpop (erf);
	(erf) = vrcp.f32 v27;
	v23 =	vmul.f32 $1.442695020e+00, v23  }
0x91: {  	v27 =	vpop (erf);
	(erf) = vrcp.f32 v31  }
0x92: {  	v31 =	vpop (erf);
	(erf) = vrcp.f32 v29  }
0x93: {  	v29 =	vpop (erf);
	(erf) = vpow2.f32 v23  }
0x94: {  	v23 =	vpop (erf)  }
0x95: {  	v26 =	vmul.f32 $1.442695020e+00, v26;
	v54 =	vpop (erf)  }
0x96: {  	v37 =	vsub.f32 $0.0e+00, v17;
	v38 =	vpop (erf)  }
0x97: {  	v39 =	vpop (erf)  }
0x98: {  	v37 =	vmul.f32 $1.442695020e+00, v37;
	v29 =	vadd.f32 $1.000000000e+00, v29;
	v40 =	vpop (erf)  }
0x99: {  	v28 =	vadd.f32 $1.000000000e+00, v28;
	(erf) = vpow2.f32 v26;
	v26 =	vpop (erf)  }
0x9a: {  	v19 =	vadd.f32 v19, v20;
	(erf) = vpow2.f32 v37;
	v20 =	vpop (erf)  }
0x9b: {  	(erf) = vrcp.f32 v28;
	v28 =	vadd.f32 $1.000000000e+00, v38;
	v55 =	vpop (erf)  }
0x9c: {  	v56 =	vsub.f32 $0.0e+00, v19;
	v27 =	vadd.f32 $1.000000000e+00, v27;
	(erf) = vrcp.f32 v29;
	v29 =	vpop (erf)  }
0x9d: {  	v8 =	vmul.f32 v25, v8;
	(erf) = vrcp.f32 v28;
	v28 =	vadd.f32 $1.000000000e+00, v29  }
0x9e: {  	(erf) = vrcp.f32 v27;
	v27 =	vmul.f32 $1.442695020e+00, v56  }
0x9f: {  	v11 =	vmul.f32 v34, v11;
	(erf) = vrcp.f32 v28  }
0xa0: {  	[tilespmem:s13+$0x250] =	vst v21;
	v18 =	vmul.f32 v35, v18;
	(erf) = vpow2.f32 v27  }
0xa1: {  	[tilespmem:s13+$0x260] =	vst v8;
	v10 =	vmul.f32 v51, v10  }
0xa2: {  	[tilespmem:s13+$0x230] =	vst v11;
	v9 =	vmul.f32 v53, v9;
	v8 =	vpop (erf)  }
0xa3: {  	[tilespmem:s13+$0x200] =	vst v18;
	v25 =	vadd.f32 $1.000000000e+00, v40;
	v11 =	vpop (erf)  }
0xa4: {  	[tilespmem:s13+$0x210] =	vst v9;
	v9 =	vadd.f32 $1.000000000e+00, v11;
	v18 =	vpop (erf)  }
0xa5: {  	[tilespmem:s13+$0x270] =	vst v10;
	v5 =	vmul.f32 v31, v5;
	v21 =	vadd.f32 $1.000000000e+00, v39;
	(erf) = vrcp.f32 v25;
	v10 =	vpop (erf)  }
0xa6: {  	v6 =	vmul.f32 v30, v6;
	v11 =	vpop (erf);
	(erf) = vrcp.f32 v9  }
0xa7: {  	v25 =	vpop (erf);
	(erf) = vrcp.f32 v21  }
0xa8: {  	[tilespmem:s11+$0x240] =	vst v6;
	v6 =	vmul.f32 v54, v7;
	v7 =	vadd.f32 $1.000000000e+00, v8;
	v1 =	vmul.f32 v18, v1;
	v8 =	vpop (erf)  }
0xa9: {  	[tilespmem:s13+$0x220] =	vst v5;
	v0 =	vmul.f32 v23, v0;
	v5 =	vpop (erf)  }
0xaa: {  	v2 =	vmul.f32 v55, v2;
	[tilespmem:s11+$0x210] =	vst v1;
	v1 =	vmul.f32 v10, v16;
	v5 =	vadd.f32 $1.000000000e+00, v5  }
0xab: {  	[tilespmem:s11+$0x250] =	vst v0;
	(erf) = vrcp.f32 v7  }
0xac: {  	[tilespmem:s4+$0x240] =	vst v1;
	v1 =	vmul.f32 v8, v24;
	(erf) = vrcp.f32 v5  }
0xad: {  	[tilespmem:s11+$0x260] =	vst v6;
	v0 =	vmul.f32 v11, v15  }
0xae: {  	[tilespmem:s11+$0x270] =	vst v2;
	v2 =	vpop (erf)  }
0xaf: {  	[tilespmem:s11+$0x220] =	vst v0;
	v0 =	vmul.f32 v2, v22;
	v2 =	vpop (erf)  }
0xb0: {  	v4 =	vmul.f32 v26, v4;
	[tilespmem:s4+$0x260] =	vst v1;
	v1 =	vpop (erf)  }
0xb1: {  	v3 =	vmul.f32 v20, v3;
	[tilespmem:s4+$0x230] =	vst v0;
	v0 =	vmul.f32 v1, v13  }
0xb2: {  	[tilespmem:s11+$0x230] =	vst v4;
	v2 =	vmul.f32 v2, v17  }
0xb3: {  	[tilespmem:s11+$0x200] =	vst v3  }
0xb4: {  	[tilespmem:s4+$0x200] =	vst v2;
	v2 =	vmul.f32 v25, v12;
	v1 =	vpop (erf)  }
0xb5: {  	[tilespmem:s4+$0x270] =	vst v0;
	v1 =	vmul.f32 v1, v14;
	v0 =	vpop (erf)  }
0xb6: {  	[tilespmem:s4+$0x250] =	vst v2;
	v0 =	vmul.f32 v0, v19  }
0xb7: {  	[tilespmem:s4+$0x210] =	vst v1  }
0xb8: {  	[tilespmem:s4+$0x220] =	vst v0  }
0xb9: {  	s1 =	simm.s32 $0x0;
	s2 =	rddreg [dreg:$0xe]  }
0xba: {  	[tilespmem:s31], [sflag:$0x7] =	stream.linear.gather [hbm4b:s2+s1], $0x2800, $0x38;
	[tilespmem:$0x1B600] =	vst v63  }
0xbb: {  	_ =	swait.ge [sflag:s15], $0x80  }
0xbc: {  	[sflag:s15] =	ssyncset.done $0x0  }
0xbd: {  	[sflag:s15] =	ssyncadd.s32 $0xFFFFFF80  }
0xbe: {  	[tilespmem:s16], [sflag:$0x6] =	stream.indirect.gather [hbm4b:s23+s29], $0x80, s0, s29, $0xb8;
	[tilespmem:$0x1B600] =	vst v63  }
0xbf: {  	_ =	swait.ge [sflag:s17], $0x80  }
0xc0: {  	[sflag:s17] =	ssyncset.done $0x0  }
0xc1: {  	[sflag:s17] =	ssyncadd.s32 $0xFFFFFF80  }
0xc2: {  	[spmem:s25] =	stream.indirect.scatter.add.f32 [tilespmem:s30], [sflag:$0x8], $0x80, s26, s29, $0xb8;
	[tilespmem:$0x1B600] =	vst v63  }
0xc3: {  	_ =	swait.ge [sflag:s18], $0x2800  }
0xc4: {  	[sflag:s18] =	ssyncset.done $0x0  }
0xc5: {  	s22 =	rddreg [dreg:$0xf];
	[sflag:s18] =	ssyncadd.s32 $0xFFFFD800  }
0xc6: {  	[tilespmem:s0], [sflag:$0x2] =	stream.linear.gather [hbm4b:s22+s1], $0x80, $0x38;
	[tilespmem:$0x1B600] =	vst v63  }
0xc7: {  	_ =	swait.ge [sflag:s10], $0x2800  }
0xc8: {  	[sflag:s10] =	ssyncset.done $0x0  }
0xc9: {  	s13 =	simm.s32 $0x0;
	[sflag:s10] =	ssyncadd.s32 $0xFFFFD800  }
0xca: {  	v0 =	vld [tilespmem:s13+$0x5270]  }
0xcb: {  	v1 =	vld [tilespmem:s13+$0x5200]  }
0xcc: {  	v2 =	vld [tilespmem:s13+$0x5230]  }
0xcd: {  	v3 =	vld [tilespmem:s13+$0x5260]  }
0xce: {  	v4 =	vld [tilespmem:s13+$0x5240]  }
0xcf: {  	v5 =	vld [tilespmem:s13+$0x5250]  }
0xd0: {  	v6 =	vld [tilespmem:s13+$0x2A50]  }
0xd1: {  	v7 =	vld [tilespmem:s13+$0x2A40]  }
0xd2: {  	v12 =	vld [tilespmem:s13+$0x5220]  }
0xd3: {  	v9 =	vld [tilespmem:s13+$0x2A10]  }
0xd4: {  	v8 =	vld [tilespmem:s13+$0x2A70]  }
0xd5: {  	v11 =	vld [tilespmem:s13+$0x2A30];
	v17 =	vadd.f32 v5, v6  }
0xd6: {  	v15 =	vld [tilespmem:s13+$0x2A00];
	v13 =	vadd.f32 v4, v7  }
0xd7: {  	s11 =	simm.s32 $0x80;
	v5 =	vld [tilespmem:s13+$0x2A60];
	v6 =	vsub.f32 $0.0e+00, v17  }
0xd8: {  	v16 =	vld [tilespmem:s11+$0x5270];
	v14 =	vsub.f32 $0.0e+00, v13  }
0xd9: {  	v19 =	vld [tilespmem:s11+$0x2A50];
	v10 =	vadd.f32 v0, v8;
	v0 =	vmul.f32 $1.442695020e+00, v6  }
0xda: {  	v20 =	vld [tilespmem:s11+$0x5230];
	v11 =	vadd.f32 v2, v11;
	v2 =	vmul.f32 $1.442695020e+00, v14  }
0xdb: {  	v4 =	vld [tilespmem:s13+$0x5210];
	(erf) = vpow2.f32 v0  }
0xdc: {  	v22 =	vld [tilespmem:s11+$0x2A30];
	v8 =	vadd.f32 v3, v5;
	v0 =	vsub.f32 $0.0e+00, v10;
	(erf) = vpow2.f32 v2  }
0xdd: {  	v7 =	vld [tilespmem:s13+$0x2A20];
	v2 =	vsub.f32 $0.0e+00, v11  }
0xde: {  	v14 =	vld [tilespmem:s11+$0x5250];
	v6 =	vsub.f32 $0.0e+00, v8;
	v0 =	vmul.f32 $1.442695020e+00, v0  }
0xdf: {  	v5 =	vld [tilespmem:s11+$0x5240];
	v2 =	vmul.f32 $1.442695020e+00, v2  }
0xe0: {  	v9 =	vadd.f32 v4, v9;
	v4 =	vmul.f32 $1.442695020e+00, v6;
	v6 =	vld [tilespmem:s11+$0x2A40];
	(erf) = vpow2.f32 v0  }
0xe1: {  	v18 =	vadd.f32 v1, v15;
	v1 =	vld [tilespmem:s11+$0x2A10];
	(erf) = vpow2.f32 v2  }
0xe2: {  	v15 =	vld [tilespmem:s11+$0x5210];
	v0 =	vsub.f32 $0.0e+00, v9;
	(erf) = vpow2.f32 v4  }
0xe3: {  	v2 =	vld [tilespmem:s11+$0x2A70];
	v4 =	vsub.f32 $0.0e+00, v18  }
0xe4: {  	v3 =	vld [tilespmem:s11+$0x5200];
	v21 =	vmul.f32 $1.442695020e+00, v0;
	v0 =	vadd.f32 v14, v19;
	v14 =	vpop (erf)  }
0xe5: {  	v19 =	vld [tilespmem:s11+$0x2A00];
	v4 =	vmul.f32 $1.442695020e+00, v4;
	v6 =	vadd.f32 v5, v6;
	v5 =	vpop (erf)  }
0xe6: {  	v23 =	vld [tilespmem:s11+$0x5260];
	(erf) = vpow2.f32 v21;
	v21 =	vsub.f32 $0.0e+00, v0;
	v24 =	vadd.f32 $1.000000000e+00, v5  }
0xe7: {  	s4 =	simm.s32 $0x100;
	v25 =	vld [tilespmem:s11+$0x5220];
	v1 =	vadd.f32 v15, v1;
	(erf) = vpow2.f32 v4;
	v4 =	vsub.f32 $0.0e+00, v6  }
0xe8: {  	v26 =	vld [tilespmem:s4+$0x5200];
	v14 =	vadd.f32 $1.000000000e+00, v14;
	v2 =	vadd.f32 v16, v2;
	v15 =	vmul.f32 $1.442695020e+00, v21  }
0xe9: {  	v16 =	vld [tilespmem:s11+$0x2A60];
	v5 =	vadd.f32 v12, v7;
	v7 =	vmul.f32 $1.442695020e+00, v4;
	v12 =	vpop (erf);
	(erf) = vrcp.f32 v24  }
0xea: {  	v28 =	vld [tilespmem:s4+$0x5240];
	v3 =	vadd.f32 v3, v19;
	v19 =	vsub.f32 $0.0e+00, v1;
	(erf) = vpow2.f32 v15;
	v24 =	vpop (erf)  }
0xeb: {  	v31 =	vld [tilespmem:s4+$0x2A40];
	v4 =	vadd.f32 v20, v22;
	v22 =	vsub.f32 $0.0e+00, v5;
	(erf) = vpow2.f32 v7;
	v20 =	vpop (erf)  }
0xec: {  	v58 =	vld [tilespmem:s4+$0x2A10];
	v27 =	vsub.f32 $0.0e+00, v2;
	v20 =	vadd.f32 $1.000000000e+00, v20  }
0xed: {  	v60 =	vld [tilespmem:s4+$0x5210];
	v29 =	vsub.f32 $0.0e+00, v4;
	v22 =	vmul.f32 $1.442695020e+00, v22;
	(erf) = vrcp.f32 v14  }
0xee: {  	v7 =	vadd.f32 v23, v16;
	v16 =	vld [tilespmem:s4+$0x5250];
	v14 =	vmul.f32 $1.442695020e+00, v27;
	(erf) = vrcp.f32 v20  }
0xef: {  	v27 =	vld [tilespmem:s4+$0x2A50];
	v29 =	vmul.f32 $1.442695020e+00, v29;
	v23 =	vpop (erf);
	v20 =	vsub.f32 $0.0e+00, v3;
	(erf) = vpow2.f32 v22  }
0xf0: {  	v15 =	vld [tilespmem:s4+$0x5270];
	v24 =	vadd.f32 $1.000000000e+00, v24;
	v30 =	vpop (erf);
	v22 =	vsub.f32 $0.0e+00, v7;
	(erf) = vpow2.f32 v14  }
0xf1: {  	v14 =	vmul.f32 $1.442695020e+00, v20;
	v20 =	vadd.f32 $1.000000000e+00, v30;
	v30 =	vld [tilespmem:s4+$0x2A70];
	(erf) = vpow2.f32 v29  }
0xf2: {  	v21 =	vld [tilespmem:s11+$0x2A20];
	v12 =	vadd.f32 $1.000000000e+00, v12;
	v29 =	vmul.f32 $1.442695020e+00, v22;
	v57 =	vpop (erf);
	(erf) = vrcp.f32 v24  }
0xf3: {  	v62 =	vld [tilespmem:s4+$0x2A00];
	v59 =	vadd.f32 $1.000000000e+00, v23;
	v23 =	vpop (erf);
	v61 =	vmul.f32 v57, v13;
	(erf) = vrcp.f32 v20  }
0xf4: {  	v22 =	vld [tilespmem:s4+$0x5230];
	v23 =	vadd.f32 $1.000000000e+00, v23;
	v13 =	vpop (erf);
	(erf) = vrcp.f32 v12;
	v12 =	vadd.f32 v16, v27  }
0xf5: {  	v19 =	vmul.f32 $1.442695020e+00, v19;
	v24 =	vld [tilespmem:s4+$0x5260];
	v63 =	vadd.f32 $1.000000000e+00, v13;
	v16 =	vadd.f32 v28, v31  }
0xf6: {  	v20 =	vpop (erf);
	(erf) = vpow2.f32 v29;
	v13 =	vadd.f32 v15, v30;
	v30 =	vld [tilespmem:s4+$0x2A60];
	v27 =	vsub.f32 $0.0e+00, v12  }
0xf7: {  	v28 =	vld [tilespmem:s4+$0x2A30];
	v15 =	vadd.f32 v25, v21;
	v21 =	vmul.f32 v20, v17;
	(erf) = vpow2.f32 v19;
	v25 =	vpop (erf)  }
0xf8: {  	v31 =	vsub.f32 $0.0e+00, v16;
	(erf) = vpow2.f32 v14;
	v14 =	vadd.f32 v60, v58;
	v17 =	vpop (erf)  }
0xf9: {  	v20 =	vld [tilespmem:s4+$0x2A20];
	(erf) = vrcp.f32 v59;
	v33 =	vmul.f32 $1.442695020e+00, v27;
	v29 =	vpop (erf);
	v32 =	vadd.f32 $1.000000000e+00, v17  }
0xfa: {  	s14 =	simm.s32 $0x600;
	[tilespmem:s13+$0x2A40] =	vst v61;
	v19 =	vld [tilespmem:s4+$0x5220];
	v17 =	vadd.f32 v26, v62;
	v26 =	vsub.f32 $0.0e+00, v14;
	(erf) = vrcp.f32 v63;
	v27 =	vpop (erf)  }
.LBB2_4:
0xfb: {  	v30 =	vadd.f32 v24, v30  }
0xfc: {  	s3 =	sshra.s32 s14, $0x2;
	p0 =	sne.s32 s14, $0x9E00;
	s14 =	sadd.s32 $0x200, s14;
	(erf) = vpow2.f32 v33;
	v39 =	vmul.f32 v25, v8;
	v24 =	vpop (erf);
	v28 =	vadd.f32 v22, v28  }
0xfd: {  	v31 =	vmul.f32 $1.442695020e+00, v31;
	v25 =	vld [tilespmem:s3+$0x5270];
	v33 =	vsub.f32 $0.0e+00, v17;
	v37 =	vmul.f32 v24, v11;
	v22 =	vpop (erf)  }
0xfe: {  	v34 =	vld [tilespmem:s3+$0x5200];
	v35 =	vsub.f32 $0.0e+00, v30;
	v18 =	vmul.f32 v22, v18;
	[tilespmem:s13+$0x2A60] =	vst v39;
	(erf) = vrcp.f32 v32;
	v8 =	vpop (erf)  }
0xff: {  	v38 =	vsub.f32 $0.0e+00, v13;
	v29 =	vadd.f32 $1.000000000e+00, v29;
	v22 =	vld [tilespmem:s3+$0x5230];
	v36 =	vpop (erf);
	[tilespmem:s13+$0x2A30] =	vst v37;
	v39 =	vmul.f32 v8, v10  }
0x100: {  	v27 =	vadd.f32 $1.000000000e+00, v27;
	v33 =	vmul.f32 $1.442695020e+00, v33;
	v10 =	vsub.f32 $0.0e+00, v15;
	v24 =	vld [tilespmem:s3+$0x5260];
	v11 =	vpop (erf);
	[tilespmem:s13+$0x2A00] =	vst v18  }
0x101: {  	v18 =	vmul.f32 $1.442695020e+00, v38;
	v37 =	vld [tilespmem:s3+$0x5240];
	(erf) = vpow2.f32 v31;
	v31 =	vadd.f32 $1.000000000e+00, v36;
	v32 =	vpop (erf);
	[tilespmem:s13+$0x2A70] =	vst v39  }
0x102: {  	v38 =	vsub.f32 $0.0e+00, v28;
	v35 =	vmul.f32 $1.442695020e+00, v35;
	v10 =	vmul.f32 $1.442695020e+00, v10;
	v36 =	vld [tilespmem:s3+$0x5220];
	v8 =	vpop (erf)  }
0x103: {  	v32 =	vadd.f32 $1.000000000e+00, v32;
	v39 =	vld [tilespmem:s3+$0x5250];
	(erf) = vrcp.f32 v23;
	v9 =	vmul.f32 v8, v9;
	v8 =	vmovc v7;
	v7 =	vmovc v30  }
0x104: {  	v26 =	vmul.f32 $1.442695020e+00, v26;
	v40 =	vadd.f32 $1.000000000e+00, v11;
	v30 =	vld [tilespmem:s3+$0x2A50];
	v11 =	vpop (erf);
	(erf) = vrcp.f32 v31  }
0x105: {  	v43 =	vmul.f32 $1.442695020e+00, v38;
	v31 =	vld [tilespmem:s3+$0x2A40];
	v23 =	vpop (erf);
	(erf) = vpow2.f32 v10;
	[tilespmem:s13+$0x2A10] =	vst v9  }
0x106: {  	v41 =	vld [tilespmem:s3+$0x2A10];
	v23 =	vadd.f32 $1.000000000e+00, v23;
	(erf) = vpow2.f32 v18;
	v18 =	vmul.f32 v11, v6;
	[tilespmem:s13+$0x2A50] =	vst v21;
	v11 =	vmovc v4;
	v4 =	vmovc v28  }
0x107: {  	v38 =	vmov v19;
	v21 =	vld [tilespmem:s3+$0x2A70];
	(erf) = vpow2.f32 v43;
	v9 =	vpop (erf);
	v19 =	vmov v36  }
0x108: {  	v42 =	vmovc v0;
	v0 =	vmovc v12;
	v36 =	vld [tilespmem:s3+$0x5210];
	[tilespmem:s11+$0x2A40] =	vst v18;
	(erf) = vrcp.f32 v27;
	v44 =	vmul.f32 v9, v5;
	v27 =	vmov v20  }
0x109: {  	v10 =	vmovc v2;
	v2 =	vmovc v13;
	v6 =	vmov v16;
	v5 =	vmov v15;
	v28 =	vld [tilespmem:s3+$0x2A30];
	(erf) = vrcp.f32 v32  }
0x10a: {  	v9 =	vmov v1;
	v1 =	vmov v14;
	v20 =	vld [tilespmem:s3+$0x2A20];
	v13 =	vpop (erf);
	(erf) = vrcp.f32 v29;
	[tilespmem:s13+$0x2A20] =	vst v44;
	s13 =	smov.u32 s11;
	s11 =	smov.u32 s4;
	s4 =	smov.u32 s3  }
0x10b: {  	v12 =	vadd.f32 v39, v30;
	v18 =	vmovc v3;
	v3 =	vmovc v17;
	v43 =	vld [tilespmem:s4+$0x2A00];
	v39 =	vadd.f32 $1.000000000e+00, v13;
	(erf) = vpow2.f32 v35  }
.Ltmp1:
0x10c: {  	v15 =	vadd.f32 v38, v27;
	v30 =	vld [tilespmem:s4+$0x2A60];
	v13 =	vadd.f32 v25, v21;
	(erf) = vpow2.f32 v26;
	v17 =	vpop (erf);
	(pc) =	sbr.rel @p0 .LBB2_4-.Ltmp1, $4  }
0x10d: {  	v16 =	vadd.f32 v37, v31;
	v26 =	vsub.f32 $0.0e+00, v12;
	(erf) = vpow2.f32 v33;
	v25 =	vpop (erf)  }
0x10e: {  	v14 =	vadd.f32 v36, v41;
	v21 =	vmul.f32 v17, v42;
	(erf) = vrcp.f32 v40;
	v17 =	vpop (erf)  }
0x10f: {  	v31 =	vsub.f32 $0.0e+00, v16;
	v33 =	vmul.f32 $1.442695020e+00, v26;
	v29 =	vpop (erf);
	v32 =	vadd.f32 $1.000000000e+00, v17  }
0x110: {  	v26 =	vsub.f32 $0.0e+00, v14;
	v17 =	vadd.f32 v34, v43;
	v27 =	vpop (erf);
	(erf) = vrcp.f32 v39  }
0x111: {  	v34 =	vpop (erf)  }
0x112: {  	v35 =	vpop (erf)  }
0x113: {  	(erf) = vpow2.f32 v33;
	v31 =	vmul.f32 $1.442695020e+00, v31;
	v33 =	vpop (erf)  }
0x114: {  	v22 =	vadd.f32 v22, v28;
	v42 =	vsub.f32 $0.0e+00, v15;
	(erf) = vrcp.f32 v32;
	v41 =	vpop (erf)  }
0x115: {  	v36 =	vsub.f32 $0.0e+00, v13;
	(erf) = vpow2.f32 v31;
	v28 =	vadd.f32 $1.000000000e+00, v41  }
0x116: {  	v43 =	vsub.f32 $0.0e+00, v22;
	v32 =	vmul.f32 $1.442695020e+00, v42;
	(erf) = vrcp.f32 v23  }
0x117: {  	v44 =	vmul.f32 $1.442695020e+00, v36;
	(erf) = vrcp.f32 v28  }
0x118: {  	v24 =	vadd.f32 v24, v30;
	v45 =	vpop (erf);
	v46 =	vmul.f32 $1.442695020e+00, v43;
	(erf) = vpow2.f32 v32  }
0x119: {  	v27 =	vadd.f32 $1.000000000e+00, v27;
	v47 =	vpop (erf);
	(erf) = vpow2.f32 v44  }
0x11a: {  	v48 =	vsub.f32 $0.0e+00, v24;
	v49 =	vpop (erf);
	v31 =	vadd.f32 $1.000000000e+00, v47;
	(erf) = vpow2.f32 v46  }
0x11b: {  	v29 =	vadd.f32 $1.000000000e+00, v29;
	v50 =	vpop (erf);
	(erf) = vrcp.f32 v27  }
0x11c: {  	v23 =	vmul.f32 $1.442695020e+00, v48;
	v51 =	vpop (erf);
	(erf) = vrcp.f32 v31  }
0x11d: {  	v52 =	vpop (erf);
	(erf) = vrcp.f32 v29  }
0x11e: {  	v53 =	vpop (erf);
	(erf) = vpow2.f32 v23  }
0x11f: {  	v54 =	vpop (erf)  }
0x120: {  	v55 =	vpop (erf)  }
0x121: {  	v37 =	vsub.f32 $0.0e+00, v17;
	v38 =	vpop (erf)  }
0x122: {  	v26 =	vmul.f32 $1.442695020e+00, v26;
	v39 =	vpop (erf)  }
0x123: {  	v37 =	vmul.f32 $1.442695020e+00, v37;
	v40 =	vpop (erf)  }
0x124: {  	v28 =	vadd.f32 $1.000000000e+00, v45;
	(erf) = vpow2.f32 v26;
	v56 =	vpop (erf)  }
0x125: {  	v19 =	vadd.f32 v19, v20;
	v29 =	vadd.f32 $1.000000000e+00, v53;
	(erf) = vpow2.f32 v37;
	v57 =	vpop (erf)  }
0x126: {  	v58 =	vadd.f32 $1.000000000e+00, v38;
	(erf) = vrcp.f32 v28;
	v59 =	vpop (erf)  }
0x127: {  	v61 =	vsub.f32 $0.0e+00, v19;
	v27 =	vadd.f32 $1.000000000e+00, v51;
	(erf) = vrcp.f32 v29;
	v60 =	vpop (erf)  }
0x128: {  	(erf) = vrcp.f32 v58;
	v62 =	vadd.f32 $1.000000000e+00, v60  }
0x129: {  	v63 =	vmul.f32 $1.442695020e+00, v61;
	(erf) = vrcp.f32 v27  }
0x12a: {  	(erf) = vrcp.f32 v62  }
0x12b: {  	(erf) = vpow2.f32 v63  }
0x12c: {  	v8 =	vmul.f32 v25, v8  }
0x12d: {  	[tilespmem:s13+$0x2A50] =	vst v21;
	v11 =	vmul.f32 v34, v11;
	v38 =	vpop (erf)  }
0x12e: {  	v18 =	vmul.f32 v35, v18;
	[tilespmem:s13+$0x2A60] =	vst v8;
	v41 =	vpop (erf)  }
0x12f: {  	[tilespmem:s13+$0x2A30] =	vst v11;
	v10 =	vmul.f32 v33, v10;
	v42 =	vpop (erf)  }
0x130: {  	[tilespmem:s13+$0x2A00] =	vst v18;
	v9 =	vmul.f32 v49, v9;
	v43 =	vpop (erf)  }
0x131: {  	[tilespmem:s13+$0x2A70] =	vst v10;
	v6 =	vmul.f32 v50, v6;
	v44 =	vadd.f32 $1.000000000e+00, v40;
	v46 =	vpop (erf)  }
0x132: {  	[tilespmem:s13+$0x2A10] =	vst v9;
	v5 =	vmul.f32 v52, v5;
	v45 =	vadd.f32 $1.000000000e+00, v41;
	v48 =	vpop (erf)  }
0x133: {  	[tilespmem:s11+$0x2A40] =	vst v6;
	v0 =	vmul.f32 v54, v0;
	v47 =	vadd.f32 $1.000000000e+00, v39;
	(erf) = vrcp.f32 v44;
	v51 =	vpop (erf)  }
0x134: {  	[tilespmem:s13+$0x2A20] =	vst v5;
	v49 =	vmul.f32 v55, v7;
	v50 =	vadd.f32 $1.000000000e+00, v38;
	(erf) = vrcp.f32 v45;
	v52 =	vpop (erf)  }
0x135: {  	[tilespmem:s11+$0x2A50] =	vst v0;
	v4 =	vmul.f32 v56, v4;
	(erf) = vrcp.f32 v47;
	v5 =	vadd.f32 $1.000000000e+00, v52  }
0x136: {  	[tilespmem:s11+$0x2A60] =	vst v49;
	v3 =	vmul.f32 v57, v3;
	(erf) = vrcp.f32 v50  }
0x137: {  	[tilespmem:s11+$0x2A30] =	vst v4;
	v2 =	vmul.f32 v59, v2;
	(erf) = vrcp.f32 v5  }
0x138: {  	[tilespmem:s11+$0x2A00] =	vst v3;
	v1 =	vmul.f32 v42, v1  }
0x139: {  	[tilespmem:s11+$0x2A70] =	vst v2;
	v53 =	vmul.f32 v43, v16  }
0x13a: {  	[tilespmem:s11+$0x2A10] =	vst v1;
	v54 =	vmul.f32 v46, v15  }
0x13b: {  	[tilespmem:s4+$0x2A40] =	vst v53;
	v62 =	vmul.f32 v48, v12  }
0x13c: {  	[tilespmem:s11+$0x2A20] =	vst v54;
	v55 =	vmul.f32 v51, v24;
	v56 =	vpop (erf)  }
0x13d: {  	[tilespmem:s4+$0x2A50] =	vst v62;
	v57 =	vmul.f32 v56, v22;
	v58 =	vpop (erf)  }
0x13e: {  	[tilespmem:s4+$0x2A60] =	vst v55;
	v2 =	vmul.f32 v58, v17;
	v59 =	vpop (erf)  }
0x13f: {  	[tilespmem:s4+$0x2A30] =	vst v57;
	v60 =	vmul.f32 v59, v13;
	v61 =	vpop (erf)  }
0x140: {  	[tilespmem:s4+$0x2A00] =	vst v2;
	v1 =	vmul.f32 v61, v14;
	v63 =	vpop (erf)  }
0x141: {  	[tilespmem:s4+$0x2A70] =	vst v60;
	v0 =	vmul.f32 v63, v19  }
0x142: {  	[tilespmem:s4+$0x2A10] =	vst v1  }
0x143: {  	[tilespmem:s4+$0x2A20] =	vst v0  }
0x144: {  	s1 =	rddreg [dreg:$0x10]  }
0x145: {  	[tilespmem:s31], [sflag:$0x7] =	stream.linear.gather [hbm4b:s1+s24], $0x2800, $0x38;
	[tilespmem:$0x1B600] =	vst v63  }
0x146: {  	_ =	swait.ge [sflag:s28], $0x80  }
0x147: {  	[sflag:s28] =	ssyncset.done $0x0  }
0x148: {  	[sflag:s28] =	ssyncadd.s32 $0xFFFFFF80  }
0x149: {  	[tilespmem:s30], [sflag:$0x5] =	stream.indirect.gather [hbm4b:s23+s29], $0x80, s24, s29, $0xb8;
	[tilespmem:$0x1B600] =	vst v63  }
0x14a: {  	_ =	swait.ge [sflag:s19], $0x80  }
0x14b: {  	[sflag:s19] =	ssyncset.done $0x0  }
0x14c: {  	s22 =	simm.s32 $0x180;
	s14 =	simm.s32 $0x0;
	[sflag:s19] =	ssyncadd.s32 $0xFFFFFF80  }
0x14d: {  	[spmem:s25] =	stream.indirect.scatter.add.f32 [tilespmem:s16], [sflag:$0x9], $0x80, s22, s29, $0xb8;
	[tilespmem:$0x1B600] =	vst v63  }
.LBB2_6:
0x14e: {  	s11 =	sshll.u32 s14, $0x8  }
0x14f: {  	s2 =	smov.u32 s25;
	s1 =	sadd.s32 $0x100, s11  }
0x150: {  	s5 =	smov.u32 s23;
	_ =	swait.ge [sflag:s20], $0x2800;
	s3 =	sand.u32 $0x7C00, s1  }
0x151: {  	[sflag:s20] =	ssyncset.done $0x0;
	s1 =	sand.u32 $0x300, s1;
	s3 =	sadd.s32 s12, s3  }
0x152: {  	s25 =	sshll.u32 s14, $0x1;
	[sflag:s20] =	ssyncadd.s32 $0xFFFFD800;
	s1 =	sor.u32 s1, s3  }
0x153: {  	s13 =	sadd.s32 $0x4, s25;
	s23 =	rddreg [dreg:$0x1];
	s1 =	sshrl.u32 s1, $0x3  }
0x154: {  	s4 =	sshll.u32 s13, $0x7;
	s1 =	sadd.s32 s23, s1  }
0x155: {  	[tilespmem:s26], [sflag:$0x3] =	stream.linear.gather [hbm4b:s1+s24], $0x80, $0x38;
	[tilespmem:$0x1B600] =	vst v63  }
0x156: {  	s22 =	sand.u32 $0x7C00, s4;
	_ =	swait.ge [sflag:s9], $0x2800  }
0x157: {  	s3 =	sadd.s32 s12, s22;
	s1 =	sand.u32 $0x300, s4;
	[sflag:s9] =	ssyncset.done $0x0  }
0x158: {  	s1 =	sor.u32 s1, s3;
	[sflag:s9] =	ssyncadd.s32 $0xFFFFD800  }
0x159: {  	s1 =	sshrl.u32 s1, $0x3;
	s23 =	rddreg [dreg:$0x2]  }
0x15a: {  	s1 =	sadd.s32 s23, s1  }
0x15b: {  	[tilespmem:s24], [sflag:$0x1] =	stream.linear.gather [hbm4b:s1+s24], $0x80, $0x38;
	[tilespmem:$0x1B600] =	vst v63  }
0x15c: {  	_ =	swait.ge [sflag:s10], $0x2800  }
0x15d: {  	[sflag:s10] =	ssyncset.done $0x0  }
0x15e: {  	s22 =	simm.s32 $0x0;
	[sflag:s10] =	ssyncadd.s32 $0xFFFFD800  }
0x15f: {  	v0 =	vld [tilespmem:s22+$0x5270]  }
0x160: {  	v1 =	vld [tilespmem:s22+$0x5200]  }
0x161: {  	v2 =	vld [tilespmem:s22+$0x5230]  }
0x162: {  	v3 =	vld [tilespmem:s22+$0x5260]  }
0x163: {  	v4 =	vld [tilespmem:s22+$0x5240]  }
0x164: {  	v5 =	vld [tilespmem:s22+$0x5250]  }
0x165: {  	v6 =	vld [tilespmem:s22+$0x250]  }
0x166: {  	v7 =	vld [tilespmem:s22+$0x240]  }
0x167: {  	v11 =	vld [tilespmem:s22+$0x5220]  }
0x168: {  	v9 =	vld [tilespmem:s22+$0x210]  }
0x169: {  	v8 =	vld [tilespmem:s22+$0x270]  }
0x16a: {  	v12 =	vld [tilespmem:s22+$0x230];
	v17 =	vadd.f32 v5, v6  }
0x16b: {  	v15 =	vld [tilespmem:s22+$0x200];
	v13 =	vadd.f32 v4, v7  }
0x16c: {  	s23 =	simm.s32 $0x80;
	v5 =	vld [tilespmem:s22+$0x260];
	v6 =	vsub.f32 $0.0e+00, v17  }
0x16d: {  	v16 =	vld [tilespmem:s23+$0x5270];
	v14 =	vsub.f32 $0.0e+00, v13  }
0x16e: {  	v19 =	vld [tilespmem:s23+$0x250];
	v10 =	vadd.f32 v0, v8;
	v0 =	vmul.f32 $1.442695020e+00, v6  }
0x16f: {  	v20 =	vld [tilespmem:s23+$0x5230];
	v12 =	vadd.f32 v2, v12;
	v2 =	vmul.f32 $1.442695020e+00, v14  }
0x170: {  	v4 =	vld [tilespmem:s22+$0x5210];
	(erf) = vpow2.f32 v0  }
0x171: {  	v22 =	vld [tilespmem:s23+$0x230];
	v8 =	vadd.f32 v3, v5;
	v0 =	vsub.f32 $0.0e+00, v10;
	(erf) = vpow2.f32 v2  }
0x172: {  	v7 =	vld [tilespmem:s22+$0x220];
	v2 =	vsub.f32 $0.0e+00, v12  }
0x173: {  	v14 =	vld [tilespmem:s23+$0x5250];
	v6 =	vsub.f32 $0.0e+00, v8;
	v0 =	vmul.f32 $1.442695020e+00, v0  }
0x174: {  	v5 =	vld [tilespmem:s23+$0x5240];
	v2 =	vmul.f32 $1.442695020e+00, v2  }
0x175: {  	v9 =	vadd.f32 v4, v9;
	v4 =	vmul.f32 $1.442695020e+00, v6;
	v6 =	vld [tilespmem:s23+$0x240];
	(erf) = vpow2.f32 v0  }
0x176: {  	v18 =	vadd.f32 v1, v15;
	v1 =	vld [tilespmem:s23+$0x210];
	(erf) = vpow2.f32 v2  }
0x177: {  	v15 =	vld [tilespmem:s23+$0x5210];
	v0 =	vsub.f32 $0.0e+00, v9;
	(erf) = vpow2.f32 v4  }
0x178: {  	v2 =	vld [tilespmem:s23+$0x270];
	v4 =	vsub.f32 $0.0e+00, v18  }
0x179: {  	v3 =	vld [tilespmem:s23+$0x5200];
	v21 =	vmul.f32 $1.442695020e+00, v0;
	v0 =	vadd.f32 v14, v19;
	v14 =	vpop (erf)  }
0x17a: {  	v19 =	vld [tilespmem:s23+$0x200];
	v4 =	vmul.f32 $1.442695020e+00, v4;
	v6 =	vadd.f32 v5, v6;
	v5 =	vpop (erf)  }
0x17b: {  	v23 =	vld [tilespmem:s23+$0x5260];
	(erf) = vpow2.f32 v21;
	v21 =	vsub.f32 $0.0e+00, v0;
	v24 =	vadd.f32 $1.000000000e+00, v5  }
0x17c: {  	s4 =	simm.s32 $0x100;
	v25 =	vld [tilespmem:s23+$0x5220];
	v1 =	vadd.f32 v15, v1;
	(erf) = vpow2.f32 v4;
	v4 =	vsub.f32 $0.0e+00, v6  }
0x17d: {  	v26 =	vld [tilespmem:s4+$0x5200];
	v14 =	vadd.f32 $1.000000000e+00, v14;
	v2 =	vadd.f32 v16, v2;
	v15 =	vmul.f32 $1.442695020e+00, v21  }
0x17e: {  	v16 =	vld [tilespmem:s23+$0x260];
	v5 =	vadd.f32 v11, v7;
	v7 =	vmul.f32 $1.442695020e+00, v4;
	v11 =	vpop (erf);
	(erf) = vrcp.f32 v24  }
0x17f: {  	v28 =	vld [tilespmem:s4+$0x5240];
	v3 =	vadd.f32 v3, v19;
	v19 =	vsub.f32 $0.0e+00, v1;
	(erf) = vpow2.f32 v15;
	v24 =	vpop (erf)  }
0x180: {  	v31 =	vld [tilespmem:s4+$0x240];
	v4 =	vadd.f32 v20, v22;
	v22 =	vsub.f32 $0.0e+00, v5;
	(erf) = vpow2.f32 v7;
	v20 =	vpop (erf)  }
0x181: {  	v33 =	vld [tilespmem:s4+$0x210];
	v27 =	vsub.f32 $0.0e+00, v2;
	v20 =	vadd.f32 $1.000000000e+00, v20  }
0x182: {  	v35 =	vld [tilespmem:s4+$0x5210];
	v29 =	vsub.f32 $0.0e+00, v4;
	v22 =	vmul.f32 $1.442695020e+00, v22;
	(erf) = vrcp.f32 v14  }
0x183: {  	v7 =	vadd.f32 v23, v16;
	v16 =	vld [tilespmem:s4+$0x5250];
	v14 =	vmul.f32 $1.442695020e+00, v27;
	(erf) = vrcp.f32 v20  }
0x184: {  	v27 =	vld [tilespmem:s4+$0x250];
	v29 =	vmul.f32 $1.442695020e+00, v29;
	v23 =	vpop (erf);
	v20 =	vsub.f32 $0.0e+00, v3;
	(erf) = vpow2.f32 v22  }
0x185: {  	v15 =	vld [tilespmem:s4+$0x5270];
	v24 =	vadd.f32 $1.000000000e+00, v24;
	v30 =	vpop (erf);
	v22 =	vsub.f32 $0.0e+00, v7;
	(erf) = vpow2.f32 v14  }
0x186: {  	v14 =	vmul.f32 $1.442695020e+00, v20;
	v20 =	vadd.f32 $1.000000000e+00, v30;
	v30 =	vld [tilespmem:s4+$0x270];
	(erf) = vpow2.f32 v29  }
0x187: {  	v21 =	vld [tilespmem:s23+$0x220];
	v11 =	vadd.f32 $1.000000000e+00, v11;
	v29 =	vmul.f32 $1.442695020e+00, v22;
	v32 =	vpop (erf);
	(erf) = vrcp.f32 v24  }
0x188: {  	v37 =	vld [tilespmem:s4+$0x200];
	v34 =	vadd.f32 $1.000000000e+00, v23;
	v23 =	vpop (erf);
	v36 =	vmul.f32 v32, v13;
	(erf) = vrcp.f32 v20  }
0x189: {  	v22 =	vld [tilespmem:s4+$0x5230];
	v23 =	vadd.f32 $1.000000000e+00, v23;
	v13 =	vpop (erf);
	(erf) = vrcp.f32 v11;
	v11 =	vadd.f32 v16, v27  }
0x18a: {  	v19 =	vmul.f32 $1.442695020e+00, v19;
	v24 =	vld [tilespmem:s4+$0x5260];
	v38 =	vadd.f32 $1.000000000e+00, v13;
	v16 =	vadd.f32 v28, v31  }
0x18b: {  	v20 =	vpop (erf);
	(erf) = vpow2.f32 v29;
	v13 =	vadd.f32 v15, v30;
	v30 =	vld [tilespmem:s4+$0x260];
	v27 =	vsub.f32 $0.0e+00, v11  }
0x18c: {  	v28 =	vld [tilespmem:s4+$0x230];
	v15 =	vadd.f32 v25, v21;
	v21 =	vmul.f32 v20, v17;
	(erf) = vpow2.f32 v19;
	v25 =	vpop (erf)  }
0x18d: {  	v31 =	vsub.f32 $0.0e+00, v16;
	(erf) = vpow2.f32 v14;
	v14 =	vadd.f32 v35, v33;
	v17 =	vpop (erf)  }
0x18e: {  	v20 =	vld [tilespmem:s4+$0x220];
	(erf) = vrcp.f32 v34;
	v33 =	vmul.f32 $1.442695020e+00, v27;
	v29 =	vpop (erf);
	v32 =	vadd.f32 $1.000000000e+00, v17  }
0x18f: {  	s3 =	simm.s32 $0x600;
	[tilespmem:s22+$0x240] =	vst v36;
	v19 =	vld [tilespmem:s4+$0x5220];
	v17 =	vadd.f32 v26, v37;
	v26 =	vsub.f32 $0.0e+00, v14;
	(erf) = vrcp.f32 v38;
	v27 =	vpop (erf)  }
.LBB2_7:
0x190: {  	v30 =	vadd.f32 v24, v30  }
0x191: {  	s1 =	sshra.s32 s3, $0x2;
	p0 =	sne.s32 s3, $0x9E00;
	s3 =	sadd.s32 $0x200, s3;
	(erf) = vpow2.f32 v33;
	v39 =	vmul.f32 v25, v8;
	v24 =	vpop (erf);
	v28 =	vadd.f32 v22, v28  }
0x192: {  	v31 =	vmul.f32 $1.442695020e+00, v31;
	v25 =	vld [tilespmem:s1+$0x5270];
	v33 =	vsub.f32 $0.0e+00, v17;
	v37 =	vmul.f32 v24, v12;
	v22 =	vpop (erf)  }
0x193: {  	v34 =	vld [tilespmem:s1+$0x5200];
	v35 =	vsub.f32 $0.0e+00, v30;
	v18 =	vmul.f32 v22, v18;
	[tilespmem:s22+$0x260] =	vst v39;
	(erf) = vrcp.f32 v32;
	v8 =	vpop (erf)  }
0x194: {  	v38 =	vsub.f32 $0.0e+00, v13;
	v29 =	vadd.f32 $1.000000000e+00, v29;
	v22 =	vld [tilespmem:s1+$0x5230];
	v36 =	vpop (erf);
	[tilespmem:s22+$0x230] =	vst v37;
	v39 =	vmul.f32 v8, v10  }
0x195: {  	v27 =	vadd.f32 $1.000000000e+00, v27;
	v33 =	vmul.f32 $1.442695020e+00, v33;
	v10 =	vsub.f32 $0.0e+00, v15;
	v24 =	vld [tilespmem:s1+$0x5260];
	v12 =	vpop (erf);
	[tilespmem:s22+$0x200] =	vst v18  }
0x196: {  	v18 =	vmul.f32 $1.442695020e+00, v38;
	v37 =	vld [tilespmem:s1+$0x5240];
	(erf) = vpow2.f32 v31;
	v31 =	vadd.f32 $1.000000000e+00, v36;
	v32 =	vpop (erf);
	[tilespmem:s22+$0x270] =	vst v39  }
0x197: {  	v38 =	vsub.f32 $0.0e+00, v28;
	v35 =	vmul.f32 $1.442695020e+00, v35;
	v10 =	vmul.f32 $1.442695020e+00, v10;
	v36 =	vld [tilespmem:s1+$0x5220];
	v8 =	vpop (erf)  }
0x198: {  	v32 =	vadd.f32 $1.000000000e+00, v32;
	v39 =	vld [tilespmem:s1+$0x5250];
	(erf) = vrcp.f32 v23;
	v9 =	vmul.f32 v8, v9;
	v8 =	vmovc v7;
	v7 =	vmovc v30  }
0x199: {  	v26 =	vmul.f32 $1.442695020e+00, v26;
	v40 =	vadd.f32 $1.000000000e+00, v12;
	v30 =	vld [tilespmem:s1+$0x250];
	v12 =	vpop (erf);
	(erf) = vrcp.f32 v31  }
0x19a: {  	v43 =	vmul.f32 $1.442695020e+00, v38;
	v31 =	vld [tilespmem:s1+$0x240];
	v23 =	vpop (erf);
	(erf) = vpow2.f32 v10;
	[tilespmem:s22+$0x210] =	vst v9  }
0x19b: {  	v41 =	vld [tilespmem:s1+$0x210];
	v23 =	vadd.f32 $1.000000000e+00, v23;
	(erf) = vpow2.f32 v18;
	v18 =	vmul.f32 v12, v6;
	[tilespmem:s22+$0x250] =	vst v21;
	v12 =	vmovc v4;
	v4 =	vmovc v28  }
0x19c: {  	v38 =	vmov v19;
	v21 =	vld [tilespmem:s1+$0x270];
	(erf) = vpow2.f32 v43;
	v9 =	vpop (erf);
	v19 =	vmov v36  }
0x19d: {  	v42 =	vmovc v0;
	v0 =	vmovc v11;
	v36 =	vld [tilespmem:s1+$0x5210];
	[tilespmem:s23+$0x240] =	vst v18;
	(erf) = vrcp.f32 v27;
	v44 =	vmul.f32 v9, v5;
	v27 =	vmov v20  }
0x19e: {  	v10 =	vmovc v2;
	v2 =	vmovc v13;
	v6 =	vmov v16;
	v5 =	vmov v15;
	v28 =	vld [tilespmem:s1+$0x230];
	(erf) = vrcp.f32 v32  }
0x19f: {  	v9 =	vmov v1;
	v1 =	vmov v14;
	v20 =	vld [tilespmem:s1+$0x220];
	v13 =	vpop (erf);
	(erf) = vrcp.f32 v29;
	[tilespmem:s22+$0x220] =	vst v44;
	s22 =	smov.u32 s23;
	s23 =	smov.u32 s4;
	s4 =	smov.u32 s1  }
0x1a0: {  	v11 =	vadd.f32 v39, v30;
	v18 =	vmovc v3;
	v3 =	vmovc v17;
	v43 =	vld [tilespmem:s4+$0x200];
	v39 =	vadd.f32 $1.000000000e+00, v13;
	(erf) = vpow2.f32 v35  }
.Ltmp2:
0x1a1: {  	v15 =	vadd.f32 v38, v27;
	v30 =	vld [tilespmem:s4+$0x260];
	v13 =	vadd.f32 v25, v21;
	(erf) = vpow2.f32 v26;
	v17 =	vpop (erf);
	(pc) =	sbr.rel @p0 .LBB2_7-.Ltmp2, $4  }
0x1a2: {  	v16 =	vadd.f32 v37, v31;
	v26 =	vsub.f32 $0.0e+00, v11;
	(erf) = vpow2.f32 v33;
	v25 =	vpop (erf)  }
0x1a3: {  	v14 =	vadd.f32 v36, v41;
	v21 =	vmul.f32 v17, v42;
	(erf) = vrcp.f32 v40;
	v17 =	vpop (erf)  }
0x1a4: {  	v31 =	vsub.f32 $0.0e+00, v16;
	v33 =	vmul.f32 $1.442695020e+00, v26;
	v29 =	vpop (erf);
	v32 =	vadd.f32 $1.000000000e+00, v17  }
0x1a5: {  	v26 =	vsub.f32 $0.0e+00, v14;
	v17 =	vadd.f32 v34, v43;
	v27 =	vpop (erf);
	(erf) = vrcp.f32 v39  }
0x1a6: {  	v34 =	vpop (erf)  }
0x1a7: {  	v35 =	vpop (erf)  }
0x1a8: {  	v51 =	vpop (erf)  }
0x1a9: {  	(erf) = vpow2.f32 v33;
	v31 =	vmul.f32 $1.442695020e+00, v31;
	v22 =	vadd.f32 v22, v28;
	v28 =	vpop (erf)  }
0x1aa: {  	v52 =	vsub.f32 $0.0e+00, v15;
	(erf) = vrcp.f32 v32;
	v28 =	vadd.f32 $1.000000000e+00, v28  }
0x1ab: {  	v36 =	vsub.f32 $0.0e+00, v13;
	(erf) = vpow2.f32 v31;
	v31 =	vsub.f32 $0.0e+00, v22  }
0x1ac: {  	v32 =	vmul.f32 $1.442695020e+00, v52  }
0x1ad: {  	(erf) = vrcp.f32 v23;
	v23 =	vmul.f32 $1.442695020e+00, v36  }
0x1ae: {  	v24 =	vadd.f32 v24, v30;
	v30 =	vmul.f32 $1.442695020e+00, v31;
	(erf) = vrcp.f32 v28;
	v28 =	vpop (erf)  }
0x1af: {  	v27 =	vadd.f32 $1.000000000e+00, v27;
	(erf) = vpow2.f32 v32;
	v31 =	vpop (erf)  }
0x1b0: {  	(erf) = vpow2.f32 v23;
	v23 =	vsub.f32 $0.0e+00, v24;
	v31 =	vadd.f32 $1.000000000e+00, v31  }
0x1b1: {  	v29 =	vadd.f32 $1.000000000e+00, v29;
	v53 =	vpop (erf);
	(erf) = vpow2.f32 v30  }
0x1b2: {  	v30 =	vpop (erf);
	(erf) = vrcp.f32 v27;
	v23 =	vmul.f32 $1.442695020e+00, v23  }
0x1b3: {  	v27 =	vpop (erf);
	(erf) = vrcp.f32 v31  }
0x1b4: {  	v31 =	vpop (erf);
	(erf) = vrcp.f32 v29  }
0x1b5: {  	v29 =	vpop (erf);
	(erf) = vpow2.f32 v23  }
0x1b6: {  	v23 =	vpop (erf)  }
0x1b7: {  	v26 =	vmul.f32 $1.442695020e+00, v26;
	v54 =	vpop (erf)  }
0x1b8: {  	v37 =	vsub.f32 $0.0e+00, v17;
	v38 =	vpop (erf)  }
0x1b9: {  	v39 =	vpop (erf)  }
0x1ba: {  	v37 =	vmul.f32 $1.442695020e+00, v37;
	v29 =	vadd.f32 $1.000000000e+00, v29;
	v40 =	vpop (erf)  }
0x1bb: {  	v28 =	vadd.f32 $1.000000000e+00, v28;
	(erf) = vpow2.f32 v26;
	v26 =	vpop (erf)  }
0x1bc: {  	v19 =	vadd.f32 v19, v20;
	(erf) = vpow2.f32 v37;
	v20 =	vpop (erf)  }
0x1bd: {  	(erf) = vrcp.f32 v28;
	v28 =	vadd.f32 $1.000000000e+00, v38;
	v55 =	vpop (erf)  }
0x1be: {  	v56 =	vsub.f32 $0.0e+00, v19;
	v27 =	vadd.f32 $1.000000000e+00, v27;
	(erf) = vrcp.f32 v29;
	v29 =	vpop (erf)  }
0x1bf: {  	v8 =	vmul.f32 v25, v8;
	(erf) = vrcp.f32 v28;
	v28 =	vadd.f32 $1.000000000e+00, v29  }
0x1c0: {  	(erf) = vrcp.f32 v27;
	v27 =	vmul.f32 $1.442695020e+00, v56  }
0x1c1: {  	v12 =	vmul.f32 v34, v12;
	(erf) = vrcp.f32 v28  }
0x1c2: {  	[tilespmem:s22+$0x250] =	vst v21;
	v18 =	vmul.f32 v35, v18;
	(erf) = vpow2.f32 v27  }
0x1c3: {  	[tilespmem:s22+$0x260] =	vst v8;
	v10 =	vmul.f32 v51, v10  }
0x1c4: {  	[tilespmem:s22+$0x230] =	vst v12;
	v9 =	vmul.f32 v53, v9;
	v8 =	vpop (erf)  }
0x1c5: {  	[tilespmem:s22+$0x200] =	vst v18;
	v25 =	vadd.f32 $1.000000000e+00, v40;
	v12 =	vpop (erf)  }
0x1c6: {  	[tilespmem:s22+$0x210] =	vst v9;
	v9 =	vadd.f32 $1.000000000e+00, v12;
	v18 =	vpop (erf)  }
0x1c7: {  	[tilespmem:s22+$0x270] =	vst v10;
	v5 =	vmul.f32 v31, v5;
	v21 =	vadd.f32 $1.000000000e+00, v39;
	(erf) = vrcp.f32 v25;
	v10 =	vpop (erf)  }
0x1c8: {  	v6 =	vmul.f32 v30, v6;
	v12 =	vpop (erf);
	(erf) = vrcp.f32 v9  }
0x1c9: {  	v25 =	vpop (erf);
	(erf) = vrcp.f32 v21  }
0x1ca: {  	[tilespmem:s23+$0x240] =	vst v6;
	v6 =	vmul.f32 v54, v7;
	v7 =	vadd.f32 $1.000000000e+00, v8;
	v1 =	vmul.f32 v18, v1;
	v8 =	vpop (erf)  }
0x1cb: {  	[tilespmem:s22+$0x220] =	vst v5;
	v0 =	vmul.f32 v23, v0;
	v5 =	vpop (erf)  }
0x1cc: {  	v2 =	vmul.f32 v55, v2;
	[tilespmem:s23+$0x210] =	vst v1;
	v1 =	vmul.f32 v10, v16;
	v5 =	vadd.f32 $1.000000000e+00, v5  }
0x1cd: {  	[tilespmem:s23+$0x250] =	vst v0;
	(erf) = vrcp.f32 v7  }
0x1ce: {  	[tilespmem:s4+$0x240] =	vst v1;
	v1 =	vmul.f32 v8, v24;
	(erf) = vrcp.f32 v5  }
0x1cf: {  	[tilespmem:s23+$0x260] =	vst v6;
	v0 =	vmul.f32 v12, v15  }
0x1d0: {  	[tilespmem:s23+$0x270] =	vst v2;
	v2 =	vpop (erf)  }
0x1d1: {  	[tilespmem:s23+$0x220] =	vst v0;
	v0 =	vmul.f32 v2, v22;
	v2 =	vpop (erf)  }
0x1d2: {  	v4 =	vmul.f32 v26, v4;
	[tilespmem:s4+$0x260] =	vst v1;
	v1 =	vpop (erf)  }
0x1d3: {  	v3 =	vmul.f32 v20, v3;
	[tilespmem:s4+$0x230] =	vst v0;
	v0 =	vmul.f32 v1, v13  }
0x1d4: {  	[tilespmem:s23+$0x230] =	vst v4;
	v2 =	vmul.f32 v2, v17  }
0x1d5: {  	s1 =	sadd.s32 $0x3, s25;
	[tilespmem:s23+$0x200] =	vst v3  }
0x1d6: {  	s3 =	smul.u32 $0x50, s1;
	[tilespmem:s4+$0x200] =	vst v2;
	v2 =	vmul.f32 v25, v11;
	v1 =	vpop (erf)  }
0x1d7: {  	[tilespmem:s4+$0x270] =	vst v0;
	v1 =	vmul.f32 v1, v14;
	v0 =	vpop (erf)  }
0x1d8: {  	s3 =	sadd.s32 s8, s3;
	[tilespmem:s4+$0x250] =	vst v2;
	v0 =	vmul.f32 v0, v19  }
0x1d9: {  	s3 =	sshll.u32 s3, $0x4;
	[tilespmem:s4+$0x210] =	vst v1  }
0x1da: {  	s3 =	sadd.s32 s7, s3;
	[tilespmem:s4+$0x220] =	vst v0;
	s4 =	simm.s32 $0x0  }
0x1db: {  	[tilespmem:s31], [sflag:$0x7] =	stream.linear.gather [hbm4b:s3+s4], $0x2800, $0x38;
	[tilespmem:$0x1B600] =	vst v63  }
0x1dc: {  	_ =	swait.ge [sflag:s15], $0x80  }
0x1dd: {  	[sflag:s15] =	ssyncset.done $0x0  }
0x1de: {  	[sflag:s15] =	ssyncadd.s32 $0xFFFFFF80  }
0x1df: {  	[tilespmem:s16], [sflag:$0x6] =	stream.indirect.gather [hbm4b:s5+s29], $0x80, s0, s29, $0xb8;
	[tilespmem:$0x1B600] =	vst v63  }
0x1e0: {  	_ =	swait.ge [sflag:s17], $0x80  }
0x1e1: {  	[sflag:s17] =	ssyncset.done $0x0  }
0x1e2: {  	s1 =	sshll.u32 s1, $0x7;
	[sflag:s17] =	ssyncadd.s32 $0xFFFFFF80  }
0x1e3: {  	[spmem:s2] =	stream.indirect.scatter.add.f32 [tilespmem:s30], [sflag:$0x8], $0x80, s26, s29, $0xb8;
	[tilespmem:$0x1B600] =	vst v63  }
0x1e4: {  	s22 =	sand.u32 $0x7C00, s1;
	_ =	swait.ge [sflag:s21], $0x2800  }
0x1e5: {  	s1 =	sand.u32 $0x380, s1;
	s3 =	sadd.s32 s12, s22;
	[sflag:s21] =	ssyncset.done $0x0  }
0x1e6: {  	s25 =	smov.u32 s2;
	s1 =	sor.u32 s1, s3;
	[sflag:s21] =	ssyncadd.s32 $0xFFFFD800  }
0x1e7: {  	s23 =	smov.u32 s5;
	s1 =	sshrl.u32 s1, $0x3;
	s2 =	rddreg [dreg:$0x1]  }
0x1e8: {  	s3 =	simm.s32 $0x180;
	s5 =	sadd.s32 $0x280, s11;
	s1 =	sadd.s32 s2, s1  }
0x1e9: {  	[tilespmem:s3], [sflag:$0x4] =	stream.linear.gather [hbm4b:s1+s4], $0x80, $0x38;
	[tilespmem:$0x1B600] =	vst v63  }
0x1ea: {  	s11 =	sand.u32 $0x7C00, s5;
	_ =	swait.ge [sflag:s18], $0x2800  }
0x1eb: {  	s3 =	sadd.s32 s12, s11;
	s1 =	sand.u32 $0x380, s5;
	[sflag:s18] =	ssyncset.done $0x0  }
0x1ec: {  	s1 =	sor.u32 s1, s3;
	[sflag:s18] =	ssyncadd.s32 $0xFFFFD800  }
0x1ed: {  	s1 =	sshrl.u32 s1, $0x3;
	s22 =	rddreg [dreg:$0x2]  }
0x1ee: {  	s1 =	sadd.s32 s22, s1  }
0x1ef: {  	[tilespmem:s0], [sflag:$0x2] =	stream.linear.gather [hbm4b:s1+s4], $0x80, $0x38;
	[tilespmem:$0x1B600] =	vst v63  }
0x1f0: {  	_ =	swait.ge [sflag:s10], $0x2800  }
0x1f1: {  	[sflag:s10] =	ssyncset.done $0x0  }
0x1f2: {  	s22 =	simm.s32 $0x0;
	[sflag:s10] =	ssyncadd.s32 $0xFFFFD800  }
0x1f3: {  	v0 =	vld [tilespmem:s22+$0x5270]  }
0x1f4: {  	v1 =	vld [tilespmem:s22+$0x5200]  }
0x1f5: {  	v2 =	vld [tilespmem:s22+$0x5230]  }
0x1f6: {  	v3 =	vld [tilespmem:s22+$0x5260]  }
0x1f7: {  	v4 =	vld [tilespmem:s22+$0x5240]  }
0x1f8: {  	v5 =	vld [tilespmem:s22+$0x5250]  }
0x1f9: {  	v6 =	vld [tilespmem:s22+$0x2A50]  }
0x1fa: {  	v7 =	vld [tilespmem:s22+$0x2A40]  }
0x1fb: {  	v12 =	vld [tilespmem:s22+$0x5220]  }
0x1fc: {  	v9 =	vld [tilespmem:s22+$0x2A10]  }
0x1fd: {  	v8 =	vld [tilespmem:s22+$0x2A70]  }
0x1fe: {  	v11 =	vld [tilespmem:s22+$0x2A30];
	v17 =	vadd.f32 v5, v6  }
0x1ff: {  	v15 =	vld [tilespmem:s22+$0x2A00];
	v13 =	vadd.f32 v4, v7  }
0x200: {  	s11 =	simm.s32 $0x80;
	v5 =	vld [tilespmem:s22+$0x2A60];
	v6 =	vsub.f32 $0.0e+00, v17  }
0x201: {  	v16 =	vld [tilespmem:s11+$0x5270];
	v14 =	vsub.f32 $0.0e+00, v13  }
0x202: {  	v19 =	vld [tilespmem:s11+$0x2A50];
	v10 =	vadd.f32 v0, v8;
	v0 =	vmul.f32 $1.442695020e+00, v6  }
0x203: {  	v20 =	vld [tilespmem:s11+$0x5230];
	v11 =	vadd.f32 v2, v11;
	v2 =	vmul.f32 $1.442695020e+00, v14  }
0x204: {  	v4 =	vld [tilespmem:s22+$0x5210];
	(erf) = vpow2.f32 v0  }
0x205: {  	v22 =	vld [tilespmem:s11+$0x2A30];
	v8 =	vadd.f32 v3, v5;
	v0 =	vsub.f32 $0.0e+00, v10;
	(erf) = vpow2.f32 v2  }
0x206: {  	v7 =	vld [tilespmem:s22+$0x2A20];
	v2 =	vsub.f32 $0.0e+00, v11  }
0x207: {  	v14 =	vld [tilespmem:s11+$0x5250];
	v6 =	vsub.f32 $0.0e+00, v8;
	v0 =	vmul.f32 $1.442695020e+00, v0  }
0x208: {  	v5 =	vld [tilespmem:s11+$0x5240];
	v2 =	vmul.f32 $1.442695020e+00, v2  }
0x209: {  	v9 =	vadd.f32 v4, v9;
	v4 =	vmul.f32 $1.442695020e+00, v6;
	v6 =	vld [tilespmem:s11+$0x2A40];
	(erf) = vpow2.f32 v0  }
0x20a: {  	v18 =	vadd.f32 v1, v15;
	v1 =	vld [tilespmem:s11+$0x2A10];
	(erf) = vpow2.f32 v2  }
0x20b: {  	v15 =	vld [tilespmem:s11+$0x5210];
	v0 =	vsub.f32 $0.0e+00, v9;
	(erf) = vpow2.f32 v4  }
0x20c: {  	v2 =	vld [tilespmem:s11+$0x2A70];
	v4 =	vsub.f32 $0.0e+00, v18  }
0x20d: {  	v3 =	vld [tilespmem:s11+$0x5200];
	v21 =	vmul.f32 $1.442695020e+00, v0;
	v0 =	vadd.f32 v14, v19;
	v14 =	vpop (erf)  }
0x20e: {  	v19 =	vld [tilespmem:s11+$0x2A00];
	v4 =	vmul.f32 $1.442695020e+00, v4;
	v6 =	vadd.f32 v5, v6;
	v5 =	vpop (erf)  }
0x20f: {  	v23 =	vld [tilespmem:s11+$0x5260];
	(erf) = vpow2.f32 v21;
	v21 =	vsub.f32 $0.0e+00, v0;
	v24 =	vadd.f32 $1.000000000e+00, v5  }
0x210: {  	s4 =	simm.s32 $0x100;
	v25 =	vld [tilespmem:s11+$0x5220];
	v1 =	vadd.f32 v15, v1;
	(erf) = vpow2.f32 v4;
	v4 =	vsub.f32 $0.0e+00, v6  }
0x211: {  	v26 =	vld [tilespmem:s4+$0x5200];
	v14 =	vadd.f32 $1.000000000e+00, v14;
	v2 =	vadd.f32 v16, v2;
	v15 =	vmul.f32 $1.442695020e+00, v21  }
0x212: {  	v16 =	vld [tilespmem:s11+$0x2A60];
	v5 =	vadd.f32 v12, v7;
	v7 =	vmul.f32 $1.442695020e+00, v4;
	v12 =	vpop (erf);
	(erf) = vrcp.f32 v24  }
0x213: {  	v28 =	vld [tilespmem:s4+$0x5240];
	v3 =	vadd.f32 v3, v19;
	v19 =	vsub.f32 $0.0e+00, v1;
	(erf) = vpow2.f32 v15;
	v24 =	vpop (erf)  }
0x214: {  	v31 =	vld [tilespmem:s4+$0x2A40];
	v4 =	vadd.f32 v20, v22;
	v22 =	vsub.f32 $0.0e+00, v5;
	(erf) = vpow2.f32 v7;
	v20 =	vpop (erf)  }
0x215: {  	v58 =	vld [tilespmem:s4+$0x2A10];
	v27 =	vsub.f32 $0.0e+00, v2;
	v20 =	vadd.f32 $1.000000000e+00, v20  }
0x216: {  	v60 =	vld [tilespmem:s4+$0x5210];
	v29 =	vsub.f32 $0.0e+00, v4;
	v22 =	vmul.f32 $1.442695020e+00, v22;
	(erf) = vrcp.f32 v14  }
0x217: {  	v7 =	vadd.f32 v23, v16;
	v16 =	vld [tilespmem:s4+$0x5250];
	v14 =	vmul.f32 $1.442695020e+00, v27;
	(erf) = vrcp.f32 v20  }
0x218: {  	v27 =	vld [tilespmem:s4+$0x2A50];
	v29 =	vmul.f32 $1.442695020e+00, v29;
	v23 =	vpop (erf);
	v20 =	vsub.f32 $0.0e+00, v3;
	(erf) = vpow2.f32 v22  }
0x219: {  	v15 =	vld [tilespmem:s4+$0x5270];
	v24 =	vadd.f32 $1.000000000e+00, v24;
	v30 =	vpop (erf);
	v22 =	vsub.f32 $0.0e+00, v7;
	(erf) = vpow2.f32 v14  }
0x21a: {  	v14 =	vmul.f32 $1.442695020e+00, v20;
	v20 =	vadd.f32 $1.000000000e+00, v30;
	v30 =	vld [tilespmem:s4+$0x2A70];
	(erf) = vpow2.f32 v29  }
0x21b: {  	v21 =	vld [tilespmem:s11+$0x2A20];
	v12 =	vadd.f32 $1.000000000e+00, v12;
	v29 =	vmul.f32 $1.442695020e+00, v22;
	v57 =	vpop (erf);
	(erf) = vrcp.f32 v24  }
0x21c: {  	v62 =	vld [tilespmem:s4+$0x2A00];
	v59 =	vadd.f32 $1.000000000e+00, v23;
	v23 =	vpop (erf);
	v61 =	vmul.f32 v57, v13;
	(erf) = vrcp.f32 v20  }
0x21d: {  	v22 =	vld [tilespmem:s4+$0x5230];
	v23 =	vadd.f32 $1.000000000e+00, v23;
	v13 =	vpop (erf);
	(erf) = vrcp.f32 v12;
	v12 =	vadd.f32 v16, v27  }
0x21e: {  	v19 =	vmul.f32 $1.442695020e+00, v19;
	v24 =	vld [tilespmem:s4+$0x5260];
	v63 =	vadd.f32 $1.000000000e+00, v13;
	v16 =	vadd.f32 v28, v31  }
0x21f: {  	v20 =	vpop (erf);
	(erf) = vpow2.f32 v29;
	v13 =	vadd.f32 v15, v30;
	v30 =	vld [tilespmem:s4+$0x2A60];
	v27 =	vsub.f32 $0.0e+00, v12  }
0x220: {  	v28 =	vld [tilespmem:s4+$0x2A30];
	v15 =	vadd.f32 v25, v21;
	v21 =	vmul.f32 v20, v17;
	(erf) = vpow2.f32 v19;
	v25 =	vpop (erf)  }
0x221: {  	v31 =	vsub.f32 $0.0e+00, v16;
	(erf) = vpow2.f32 v14;
	v14 =	vadd.f32 v60, v58;
	v17 =	vpop (erf)  }
0x222: {  	v20 =	vld [tilespmem:s4+$0x2A20];
	(erf) = vrcp.f32 v59;
	v33 =	vmul.f32 $1.442695020e+00, v27;
	v29 =	vpop (erf);
	v32 =	vadd.f32 $1.000000000e+00, v17  }
0x223: {  	s3 =	simm.s32 $0x600;
	[tilespmem:s22+$0x2A40] =	vst v61;
	v19 =	vld [tilespmem:s4+$0x5220];
	v17 =	vadd.f32 v26, v62;
	v26 =	vsub.f32 $0.0e+00, v14;
	(erf) = vrcp.f32 v63;
	v27 =	vpop (erf)  }
.LBB2_9:
0x224: {  	v30 =	vadd.f32 v24, v30  }
0x225: {  	s1 =	sshra.s32 s3, $0x2;
	p0 =	sne.s32 s3, $0x9E00;
	s3 =	sadd.s32 $0x200, s3;
	(erf) = vpow2.f32 v33;
	v39 =	vmul.f32 v25, v8;
	v24 =	vpop (erf);
	v28 =	vadd.f32 v22, v28  }
0x226: {  	v31 =	vmul.f32 $1.442695020e+00, v31;
	v25 =	vld [tilespmem:s1+$0x5270];
	v33 =	vsub.f32 $0.0e+00, v17;
	v37 =	vmul.f32 v24, v11;
	v22 =	vpop (erf)  }
0x227: {  	v34 =	vld [tilespmem:s1+$0x5200];
	v35 =	vsub.f32 $0.0e+00, v30;
	v18 =	vmul.f32 v22, v18;
	[tilespmem:s22+$0x2A60] =	vst v39;
	(erf) = vrcp.f32 v32;
	v8 =	vpop (erf)  }
0x228: {  	v38 =	vsub.f32 $0.0e+00, v13;
	v29 =	vadd.f32 $1.000000000e+00, v29;
	v22 =	vld [tilespmem:s1+$0x5230];
	v36 =	vpop (erf);
	[tilespmem:s22+$0x2A30] =	vst v37;
	v39 =	vmul.f32 v8, v10  }
0x229: {  	v27 =	vadd.f32 $1.000000000e+00, v27;
	v33 =	vmul.f32 $1.442695020e+00, v33;
	v10 =	vsub.f32 $0.0e+00, v15;
	v24 =	vld [tilespmem:s1+$0x5260];
	v11 =	vpop (erf);
	[tilespmem:s22+$0x2A00] =	vst v18  }
0x22a: {  	v18 =	vmul.f32 $1.442695020e+00, v38;
	v37 =	vld [tilespmem:s1+$0x5240];
	(erf) = vpow2.f32 v31;
	v31 =	vadd.f32 $1.000000000e+00, v36;
	v32 =	vpop (erf);
	[tilespmem:s22+$0x2A70] =	vst v39  }
0x22b: {  	v38 =	vsub.f32 $0.0e+00, v28;
	v35 =	vmul.f32 $1.442695020e+00, v35;
	v10 =	vmul.f32 $1.442695020e+00, v10;
	v36 =	vld [tilespmem:s1+$0x5220];
	v8 =	vpop (erf)  }
0x22c: {  	v32 =	vadd.f32 $1.000000000e+00, v32;
	v39 =	vld [tilespmem:s1+$0x5250];
	(erf) = vrcp.f32 v23;
	v9 =	vmul.f32 v8, v9;
	v8 =	vmovc v7;
	v7 =	vmovc v30  }
0x22d: {  	v26 =	vmul.f32 $1.442695020e+00, v26;
	v40 =	vadd.f32 $1.000000000e+00, v11;
	v30 =	vld [tilespmem:s1+$0x2A50];
	v11 =	vpop (erf);
	(erf) = vrcp.f32 v31  }
0x22e: {  	v43 =	vmul.f32 $1.442695020e+00, v38;
	v31 =	vld [tilespmem:s1+$0x2A40];
	v23 =	vpop (erf);
	(erf) = vpow2.f32 v10;
	[tilespmem:s22+$0x2A10] =	vst v9  }
0x22f: {  	v41 =	vld [tilespmem:s1+$0x2A10];
	v23 =	vadd.f32 $1.000000000e+00, v23;
	(erf) = vpow2.f32 v18;
	v18 =	vmul.f32 v11, v6;
	[tilespmem:s22+$0x2A50] =	vst v21;
	v11 =	vmovc v4;
	v4 =	vmovc v28  }
0x230: {  	v38 =	vmov v19;
	v21 =	vld [tilespmem:s1+$0x2A70];
	(erf) = vpow2.f32 v43;
	v9 =	vpop (erf);
	v19 =	vmov v36  }
0x231: {  	v42 =	vmovc v0;
	v0 =	vmovc v12;
	v36 =	vld [tilespmem:s1+$0x5210];
	[tilespmem:s11+$0x2A40] =	vst v18;
	(erf) = vrcp.f32 v27;
	v44 =	vmul.f32 v9, v5;
	v27 =	vmov v20  }
0x232: {  	v10 =	vmovc v2;
	v2 =	vmovc v13;
	v6 =	vmov v16;
	v5 =	vmov v15;
	v28 =	vld [tilespmem:s1+$0x2A30];
	(erf) = vrcp.f32 v32  }
0x233: {  	v9 =	vmov v1;
	v1 =	vmov v14;
	v20 =	vld [tilespmem:s1+$0x2A20];
	v13 =	vpop (erf);
	(erf) = vrcp.f32 v29;
	[tilespmem:s22+$0x2A20] =	vst v44;
	s22 =	smov.u32 s11;
	s11 =	smov.u32 s4;
	s4 =	smov.u32 s1  }
0x234: {  	v12 =	vadd.f32 v39, v30;
	v18 =	vmovc v3;
	v3 =	vmovc v17;
	v43 =	vld [tilespmem:s4+$0x2A00];
	v39 =	vadd.f32 $1.000000000e+00, v13;
	(erf) = vpow2.f32 v35  }
.Ltmp3:
0x235: {  	v15 =	vadd.f32 v38, v27;
	v30 =	vld [tilespmem:s4+$0x2A60];
	v13 =	vadd.f32 v25, v21;
	(erf) = vpow2.f32 v26;
	v17 =	vpop (erf);
	(pc) =	sbr.rel @p0 .LBB2_9-.Ltmp3, $4  }
0x236: {  	v16 =	vadd.f32 v37, v31;
	v26 =	vsub.f32 $0.0e+00, v12;
	(erf) = vpow2.f32 v33;
	v25 =	vpop (erf)  }
0x237: {  	v14 =	vadd.f32 v36, v41;
	v21 =	vmul.f32 v17, v42;
	(erf) = vrcp.f32 v40;
	v17 =	vpop (erf)  }
0x238: {  	v31 =	vsub.f32 $0.0e+00, v16;
	v33 =	vmul.f32 $1.442695020e+00, v26;
	v29 =	vpop (erf);
	v32 =	vadd.f32 $1.000000000e+00, v17  }
0x239: {  	v26 =	vsub.f32 $0.0e+00, v14;
	v17 =	vadd.f32 v34, v43;
	v27 =	vpop (erf);
	(erf) = vrcp.f32 v39  }
0x23a: {  	v34 =	vpop (erf)  }
0x23b: {  	v35 =	vpop (erf)  }
0x23c: {  	(erf) = vpow2.f32 v33;
	v31 =	vmul.f32 $1.442695020e+00, v31;
	v33 =	vpop (erf)  }
0x23d: {  	v22 =	vadd.f32 v22, v28;
	v42 =	vsub.f32 $0.0e+00, v15;
	(erf) = vrcp.f32 v32;
	v41 =	vpop (erf)  }
0x23e: {  	v36 =	vsub.f32 $0.0e+00, v13;
	(erf) = vpow2.f32 v31;
	v28 =	vadd.f32 $1.000000000e+00, v41  }
0x23f: {  	v43 =	vsub.f32 $0.0e+00, v22;
	v32 =	vmul.f32 $1.442695020e+00, v42;
	(erf) = vrcp.f32 v23  }
0x240: {  	v44 =	vmul.f32 $1.442695020e+00, v36;
	(erf) = vrcp.f32 v28  }
0x241: {  	v24 =	vadd.f32 v24, v30;
	v45 =	vpop (erf);
	v46 =	vmul.f32 $1.442695020e+00, v43;
	(erf) = vpow2.f32 v32  }
0x242: {  	v27 =	vadd.f32 $1.000000000e+00, v27;
	v47 =	vpop (erf);
	(erf) = vpow2.f32 v44  }
0x243: {  	v48 =	vsub.f32 $0.0e+00, v24;
	v49 =	vpop (erf);
	v31 =	vadd.f32 $1.000000000e+00, v47;
	(erf) = vpow2.f32 v46  }
0x244: {  	v29 =	vadd.f32 $1.000000000e+00, v29;
	v50 =	vpop (erf);
	(erf) = vrcp.f32 v27  }
0x245: {  	v23 =	vmul.f32 $1.442695020e+00, v48;
	v51 =	vpop (erf);
	(erf) = vrcp.f32 v31  }
0x246: {  	v52 =	vpop (erf);
	(erf) = vrcp.f32 v29  }
0x247: {  	v53 =	vpop (erf);
	(erf) = vpow2.f32 v23  }
0x248: {  	v54 =	vpop (erf)  }
0x249: {  	v55 =	vpop (erf)  }
0x24a: {  	v37 =	vsub.f32 $0.0e+00, v17;
	v38 =	vpop (erf)  }
0x24b: {  	v26 =	vmul.f32 $1.442695020e+00, v26;
	v39 =	vpop (erf)  }
0x24c: {  	v37 =	vmul.f32 $1.442695020e+00, v37;
	v40 =	vpop (erf)  }
0x24d: {  	v28 =	vadd.f32 $1.000000000e+00, v45;
	(erf) = vpow2.f32 v26;
	v56 =	vpop (erf)  }
0x24e: {  	v19 =	vadd.f32 v19, v20;
	v29 =	vadd.f32 $1.000000000e+00, v53;
	(erf) = vpow2.f32 v37;
	v57 =	vpop (erf)  }
0x24f: {  	v58 =	vadd.f32 $1.000000000e+00, v38;
	(erf) = vrcp.f32 v28;
	v59 =	vpop (erf)  }
0x250: {  	v61 =	vsub.f32 $0.0e+00, v19;
	v27 =	vadd.f32 $1.000000000e+00, v51;
	(erf) = vrcp.f32 v29;
	v60 =	vpop (erf)  }
0x251: {  	(erf) = vrcp.f32 v58;
	v62 =	vadd.f32 $1.000000000e+00, v60  }
0x252: {  	v63 =	vmul.f32 $1.442695020e+00, v61;
	(erf) = vrcp.f32 v27  }
0x253: {  	(erf) = vrcp.f32 v62  }
0x254: {  	(erf) = vpow2.f32 v63  }
0x255: {  	v8 =	vmul.f32 v25, v8  }
0x256: {  	[tilespmem:s22+$0x2A50] =	vst v21;
	v11 =	vmul.f32 v34, v11;
	v38 =	vpop (erf)  }
0x257: {  	v18 =	vmul.f32 v35, v18;
	[tilespmem:s22+$0x2A60] =	vst v8;
	v41 =	vpop (erf)  }
0x258: {  	[tilespmem:s22+$0x2A30] =	vst v11;
	v10 =	vmul.f32 v33, v10;
	v42 =	vpop (erf)  }
0x259: {  	[tilespmem:s22+$0x2A00] =	vst v18;
	v9 =	vmul.f32 v49, v9;
	v43 =	vpop (erf)  }
0x25a: {  	[tilespmem:s22+$0x2A70] =	vst v10;
	v6 =	vmul.f32 v50, v6;
	v44 =	vadd.f32 $1.000000000e+00, v40;
	v46 =	vpop (erf)  }
0x25b: {  	[tilespmem:s22+$0x2A10] =	vst v9;
	v5 =	vmul.f32 v52, v5;
	v45 =	vadd.f32 $1.000000000e+00, v41;
	v48 =	vpop (erf)  }
0x25c: {  	[tilespmem:s11+$0x2A40] =	vst v6;
	v0 =	vmul.f32 v54, v0;
	v47 =	vadd.f32 $1.000000000e+00, v39;
	(erf) = vrcp.f32 v44;
	v51 =	vpop (erf)  }
0x25d: {  	[tilespmem:s22+$0x2A20] =	vst v5;
	v49 =	vmul.f32 v55, v7;
	v50 =	vadd.f32 $1.000000000e+00, v38;
	(erf) = vrcp.f32 v45;
	v52 =	vpop (erf)  }
0x25e: {  	[tilespmem:s11+$0x2A50] =	vst v0;
	v4 =	vmul.f32 v56, v4;
	(erf) = vrcp.f32 v47;
	v5 =	vadd.f32 $1.000000000e+00, v52  }
0x25f: {  	[tilespmem:s11+$0x2A60] =	vst v49;
	v3 =	vmul.f32 v57, v3;
	(erf) = vrcp.f32 v50  }
0x260: {  	[tilespmem:s11+$0x2A30] =	vst v4;
	v2 =	vmul.f32 v59, v2;
	(erf) = vrcp.f32 v5  }
0x261: {  	[tilespmem:s11+$0x2A00] =	vst v3;
	v1 =	vmul.f32 v42, v1  }
0x262: {  	[tilespmem:s11+$0x2A70] =	vst v2;
	v53 =	vmul.f32 v43, v16  }
0x263: {  	[tilespmem:s11+$0x2A10] =	vst v1;
	v54 =	vmul.f32 v46, v15  }
0x264: {  	[tilespmem:s4+$0x2A40] =	vst v53;
	v62 =	vmul.f32 v48, v12  }
0x265: {  	[tilespmem:s11+$0x2A20] =	vst v54;
	v55 =	vmul.f32 v51, v24;
	v56 =	vpop (erf)  }
0x266: {  	[tilespmem:s4+$0x2A50] =	vst v62;
	v57 =	vmul.f32 v56, v22;
	v58 =	vpop (erf)  }
0x267: {  	[tilespmem:s4+$0x2A60] =	vst v55;
	v2 =	vmul.f32 v58, v17;
	v59 =	vpop (erf)  }
0x268: {  	s1 =	smul.u32 $0x50, s13;
	[tilespmem:s4+$0x2A30] =	vst v57;
	v60 =	vmul.f32 v59, v13;
	v61 =	vpop (erf)  }
0x269: {  	[tilespmem:s4+$0x2A00] =	vst v2;
	v1 =	vmul.f32 v61, v14;
	v63 =	vpop (erf)  }
0x26a: {  	s1 =	sadd.s32 s8, s1;
	[tilespmem:s4+$0x2A70] =	vst v60;
	v0 =	vmul.f32 v63, v19  }
0x26b: {  	s1 =	sshll.u32 s1, $0x4;
	[tilespmem:s4+$0x2A10] =	vst v1  }
0x26c: {  	s1 =	sadd.s32 s7, s1;
	[tilespmem:s4+$0x2A20] =	vst v0  }
0x26d: {  	[tilespmem:s31], [sflag:$0x7] =	stream.linear.gather [hbm4b:s1+s6], $0x2800, $0x38;
	[tilespmem:$0x1B600] =	vst v63  }
0x26e: {  	_ =	swait.ge [sflag:s28], $0x80  }
0x26f: {  	s14 =	sadd.s32 $0x1, s14;
	[sflag:s28] =	ssyncset.done $0x0  }
0x270: {  	p0 =	sne.s32 s14, $0x3D;
	[sflag:s28] =	ssyncadd.s32 $0xFFFFFF80  }
0x271: {  	[tilespmem:s30], [sflag:$0x5] =	stream.indirect.gather [hbm4b:s23+s29], $0x80, s6, s29, $0xb8;
	[tilespmem:$0x1B600] =	vst v63  }
.Ltmp4:
0x272: {  	_ = 	snop;
	(pc) =	sbr.rel @p0 .LBB2_6-.Ltmp4, $4  }
0x273: {  	_ =	swait.ge [sflag:s19], $0x80  }
0x274: {  	[sflag:s19] =	ssyncset.done $0x0  }
0x275: {  	s22 =	simm.s32 $0x180;
	[sflag:s19] =	ssyncadd.s32 $0xFFFFFF80  }
0x276: {  	[spmem:s25] =	stream.indirect.scatter.add.f32 [tilespmem:s16], [sflag:$0x9], $0x80, s22, s29, $0xb8;
	[tilespmem:$0x1B600] =	vst v63  }
0x277: {  	_ =	swait.ge [sflag:s20], $0x2800  }
0x278: {  	[sflag:s20] =	ssyncset.done $0x0  }
0x279: {  	s1 =	simm.s32 $0x0;
	s2 =	rddreg [dreg:$0x11];
	[sflag:s20] =	ssyncadd.s32 $0xFFFFD800  }
0x27a: {  	[tilespmem:s26], [sflag:$0x3] =	stream.linear.gather [hbm4b:s2+s1], $0x80, $0x38;
	[tilespmem:$0x1B600] =	vst v63  }
0x27b: {  	_ =	swait.ge [sflag:s9], $0x2800  }
0x27c: {  	[sflag:s9] =	ssyncset.done $0x0  }
0x27d: {  	[sflag:s9] =	ssyncadd.s32 $0xFFFFD800  }
0x27e: {  	_ =	swait.ge [sflag:s10], $0x2800  }
0x27f: {  	[sflag:s10] =	ssyncset.done $0x0  }
0x280: {  	s13 =	simm.s32 $0x0;
	[sflag:s10] =	ssyncadd.s32 $0xFFFFD800  }
0x281: {  	v0 =	vld [tilespmem:s13+$0x5270]  }
0x282: {  	v1 =	vld [tilespmem:s13+$0x5200]  }
0x283: {  	v2 =	vld [tilespmem:s13+$0x5230]  }
0x284: {  	v3 =	vld [tilespmem:s13+$0x5260]  }
0x285: {  	v4 =	vld [tilespmem:s13+$0x5240]  }
0x286: {  	v5 =	vld [tilespmem:s13+$0x5250]  }
0x287: {  	v6 =	vld [tilespmem:s13+$0x250]  }
0x288: {  	v7 =	vld [tilespmem:s13+$0x240]  }
0x289: {  	v12 =	vld [tilespmem:s13+$0x5220]  }
0x28a: {  	v9 =	vld [tilespmem:s13+$0x210]  }
0x28b: {  	v8 =	vld [tilespmem:s13+$0x270]  }
0x28c: {  	v11 =	vld [tilespmem:s13+$0x230];
	v17 =	vadd.f32 v5, v6  }
0x28d: {  	v15 =	vld [tilespmem:s13+$0x200];
	v13 =	vadd.f32 v4, v7  }
0x28e: {  	s11 =	simm.s32 $0x80;
	v5 =	vld [tilespmem:s13+$0x260];
	v6 =	vsub.f32 $0.0e+00, v17  }
0x28f: {  	v16 =	vld [tilespmem:s11+$0x5270];
	v14 =	vsub.f32 $0.0e+00, v13  }
0x290: {  	v19 =	vld [tilespmem:s11+$0x250];
	v10 =	vadd.f32 v0, v8;
	v0 =	vmul.f32 $1.442695020e+00, v6  }
0x291: {  	v20 =	vld [tilespmem:s11+$0x5230];
	v11 =	vadd.f32 v2, v11;
	v2 =	vmul.f32 $1.442695020e+00, v14  }
0x292: {  	v4 =	vld [tilespmem:s13+$0x5210];
	(erf) = vpow2.f32 v0  }
0x293: {  	v22 =	vld [tilespmem:s11+$0x230];
	v8 =	vadd.f32 v3, v5;
	v0 =	vsub.f32 $0.0e+00, v10;
	(erf) = vpow2.f32 v2  }
0x294: {  	v7 =	vld [tilespmem:s13+$0x220];
	v2 =	vsub.f32 $0.0e+00, v11  }
0x295: {  	v14 =	vld [tilespmem:s11+$0x5250];
	v6 =	vsub.f32 $0.0e+00, v8;
	v0 =	vmul.f32 $1.442695020e+00, v0  }
0x296: {  	v5 =	vld [tilespmem:s11+$0x5240];
	v2 =	vmul.f32 $1.442695020e+00, v2  }
0x297: {  	v9 =	vadd.f32 v4, v9;
	v4 =	vmul.f32 $1.442695020e+00, v6;
	v6 =	vld [tilespmem:s11+$0x240];
	(erf) = vpow2.f32 v0  }
0x298: {  	v18 =	vadd.f32 v1, v15;
	v1 =	vld [tilespmem:s11+$0x210];
	(erf) = vpow2.f32 v2  }
0x299: {  	v15 =	vld [tilespmem:s11+$0x5210];
	v0 =	vsub.f32 $0.0e+00, v9;
	(erf) = vpow2.f32 v4  }
0x29a: {  	v2 =	vld [tilespmem:s11+$0x270];
	v4 =	vsub.f32 $0.0e+00, v18  }
0x29b: {  	v3 =	vld [tilespmem:s11+$0x5200];
	v21 =	vmul.f32 $1.442695020e+00, v0;
	v0 =	vadd.f32 v14, v19;
	v14 =	vpop (erf)  }
0x29c: {  	v19 =	vld [tilespmem:s11+$0x200];
	v4 =	vmul.f32 $1.442695020e+00, v4;
	v6 =	vadd.f32 v5, v6;
	v5 =	vpop (erf)  }
0x29d: {  	v23 =	vld [tilespmem:s11+$0x5260];
	(erf) = vpow2.f32 v21;
	v21 =	vsub.f32 $0.0e+00, v0;
	v24 =	vadd.f32 $1.000000000e+00, v5  }
0x29e: {  	s4 =	simm.s32 $0x100;
	v25 =	vld [tilespmem:s11+$0x5220];
	v1 =	vadd.f32 v15, v1;
	(erf) = vpow2.f32 v4;
	v4 =	vsub.f32 $0.0e+00, v6  }
0x29f: {  	v26 =	vld [tilespmem:s4+$0x5200];
	v14 =	vadd.f32 $1.000000000e+00, v14;
	v2 =	vadd.f32 v16, v2;
	v15 =	vmul.f32 $1.442695020e+00, v21  }
0x2a0: {  	v16 =	vld [tilespmem:s11+$0x260];
	v5 =	vadd.f32 v12, v7;
	v7 =	vmul.f32 $1.442695020e+00, v4;
	v12 =	vpop (erf);
	(erf) = vrcp.f32 v24  }
0x2a1: {  	v28 =	vld [tilespmem:s4+$0x5240];
	v3 =	vadd.f32 v3, v19;
	v19 =	vsub.f32 $0.0e+00, v1;
	(erf) = vpow2.f32 v15;
	v24 =	vpop (erf)  }
0x2a2: {  	v31 =	vld [tilespmem:s4+$0x240];
	v4 =	vadd.f32 v20, v22;
	v22 =	vsub.f32 $0.0e+00, v5;
	(erf) = vpow2.f32 v7;
	v20 =	vpop (erf)  }
0x2a3: {  	v33 =	vld [tilespmem:s4+$0x210];
	v27 =	vsub.f32 $0.0e+00, v2;
	v20 =	vadd.f32 $1.000000000e+00, v20  }
0x2a4: {  	v35 =	vld [tilespmem:s4+$0x5210];
	v29 =	vsub.f32 $0.0e+00, v4;
	v22 =	vmul.f32 $1.442695020e+00, v22;
	(erf) = vrcp.f32 v14  }
0x2a5: {  	v7 =	vadd.f32 v23, v16;
	v16 =	vld [tilespmem:s4+$0x5250];
	v14 =	vmul.f32 $1.442695020e+00, v27;
	(erf) = vrcp.f32 v20  }
0x2a6: {  	v27 =	vld [tilespmem:s4+$0x250];
	v29 =	vmul.f32 $1.442695020e+00, v29;
	v23 =	vpop (erf);
	v20 =	vsub.f32 $0.0e+00, v3;
	(erf) = vpow2.f32 v22  }
0x2a7: {  	v15 =	vld [tilespmem:s4+$0x5270];
	v24 =	vadd.f32 $1.000000000e+00, v24;
	v30 =	vpop (erf);
	v22 =	vsub.f32 $0.0e+00, v7;
	(erf) = vpow2.f32 v14  }
0x2a8: {  	v14 =	vmul.f32 $1.442695020e+00, v20;
	v20 =	vadd.f32 $1.000000000e+00, v30;
	v30 =	vld [tilespmem:s4+$0x270];
	(erf) = vpow2.f32 v29  }
0x2a9: {  	v21 =	vld [tilespmem:s11+$0x220];
	v12 =	vadd.f32 $1.000000000e+00, v12;
	v29 =	vmul.f32 $1.442695020e+00, v22;
	v32 =	vpop (erf);
	(erf) = vrcp.f32 v24  }
0x2aa: {  	v37 =	vld [tilespmem:s4+$0x200];
	v34 =	vadd.f32 $1.000000000e+00, v23;
	v23 =	vpop (erf);
	v36 =	vmul.f32 v32, v13;
	(erf) = vrcp.f32 v20  }
0x2ab: {  	v22 =	vld [tilespmem:s4+$0x5230];
	v23 =	vadd.f32 $1.000000000e+00, v23;
	v13 =	vpop (erf);
	(erf) = vrcp.f32 v12;
	v12 =	vadd.f32 v16, v27  }
0x2ac: {  	v19 =	vmul.f32 $1.442695020e+00, v19;
	v24 =	vld [tilespmem:s4+$0x5260];
	v38 =	vadd.f32 $1.000000000e+00, v13;
	v16 =	vadd.f32 v28, v31  }
0x2ad: {  	v20 =	vpop (erf);
	(erf) = vpow2.f32 v29;
	v13 =	vadd.f32 v15, v30;
	v30 =	vld [tilespmem:s4+$0x260];
	v27 =	vsub.f32 $0.0e+00, v12  }
0x2ae: {  	v28 =	vld [tilespmem:s4+$0x230];
	v15 =	vadd.f32 v25, v21;
	v21 =	vmul.f32 v20, v17;
	(erf) = vpow2.f32 v19;
	v25 =	vpop (erf)  }
0x2af: {  	v31 =	vsub.f32 $0.0e+00, v16;
	(erf) = vpow2.f32 v14;
	v14 =	vadd.f32 v35, v33;
	v17 =	vpop (erf)  }
0x2b0: {  	v20 =	vld [tilespmem:s4+$0x220];
	(erf) = vrcp.f32 v34;
	v33 =	vmul.f32 $1.442695020e+00, v27;
	v29 =	vpop (erf);
	v32 =	vadd.f32 $1.000000000e+00, v17  }
0x2b1: {  	s3 =	simm.s32 $0x600;
	[tilespmem:s13+$0x240] =	vst v36;
	v19 =	vld [tilespmem:s4+$0x5220];
	v17 =	vadd.f32 v26, v37;
	v26 =	vsub.f32 $0.0e+00, v14;
	(erf) = vrcp.f32 v38;
	v27 =	vpop (erf)  }
.LBB2_12:
0x2b2: {  	v30 =	vadd.f32 v24, v30  }
0x2b3: {  	s1 =	sshra.s32 s3, $0x2;
	p0 =	sne.s32 s3, $0x9E00;
	s3 =	sadd.s32 $0x200, s3;
	(erf) = vpow2.f32 v33;
	v39 =	vmul.f32 v25, v8;
	v24 =	vpop (erf);
	v28 =	vadd.f32 v22, v28  }
0x2b4: {  	v31 =	vmul.f32 $1.442695020e+00, v31;
	v25 =	vld [tilespmem:s1+$0x5270];
	v33 =	vsub.f32 $0.0e+00, v17;
	v37 =	vmul.f32 v24, v11;
	v22 =	vpop (erf)  }
0x2b5: {  	v34 =	vld [tilespmem:s1+$0x5200];
	v35 =	vsub.f32 $0.0e+00, v30;
	v18 =	vmul.f32 v22, v18;
	[tilespmem:s13+$0x260] =	vst v39;
	(erf) = vrcp.f32 v32;
	v8 =	vpop (erf)  }
0x2b6: {  	v38 =	vsub.f32 $0.0e+00, v13;
	v29 =	vadd.f32 $1.000000000e+00, v29;
	v22 =	vld [tilespmem:s1+$0x5230];
	v36 =	vpop (erf);
	[tilespmem:s13+$0x230] =	vst v37;
	v39 =	vmul.f32 v8, v10  }
0x2b7: {  	v27 =	vadd.f32 $1.000000000e+00, v27;
	v33 =	vmul.f32 $1.442695020e+00, v33;
	v10 =	vsub.f32 $0.0e+00, v15;
	v24 =	vld [tilespmem:s1+$0x5260];
	v11 =	vpop (erf);
	[tilespmem:s13+$0x200] =	vst v18  }
0x2b8: {  	v18 =	vmul.f32 $1.442695020e+00, v38;
	v37 =	vld [tilespmem:s1+$0x5240];
	(erf) = vpow2.f32 v31;
	v31 =	vadd.f32 $1.000000000e+00, v36;
	v32 =	vpop (erf);
	[tilespmem:s13+$0x270] =	vst v39  }
0x2b9: {  	v38 =	vsub.f32 $0.0e+00, v28;
	v35 =	vmul.f32 $1.442695020e+00, v35;
	v10 =	vmul.f32 $1.442695020e+00, v10;
	v36 =	vld [tilespmem:s1+$0x5220];
	v8 =	vpop (erf)  }
0x2ba: {  	v32 =	vadd.f32 $1.000000000e+00, v32;
	v39 =	vld [tilespmem:s1+$0x5250];
	(erf) = vrcp.f32 v23;
	v9 =	vmul.f32 v8, v9;
	v8 =	vmovc v7;
	v7 =	vmovc v30  }
0x2bb: {  	v26 =	vmul.f32 $1.442695020e+00, v26;
	v40 =	vadd.f32 $1.000000000e+00, v11;
	v30 =	vld [tilespmem:s1+$0x250];
	v11 =	vpop (erf);
	(erf) = vrcp.f32 v31  }
0x2bc: {  	v43 =	vmul.f32 $1.442695020e+00, v38;
	v31 =	vld [tilespmem:s1+$0x240];
	v23 =	vpop (erf);
	(erf) = vpow2.f32 v10;
	[tilespmem:s13+$0x210] =	vst v9  }
0x2bd: {  	v41 =	vld [tilespmem:s1+$0x210];
	v23 =	vadd.f32 $1.000000000e+00, v23;
	(erf) = vpow2.f32 v18;
	v18 =	vmul.f32 v11, v6;
	[tilespmem:s13+$0x250] =	vst v21;
	v11 =	vmovc v4;
	v4 =	vmovc v28  }
0x2be: {  	v38 =	vmov v19;
	v21 =	vld [tilespmem:s1+$0x270];
	(erf) = vpow2.f32 v43;
	v9 =	vpop (erf);
	v19 =	vmov v36  }
0x2bf: {  	v42 =	vmovc v0;
	v0 =	vmovc v12;
	v36 =	vld [tilespmem:s1+$0x5210];
	[tilespmem:s11+$0x240] =	vst v18;
	(erf) = vrcp.f32 v27;
	v44 =	vmul.f32 v9, v5;
	v27 =	vmov v20  }
0x2c0: {  	v10 =	vmovc v2;
	v2 =	vmovc v13;
	v6 =	vmov v16;
	v5 =	vmov v15;
	v28 =	vld [tilespmem:s1+$0x230];
	(erf) = vrcp.f32 v32  }
0x2c1: {  	v9 =	vmov v1;
	v1 =	vmov v14;
	v20 =	vld [tilespmem:s1+$0x220];
	v13 =	vpop (erf);
	(erf) = vrcp.f32 v29;
	[tilespmem:s13+$0x220] =	vst v44;
	s13 =	smov.u32 s11;
	s11 =	smov.u32 s4;
	s4 =	smov.u32 s1  }
0x2c2: {  	v12 =	vadd.f32 v39, v30;
	v18 =	vmovc v3;
	v3 =	vmovc v17;
	v43 =	vld [tilespmem:s4+$0x200];
	v39 =	vadd.f32 $1.000000000e+00, v13;
	(erf) = vpow2.f32 v35  }
.Ltmp5:
0x2c3: {  	v15 =	vadd.f32 v38, v27;
	v30 =	vld [tilespmem:s4+$0x260];
	v13 =	vadd.f32 v25, v21;
	(erf) = vpow2.f32 v26;
	v17 =	vpop (erf);
	(pc) =	sbr.rel @p0 .LBB2_12-.Ltmp5, $4  }
0x2c4: {  	v16 =	vadd.f32 v37, v31;
	v26 =	vsub.f32 $0.0e+00, v12;
	(erf) = vpow2.f32 v33;
	v25 =	vpop (erf)  }
0x2c5: {  	v14 =	vadd.f32 v36, v41;
	v21 =	vmul.f32 v17, v42;
	(erf) = vrcp.f32 v40;
	v17 =	vpop (erf)  }
0x2c6: {  	v31 =	vsub.f32 $0.0e+00, v16;
	v33 =	vmul.f32 $1.442695020e+00, v26;
	v29 =	vpop (erf);
	v32 =	vadd.f32 $1.000000000e+00, v17  }
0x2c7: {  	v26 =	vsub.f32 $0.0e+00, v14;
	v17 =	vadd.f32 v34, v43;
	v27 =	vpop (erf);
	(erf) = vrcp.f32 v39  }
0x2c8: {  	v34 =	vpop (erf)  }
0x2c9: {  	v35 =	vpop (erf)  }
0x2ca: {  	(erf) = vpow2.f32 v33;
	v31 =	vmul.f32 $1.442695020e+00, v31;
	v33 =	vpop (erf)  }
0x2cb: {  	v22 =	vadd.f32 v22, v28;
	v42 =	vsub.f32 $0.0e+00, v15;
	(erf) = vrcp.f32 v32;
	v41 =	vpop (erf)  }
0x2cc: {  	v36 =	vsub.f32 $0.0e+00, v13;
	(erf) = vpow2.f32 v31;
	v28 =	vadd.f32 $1.000000000e+00, v41  }
0x2cd: {  	v43 =	vsub.f32 $0.0e+00, v22;
	v32 =	vmul.f32 $1.442695020e+00, v42;
	(erf) = vrcp.f32 v23  }
0x2ce: {  	v44 =	vmul.f32 $1.442695020e+00, v36;
	(erf) = vrcp.f32 v28  }
0x2cf: {  	v24 =	vadd.f32 v24, v30;
	v45 =	vpop (erf);
	v46 =	vmul.f32 $1.442695020e+00, v43;
	(erf) = vpow2.f32 v32  }
0x2d0: {  	v27 =	vadd.f32 $1.000000000e+00, v27;
	v47 =	vpop (erf);
	(erf) = vpow2.f32 v44  }
0x2d1: {  	v48 =	vsub.f32 $0.0e+00, v24;
	v49 =	vpop (erf);
	v31 =	vadd.f32 $1.000000000e+00, v47;
	(erf) = vpow2.f32 v46  }
0x2d2: {  	v29 =	vadd.f32 $1.000000000e+00, v29;
	v50 =	vpop (erf);
	(erf) = vrcp.f32 v27  }
0x2d3: {  	v23 =	vmul.f32 $1.442695020e+00, v48;
	v51 =	vpop (erf);
	(erf) = vrcp.f32 v31  }
0x2d4: {  	v52 =	vpop (erf);
	(erf) = vrcp.f32 v29  }
0x2d5: {  	v53 =	vpop (erf);
	(erf) = vpow2.f32 v23  }
0x2d6: {  	v54 =	vpop (erf)  }
0x2d7: {  	v55 =	vpop (erf)  }
0x2d8: {  	v37 =	vsub.f32 $0.0e+00, v17;
	v38 =	vpop (erf)  }
0x2d9: {  	v26 =	vmul.f32 $1.442695020e+00, v26;
	v39 =	vpop (erf)  }
0x2da: {  	v37 =	vmul.f32 $1.442695020e+00, v37;
	v40 =	vpop (erf)  }
0x2db: {  	v28 =	vadd.f32 $1.000000000e+00, v45;
	(erf) = vpow2.f32 v26;
	v56 =	vpop (erf)  }
0x2dc: {  	v19 =	vadd.f32 v19, v20;
	v29 =	vadd.f32 $1.000000000e+00, v53;
	(erf) = vpow2.f32 v37;
	v57 =	vpop (erf)  }
0x2dd: {  	v58 =	vadd.f32 $1.000000000e+00, v38;
	(erf) = vrcp.f32 v28;
	v59 =	vpop (erf)  }
0x2de: {  	v61 =	vsub.f32 $0.0e+00, v19;
	v27 =	vadd.f32 $1.000000000e+00, v51;
	(erf) = vrcp.f32 v29;
	v60 =	vpop (erf)  }
0x2df: {  	(erf) = vrcp.f32 v58;
	v62 =	vadd.f32 $1.000000000e+00, v60  }
0x2e0: {  	v63 =	vmul.f32 $1.442695020e+00, v61;
	(erf) = vrcp.f32 v27  }
0x2e1: {  	(erf) = vrcp.f32 v62  }
0x2e2: {  	(erf) = vpow2.f32 v63  }
0x2e3: {  	v8 =	vmul.f32 v25, v8  }
0x2e4: {  	[tilespmem:s13+$0x250] =	vst v21;
	v11 =	vmul.f32 v34, v11;
	v38 =	vpop (erf)  }
0x2e5: {  	v18 =	vmul.f32 v35, v18;
	[tilespmem:s13+$0x260] =	vst v8;
	v41 =	vpop (erf)  }
0x2e6: {  	[tilespmem:s13+$0x230] =	vst v11;
	v10 =	vmul.f32 v33, v10;
	v42 =	vpop (erf)  }
0x2e7: {  	[tilespmem:s13+$0x200] =	vst v18;
	v9 =	vmul.f32 v49, v9;
	v43 =	vpop (erf)  }
0x2e8: {  	[tilespmem:s13+$0x270] =	vst v10;
	v6 =	vmul.f32 v50, v6;
	v44 =	vadd.f32 $1.000000000e+00, v40;
	v46 =	vpop (erf)  }
0x2e9: {  	[tilespmem:s13+$0x210] =	vst v9;
	v5 =	vmul.f32 v52, v5;
	v45 =	vadd.f32 $1.000000000e+00, v41;
	v48 =	vpop (erf)  }
0x2ea: {  	[tilespmem:s11+$0x240] =	vst v6;
	v0 =	vmul.f32 v54, v0;
	v47 =	vadd.f32 $1.000000000e+00, v39;
	(erf) = vrcp.f32 v44;
	v51 =	vpop (erf)  }
0x2eb: {  	[tilespmem:s13+$0x220] =	vst v5;
	v49 =	vmul.f32 v55, v7;
	v50 =	vadd.f32 $1.000000000e+00, v38;
	(erf) = vrcp.f32 v45;
	v52 =	vpop (erf)  }
0x2ec: {  	[tilespmem:s11+$0x250] =	vst v0;
	v4 =	vmul.f32 v56, v4;
	(erf) = vrcp.f32 v47;
	v5 =	vadd.f32 $1.000000000e+00, v52  }
0x2ed: {  	[tilespmem:s11+$0x260] =	vst v49;
	v3 =	vmul.f32 v57, v3;
	(erf) = vrcp.f32 v50  }
0x2ee: {  	[tilespmem:s11+$0x230] =	vst v4;
	v2 =	vmul.f32 v59, v2;
	(erf) = vrcp.f32 v5  }
0x2ef: {  	[tilespmem:s11+$0x200] =	vst v3;
	v1 =	vmul.f32 v42, v1  }
0x2f0: {  	[tilespmem:s11+$0x270] =	vst v2;
	v53 =	vmul.f32 v43, v16  }
0x2f1: {  	[tilespmem:s11+$0x210] =	vst v1;
	v54 =	vmul.f32 v46, v15  }
0x2f2: {  	[tilespmem:s4+$0x240] =	vst v53;
	v62 =	vmul.f32 v48, v12  }
0x2f3: {  	[tilespmem:s11+$0x220] =	vst v54;
	v55 =	vmul.f32 v51, v24;
	v56 =	vpop (erf)  }
0x2f4: {  	[tilespmem:s4+$0x250] =	vst v62;
	v57 =	vmul.f32 v56, v22;
	v58 =	vpop (erf)  }
0x2f5: {  	[tilespmem:s4+$0x260] =	vst v55;
	v2 =	vmul.f32 v58, v17;
	v59 =	vpop (erf)  }
0x2f6: {  	[tilespmem:s4+$0x230] =	vst v57;
	v60 =	vmul.f32 v59, v13;
	v61 =	vpop (erf)  }
0x2f7: {  	[tilespmem:s4+$0x200] =	vst v2;
	v1 =	vmul.f32 v61, v14;
	v63 =	vpop (erf)  }
0x2f8: {  	[tilespmem:s4+$0x270] =	vst v60;
	v0 =	vmul.f32 v63, v19  }
0x2f9: {  	[tilespmem:s4+$0x210] =	vst v1  }
0x2fa: {  	[tilespmem:s4+$0x220] =	vst v0  }
0x2fb: {  	_ =	swait.ge [sflag:s17], $0x80  }
0x2fc: {  	[sflag:s17] =	ssyncset.done $0x0  }
0x2fd: {  	[sflag:s17] =	ssyncadd.s32 $0xFFFFFF80  }
0x2fe: {  	[spmem:s25] =	stream.indirect.scatter.add.f32 [tilespmem:s30], [sflag:$0x8], $0x80, s26, s29, $0xb8;
	[tilespmem:$0x1B600] =	vst v63  }
0x2ff: {  	_ =	swait.ge [sflag:s15], $0x80  }
0x300: {  	[sflag:s15] =	ssyncset.done $0x0  }
0x301: {  	[sflag:s15] =	ssyncadd.s32 $0xFFFFFF80  }
0x302: {  	_ =	swait.ge [sflag:s21], $0x2800  }
0x303: {  	[sflag:s21] =	ssyncset.done $0x0  }
0x304: {  	[sflag:s21] =	ssyncadd.s32 $0xFFFFD800  }
0x305: {  	_ =	swait.ge [sflag:s20], $0x2800  }
0x306: {  	[sflag:s20] =	ssyncset.done $0x0  }
0x307: {  	[sflag:s20] =	ssyncadd.s32 $0xFFFFD800  }
0x308: {  	[bflag:$0x0] =	sbarrier.arrive $0xFFFF  }
0x309: {  	s5 =	rddreg [dreg:$0x7]  }
0x30a: {  	s1 =	rddreg [dreg:$0x12]  }
0x30b: {  	s2 =	rddreg [dreg:$0x15]  }
0x30c: {  	[hbm:s1], [sflag:s5] =	dma.local [spmem:s2], $0x2780  }
0x30d: {  	s2 =	simm.s32 $0xA  }
0x30e: {  	_ =	swait.ge [sflag:s2], $0x2780  }
0x30f: {  	s3 =	rddreg [dreg:$0x14]  }
0x310: {  	s22 =	rddreg [dreg:$0x13];
	s3 =	sadd.s32 $0x1, s3  }
0x311: {  	p0 =	sne.s32 s3, s22  }
.Ltmp6:
0x312: {  	_ = 	snop;
	(pc) =	sbr.rel @p0 .LBB2_1-.Ltmp6, $3  }
0x313: {  	_ =	sdelay $0x1  }
0x314: {  	[sflag:s2] =	ssyncset.done $0x0  }
0x315: {  	[sflag:s2] =	ssyncadd.s32 $0xFFFFD880  }
0x316: {  	_ =	sfence.sel $0x180000  }
0x317: {  	[bflag:$0x0] =	sbarrier.arrive $0xFFFF  }
0x318: {  	_ =	strace $0x9000004A  }
0x319: {  	s0 =	stileid.u32;
	[bflag:$0x2] =	sbarrier.arrive $0xFFFF  }
0x31a: {  	p0 =	sne.s32 s0, $0x0;
	s0 =	rddreg [dreg:$0x4]  }
0x31b: {  	s0 =	sadd.s32 @!p0 $0x100000, s0  }
0x31c: {  	[sflag:s0] =	ssyncadd.tile.s32 @!p0 $0x1;
	_ =	shalt  }
.Lfunc_end2:
_tile_overlayer_lowered:
.L_overlay_start_2:
0x31d: {  	(tag) =	ssettag $0x2  }
0x31e: {  	s0 =	rddreg [dreg:$0x0];
	s2 =	stileid.u32  }
0x31f: {  	s1 =	rddreg [dreg:$0x1];
	p0 =	sne.s32 s2, $0x0  }
0x320: {  	s3 =	rddreg [dreg:$0x2];
	[bflag:$0x3] =	sbarrier.arrive $0xFFFF;
	s2 =	simm.s32 @!p0 $0x1C0A  }
0x321: {  	[timem:s3], [sflag:s2] =	dma.local @!p0 [hbm:s0], s1  }
0x322: {  	s0 =	simm.s32 @!p0 $0xA  }
0x323: {  	_ =	swait.ge @!p0 [sflag:s0], s1  }
0x324: {  	s1 =	ssub.s32 @!p0 $0x0, s1;
	[sflag:s0] =	ssyncset.done @!p0 $0x0  }
0x325: {  	[sflag:s0] =	ssyncadd.s32 @!p0 s1  }
0x326: {  	[bflag:$0x3] =	sbarrier.arrive $0xFFFF  }
0x327: {  	_ =	shalt  }

// kernel: kernel.9.cloned.1.call-start
scs
__scs_entry_jumppad:
0x0: {  	(pc) =	sbr.rel $0x88, $3  }
0x1: {  	(tag) =	ssettag $0x0;
	lr =	simm.s32 $0x1  }
0x2: {  	[smem:$0x3F92] =	sst lr;
	_ =	strace $0xD0000000  }
0x3: {  	_ = 	snop  }
0x4: {  	_ = 	snop  }
0x5: {  	_ = 	snop  }
0x6: {  	_ = 	snop  }
0x7: {  	_ = 	snop  }
__scs_overlays_trampoline_lowered:
0x8: {  	[smem:$0x3FA1] =	sst s0  }
0x9: {  	[smem:$0x3FA2] =	sst s1  }
0xa: {  	[smem:$0x3FA3] =	sst s2  }
0xb: {  	[smem:$0x3FA4] =	sst s3  }
0xc: {  	[smem:$0x3FA5] =	sst s4  }
0xd: {  	[smem:$0x3FA6] =	sst s5  }
0xe: {  	[smem:$0x3FA7] =	sst s6  }
0xf: {  	[smem:$0x3FA8] =	sst s7  }
0x10: {  	[smem:$0x3FA9] =	sst s8  }
0x11: {  	[smem:$0x3FAA] =	sst s9;
	s0 =	simm.s32 @!p0 $0x0  }
0x12: {  	s1 =	sld [smem:$0x3F90];
	s0 =	simm.s32 @p0 $0x1  }
0x13: {  	[smem:$0x3FAB] =	sst s0;
	s0 =	simm.s32 @!p1 $0x0  }
0x14: {  	s2 =	sld [smem:$0x3F8F];
	s0 =	simm.s32 @p1 $0x1  }
0x15: {  	[smem:$0x3FAC] =	sst s0;
	s0 =	simm.s32 @!p2 $0x0  }
0x16: {  	s3 =	sld [smem:$0x3FDB];
	s0 =	simm.s32 @p2 $0x1  }
0x17: {  	s4 =	simm.s32 $0x1BF5;
	[smem:$0x3FAE] =	sst s0  }
0x18: {  	s0 =	sld [smem:$0x3F91];
	_ =	swait.ge [sflag:s4], $0x0  }
0x19: {  	s7 =	sld [smem:$0x3F92]  }
0x1a: {  	s8 =	sadd.s32 $0xFFFFE003, lr  }
0x1b: {  	s9 =	sadd.s32 $0xFFFFFEF7, lr;
	s5 =	simm.s32 $0xFFFFFFFF;
	p2 =	slt.u32 s8, $0xFFFFF086  }
0x1c: {  	p1 =	slt.u32 s9, $0xF7A;
	s5 =	simm.s32 @!p2 $0x0  }
0x1d: {  	s5 =	simm.s32 @p1 $0x1;
	p0 =	seq.s32 s7, s2  }
0x1e: {  	s7 =	smul.u32 @!p0 $0xF7A, s2;
	p2 =	seq.s32 @!p0 s5, $0x0  }
0x1f: {  	s9 =	smul.u32 $0xF7A, s1;
	s8 =	simm.s32 @!p0 $0x1BF5;
	p2 =	por !p2, p0  }
0x20: {  	[sflag:s8] =	ssyncset.s32 @!p0 $0xFFFFF086;
	s6 =	sadd.s32 @!p0 s3, s7;
	s7 =	simm.s32 @!p0 $0x108  }
0x21: {  	s3 =	sadd.s32 s3, s9;
	s6 =	sadd.s32 @!p0 $0x88, s6;
	s7 =	simm.s32 @p2 $0x1082  }
0x22: {  	[simem:s7], [sflag:s8] =	dma.local @!p0 [hbm:s6], $0xF7A  }
0x23: {  	s9 =	sor.u32 $0xD0000000, s2;
	s6 =	simm.s32 $0x108;
	_ =	swait.ge @!p0 [sflag:s8], $0x0  }
0x24: {  	s3 =	sadd.s32 $0x88, s3;
	s6 =	simm.s32 @!p1 $0x1082;
	[sflag:s4] =	ssyncset.s32 $0xFFFFF086  }
0x25: {  	[simem:s6], [sflag:s4] =	dma.local [hbm:s3], $0xF7A  }
0x26: {  	[smem:$0x3F92] =	sst s1;
	(tag) =	ssettag s2;
	_ =	strace s9  }
0x27: {  	s1 =	sld [smem:$0x3FA2]  }
0x28: {  	s2 =	sld [smem:$0x3FA3]  }
0x29: {  	s4 =	sld [smem:$0x3FA5]  }
0x2a: {  	p0 =	seq.s32 s5, $0x0;
	s5 =	sld [smem:$0x3FA6]  }
0x2b: {  	s6 =	sld [smem:$0x3FA7]  }
0x2c: {  	s7 =	sld [smem:$0x3FA8]  }
0x2d: {  	s3 =	simm.s32 $0x108;
	s8 =	sld [smem:$0x3FA9]  }
0x2e: {  	s3 =	simm.s32 @!p0 $0x1082;
	s9 =	sld [smem:$0x3FAA]  }
0x2f: {  	lr =	sadd.s32 s0, s3;
	s0 =	sld [smem:$0x3FA1]  }
0x30: {  	s3 =	sld [smem:$0x3FA4]  }
0x31: {  	[smem:$0x3FAD] =	sst s10  }
0x32: {  	s10 =	sld [smem:$0x3FAB];
	_ =	sdelay $0x3  }
0x33: {  	p0 =	seq.s32 s10, $0x1;
	s10 =	sld [smem:$0x3FAD];
	_ =	sdelay $0x3  }
0x34: {  	[smem:$0x3FAD] =	sst s10  }
0x35: {  	s10 =	sld [smem:$0x3FAC];
	_ =	sdelay $0x3  }
0x36: {  	p1 =	seq.s32 s10, $0x1;
	s10 =	sld [smem:$0x3FAD];
	_ =	sdelay $0x3  }
0x37: {  	[smem:$0x3FAD] =	sst s10  }
0x38: {  	s10 =	sld [smem:$0x3FAE]  }
0x39: {  	_ = 	snop;
	(pc) =	sbr.ind lr, $3  }
0x3a: {  	_ = 	snop  }
0x3b: {  	_ = 	snop  }
0x3c: {  	p2 =	seq.s32 s10, $0x1;
	s10 =	sld [smem:$0x3FAD]  }
0x3d: {  	_ =	shalt  }
0x3e: {  	_ =	shalt  }
0x3f: {  	_ =	shalt  }
0x40: {  	_ =	shalt  }
0x41: {  	_ =	shalt  }
0x42: {  	_ =	shalt  }
0x43: {  	_ =	shalt  }
0x44: {  	_ =	shalt  }
0x45: {  	_ =	shalt  }
0x46: {  	_ =	shalt  }
0x47: {  	_ =	shalt  }
0x48: {  	_ =	shalt  }
0x49: {  	_ =	shalt  }
0x4a: {  	_ =	shalt  }
0x4b: {  	_ =	shalt  }
0x4c: {  	_ =	shalt  }
0x4d: {  	_ =	shalt  }
0x4e: {  	_ =	shalt  }
0x4f: {  	_ =	shalt  }
0x50: {  	_ =	shalt  }
0x51: {  	_ =	shalt  }
0x52: {  	_ =	shalt  }
0x53: {  	_ =	shalt  }
0x54: {  	_ =	shalt  }
0x55: {  	_ =	shalt  }
0x56: {  	_ =	shalt  }
0x57: {  	_ =	shalt  }
0x58: {  	_ =	shalt  }
0x59: {  	_ =	shalt  }
0x5a: {  	_ =	shalt  }
0x5b: {  	_ =	shalt  }
0x5c: {  	_ =	shalt  }
0x5d: {  	_ =	shalt  }
0x5e: {  	_ =	shalt  }
0x5f: {  	_ =	shalt  }
0x60: {  	_ =	shalt  }
0x61: {  	_ =	shalt  }
0x62: {  	_ =	shalt  }
0x63: {  	_ =	shalt  }
0x64: {  	_ =	shalt  }
0x65: {  	_ =	shalt  }
0x66: {  	_ =	shalt  }
0x67: {  	_ =	shalt  }
0x68: {  	_ =	shalt  }
0x69: {  	_ =	shalt  }
0x6a: {  	_ =	shalt  }
0x6b: {  	_ =	shalt  }
0x6c: {  	_ =	shalt  }
0x6d: {  	_ =	shalt  }
0x6e: {  	_ =	shalt  }
0x6f: {  	_ =	shalt  }
0x70: {  	_ =	shalt  }
0x71: {  	_ =	shalt  }
0x72: {  	_ =	shalt  }
0x73: {  	_ =	shalt  }
0x74: {  	_ =	shalt  }
0x75: {  	_ =	shalt  }
0x76: {  	_ =	shalt  }
0x77: {  	_ =	shalt  }
0x78: {  	_ =	shalt  }
0x79: {  	_ =	shalt  }
0x7a: {  	_ =	shalt  }
0x7b: {  	_ =	shalt  }
0x7c: {  	_ =	shalt  }
0x7d: {  	_ =	shalt  }
0x7e: {  	_ =	shalt  }
0x7f: {  	_ =	shalt  }
0x80: {  	_ =	shalt  }
0x81: {  	_ =	shalt  }
0x82: {  	_ =	shalt  }
0x83: {  	_ =	shalt  }
0x84: {  	_ =	shalt  }
0x85: {  	_ =	shalt  }
0x86: {  	_ =	shalt  }
0x87: {  	_ =	shalt  }
.Lfunc_end0:
.L_simem_size_0:
called_computation.1_lowered:
.L_overlay_start_0:
0x88: {  	s2 =	sld [smem:$0x3FD9]  }
0x89: {  	s3 =	sld [smem:$0x3FFE];
	_ =	sdelay $0x1  }
0x8a: {  	s1 =	srdreg.scid  }
0x8b: {  	s0 =	sand.u32 $0x1, s1  }
0x8c: {  	s14 =	sshll.u32 s0, $0xA;
	s2 =	sadd.s32 s3, s2  }
0x8d: {  	s2 =	sadd.s32 s2, s14  }
0x8e: {  	[smem:$0x3FB9] =	sst s2  }
0x8f: {  	_ = 	snop  }
0x90: {  	s2 =	sld [smem:$0x3FD0];
	_ =	sdelay $0x2  }
0x91: {  	s15 =	simm.s32 $0xA;
	s4 =	simm.s32 $0x10  }
0x92: {  	[smem:s4], [sflag:s15] =	dma.local [hbm:s2], $0x1  }
0x93: {  	_ =	swait.eq [sflag:s15], $0x1  }
0x94: {  	[sflag:s15] =	ssyncset.done $0x0  }
0x95: {  	[sflag:s15] =	ssyncadd.s32 $0xFFFFFFFF  }
0x96: {  	s16 =	sld [smem:$0x12];
	(tm) =	ssettm $0x1  }
0x97: {  	s17 =	sld [smem:$0x3FFB];
	_ =	sdelay $0x3  }
0x98: {  	_ =	strace s17  }
0x99: {  	s3 =	sld [smem:$0x3FFC];
	_ =	sdelay $0x3  }
0x9a: {  	_ =	strace s3  }
0x9b: {  	s3 =	sld [smem:$0x3FFD];
	_ =	sdelay $0x3  }
0x9c: {  	_ =	strace s3  }
0x9d: {  	_ =	strace $0x8FFFFFFF  }
0x9e: {  	s18 =	sld [smem:$0x3FDB];
	_ =	sdelay $0x1  }
0x9f: {  	s19 =	simm.s32 $_scs_section_size  }
0xa0: {  	s5 =	simm.s32 $_size__tile_overlayer_lowered;
	s6 =	simm.s32 $_tile_overlayer_lowered  }
0xa1: {  	s22 =	simm.s32 $0x1BFF;
	s21 =	sshll.u32 s6, $0x1;
	s3 =	sadd.s32 s19, s18  }
0xa2: {  	s7 =	simm.s32 $0x0;
	s20 =	sshll.u32 s5, $0x1;
	s5 =	sadd.s32 s21, s3  }
0xa3: {  	[timem:s7], [sflag:s22] =	dma.local [hbm:s5], s20  }
0xa4: {  	_ =	swait.ge [sflag:s22], s20  }
0xa5: {  	s4 =	ssub.s32 $0x0, s20;
	[sflag:s22] =	ssyncset.done $0x0  }
0xa6: {  	[sflag:s22] =	ssyncadd.s32 s4;
	_ =	sdelay $0x1  }
0xa7: {  	s23 =	simm.s32 $0x1B8B  }
0xa8: {  	_ =	swait.ge [sflag:s23], $0x1  }
0xa9: {  	[sflag:s23] =	ssyncset.done $0x0  }
0xaa: {  	s25 =	simm.s32 $0x1B8E;
	s24 =	sld [smem:$0x3FFE];
	[sflag:s23] =	ssyncadd.s32 $0xFFFFFFFF  }
0xab: {  	s26 =	simm.s32 $execute0_lowered;
	[smem:$0x3FD2] =	sst s25  }
0xac: {  	s5 =	sshll.u32 s26, $0x1;
	_ =	strace $0x80000046;
	[dreg:$0x1] =	wrdreg $0xFFFFFFFF  }
0xad: {  	s28 =	simm.s32 $_size_execute0_lowered;
	s3 =	sadd.s32 s3, s5;
	[dreg:$0x0] =	wrdreg $0x0  }
0xae: {  	s5 =	sshll.u32 s28, $0x1;
	[dreg:$0x2] =	wrdreg s3  }
0xaf: {  	[dreg:$0x3] =	wrdreg s5  }
0xb0: {  	[dreg:$0x4] =	wrdreg $0xC0  }
0xb1: {  	_ =	task [dreg:s7], $0x5FFFF  }
0xb2: {  	[dreg:$0x1] =	wrdreg $0xFFFFFFFF  }
0xb3: {  	[dreg:$0x0] =	wrdreg $0x60  }
0xb4: {  	[dreg:$0x2] =	wrdreg s24  }
0xb5: {  	[dreg:$0x3] =	wrdreg s16  }
0xb6: {  	[dreg:$0x4] =	wrdreg $0x9  }
0xb7: {  	_ =	task.clear_ibuf [dreg:s7], $0x5FFFF;
	_ =	strace $0x90000046  }
0xb8: {  	s29 =	simm.s32 $0x9;
	_ =	strace $0x80000048  }
0xb9: {  	_ =	swait.ge [sflag:s29], $0x1  }
0xba: {  	[sflag:s29] =	ssyncadd.s32 $0xFFFFFFFF  }
0xbb: {  	_ =	strace $0x90000048  }
0xbc: {  	_ =	sfence  }
0xbd: {  	s30 =	sld [smem:$0x0];
	_ =	sdelay $0x2  }
0xbe: {  	s31 =	sshll.u32 s1, $0xD;
	s1 =	sshrl.u32 s1, $0x2  }
0xbf: {  	s3 =	sand.u32 $0x4000, s31;
	s1 =	sadd.s32 s1, s30  }
0xc0: {  	s0 =	sor.u32 s3, s0;
	s1 =	sshll.u32 s1, $0x11  }
0xc1: {  	s0 =	sor.u32 s1, s0  }
0xc2: {  	s0 =	sadd.s32 $0x8F2B, s0  }
0xc3: {  	[sflag:s0] =	ssyncadd.remote.s32 $0x1  }
0xc4: {  	_ =	sfence.sel $0xFFFF  }
0xc5: {  	[dreg:$0x0] =	wrdreg $0xFFFFFFFF;
	(pc) =	sbr.abs _section_cstart, $3  }
0xc6: {  	[dreg:$0x1] =	wrdreg $0xFFFFFFFF  }
0xc7: {  	_ =	task.clear_ibuf [dreg:s7], $0x2FFFF;
	_ =	strace $0x9FFFFFFF  }
0xc8: {  	(tm) =	ssettm $0x7FFFFFFF  }
0xc9: {  	_ =	shalt  }
tec
execute0_lowered:
.L_overlay_start_1:
0x0: {  	(tag) =	ssettag $0x1  }
0x1: {  	s1 =	rddreg [dreg:$0x0]  }
0x2: {  	s2 =	rddreg [dreg:$0x1];
	s3 =	simm.s32 $0x0  }
0x3: {  	s0 =	srdreg.scid;
	s8 =	stileid.u32;
	s28 =	simm.s32 $0x5200  }
0x4: {  	s29 =	simm.s32 $0x80;
	s30 =	simm.s32 $0x180;
	s31 =	simm.s32 $0x5  }
0x5: {  	s13 =	simm.s32 $0x8;
	s14 =	simm.s32 $0xCA00;
	s15 =	simm.s32 $0x9  }
0x6: {  	s16 =	simm.s32 $0xA;
	[smem:$0x7FF] =	sst s3;
	s0 =	sand.u32 $0x1, s0  }
0x7: {  	s5 =	sadd.s32 $0x37200, s1;
	s4 =	ssub.s32 $0x2, s0;
	s0 =	sshll.u32 s0, $0x4  }
0x8: {  	s6 =	sadd.s32 $0x5E400, s1;
	s7 =	sshrl.u32 s4, $0x1;
	s0 =	sor.u32 s8, s0  }
0x9: {  	_ =	strace $0x80000047;
	s4 =	ssub.s32 s4, s7;
	s8 =	smul.u32 $0x2710, s0  }
0xa: {  	s7 =	sshll.u32 s0, $0xE;
	s9 =	sshll.u32 s0, $0xB;
	s12 =	smul.u32 $0x138800, s0  }
0xb: {  	s0 =	smul.u32 $0x27100, s0;
	s10 =	sadd.s32 s2, s9;
	s17 =	sadd.s32 s1, s9  }
0xc: {  	s18 =	sor.u32 $0x10, s9;
	s19 =	sor.u32 $0x20, s9;
	[dreg:$0x3] =	wrdreg s10  }
0xd: {  	s9 =	sor.u32 $0x30, s9;
	s26 =	smax.u32 s4, $0x1;
	[dreg:$0x4] =	wrdreg s17  }
0xe: {  	s4 =	simm.s32 $0x2;
	s11 =	sadd.s32 s2, s18;
	[dreg:$0xe] =	wrdreg s26  }
0xf: {  	s10 =	sadd.s32 s1, s18;
	s20 =	sadd.s32 s2, s19;
	[dreg:$0x5] =	wrdreg s11  }
0x10: {  	s21 =	sadd.s32 s1, s19;
	s22 =	sshrl.u32 s12, $0x3;
	[dreg:$0x6] =	wrdreg s10  }
0x11: {  	s0 =	sadd.s32 s6, s0;
	s23 =	sadd.s32 s2, s9;
	[dreg:$0x7] =	wrdreg s20  }
0x12: {  	s9 =	sadd.s32 s1, s9;
	s18 =	sadd.s32 $0xA0, s8;
	[dreg:$0x8] =	wrdreg s21  }
0x13: {  	s19 =	sadd.s32 $0xF0, s8;
	s8 =	simm.s32 $0x4;
	[dreg:$0x9] =	wrdreg s0  }
0x14: {  	s12 =	simm.s32 $0x6;
	[dreg:$0xa] =	wrdreg s23;
	s24 =	sadd.s32 s6, s22  }
0x15: {  	[dreg:$0xb] =	wrdreg s9;
	s22 =	simm.s32 $0x100;
	s23 =	simm.s32 $0x1  }
0x16: {  	s11 =	simm.s32 $0xA200;
	s10 =	simm.s32 $0x0;
	s25 =	sadd.s32 $0x500, s24  }
0x17: {  	s0 =	sadd.s32 $0x26C00, s24;
	s24 =	simm.s32 $0x3;
	[dreg:$0xc] =	wrdreg s25  }
0x18: {  	[dreg:$0xd] =	wrdreg s0;
	s25 =	simm.s32 $0x50;
	s0 =	simm.s32 $0x7  }
.LBB2_1:
0x19: {  	[dreg:$0xf] =	wrdreg s10  }
0x1a: {  	s9 =	rddreg [dreg:$0x3]  }
0x1b: {  	[tilespmem:s3], [sflag:$0x1] =	stream.linear.gather [hbm4b:s9+s3], $0x80, $0x38;
	[tilespmem:$0xF200] =	vst v63  }
0x1c: {  	s20 =	rddreg [dreg:$0x4]  }
0x1d: {  	[tilespmem:s22], [sflag:$0x3] =	stream.linear.gather [hbm4b:s20+s3], $0x80, $0x38;
	[tilespmem:$0xF200] =	vst v63  }
0x1e: {  	_ =	swait.ge [sflag:s23], $0x80  }
0x1f: {  	[sflag:s23] =	ssyncset.done $0x0  }
0x20: {  	[sflag:s23] =	ssyncadd.s32 $0xFFFFFF80  }
0x21: {  	_ =	swait.ge [sflag:s24], $0x80  }
0x22: {  	[sflag:s24] =	ssyncset.done $0x0  }
0x23: {  	s21 =	simm.s32 $0x200;
	[sflag:s24] =	ssyncadd.s32 $0xFFFFFF80  }
0x24: {  	[tilespmem:s21], [sflag:$0x5] =	stream.indirect.gather [hbm4b:s5+s25], $0x80, s3, s25, $0xb8;
	[tilespmem:$0xF200] =	vst v63  }
0x25: {  	_ = 	snop  }
0x26: {  	[tilespmem:s28], [sflag:$0x7] =	stream.indirect.gather [hbm4b:s5+s25], $0x80, s22, s25, $0xb8;
	[tilespmem:$0xF200] =	vst v63  }
0x27: {  	s26 =	rddreg [dreg:$0x5]  }
0x28: {  	[tilespmem:s29], [sflag:$0x2] =	stream.linear.gather [hbm4b:s26+s3], $0x80, $0x38;
	[tilespmem:$0xF200] =	vst v63  }
0x29: {  	s10 =	rddreg [dreg:$0x6]  }
0x2a: {  	[tilespmem:s30], [sflag:$0x4] =	stream.linear.gather [hbm4b:s10+s3], $0x80, $0x38;
	[tilespmem:$0xF200] =	vst v63  }
0x2b: {  	_ =	swait.ge [sflag:s31], $0x2800  }
0x2c: {  	[sflag:s31] =	ssyncset.done $0x0  }
0x2d: {  	[sflag:s31] =	ssyncadd.s32 $0xFFFFD800  }
0x2e: {  	_ =	swait.ge [sflag:s0], $0x2800  }
0x2f: {  	[sflag:s0] =	ssyncset.done $0x0  }
0x30: {  	[sflag:s0] =	ssyncadd.s32 $0xFFFFD800  }
0x31: {  	_ =	swait.ge [sflag:s4], $0x80  }
0x32: {  	[sflag:s4] =	ssyncset.done $0x0  }
0x33: {  	[sflag:s4] =	ssyncadd.s32 $0xFFFFFF80  }
0x34: {  	_ =	swait.ge [sflag:s8], $0x80  }
0x35: {  	[sflag:s8] =	ssyncset.done $0x0  }
0x36: {  	s17 =	simm.s32 $0x2A00;
	[sflag:s8] =	ssyncadd.s32 $0xFFFFFF80  }
0x37: {  	[tilespmem:s17], [sflag:$0x6] =	stream.indirect.gather [hbm4b:s5+s25], $0x80, s29, s25, $0xb8;
	[tilespmem:$0xF200] =	vst v63  }
0x38: {  	s20 =	simm.s32 $0x7A00  }
0x39: {  	[tilespmem:s20], [sflag:$0x8] =	stream.indirect.gather [hbm4b:s5+s25], $0x80, s30, s25, $0xb8;
	[tilespmem:$0xF200] =	vst v63  }
0x3a: {  	s21 =	rddreg [dreg:$0x7]  }
0x3b: {  	[tilespmem:s3], [sflag:$0x1] =	stream.linear.gather [hbm4b:s21+s3], $0x80, $0x38;
	[tilespmem:$0xF200] =	vst v63  }
0x3c: {  	s9 =	simm.s32 $0x0;
	s26 =	rddreg [dreg:$0x8]  }
0x3d: {  	[tilespmem:s22], [sflag:$0x3] =	stream.linear.gather [hbm4b:s26+s3], $0x80, $0x38;
	[tilespmem:$0xF200] =	vst v63  }
0x3e: {  	v0 =	vld [tilespmem:s9+$0x200]  }
0x3f: {  	s17 =	simm.s32 $0x200;
	v1 =	vld [tilespmem:s9+$0x5200]  }
.LBB2_2:
0x40: {  	_ = 	snop  }
0x41: {  	p0 =	sne.s32 s17, $0x9E00  }
.Ltmp0:
0x42: {  	_ = 	snop;
	(pc) =	sbr.rel @p0 .LBB2_2-.Ltmp0, $4  }
0x43: {  	_ = 	snop  }
0x44: {  	s20 =	sshra.s32 s17, $0x2;
	v2 =	vsub.f32 v0, v1  }
0x45: {  	v0 =	vld [tilespmem:s20+$0x200]  }
0x46: {  	s17 =	sadd.s32 $0x200, s17;
	v1 =	vld [tilespmem:s20+$0x5200];
	[tilespmem:s9+$0xA200] =	vst v2;
	s9 =	smov.u32 s20  }
0x47: {  	_ =	sdelay $0x3  }
0x48: {  	v0 =	vsub.f32 v0, v1;
	_ =	sdelay $0x1  }
0x49: {  	[tilespmem:s9+$0xA200] =	vst v0  }
0x4a: {  	s17 =	simm.s32 $0x0;
	s10 =	rddreg [dreg:$0x9]  }
0x4b: {  	[hbm4b:s10+s17] =	stream.linear.scatter [tilespmem:s11], [sflag:$0x9], $0x2800, $0x38;
	[tilespmem:$0xF200] =	vst v63  }
0x4c: {  	_ =	swait.ge [sflag:s12], $0x2800  }
0x4d: {  	[sflag:s12] =	ssyncset.done $0x0  }
0x4e: {  	[sflag:s12] =	ssyncadd.s32 $0xFFFFD800  }
0x4f: {  	_ =	swait.ge [sflag:s13], $0x2800  }
0x50: {  	[sflag:s13] =	ssyncset.done $0x0  }
0x51: {  	[sflag:s13] =	ssyncadd.s32 $0xFFFFD800  }
0x52: {  	_ =	swait.ge [sflag:s23], $0x80  }
0x53: {  	[sflag:s23] =	ssyncset.done $0x0  }
0x54: {  	[sflag:s23] =	ssyncadd.s32 $0xFFFFFF80  }
0x55: {  	_ =	swait.ge [sflag:s24], $0x80  }
0x56: {  	[sflag:s24] =	ssyncset.done $0x0  }
0x57: {  	s20 =	simm.s32 $0x200;
	[sflag:s24] =	ssyncadd.s32 $0xFFFFFF80  }
0x58: {  	[tilespmem:s20], [sflag:$0x5] =	stream.indirect.gather [hbm4b:s5+s25], $0x80, s17, s25, $0xb8;
	[tilespmem:$0xF200] =	vst v63  }
0x59: {  	_ = 	snop  }
0x5a: {  	[tilespmem:s28], [sflag:$0x7] =	stream.indirect.gather [hbm4b:s5+s25], $0x80, s22, s25, $0xb8;
	[tilespmem:$0xF200] =	vst v63  }
0x5b: {  	s21 =	rddreg [dreg:$0xa]  }
0x5c: {  	[tilespmem:s29], [sflag:$0x2] =	stream.linear.gather [hbm4b:s21+s17], $0x80, $0x38;
	[tilespmem:$0xF200] =	vst v63  }
0x5d: {  	s9 =	simm.s32 $0x0;
	s26 =	rddreg [dreg:$0xb]  }
0x5e: {  	[tilespmem:s30], [sflag:$0x4] =	stream.linear.gather [hbm4b:s26+s17], $0x80, $0x38;
	[tilespmem:$0xF200] =	vst v63  }
0x5f: {  	v0 =	vld [tilespmem:s9+$0x2A00]  }
0x60: {  	s17 =	simm.s32 $0x200;
	v1 =	vld [tilespmem:s9+$0x7A00]  }
.LBB2_4:
0x61: {  	_ = 	snop  }
0x62: {  	p0 =	sne.s32 s17, $0x9E00  }
.Ltmp1:
0x63: {  	_ = 	snop;
	(pc) =	sbr.rel @p0 .LBB2_4-.Ltmp1, $4  }
0x64: {  	_ = 	snop  }
0x65: {  	s20 =	sshra.s32 s17, $0x2;
	v2 =	vsub.f32 v0, v1  }
0x66: {  	v0 =	vld [tilespmem:s20+$0x2A00]  }
0x67: {  	s17 =	sadd.s32 $0x200, s17;
	v1 =	vld [tilespmem:s20+$0x7A00];
	[tilespmem:s9+$0xCA00] =	vst v2;
	s9 =	smov.u32 s20  }
0x68: {  	_ =	sdelay $0x3  }
0x69: {  	v0 =	vsub.f32 v0, v1;
	_ =	sdelay $0x1  }
0x6a: {  	[tilespmem:s9+$0xCA00] =	vst v0  }
0x6b: {  	s20 =	simm.s32 $0x0;
	s21 =	simm.s32 $0x0;
	s9 =	rddreg [dreg:$0xc]  }
0x6c: {  	[hbm4b:s9+s20] =	stream.linear.scatter [tilespmem:s14], [sflag:$0xA], $0x2800, $0x38;
	[tilespmem:$0xF200] =	vst v63  }
.LBB2_6:
0x6d: {  	_ =	swait.ge [sflag:s31], $0x2800  }
0x6e: {  	[sflag:s31] =	ssyncset.done $0x0  }
0x6f: {  	[sflag:s31] =	ssyncadd.s32 $0xFFFFD800  }
0x70: {  	_ =	swait.ge [sflag:s0], $0x2800  }
0x71: {  	[sflag:s0] =	ssyncset.done $0x0  }
0x72: {  	[sflag:s0] =	ssyncadd.s32 $0xFFFFD800  }
0x73: {  	_ =	swait.ge [sflag:s4], $0x80  }
0x74: {  	[sflag:s4] =	ssyncset.done $0x0  }
0x75: {  	[sflag:s4] =	ssyncadd.s32 $0xFFFFFF80  }
0x76: {  	_ =	swait.ge [sflag:s8], $0x80  }
0x77: {  	[sflag:s8] =	ssyncset.done $0x0  }
0x78: {  	s9 =	simm.s32 $0x2A00;
	s17 =	sshll.u32 s21, $0x8;
	[sflag:s8] =	ssyncadd.s32 $0xFFFFFF80  }
0x79: {  	[tilespmem:s9], [sflag:$0x6] =	stream.indirect.gather [hbm4b:s5+s25], $0x80, s29, s25, $0xb8;
	[tilespmem:$0xF200] =	vst v63  }
0x7a: {  	s26 =	simm.s32 $0x7A00;
	s10 =	sadd.s32 $0x200, s17  }
0x7b: {  	[tilespmem:s26], [sflag:$0x8] =	stream.indirect.gather [hbm4b:s5+s25], $0x80, s30, s25, $0xb8;
	[tilespmem:$0xF200] =	vst v63  }
0x7c: {  	s26 =	sand.u32 $0x7C00, s10  }
0x7d: {  	s9 =	sand.u32 $0x300, s10;
	s26 =	sadd.s32 s7, s26  }
0x7e: {  	s9 =	sor.u32 s9, s26  }
0x7f: {  	s9 =	sshrl.u32 s9, $0x3  }
0x80: {  	s10 =	sadd.s32 s2, s9  }
0x81: {  	[tilespmem:s20], [sflag:$0x1] =	stream.linear.gather [hbm4b:s10+s20], $0x80, $0x38;
	[tilespmem:$0xF200] =	vst v63  }
0x82: {  	s9 =	sadd.s32 s1, s9  }
0x83: {  	[tilespmem:s22], [sflag:$0x3] =	stream.linear.gather [hbm4b:s9+s20], $0x80, $0x38;
	[tilespmem:$0xF200] =	vst v63  }
0x84: {  	_ =	swait.ge [sflag:s15], $0x2800  }
0x85: {  	[sflag:s15] =	ssyncset.done $0x0  }
0x86: {  	s26 =	simm.s32 $0x0;
	[sflag:s15] =	ssyncadd.s32 $0xFFFFD800  }
0x87: {  	v0 =	vld [tilespmem:s26+$0x200]  }
0x88: {  	s9 =	simm.s32 $0x200;
	v1 =	vld [tilespmem:s26+$0x5200]  }
.LBB2_7:
0x89: {  	_ = 	snop  }
0x8a: {  	p0 =	sne.s32 s9, $0x9E00  }
.Ltmp2:
0x8b: {  	_ = 	snop;
	(pc) =	sbr.rel @p0 .LBB2_7-.Ltmp2, $4  }
0x8c: {  	_ = 	snop  }
0x8d: {  	s10 =	sshra.s32 s9, $0x2;
	v2 =	vsub.f32 v0, v1  }
0x8e: {  	v0 =	vld [tilespmem:s10+$0x200]  }
0x8f: {  	s9 =	sadd.s32 $0x200, s9;
	v1 =	vld [tilespmem:s10+$0x5200];
	[tilespmem:s26+$0xA200] =	vst v2;
	s26 =	smov.u32 s10  }
0x90: {  	_ =	sdelay $0x1  }
0x91: {  	s9 =	smul.u32 $0xA0, s21;
	_ =	sdelay $0x1  }
0x92: {  	s10 =	sadd.s32 s9, s18;
	v0 =	vsub.f32 v0, v1  }
0x93: {  	s10 =	sshll.u32 s10, $0x4  }
0x94: {  	s10 =	sadd.s32 s6, s10;
	[tilespmem:s26+$0xA200] =	vst v0;
	s26 =	simm.s32 $0x0  }
0x95: {  	[hbm4b:s10+s26] =	stream.linear.scatter [tilespmem:s11], [sflag:$0x9], $0x2800, $0x38;
	[tilespmem:$0xF200] =	vst v63  }
0x96: {  	_ =	swait.ge [sflag:s12], $0x2800  }
0x97: {  	[sflag:s12] =	ssyncset.done $0x0  }
0x98: {  	[sflag:s12] =	ssyncadd.s32 $0xFFFFD800  }
0x99: {  	_ =	swait.ge [sflag:s13], $0x2800  }
0x9a: {  	[sflag:s13] =	ssyncset.done $0x0  }
0x9b: {  	[sflag:s13] =	ssyncadd.s32 $0xFFFFD800  }
0x9c: {  	_ =	swait.ge [sflag:s23], $0x80  }
0x9d: {  	[sflag:s23] =	ssyncset.done $0x0  }
0x9e: {  	[sflag:s23] =	ssyncadd.s32 $0xFFFFFF80  }
0x9f: {  	_ =	swait.ge [sflag:s24], $0x80  }
0xa0: {  	[sflag:s24] =	ssyncset.done $0x0  }
0xa1: {  	s10 =	simm.s32 $0x200;
	[sflag:s24] =	ssyncadd.s32 $0xFFFFFF80  }
0xa2: {  	[tilespmem:s10], [sflag:$0x5] =	stream.indirect.gather [hbm4b:s5+s25], $0x80, s26, s25, $0xb8;
	[tilespmem:$0xF200] =	vst v63  }
0xa3: {  	s10 =	sadd.s32 $0x280, s17  }
0xa4: {  	s17 =	sand.u32 $0x7C00, s10  }
0xa5: {  	[tilespmem:s28], [sflag:$0x7] =	stream.indirect.gather [hbm4b:s5+s25], $0x80, s22, s25, $0xb8;
	[tilespmem:$0xF200] =	vst v63  }
0xa6: {  	s10 =	sand.u32 $0x380, s10;
	s17 =	sadd.s32 s7, s17  }
0xa7: {  	s10 =	sor.u32 s10, s17  }
0xa8: {  	s10 =	sshrl.u32 s10, $0x3  }
0xa9: {  	s17 =	sadd.s32 s2, s10  }
0xaa: {  	[tilespmem:s29], [sflag:$0x2] =	stream.linear.gather [hbm4b:s17+s26], $0x80, $0x38;
	[tilespmem:$0xF200] =	vst v63  }
0xab: {  	s10 =	sadd.s32 s1, s10  }
0xac: {  	[tilespmem:s30], [sflag:$0x4] =	stream.linear.gather [hbm4b:s10+s26], $0x80, $0x38;
	[tilespmem:$0xF200] =	vst v63  }
0xad: {  	_ =	swait.ge [sflag:s16], $0x2800  }
0xae: {  	[sflag:s16] =	ssyncset.done $0x0  }
0xaf: {  	s17 =	simm.s32 $0x0;
	[sflag:s16] =	ssyncadd.s32 $0xFFFFD800  }
0xb0: {  	v0 =	vld [tilespmem:s17+$0x2A00]  }
0xb1: {  	s26 =	simm.s32 $0x200;
	v1 =	vld [tilespmem:s17+$0x7A00]  }
.LBB2_9:
0xb2: {  	_ = 	snop  }
0xb3: {  	p0 =	sne.s32 s26, $0x9E00  }
.Ltmp3:
0xb4: {  	_ = 	snop;
	(pc) =	sbr.rel @p0 .LBB2_9-.Ltmp3, $4  }
0xb5: {  	_ = 	snop  }
0xb6: {  	s10 =	sshra.s32 s26, $0x2;
	v2 =	vsub.f32 v0, v1  }
0xb7: {  	v0 =	vld [tilespmem:s10+$0x2A00]  }
0xb8: {  	s26 =	sadd.s32 $0x200, s26;
	v1 =	vld [tilespmem:s10+$0x7A00];
	[tilespmem:s17+$0xCA00] =	vst v2;
	s17 =	smov.u32 s10  }
0xb9: {  	_ = 	snop  }
0xba: {  	s21 =	sadd.s32 $0x1, s21  }
0xbb: {  	p0 =	sne.s32 s21, $0x3D  }
.Ltmp4:
0xbc: {  	_ = 	snop;
	(pc) =	sbr.rel @p0 .LBB2_6-.Ltmp4, $4  }
0xbd: {  	s9 =	sadd.s32 s9, s19;
	v0 =	vsub.f32 v0, v1  }
0xbe: {  	s9 =	sshll.u32 s9, $0x4  }
0xbf: {  	s9 =	sadd.s32 s6, s9;
	[tilespmem:s17+$0xCA00] =	vst v0  }
0xc0: {  	[hbm4b:s9+s3] =	stream.linear.scatter [tilespmem:s14], [sflag:$0xA], $0x2800, $0x38;
	[tilespmem:$0xF200] =	vst v63  }
0xc1: {  	_ =	swait.ge [sflag:s31], $0x2800  }
0xc2: {  	[sflag:s31] =	ssyncset.done $0x0  }
0xc3: {  	[sflag:s31] =	ssyncadd.s32 $0xFFFFD800  }
0xc4: {  	_ =	swait.ge [sflag:s0], $0x2800  }
0xc5: {  	[sflag:s0] =	ssyncset.done $0x0  }
0xc6: {  	[sflag:s0] =	ssyncadd.s32 $0xFFFFD800  }
0xc7: {  	_ =	swait.ge [sflag:s15], $0x2800  }
0xc8: {  	[sflag:s15] =	ssyncset.done $0x0  }
0xc9: {  	s9 =	simm.s32 $0x0;
	[sflag:s15] =	ssyncadd.s32 $0xFFFFD800  }
0xca: {  	v0 =	vld [tilespmem:s9+$0x200]  }
0xcb: {  	s17 =	simm.s32 $0x200;
	v1 =	vld [tilespmem:s9+$0x5200]  }
.LBB2_12:
0xcc: {  	_ = 	snop  }
0xcd: {  	p0 =	sne.s32 s17, $0x9E00  }
.Ltmp5:
0xce: {  	_ = 	snop;
	(pc) =	sbr.rel @p0 .LBB2_12-.Ltmp5, $4  }
0xcf: {  	_ = 	snop  }
0xd0: {  	s10 =	sshra.s32 s17, $0x2;
	v2 =	vsub.f32 v0, v1  }
0xd1: {  	v0 =	vld [tilespmem:s10+$0x200]  }
0xd2: {  	s17 =	sadd.s32 $0x200, s17;
	v1 =	vld [tilespmem:s10+$0x5200];
	[tilespmem:s9+$0xA200] =	vst v2;
	s9 =	smov.u32 s10  }
0xd3: {  	_ =	sdelay $0x3  }
0xd4: {  	v0 =	vsub.f32 v0, v1;
	_ =	sdelay $0x1  }
0xd5: {  	[tilespmem:s9+$0xA200] =	vst v0  }
0xd6: {  	s9 =	rddreg [dreg:$0xd]  }
0xd7: {  	[hbm4b:s9+s3] =	stream.linear.scatter [tilespmem:s11], [sflag:$0x9], $0x2800, $0x38;
	[tilespmem:$0xF200] =	vst v63  }
0xd8: {  	_ =	swait.ge [sflag:s4], $0x80  }
0xd9: {  	[sflag:s4] =	ssyncset.done $0x0  }
0xda: {  	[sflag:s4] =	ssyncadd.s32 $0xFFFFFF80  }
0xdb: {  	_ =	swait.ge [sflag:s8], $0x80  }
0xdc: {  	[sflag:s8] =	ssyncset.done $0x0  }
0xdd: {  	[sflag:s8] =	ssyncadd.s32 $0xFFFFFF80  }
0xde: {  	_ =	swait.ge [sflag:s16], $0x2800  }
0xdf: {  	[sflag:s16] =	ssyncset.done $0x0  }
0xe0: {  	[sflag:s16] =	ssyncadd.s32 $0xFFFFD800  }
0xe1: {  	_ =	swait.ge [sflag:s15], $0x2800  }
0xe2: {  	s10 =	rddreg [dreg:$0xf]  }
0xe3: {  	s26 =	rddreg [dreg:$0xe];
	s10 =	sadd.s32 $0x1, s10  }
0xe4: {  	p0 =	sne.s32 s10, s26  }
.Ltmp6:
0xe5: {  	_ = 	snop;
	(pc) =	sbr.rel @p0 .LBB2_1-.Ltmp6, $3  }
0xe6: {  	_ =	sdelay $0x1  }
0xe7: {  	[sflag:s15] =	ssyncset.done $0x0  }
0xe8: {  	[sflag:s15] =	ssyncadd.s32 $0xFFFFD800  }
0xe9: {  	_ =	sfence.sel $0x180000  }
0xea: {  	[bflag:$0x0] =	sbarrier.arrive $0xFFFF  }
0xeb: {  	_ =	strace $0x90000047  }
0xec: {  	s0 =	stileid.u32;
	[bflag:$0x2] =	sbarrier.arrive $0xFFFF  }
0xed: {  	p0 =	sne.s32 s0, $0x0;
	s0 =	rddreg [dreg:$0x2]  }
0xee: {  	s0 =	sadd.s32 @!p0 $0x100000, s0  }
0xef: {  	[sflag:s0] =	ssyncadd.tile.s32 @!p0 $0x1;
	_ =	shalt  }
.Lfunc_end2:
_tile_overlayer_lowered:
.L_overlay_start_2:
0xf0: {  	(tag) =	ssettag $0x2  }
0xf1: {  	s0 =	rddreg [dreg:$0x0];
	s2 =	stileid.u32  }
0xf2: {  	s1 =	rddreg [dreg:$0x1];
	p0 =	sne.s32 s2, $0x0  }
0xf3: {  	s3 =	rddreg [dreg:$0x2];
	[bflag:$0x3] =	sbarrier.arrive $0xFFFF;
	s2 =	simm.s32 @!p0 $0x1C0B  }
0xf4: {  	[timem:s3], [sflag:s2] =	dma.local @!p0 [hbm:s0], s1  }
0xf5: {  	s0 =	simm.s32 @!p0 $0xB  }
0xf6: {  	_ =	swait.ge @!p0 [sflag:s0], s1  }
0xf7: {  	s1 =	ssub.s32 @!p0 $0x0, s1;
	[sflag:s0] =	ssyncset.done @!p0 $0x0  }
0xf8: {  	[sflag:s0] =	ssyncadd.s32 @!p0 s1  }
0xf9: {  	[bflag:$0x3] =	sbarrier.arrive $0xFFFF  }
0xfa: {  	_ =	shalt  }

// kernel: scatter_offload_async_start
scs
__scs_entry_jumppad:
0x0: {  	(pc) =	sbr.rel $0x88, $3  }
0x1: {  	(tag) =	ssettag $0x0;
	lr =	simm.s32 $0x1  }
0x2: {  	[smem:$0x3F92] =	sst lr;
	_ =	strace $0xD0000000  }
0x3: {  	_ = 	snop  }
0x4: {  	_ = 	snop  }
0x5: {  	_ = 	snop  }
0x6: {  	_ = 	snop  }
0x7: {  	_ = 	snop  }
__scs_overlays_trampoline_lowered:
0x8: {  	[smem:$0x3FA1] =	sst s0  }
0x9: {  	[smem:$0x3FA2] =	sst s1  }
0xa: {  	[smem:$0x3FA3] =	sst s2  }
0xb: {  	[smem:$0x3FA4] =	sst s3  }
0xc: {  	[smem:$0x3FA5] =	sst s4  }
0xd: {  	[smem:$0x3FA6] =	sst s5  }
0xe: {  	[smem:$0x3FA7] =	sst s6  }
0xf: {  	[smem:$0x3FA8] =	sst s7  }
0x10: {  	[smem:$0x3FA9] =	sst s8  }
0x11: {  	[smem:$0x3FAA] =	sst s9;
	s0 =	simm.s32 @!p0 $0x0  }
0x12: {  	s1 =	sld [smem:$0x3F90];
	s0 =	simm.s32 @p0 $0x1  }
0x13: {  	[smem:$0x3FAB] =	sst s0;
	s0 =	simm.s32 @!p1 $0x0  }
0x14: {  	s2 =	sld [smem:$0x3F8F];
	s0 =	simm.s32 @p1 $0x1  }
0x15: {  	[smem:$0x3FAC] =	sst s0;
	s0 =	simm.s32 @!p2 $0x0  }
0x16: {  	s3 =	sld [smem:$0x3FDB];
	s0 =	simm.s32 @p2 $0x1  }
0x17: {  	s4 =	simm.s32 $0x1BF5;
	[smem:$0x3FAE] =	sst s0  }
0x18: {  	s0 =	sld [smem:$0x3F91];
	_ =	swait.ge [sflag:s4], $0x0  }
0x19: {  	s7 =	sld [smem:$0x3F92]  }
0x1a: {  	s8 =	sadd.s32 $0xFFFFE003, lr  }
0x1b: {  	s9 =	sadd.s32 $0xFFFFFEF7, lr;
	s5 =	simm.s32 $0xFFFFFFFF;
	p2 =	slt.u32 s8, $0xFFFFF086  }
0x1c: {  	p1 =	slt.u32 s9, $0xF7A;
	s5 =	simm.s32 @!p2 $0x0  }
0x1d: {  	s5 =	simm.s32 @p1 $0x1;
	p0 =	seq.s32 s7, s2  }
0x1e: {  	s7 =	smul.u32 @!p0 $0xF7A, s2;
	p2 =	seq.s32 @!p0 s5, $0x0  }
0x1f: {  	s9 =	smul.u32 $0xF7A, s1;
	s8 =	simm.s32 @!p0 $0x1BF5;
	p2 =	por !p2, p0  }
0x20: {  	[sflag:s8] =	ssyncset.s32 @!p0 $0xFFFFF086;
	s6 =	sadd.s32 @!p0 s3, s7;
	s7 =	simm.s32 @!p0 $0x108  }
0x21: {  	s3 =	sadd.s32 s3, s9;
	s6 =	sadd.s32 @!p0 $0x88, s6;
	s7 =	simm.s32 @p2 $0x1082  }
0x22: {  	[simem:s7], [sflag:s8] =	dma.local @!p0 [hbm:s6], $0xF7A  }
0x23: {  	s9 =	sor.u32 $0xD0000000, s2;
	s6 =	simm.s32 $0x108;
	_ =	swait.ge @!p0 [sflag:s8], $0x0  }
0x24: {  	s3 =	sadd.s32 $0x88, s3;
	s6 =	simm.s32 @!p1 $0x1082;
	[sflag:s4] =	ssyncset.s32 $0xFFFFF086  }
0x25: {  	[simem:s6], [sflag:s4] =	dma.local [hbm:s3], $0xF7A  }
0x26: {  	[smem:$0x3F92] =	sst s1;
	(tag) =	ssettag s2;
	_ =	strace s9  }
0x27: {  	s1 =	sld [smem:$0x3FA2]  }
0x28: {  	s2 =	sld [smem:$0x3FA3]  }
0x29: {  	s4 =	sld [smem:$0x3FA5]  }
0x2a: {  	p0 =	seq.s32 s5, $0x0;
	s5 =	sld [smem:$0x3FA6]  }
0x2b: {  	s6 =	sld [smem:$0x3FA7]  }
0x2c: {  	s7 =	sld [smem:$0x3FA8]  }
0x2d: {  	s3 =	simm.s32 $0x108;
	s8 =	sld [smem:$0x3FA9]  }
0x2e: {  	s3 =	simm.s32 @!p0 $0x1082;
	s9 =	sld [smem:$0x3FAA]  }
0x2f: {  	lr =	sadd.s32 s0, s3;
	s0 =	sld [smem:$0x3FA1]  }
0x30: {  	s3 =	sld [smem:$0x3FA4]  }
0x31: {  	[smem:$0x3FAD] =	sst s10  }
0x32: {  	s10 =	sld [smem:$0x3FAB];
	_ =	sdelay $0x3  }
0x33: {  	p0 =	seq.s32 s10, $0x1;
	s10 =	sld [smem:$0x3FAD];
	_ =	sdelay $0x3  }
0x34: {  	[smem:$0x3FAD] =	sst s10  }
0x35: {  	s10 =	sld [smem:$0x3FAC];
	_ =	sdelay $0x3  }
0x36: {  	p1 =	seq.s32 s10, $0x1;
	s10 =	sld [smem:$0x3FAD];
	_ =	sdelay $0x3  }
0x37: {  	[smem:$0x3FAD] =	sst s10  }
0x38: {  	s10 =	sld [smem:$0x3FAE]  }
0x39: {  	_ = 	snop;
	(pc) =	sbr.ind lr, $3  }
0x3a: {  	_ = 	snop  }
0x3b: {  	_ = 	snop  }
0x3c: {  	p2 =	seq.s32 s10, $0x1;
	s10 =	sld [smem:$0x3FAD]  }
0x3d: {  	_ =	shalt  }
0x3e: {  	_ =	shalt  }
0x3f: {  	_ =	shalt  }
0x40: {  	_ =	shalt  }
0x41: {  	_ =	shalt  }
0x42: {  	_ =	shalt  }
0x43: {  	_ =	shalt  }
0x44: {  	_ =	shalt  }
0x45: {  	_ =	shalt  }
0x46: {  	_ =	shalt  }
0x47: {  	_ =	shalt  }
0x48: {  	_ =	shalt  }
0x49: {  	_ =	shalt  }
0x4a: {  	_ =	shalt  }
0x4b: {  	_ =	shalt  }
0x4c: {  	_ =	shalt  }
0x4d: {  	_ =	shalt  }
0x4e: {  	_ =	shalt  }
0x4f: {  	_ =	shalt  }
0x50: {  	_ =	shalt  }
0x51: {  	_ =	shalt  }
0x52: {  	_ =	shalt  }
0x53: {  	_ =	shalt  }
0x54: {  	_ =	shalt  }
0x55: {  	_ =	shalt  }
0x56: {  	_ =	shalt  }
0x57: {  	_ =	shalt  }
0x58: {  	_ =	shalt  }
0x59: {  	_ =	shalt  }
0x5a: {  	_ =	shalt  }
0x5b: {  	_ =	shalt  }
0x5c: {  	_ =	shalt  }
0x5d: {  	_ =	shalt  }
0x5e: {  	_ =	shalt  }
0x5f: {  	_ =	shalt  }
0x60: {  	_ =	shalt  }
0x61: {  	_ =	shalt  }
0x62: {  	_ =	shalt  }
0x63: {  	_ =	shalt  }
0x64: {  	_ =	shalt  }
0x65: {  	_ =	shalt  }
0x66: {  	_ =	shalt  }
0x67: {  	_ =	shalt  }
0x68: {  	_ =	shalt  }
0x69: {  	_ =	shalt  }
0x6a: {  	_ =	shalt  }
0x6b: {  	_ =	shalt  }
0x6c: {  	_ =	shalt  }
0x6d: {  	_ =	shalt  }
0x6e: {  	_ =	shalt  }
0x6f: {  	_ =	shalt  }
0x70: {  	_ =	shalt  }
0x71: {  	_ =	shalt  }
0x72: {  	_ =	shalt  }
0x73: {  	_ =	shalt  }
0x74: {  	_ =	shalt  }
0x75: {  	_ =	shalt  }
0x76: {  	_ =	shalt  }
0x77: {  	_ =	shalt  }
0x78: {  	_ =	shalt  }
0x79: {  	_ =	shalt  }
0x7a: {  	_ =	shalt  }
0x7b: {  	_ =	shalt  }
0x7c: {  	_ =	shalt  }
0x7d: {  	_ =	shalt  }
0x7e: {  	_ =	shalt  }
0x7f: {  	_ =	shalt  }
0x80: {  	_ =	shalt  }
0x81: {  	_ =	shalt  }
0x82: {  	_ =	shalt  }
0x83: {  	_ =	shalt  }
0x84: {  	_ =	shalt  }
0x85: {  	_ =	shalt  }
0x86: {  	_ =	shalt  }
0x87: {  	_ =	shalt  }
.Lfunc_end0:
.L_simem_size_0:
called_computation_lowered:
.L_overlay_start_0:
0x88: {  	s2 =	sld [smem:$0x3FD9]  }
0x89: {  	s3 =	sld [smem:$0x3FFE];
	_ =	sdelay $0x1  }
0x8a: {  	s1 =	srdreg.scid  }
0x8b: {  	s0 =	sand.u32 $0x1, s1  }
0x8c: {  	s15 =	sshll.u32 s0, $0xA;
	s2 =	sadd.s32 s3, s2  }
0x8d: {  	s2 =	sadd.s32 s2, s15  }
0x8e: {  	[smem:$0x3FB9] =	sst s2  }
0x8f: {  	_ = 	snop  }
0x90: {  	s2 =	sld [smem:$0x3FD0];
	_ =	sdelay $0x2  }
0x91: {  	s16 =	simm.s32 $0xA;
	s4 =	simm.s32 $0x10  }
0x92: {  	[smem:s4], [sflag:s16] =	dma.local [hbm:s2], $0x1  }
0x93: {  	_ =	swait.eq [sflag:s16], $0x1  }
0x94: {  	s17 =	sld [smem:$0x10]  }
0x95: {  	s18 =	sld [smem:$0x12];
	[sflag:s16] =	ssyncset.done $0x0  }
0x96: {  	s5 =	sld [smem:$0x13];
	[sflag:s16] =	ssyncadd.s32 $0xFFFFFFFF  }
0x97: {  	s19 =	sld [smem:$0x14];
	(tm) =	ssettm $0x1  }
0x98: {  	s6 =	sld [smem:$0x3FFB];
	_ =	sdelay $0x3  }
0x99: {  	_ =	strace s6  }
0x9a: {  	s6 =	sld [smem:$0x3FFC];
	_ =	sdelay $0x3  }
0x9b: {  	_ =	strace s6  }
0x9c: {  	s6 =	sld [smem:$0x3FFD];
	_ =	sdelay $0x3  }
0x9d: {  	_ =	strace s6  }
0x9e: {  	_ =	strace $0x8FFFFFFF  }
0x9f: {  	s20 =	sld [smem:$0x3FDB];
	_ =	sdelay $0x1  }
0xa0: {  	s7 =	simm.s32 $_scs_section_size  }
0xa1: {  	s8 =	simm.s32 $_size__tile_overlayer_lowered;
	s9 =	simm.s32 $_tile_overlayer_lowered  }
0xa2: {  	s23 =	simm.s32 $0x1BFF;
	s22 =	sshll.u32 s9, $0x1;
	s6 =	sadd.s32 s7, s20  }
0xa3: {  	s10 =	simm.s32 $0x0;
	s21 =	sshll.u32 s8, $0x1;
	s8 =	sadd.s32 s22, s6  }
0xa4: {  	[timem:s10], [sflag:s23] =	dma.local [hbm:s8], s21  }
0xa5: {  	_ =	swait.ge [sflag:s23], s21  }
0xa6: {  	s7 =	ssub.s32 $0x0, s21;
	[sflag:s23] =	ssyncset.done $0x0  }
0xa7: {  	[sflag:s23] =	ssyncadd.s32 s7;
	_ =	sdelay $0x1  }
0xa8: {  	s24 =	simm.s32 $0x1B8B  }
0xa9: {  	_ =	swait.ge [sflag:s24], $0x1  }
0xaa: {  	[sflag:s24] =	ssyncset.done $0x0  }
0xab: {  	[sflag:s24] =	ssyncadd.s32 $0xFFFFFFFF  }
0xac: {  	s25 =	simm.s32 $0x1B8E;
	s7 =	sld [smem:$0x0]  }
0xad: {  	s26 =	simm.s32 $execute0_lowered;
	[smem:$0x3FD2] =	sst s25  }
0xae: {  	s8 =	sshll.u32 s26, $0x1;
	_ =	strace $0x8000004C;
	[dreg:$0x1] =	wrdreg $0xFFFFFFFF  }
0xaf: {  	s28 =	simm.s32 $_size_execute0_lowered;
	s6 =	sadd.s32 s6, s8;
	[dreg:$0x0] =	wrdreg $0x0  }
0xb0: {  	s8 =	sshll.u32 s28, $0x1;
	[dreg:$0x2] =	wrdreg s6  }
0xb1: {  	[dreg:$0x3] =	wrdreg s8  }
0xb2: {  	[dreg:$0x4] =	wrdreg $0xC0  }
0xb3: {  	_ =	task [dreg:s10], $0x5FFFF  }
0xb4: {  	[dreg:$0x1] =	wrdreg $0xFFFFFFFF  }
0xb5: {  	[dreg:$0x0] =	wrdreg $0x60  }
0xb6: {  	[dreg:$0x2] =	wrdreg s17  }
0xb7: {  	[dreg:$0x3] =	wrdreg s19  }
0xb8: {  	[dreg:$0x4] =	wrdreg s18  }
0xb9: {  	[dreg:$0x5] =	wrdreg s5  }
0xba: {  	[dreg:$0x6] =	wrdreg s1  }
0xbb: {  	[dreg:$0x7] =	wrdreg s7  }
0xbc: {  	[dreg:$0x8] =	wrdreg $0x9  }
0xbd: {  	_ =	task.clear_ibuf [dreg:s10], $0x9FFFF;
	_ =	strace $0x9000004C  }
0xbe: {  	s29 =	simm.s32 $0x9;
	_ =	strace $0x8000004E  }
0xbf: {  	_ =	swait.ge [sflag:s29], $0x1  }
0xc0: {  	[sflag:s29] =	ssyncadd.s32 $0xFFFFFFFF  }
0xc1: {  	_ =	strace $0x9000004E  }
0xc2: {  	_ =	sfence  }
0xc3: {  	s30 =	sld [smem:$0x0];
	_ =	sdelay $0x2  }
0xc4: {  	s31 =	sshll.u32 s1, $0xD;
	s1 =	sshrl.u32 s1, $0x2  }
0xc5: {  	s3 =	sand.u32 $0x4000, s31;
	s1 =	sadd.s32 s1, s30  }
0xc6: {  	s0 =	sor.u32 s3, s0;
	s1 =	sshll.u32 s1, $0x11  }
0xc7: {  	s0 =	sor.u32 s1, s0  }
0xc8: {  	s0 =	sadd.s32 $0x8F2B, s0  }
0xc9: {  	[sflag:s0] =	ssyncadd.remote.s32 $0x1  }
0xca: {  	_ =	sfence.sel $0xFFFF  }
0xcb: {  	[dreg:$0x0] =	wrdreg $0xFFFFFFFF;
	(pc) =	sbr.abs _section_cstart, $3  }
0xcc: {  	[dreg:$0x1] =	wrdreg $0xFFFFFFFF  }
0xcd: {  	_ =	task.clear_ibuf [dreg:s10], $0x2FFFF;
	_ =	strace $0x9FFFFFFF  }
0xce: {  	(tm) =	ssettm $0x7FFFFFFF  }
0xcf: {  	_ =	shalt  }
tec
execute0_lowered:
.L_overlay_start_1:
0x0: {  	(tag) =	ssettag $0x1  }
0x1: {  	s1 =	rddreg [dreg:$0x0]  }
0x2: {  	s12 =	rddreg [dreg:$0x1]  }
0x3: {  	s6 =	rddreg [dreg:$0x2]  }
0x4: {  	s14 =	rddreg [dreg:$0x3]  }
0x5: {  	s2 =	rddreg [dreg:$0x4];
	_ =	strace $0x8000004D;
	s0 =	simm.s32 $0x1  }
0x6: {  	s3 =	simm.s32 $0x108;
	v0 =	vimm.s32 $0x0;
	[sflag:s0] =	ssyncpa.u1 $0x0  }
0x7: {  	[tilespmem:s3+$0x70] =	vst v0  }
0x8: {  	[tilespmem:s3+$0x60] =	vst v0  }
0x9: {  	[tilespmem:s3+$0x50] =	vst v0  }
0xa: {  	[tilespmem:s3+$0x40] =	vst v0  }
0xb: {  	[tilespmem:s3+$0x30] =	vst v0  }
0xc: {  	s2 =	sand.u32 $0x1, s2;
	[tilespmem:s3+$0x20] =	vst v0  }
0xd: {  	s0 =	simm.s32 $0x40;
	s15 =	sshll.u32 s2, $0x5;
	[tilespmem:s3+$0x10] =	vst v0  }
.LBB2_1:
0xe: {  	s0 =	sadd.s32 $0x40, s0;
	[tilespmem:s3+$0x0] =	vst v0;
	s3 =	sadd.s32 $0x80, s3  }
0xf: {  	p0 =	slt.u32 s0, $0x440;
	[tilespmem:s3+$0x70] =	vst v0  }
0x10: {  	[tilespmem:s3+$0x60] =	vst v0  }
.Ltmp0:
0x11: {  	[tilespmem:s3+$0x50] =	vst v0;
	(pc) =	sbr.rel @p0 .LBB2_1-.Ltmp0, $4  }
0x12: {  	[tilespmem:s3+$0x40] =	vst v0  }
0x13: {  	[tilespmem:s3+$0x30] =	vst v0  }
0x14: {  	[tilespmem:s3+$0x20] =	vst v0  }
0x15: {  	[tilespmem:s3+$0x10] =	vst v0  }
0x16: {  	s7 =	simm.s32 $0x2  }
0x17: {  	s8 =	simm.s32 $0x9;
	s31 =	stileid.u32;
	s0 =	simm.s32 $0xA  }
0x18: {  	s10 =	simm.s32 $0xB;
	s12 =	sadd.s32 s15, s12;
	s14 =	sadd.s32 s15, s14  }
.Ltmp1:
0x19: {  	s21 =	simm.s32 $0x0;
	s15 =	simm.s32 $0x2248;
	(pc) =	sbr.rel .LBB2_3-.Ltmp1, $4  }
0x1a: {  	[tilespmem:s3+$0x0] =	vst v0;
	v0 =	vimm.s32 $0xFFFFFFFF;
	s16 =	simm.s32 $0xC;
	s17 =	simm.s32 $0x1;
	[sflag:s7] =	ssyncpa.u1 $0x0  }
0x1b: {  	s20 =	simm.s32 $0x0;
	s19 =	simm.s32 $0x0;
	[tilespmem:$0x1208] =	vst v0;
	[sflag:s8] =	ssyncpa.u1 $0x0  }
0x1c: {  	s9 =	sshll.u32 s31, $0x4;
	s13 =	sshll.u32 s31, $0x8;
	[sflag:s0] =	ssyncpa.u1 $0x0  }
0x1d: {  	s11 =	sadd.s32 $0x10, s9;
	v0 =	vlaneseq.u32;
	s18 =	smov.u32 s9;
	[sflag:s10] =	ssyncpa.u1 $0x0  }
.LBB2_4:
0x1e: {  	p0 =	sgt.s32 s18, $0xF0;
	s0 =	smov.u32 s18;
	s4 =	sshra.s32 s18, $0x1F  }
0x1f: {  	s0 =	simm.s32 @!p0 $0xF0;
	s4 =	sand.u32 s4, s18  }
0x20: {  	s0 =	ssub.s32 s0, s4  }
0x21: {  	s0 =	sadd.s32 $0xFFFFFF10, s0  }
0x22: {  	s30 =	sshll.u32 s0, $0x2  }
0x23: {  	s4 =	ssub.s32 $0x40, s30  }
0x24: {  	s31 =	sshrl.u32 s18, $0x3;
	p0 =	sgt.s32 s0, $0xF;
	s0 =	sshrl.u32 s4, $0x2  }
0x25: {  	s5 =	sand.u32 $0x7, s18;
	s4 =	sadd.s32 s31, s14;
	s0 =	simm.s32 @p0 $0x0  }
0x26: {  	[tilespmem:s15], [sflag:$0xA] =	stream.linear.gather [hbm4b:s4+s5], s0, $0x38;
	[tilespmem:$0x3298] =	vst v63  }
.LBB2_23:
0x27: {  	s0 =	sadd.s32 $0x10, s18  }
0x28: {  	s3 =	smov.u32 s9;
	s19 =	sadd.s32 $0x1, s19;
	p0 =	slt.s32 s0, s11  }
0x29: {  	s3 =	smov.u32 @p0 s0;
	p0 =	sne.s32 s19, $0x3  }
.Ltmp2:
0x2a: {  	_ = 	snop;
	(pc) =	sbr.rel @!p0 .LBB2_24-.Ltmp2, $2  }
0x2b: {  	_ =	sdelay $0x2  }
0x2c: {  	s21 =	smov.u32 s20;
	s20 =	smov.u32 s18;
	s18 =	smov.u32 s3  }
.LBB2_3:
0x2d: {  	p0 =	sne.s32 s19, $0x0  }
.Ltmp3:
0x2e: {  	_ = 	snop;
	(pc) =	sbr.rel @!p0 .LBB2_4-.Ltmp3, $1  }
0x2f: {  	_ =	sdelay $0x3  }
0x30: {  	s0 =	sand.u32 $0x1, s19  }
0x31: {  	p0 =	seq.s32 s0, $0x0  }
0x32: {  	p1 =	sgt.s32 @!p0 s20, $0xF0  }
0x33: {  	s0 =	smov.u32 s20;
	s4 =	sshra.s32 @!p0 s20, $0x1F;
	p1 =	por !p1, p0  }
0x34: {  	s4 =	sand.u32 @!p0 s4, s20;
	s0 =	simm.s32 @p1 $0xF0  }
0x35: {  	s0 =	ssub.s32 @!p0 s0, s4  }
0x36: {  	s0 =	sadd.s32 @!p0 $0xFFFFFF10, s0  }
0x37: {  	s4 =	sshll.u32 @!p0 s0, $0x2  }
0x38: {  	p1 =	sgt.s32 @!p0 s0, $0xF;
	s0 =	ssub.s32 @!p0 $0x40, s4  }
0x39: {  	p1 =	por !p1, p0;
	s0 =	sshrl.u32 @!p0 s0, $0x2  }
0x3a: {  	s4 =	simm.s32 @!p0 $0xA;
	s0 =	simm.s32 @!p1 $0x0  }
0x3b: {  	_ =	swait.ge @!p0 [sflag:s4], s0  }
0x3c: {  	s5 =	ssub.s32 @!p0 $0x0, s0;
	[sflag:s4] =	ssyncset.done @!p0 $0x0  }
0x3d: {  	[sflag:s4] =	ssyncadd.s32 @!p0 s5;
	s4 =	sshrl.u32 @!p0 s20, $0x3  }
0x3e: {  	s22 =	simm.s32 @!p0 $0x2278;
	s5 =	sand.u32 @!p0 $0x7, s20;
	s4 =	sadd.s32 @!p0 s4, s12  }
0x3f: {  	[tilespmem:s22], [sflag:$0xB] =	stream.linear.gather @!p0 [hbm4b:s4+s5], s0, $0x38;
	[tilespmem:$0x3298] =	vst v63  }
0x40: {  	s0 =	sshll.u32 @!p0 s19, $0x4  }
0x41: {  	s0 =	sand.u32 @!p0 $0x3FFFFFF0, s0  }
0x42: {  	s4 =	simm.s32 @!p0 $0x10;
	s5 =	simm.s32 @!p0 $0x2298;
	s0 =	sadd.s32 @!p0 $0x2238, s0  }
0x43: {  	[tilespmem:s5], [sflag:$0x9] =	stream.indirect.gather @!p0 [hbm4b:s6+s4], $0x80, s0, s4, $0xb8;
	[tilespmem:$0x3298] =	vst v63  }
0x44: {  	p0 =	sne.s32 s19, $0x2  }
.Ltmp4:
0x45: {  	_ = 	snop;
	(pc) =	sbr.rel @p0 .LBB2_23-.Ltmp4, $1  }
0x46: {  	_ =	sdelay $0x3  }
0x47: {  	p0 =	sgt.s32 s21, $0xF0;
	s0 =	smov.u32 s21;
	s4 =	sshra.s32 s21, $0x1F  }
0x48: {  	s0 =	simm.s32 @!p0 $0xF0;
	s4 =	sand.u32 s4, s21  }
0x49: {  	s0 =	ssub.s32 s0, s4  }
0x4a: {  	s0 =	sadd.s32 $0xFFFFFF10, s0  }
0x4b: {  	s31 =	sshll.u32 s0, $0x2  }
0x4c: {  	_ =	swait.ge [sflag:s8], $0x800;
	s4 =	ssub.s32 $0x40, s31  }
0x4d: {  	[sflag:s8] =	ssyncset.done $0x0;
	p0 =	sgt.s32 s0, $0xF;
	s0 =	sshrl.u32 s4, $0x2  }
0x4e: {  	[sflag:s8] =	ssyncadd.s32 $0xFFFFF800;
	s0 =	simm.s32 @p0 $0x0  }
0x4f: {  	_ =	swait.ge [sflag:s10], s0  }
0x50: {  	s0 =	ssub.s32 $0x0, s0;
	[sflag:s10] =	ssyncset.done $0x0  }
0x51: {  	[sflag:s10] =	ssyncadd.s32 s0  }
0x52: {  	v1 =	vld [tilespmem:$0x1208];
	_ =	sdelay $0x4  }
0x53: {  	(v2sf) =	vpush v1, $0x0  }
0x54: {  	(v2sf) =	vpush v1, $0x1  }
0x55: {  	(v2sf) =	vpush v1, $0x2;
	_ =	sdelay $0x3  }
0x56: {  	s0 =	sadd.s32 $0x10, s21  }
0x57: {  	s4 =	ssub.s32 $0x200, s21;
	p0 =	slt.s32 s11, s0  }
0x58: {  	s0 =	smov.u32 @p0 s11;
	p0 =	sgt.s32 s4, $0x0  }
0x59: {  	s22 =	ssub.s32 s0, s21;
	s4 =	simm.s32 @!p0 $0x0  }
0x5a: {  	p0 =	slt.s32 s4, s22  }
0x5b: {  	s22 =	smov.u32 @p0 s4  }
0x5c: {  	p0 =	slt.s32 s22, $0x1  }
.Ltmp5:
0x5d: {  	_ = 	snop;
	(pc) =	sbr.rel @p0 .LBB2_10-.Ltmp5, $4  }
0x5e: {  	_ = 	snop  }
0x5f: {  	s24 =	spop (v2sf)  }
0x60: {  	s25 =	spop (v2sf)  }
0x61: {  	s21 =	spop (v2sf)  }
0x62: {  	s0 =	smin.u32 s22, $0x10  }
0x63: {  	v1 =	vmov s0  }
0x64: {  	p1 =	sgt.s32 s22, $0x10;
	vm1 =	vgt.u32 v1, v0  }
.Ltmp6:
0x65: {  	_ = 	snop;
	(pc) =	sbr.rel @!p1 .LBB2_9-.Ltmp6, $2  }
0x66: {  	_ =	sdelay $0x2  }
0x67: {  	s23 =	simm.s32 $0x2278;
	s26 =	simm.s32 $0x10;
	s28 =	sadd.s32 $0xFFFFFFF0, s22;
	vm0 =	vmmov vm1  }
.LBB2_8:
0x68: {  	s0 =	smin.u32 s28, $0x10;
	s26 =	sadd.s32 $0x10, s26;
	v1 =	vld.msk [tilespmem:s23+$0x0 ss:$0x1], vm1  }
0x69: {  	v2 =	vmov s0;
	p1 =	slt.s32 s26, s22  }
0x6a: {  	vm1 =	vgt.u32 v2, v0  }
.Ltmp7:
0x6b: {  	(pc) =	sbr.rel @p1 .LBB2_8-.Ltmp7, $3  }
0x6c: {  	_ =	sdelay $0x1  }
0x6d: {  	v1 =	vshll.u32 v1, $0x4  }
0x6e: {  	s28 =	sadd.s32 $0xFFFFFFF0, s28;
	[tilespmem:s23+$0x0] =	vst.msk vm0, v1;
	s23 =	sadd.s32 $0x10, s23;
	vm0 =	vmmov vm1  }
.LBB2_9:
0x6f: {  	_ =	sdelay $0x4  }
0x70: {  	v1 =	vld.msk [tilespmem:s23+$0x0 ss:$0x1], vm1;
	_ =	sdelay $0x4  }
0x71: {  	v1 =	vshll.u32 v1, $0x4  }
0x72: {  	[tilespmem:s23+$0x0] =	vst.msk vm0, v1  }
.LBB2_10:
0x73: {  	p1 =	sne.s32 s25, $0xFFFFFFFF  }
0x74: {  	v1 =	vld.msk @!p1 [tilespmem:$0x2278], $0x1;
	_ =	sdelay $0x4  }
0x75: {  	(v2sf) =	vpush @!p1 v1, $0x0;
	_ =	sdelay $0xc  }
.Ltmp8:
0x76: {  	_ = 	snop;
	(pc) =	sbr.rel @p0 .LBB2_21-.Ltmp8, $4  }
0x77: {  	_ = 	snop  }
0x78: {  	s26 =	spop @!p1 (v2sf)  }
0x79: {  	s21 =	simm.s32 @!p1 $0x0;
	s23 =	smov.u32 s26  }
0x7a: {  	[sflag:s16] =	ssyncpa.u1 $0x0;
	s26 =	smov.u32 @p1 s24;
	s23 =	smov.u32 @p1 s25  }
0x7b: {  	s24 =	simm.s32 $0x2278  }
0x7c: {  	v1 =	vld.msk [tilespmem:s24+$0x0], $0x1;
	_ =	sdelay $0x4  }
0x7d: {  	(v2sf) =	vpush v1, $0x0;
	_ =	sdelay $0xe  }
0x7e: {  	s30 =	spop (v2sf)  }
0x7f: {  	p0 =	seq.s32 s26, s30  }
0x80: {  	p1 =	sgt.s32 @!p0 s26, $0x0  }
0x81: {  	s0 =	smov.u32 s26;
	s28 =	sadd.s32 $0xFFFFFFFF, s22;
	p1 =	por !p1, p0  }
0x82: {  	s0 =	simm.s32 @p1 $0x0;
	p1 =	sne.s32 s28, $0x0  }
.Ltmp9:
0x83: {  	_ = 	snop;
	(pc) =	sbr.rel @!p1 .LBB2_13-.Ltmp9, $4  }
0x84: {  	_ = 	snop  }
0x85: {  	s25 =	simm.s32 $0x0;
	s31 =	simm.s32 @!p0 $0x1;
	s4 =	smin.u32 @!p0 s0, $0x270F0  }
0x86: {  	s29 =	simm.s32 $0x2279;
	s31 =	smov.u32 @p0 s25;
	s5 =	sand.u32 @!p0 $0x3FFF8, s4  }
0x87: {  	s0 =	simm.s32 @!p0 $0x988;
	s4 =	sand.u32 @!p0 $0x7, s4;
	s5 =	sadd.s32 @!p0 s1, s5  }
.LBB2_12:
0x88: {  	s3 =	smov.u32 s31  }
0x89: {  	[tilespmem:s0], [sflag:$0x2] =	stream.linear.gather @!p0 [hbm4b:s5+s4], $0x80, $0x38;
	[tilespmem:$0x3298] =	vst v63  }
0x8a: {  	s28 =	sadd.s32 $0xFFFFFFFF, s28;
	s4 =	smov.u32 s30;
	v1 =	vld.msk [tilespmem:s29+$0x0], $0x1  }
0x8b: {  	p1 =	sne.s32 s28, $0x0;
	_ =	sdelay $0x3  }
0x8c: {  	(v2sf) =	vpush v1, $0x0;
	_ =	sdelay $0xe  }
0x8d: {  	s30 =	spop (v2sf)  }
0x8e: {  	p0 =	seq.s32 s4, s30  }
0x8f: {  	p2 =	sgt.s32 @!p0 s4, $0x0;
	s0 =	sshll.u32 @!p0 s31, $0x9;
	s31 =	sadd.s32 @!p0 $0x1, s31  }
.Ltmp10:
0x90: {  	p2 =	por !p2, p0;
	s0 =	sshra.s32 @!p0 s0, $0x2;
	(pc) =	sbr.rel @p1 .LBB2_12-.Ltmp10, $4  }
0x91: {  	s31 =	smov.u32 @p0 s3;
	s4 =	simm.s32 @p2 $0x0;
	s0 =	sadd.s32 @!p0 $0x988, s0  }
0x92: {  	s3 =	smin.u32 @!p0 s4, $0x270F0  }
0x93: {  	s5 =	sand.u32 @!p0 $0x3FFF8, s3;
	s4 =	sand.u32 @!p0 $0x7, s3  }
0x94: {  	s29 =	sadd.s32 $0x1, s29;
	s5 =	sadd.s32 @!p0 s1, s5  }
.LBB2_13:
0x95: {  	[tilespmem:s0], [sflag:$0x2] =	stream.linear.gather @!p0 [hbm4b:s5+s4], $0x80, $0x38;
	[tilespmem:$0x3298] =	vst v63  }
.Ltmp11:
0x96: {  	s31 =	sshll.u32 s31, $0x7;
	(pc) =	sbr.rel .LBB2_14-.Ltmp11, $4  }
0x97: {  	s0 =	sand.u32 $0x3FFFFF80, s31  }
0x98: {  	_ =	swait.ge [sflag:s7], s0  }
0x99: {  	s0 =	ssub.s32 $0x0, s0;
	[sflag:s7] =	ssyncset.done $0x0  }
0x9a: {  	s30 =	simm.s32 $0x22D8;
	s29 =	simm.s32 $0x0;
	[sflag:s7] =	ssyncadd.s32 s0  }
.LBB2_15:
0x9b: {  	v1 =	vld [tilespmem:s30+$0xFFFFFFC0];
	_ =	sdelay $0x3  }
0x9c: {  	s0 =	sshra.s32 s0, $0x2  }
0x9d: {  	[tilespmem:s0+$0x108] =	vst.add.f32.msk $0xffff, v1  }
0x9e: {  	v1 =	vld [tilespmem:s30+$0xFFFFFFD0];
	_ =	sdelay $0x4  }
0x9f: {  	[tilespmem:s0+$0x118] =	vst.add.f32.msk $0xffff, v1  }
0xa0: {  	v1 =	vld [tilespmem:s30+$0xFFFFFFE0];
	_ =	sdelay $0x4  }
0xa1: {  	[tilespmem:s0+$0x128] =	vst.add.f32.msk $0xffff, v1  }
0xa2: {  	v1 =	vld [tilespmem:s30+$0xFFFFFFF0];
	_ =	sdelay $0x4  }
0xa3: {  	[tilespmem:s0+$0x138] =	vst.add.f32.msk $0xffff, v1  }
0xa4: {  	v1 =	vld [tilespmem:s30+$0x0];
	_ =	sdelay $0x4  }
0xa5: {  	[tilespmem:s0+$0x148] =	vst.add.f32.msk $0xffff, v1  }
0xa6: {  	v1 =	vld [tilespmem:s30+$0x10];
	_ =	sdelay $0x4  }
0xa7: {  	[tilespmem:s0+$0x158] =	vst.add.f32.msk $0xffff, v1  }
0xa8: {  	v1 =	vld [tilespmem:s30+$0x20];
	_ =	sdelay $0x4  }
0xa9: {  	[tilespmem:s0+$0x168] =	vst.add.f32.msk $0xffff, v1  }
0xaa: {  	v1 =	vld [tilespmem:s30+$0x30];
	_ =	sdelay $0x4  }
0xab: {  	[tilespmem:s0+$0x178] =	vst.add.f32.msk $0xffff, v1  }
.LBB2_19:
0xac: {  	s22 =	sadd.s32 $0xFFFFFFFF, s22  }
0xad: {  	p0 =	sne.s32 s22, $0x0  }
.Ltmp12:
0xae: {  	_ = 	snop;
	(pc) =	sbr.rel @!p0 .LBB2_20-.Ltmp12, $2  }
0xaf: {  	_ =	sdelay $0x2  }
0xb0: {  	s24 =	sadd.s32 $0x1, s24;
	s30 =	sadd.s32 $0x80, s30;
	s26 =	smov.u32 s28  }
.LBB2_14:
0xb1: {  	v1 =	vld.msk [tilespmem:s24+$0x0], $0x1;
	_ =	sdelay $0x4  }
0xb2: {  	(v2sf) =	vpush v1, $0x0;
	_ =	sdelay $0xe  }
0xb3: {  	s28 =	spop (v2sf)  }
0xb4: {  	p0 =	sne.s32 s26, s28  }
.Ltmp13:
0xb5: {  	_ = 	snop;
	(pc) =	sbr.rel @!p0 .LBB2_15-.Ltmp13, $2  }
0xb6: {  	_ =	sdelay $0x2  }
0xb7: {  	s0 =	sshll.u32 s21, $0x9  }
0xb8: {  	p0 =	seq.s32 s26, s23  }
.Ltmp14:
0xb9: {  	_ = 	snop;
	(pc) =	sbr.rel @!p0 .LBB2_17-.Ltmp14, $1  }
0xba: {  	_ =	sdelay $0x3  }
0xbb: {  	s0 =	sshra.s32 s0, $0x2  }
.Ltmp15:
0xbc: {  	s0 =	sadd.s32 $0x108, s0;
	(pc) =	sbr.rel .LBB2_18-.Ltmp15, $4  }
0xbd: {  	[spmem:s13] =	stream.linear.scatter [tilespmem:s0], [sflag:$0x1], $0x80, $0x38;
	[tilespmem:$0x3298] =	vst v63  }
0xbe: {  	_ =	swait.ge [sflag:s17], $0x80  }
0xbf: {  	[sflag:s17] =	ssyncset.done $0x0  }
0xc0: {  	[sflag:s17] =	ssyncadd.s32 $0xFFFFFF80  }
.LBB2_17:
0xc1: {  	s3 =	sshll.u32 s25, $0x9  }
0xc2: {  	s3 =	sshra.s32 s3, $0x2  }
0xc3: {  	v1 =	vld [tilespmem:s3+$0x988];
	_ =	sdelay $0x3  }
0xc4: {  	s0 =	sshra.s32 s0, $0x2  }
0xc5: {  	[tilespmem:s0+$0x108] =	vst.add.f32.msk $0xffff, v1  }
0xc6: {  	v1 =	vld [tilespmem:s3+$0x998];
	_ =	sdelay $0x4  }
0xc7: {  	[tilespmem:s0+$0x118] =	vst.add.f32.msk $0xffff, v1  }
0xc8: {  	v1 =	vld [tilespmem:s3+$0x9A8];
	_ =	sdelay $0x4  }
0xc9: {  	[tilespmem:s0+$0x128] =	vst.add.f32.msk $0xffff, v1  }
0xca: {  	v1 =	vld [tilespmem:s3+$0x9B8];
	_ =	sdelay $0x4  }
0xcb: {  	[tilespmem:s0+$0x138] =	vst.add.f32.msk $0xffff, v1  }
0xcc: {  	v1 =	vld [tilespmem:s3+$0x9C8];
	_ =	sdelay $0x4  }
0xcd: {  	[tilespmem:s0+$0x148] =	vst.add.f32.msk $0xffff, v1  }
0xce: {  	v1 =	vld [tilespmem:s3+$0x9D8];
	_ =	sdelay $0x4  }
0xcf: {  	[tilespmem:s0+$0x158] =	vst.add.f32.msk $0xffff, v1  }
0xd0: {  	v1 =	vld [tilespmem:s3+$0x9E8];
	_ =	sdelay $0x4  }
0xd1: {  	[tilespmem:s0+$0x168] =	vst.add.f32.msk $0xffff, v1  }
0xd2: {  	v1 =	vld [tilespmem:s3+$0x9F8];
	_ =	sdelay $0x2  }
0xd3: {  	p0 =	sgt.u32 s26, $0x270F0  }
0xd4: {  	s3 =	sand.u32 @!p0 $0x3FFF8, s26  }
0xd5: {  	s4 =	sadd.s32 $0x108, s0;
	[tilespmem:s0+$0x178] =	vst.add.f32.msk $0xffff, v1;
	s0 =	sadd.s32 @!p0 s1, s3;
	s3 =	sand.u32 @!p0 $0x7, s26  }
0xd6: {  	[hbm4b:s0+s3] =	stream.linear.scatter @!p0 [tilespmem:s4], [sflag:$0xC], $0x80, $0x38;
	[tilespmem:$0x3298] =	vst v63  }
0xd7: {  	s0 =	simm.s32 $0x0  }
0xd8: {  	s0 =	simm.s32 @!p0 $0x200  }
0xd9: {  	s29 =	sadd.s32 s0, s29  }
.LBB2_18:
0xda: {  	v1 =	vld [tilespmem:s30+$0xFFFFFFC0];
	_ =	sdelay $0x1  }
0xdb: {  	s0 =	sadd.s32 $0x1, s21  }
0xdc: {  	s21 =	sand.u32 $0xF, s0  }
0xdd: {  	s0 =	sshll.u32 s21, $0x7  }
0xde: {  	[tilespmem:s0+$0x108] =	vst v1  }
0xdf: {  	v1 =	vld [tilespmem:s30+$0xFFFFFFD0];
	_ =	sdelay $0x4  }
0xe0: {  	[tilespmem:s0+$0x118] =	vst v1  }
0xe1: {  	v1 =	vld [tilespmem:s30+$0xFFFFFFE0];
	_ =	sdelay $0x4  }
0xe2: {  	[tilespmem:s0+$0x128] =	vst v1  }
0xe3: {  	v1 =	vld [tilespmem:s30+$0xFFFFFFF0];
	_ =	sdelay $0x4  }
0xe4: {  	[tilespmem:s0+$0x138] =	vst v1  }
0xe5: {  	v1 =	vld [tilespmem:s30+$0x0];
	_ =	sdelay $0x4  }
0xe6: {  	[tilespmem:s0+$0x148] =	vst v1  }
0xe7: {  	v1 =	vld [tilespmem:s30+$0x10];
	_ =	sdelay $0x4  }
0xe8: {  	[tilespmem:s0+$0x158] =	vst v1  }
0xe9: {  	v1 =	vld [tilespmem:s30+$0x20];
	_ =	sdelay $0x4  }
0xea: {  	[tilespmem:s0+$0x168] =	vst v1  }
0xeb: {  	v1 =	vld [tilespmem:s30+$0x30]  }
.Ltmp16:
0xec: {  	_ = 	snop;
	(pc) =	sbr.rel .LBB2_19-.Ltmp16, $2  }
0xed: {  	_ =	sdelay $0x2  }
0xee: {  	s25 =	sadd.s32 $0x1, s25;
	[tilespmem:s0+$0x178] =	vst v1  }
.LBB2_20:
.Ltmp17:
0xef: {  	(pc) =	sbr.rel .LBB2_22-.Ltmp17, $2  }
0xf0: {  	_ =	sdelay $0x2  }
0xf1: {  	s0 =	sshrl.u32 s29, $0x2  }
.LBB2_21:
0xf2: {  	_ =	swait.ge [sflag:s7], $0x0  }
0xf3: {  	s0 =	simm.s32 $0x0;
	s28 =	smov.u32 s26;
	[sflag:s7] =	ssyncset.done $0x0  }
.LBB2_22:
.Ltmp18:
0xf4: {  	_ =	swait.ge [sflag:s16], s0;
	(pc) =	sbr.rel .LBB2_23-.Ltmp18, $4  }
0xf5: {  	s31 =	ssub.s32 $0x0, s0;
	v1 =	vmov s23;
	vm0 =	veq.s32 v0, $0x0;
	[sflag:s16] =	ssyncset.done $0x0  }
0xf6: {  	vm15 =	veq.s32 v0, $0x2;
	v1 =	vsel vm0, s28, v1;
	[sflag:s16] =	ssyncadd.s32 s31  }
0xf7: {  	v1 =	vsel vm15, s21, v1;
	[sflag:s16] =	ssyncpa.u1 $0x1  }
0xf8: {  	[tilespmem:$0x1208] =	vst v1  }
.LBB2_24:
0xf9: {  	_ =	sfence.sel $0x180000  }
0xfa: {  	s0 =	simm.s32 $0x9;
	[bflag:$0x0] =	sbarrier.arrive $0xFFFF  }
0xfb: {  	s24 =	simm.s32 $0xA;
	[sflag:s0] =	ssyncpa.u1 $0x1  }
0xfc: {  	s25 =	simm.s32 $0xB;
	[sflag:s24] =	ssyncpa.u1 $0x1  }
0xfd: {  	s26 =	simm.s32 $0x2;
	[sflag:s25] =	ssyncpa.u1 $0x1  }
0xfe: {  	[sflag:s26] =	ssyncpa.u1 $0x1  }
0xff: {  	v0 =	vld [tilespmem:$0x1208];
	_ =	sdelay $0x4  }
0x100: {  	(v2sf) =	vpush v0, $0x0  }
0x101: {  	(v2sf) =	vpush v0, $0x1;
	_ =	sdelay $0x1  }
0x102: {  	(v2sf) =	vpush v0, $0x2;
	_ =	sdelay $0xb  }
0x103: {  	s0 =	spop (v2sf)  }
0x104: {  	s3 =	spop (v2sf)  }
0x105: {  	s4 =	smov.u32 s0;
	p0 =	sne.s32 s0, s3  }
0x106: {  	s5 =	spop (v2sf);
	s4 =	simm.s32 @!p0 $0xFFFFFFFF  }
0x107: {  	v2 =	vimm.s32 $0x1;
	v3 =	vlaneseq.u32;
	p0 =	seq.s32 s5, $0xFFFFFFFF;
	v1 =	vmov s4  }
0x108: {  	s16 =	stileid.u32;
	v0 =	vperm.xlane v0, v2;
	p1 =	sne.s32 @!p0 s0, s3;
	v1 =	vperm.xlane v1, v3  }
0x109: {  	vm0 =	vcmask $0x3F04;
	s7 =	simm.s32 $0x1208;
	s0 =	simm.s32 @!p0 $0x1;
	p1 =	por !p1, p0  }
0x10a: {  	s4 =	sshll.u32 s16, $0x1;
	s3 =	sshll.u32 @!p0 s5, $0x9;
	s0 =	simm.s32 @p1 $0x0;
	v0 =	vsel vm0, v1, v0  }
0x10b: {  	s6 =	sor.u32 $0x1000, s4;
	s3 =	sshra.s32 @!p0 s3, $0x2;
	s0 =	sor.u32 @!p0 s0, s4;
	[tilespmem:$0x1208] =	vst v0  }
0x10c: {  	[spmem:s6] =	stream.linear.scatter [tilespmem:s7], [sflag:$0x1], $0x2, $0x38;
	[tilespmem:$0x3298] =	vst v63  }
0x10d: {  	s3 =	sadd.s32 @!p0 $0x108, s3;
	s0 =	sshll.u32 @!p0 s0, $0x7  }
0x10e: {  	[spmem:s0] =	stream.linear.scatter @!p0 [tilespmem:s3], [sflag:$0x1], $0x80, $0x38;
	[tilespmem:$0x3298] =	vst v63  }
0x10f: {  	s0 =	simm.s32 @!p0 $0x82  }
0x110: {  	s28 =	simm.s32 $0x1;
	s0 =	simm.s32 @p0 $0x2  }
0x111: {  	_ =	swait.ge [sflag:s28], s0  }
0x112: {  	s0 =	ssub.s32 $0x0, s0;
	[sflag:s28] =	ssyncset.done $0x0  }
0x113: {  	p0 =	sne.s32 s16, $0x0;
	[sflag:s28] =	ssyncadd.s32 s0  }
.Ltmp19:
0x114: {  	_ =	sfence.stream.spmem;
	(pc) =	sbr.rel @p0 .LBB2_41-.Ltmp19, $4  }
0x115: {  	s29 =	simm.s32 $0x3;
	[bflag:$0x0] =	sbarrier.arrive $0xFFFF  }
0x116: {  	s30 =	simm.s32 $0x4;
	[sflag:s29] =	ssyncpa.u1 $0x1  }
0x117: {  	s31 =	simm.s32 $0x3C;
	[sflag:s30] =	ssyncpa.u1 $0x1  }
0x118: {  	[sflag:s31] =	ssyncpa.u1 $0x1  }
0x119: {  	_ =	sfence.stream.spmem;
	s0 =	simm.s32 $0x5  }
0x11a: {  	s3 =	simm.s32 $0x1000;
	s4 =	simm.s32 $0x1218;
	[sflag:s0] =	ssyncpa.u1 $0x0  }
0x11b: {  	[tilespmem:s4], [sflag:$0x5] =	stream.linear.gather [spmem:s3], $0x20, $0x38;
	[tilespmem:$0x3298] =	vst v63  }
0x11c: {  	s26 =	simm.s32 $0x0;
	s28 =	simm.s32 $0x1238  }
0x11d: {  	[tilespmem:s28], [sflag:$0x5] =	stream.linear.gather [spmem:s26], $0x1000, $0x38;
	[tilespmem:$0x3298] =	vst v63  }
0x11e: {  	_ =	swait.ge [sflag:s0], $0x1020  }
0x11f: {  	[sflag:s0] =	ssyncset.done $0x0  }
0x120: {  	s29 =	simm.s32 $0x0;
	[sflag:s0] =	ssyncadd.s32 $0xFFFFEFE0  }
0x121: {  	v0 =	vld.msk [tilespmem:s29+$0x1218], $0x1;
	_ =	sdelay $0x1  }
0x122: {  	s30 =	simm.s32 $0x1  }
0x123: {  	v1 =	vld.msk [tilespmem:s30+$0x1218], $0x1;
	_ =	sdelay $0x1  }
0x124: {  	(v2sf) =	vpush v0, $0x0;
	_ =	sdelay $0x2  }
0x125: {  	(v2sf) =	vpush v1, $0x0;
	_ =	sdelay $0x2  }
0x126: {  	s31 =	simm.s32 $0x2  }
0x127: {  	v0 =	vld.msk [tilespmem:s31+$0x1218], $0x1;
	_ =	sdelay $0x2  }
0x128: {  	s6 =	simm.s32 $0xC;
	s7 =	simm.s32 $0xFFFFFFFF;
	s0 =	simm.s32 $0xFFFFFFFF  }
.LBB2_26:
0x129: {  	s3 =	smov.u32 s7;
	s4 =	smov.u32 s0  }
0x12a: {  	s0 =	sshra.s32 s6, $0x2;
	p1 =	sne.s32 s6, $0x7C;
	s6 =	sadd.s32 $0x4, s6;
	(v2sf) =	vpush v0, $0x0  }
0x12b: {  	v0 =	vld.msk [tilespmem:s0+$0x1218], $0x1  }
.Ltmp20:
0x12c: {  	(pc) =	sbr.rel @p1 .LBB2_26-.Ltmp20, $4  }
0x12d: {  	s7 =	spop (v2sf)  }
0x12e: {  	p2 =	sne.s32 s4, $0xFFFFFFFF;
	s0 =	smov.u32 s7  }
0x12f: {  	p3 =	seq.s32 s7, $0xFFFFFFFF;
	s0 =	smov.u32 @p2 s4  }
0x130: {  	s7 =	smov.u32 @p3 s3;
	s0 =	smov.u32 @p3 s4  }
0x131: {  	(v2sf) =	vpush v0, $0x0;
	_ =	sdelay $0x8  }
0x132: {  	s3 =	spop (v2sf)  }
0x133: {  	p1 =	sne.s32 s0, $0xFFFFFFFF;
	s4 =	smov.u32 s3  }
0x134: {  	s9 =	simm.s32 $0x6;
	p2 =	seq.s32 s3, $0xFFFFFFFF;
	s4 =	smov.u32 @p1 s0  }
0x135: {  	s6 =	simm.s32 $0x0;
	s4 =	smov.u32 @p2 s0;
	s0 =	spop (v2sf)  }
0x136: {  	s3 =	smov.u32 @p2 s7;
	p1 =	sne.s32 s4, $0xFFFFFFFF;
	s5 =	smov.u32 s0  }
.Ltmp21:
0x137: {  	p2 =	seq.s32 s0, $0xFFFFFFFF;
	s5 =	smov.u32 @p1 s4;
	(pc) =	sbr.rel .LBB2_28-.Ltmp21, $4  }
0x138: {  	s10 =	simm.s32 $0x1188;
	s5 =	smov.u32 @p2 s4;
	s7 =	spop (v2sf)  }
0x139: {  	s11 =	simm.s32 $0x0;
	p1 =	sne.s32 s5, $0xFFFFFFFF;
	s8 =	smov.u32 s7  }
0x13a: {  	s0 =	smov.u32 @p2 s3;
	p2 =	seq.s32 s7, $0xFFFFFFFF;
	s8 =	smov.u32 @p1 s5  }
0x13b: {  	[sflag:s9] =	ssyncpa.u1 $0x0;
	s7 =	smov.u32 @p2 s0;
	s8 =	smov.u32 @p2 s5  }
.LBB2_34:
0x13c: {  	p1 =	sgt.u32 s12, $0x270F0  }
0x13d: {  	p2 =	seq.s32 @!p1 s12, s8  }
0x13e: {  	p1 =	por p1, p2  }
0x13f: {  	p2 =	sne.s32 @!p1 s12, s7  }
0x140: {  	p1 =	por p1, !p2  }
0x141: {  	s0 =	sshll.u32 @p1 s11, $0x9  }
0x142: {  	s0 =	sand.u32 @!p1 $0x3FFF8, s12  }
0x143: {  	s3 =	sand.u32 @!p1 $0x7, s12;
	s0 =	sadd.s32 @!p1 s1, s0  }
0x144: {  	[tilespmem:s10], [sflag:$0x6] =	stream.linear.gather @!p1 [hbm4b:s0+s3], $0x80, $0x38;
	[tilespmem:$0x3298] =	vst v63  }
0x145: {  	_ =	swait.ge @!p1 [sflag:s9], $0x80  }
0x146: {  	[sflag:s9] =	ssyncset.done @!p1 $0x0  }
0x147: {  	[sflag:s9] =	ssyncadd.s32 @!p1 $0xFFFFFF80  }
0x148: {  	v1 =	vld @!p1 [tilespmem:$0x1188];
	_ =	sdelay $0x2  }
0x149: {  	s0 =	sshll.u32 @!p1 s11, $0x9  }
0x14a: {  	s3 =	sshrl.u32 @!p1 s0, $0x2  }
0x14b: {  	[tilespmem:s3+$0x1238] =	vst.add.f32.msk @!p1 $0xffff, v1  }
0x14c: {  	v1 =	vld @!p1 [tilespmem:$0x1198];
	_ =	sdelay $0x4  }
0x14d: {  	[tilespmem:s3+$0x1248] =	vst.add.f32.msk @!p1 $0xffff, v1  }
0x14e: {  	v1 =	vld @!p1 [tilespmem:$0x11A8];
	_ =	sdelay $0x4  }
0x14f: {  	[tilespmem:s3+$0x1258] =	vst.add.f32.msk @!p1 $0xffff, v1  }
0x150: {  	v1 =	vld @!p1 [tilespmem:$0x11B8];
	_ =	sdelay $0x4  }
0x151: {  	[tilespmem:s3+$0x1268] =	vst.add.f32.msk @!p1 $0xffff, v1  }
0x152: {  	v1 =	vld @!p1 [tilespmem:$0x11C8];
	_ =	sdelay $0x4  }
0x153: {  	[tilespmem:s3+$0x1278] =	vst.add.f32.msk @!p1 $0xffff, v1  }
0x154: {  	v1 =	vld @!p1 [tilespmem:$0x11D8];
	_ =	sdelay $0x4  }
0x155: {  	[tilespmem:s3+$0x1288] =	vst.add.f32.msk @!p1 $0xffff, v1  }
0x156: {  	v1 =	vld @!p1 [tilespmem:$0x11E8];
	_ =	sdelay $0x4  }
0x157: {  	[tilespmem:s3+$0x1298] =	vst.add.f32.msk @!p1 $0xffff, v1  }
0x158: {  	v1 =	vld @!p1 [tilespmem:$0x11F8];
	_ =	sdelay $0x4  }
0x159: {  	[tilespmem:s3+$0x12A8] =	vst.add.f32.msk @!p1 $0xffff, v1  }
0x15a: {  	s0 =	sshrl.u32 s0, $0x2;
	[tilespmem:s6+$0x1218] =	vst.msk $0x1, v0  }
0x15b: {  	v0 =	vld [tilespmem:s0+$0x1238];
	_ =	sdelay $0x2  }
0x15c: {  	s31 =	sshll.u32 s6, $0x9  }
0x15d: {  	s3 =	sshra.s32 s31, $0x2  }
0x15e: {  	[tilespmem:s3+$0x1238] =	vst v0  }
0x15f: {  	v0 =	vld [tilespmem:s0+$0x1248];
	_ =	sdelay $0x4  }
0x160: {  	[tilespmem:s3+$0x1248] =	vst v0  }
0x161: {  	v0 =	vld [tilespmem:s0+$0x1258];
	_ =	sdelay $0x4  }
0x162: {  	[tilespmem:s3+$0x1258] =	vst v0  }
0x163: {  	v0 =	vld [tilespmem:s0+$0x1268];
	_ =	sdelay $0x4  }
0x164: {  	[tilespmem:s3+$0x1268] =	vst v0  }
0x165: {  	v0 =	vld [tilespmem:s0+$0x1278];
	_ =	sdelay $0x4  }
0x166: {  	[tilespmem:s3+$0x1278] =	vst v0  }
0x167: {  	v0 =	vld [tilespmem:s0+$0x1288];
	_ =	sdelay $0x4  }
0x168: {  	[tilespmem:s3+$0x1288] =	vst v0  }
0x169: {  	v0 =	vld [tilespmem:s0+$0x1298];
	_ =	sdelay $0x4  }
0x16a: {  	[tilespmem:s3+$0x1298] =	vst v0  }
0x16b: {  	v0 =	vld [tilespmem:s0+$0x12A8];
	_ =	sdelay $0x4  }
0x16c: {  	s6 =	sadd.s32 $0x1, s6;
	[tilespmem:s3+$0x12A8] =	vst v0  }
.LBB2_35:
0x16d: {  	s11 =	sadd.s32 $0x1, s11  }
0x16e: {  	p1 =	sne.s32 s11, $0x20  }
.Ltmp22:
0x16f: {  	_ = 	snop;
	(pc) =	sbr.rel @!p1 .LBB2_36-.Ltmp22, $1  }
0x170: {  	_ =	sdelay $0x3  }
.LBB2_28:
0x171: {  	v0 =	vld.msk [tilespmem:s11+$0x1218], $0x1;
	_ =	sdelay $0x4  }
0x172: {  	(v2sf) =	vpush v0, $0x0;
	_ =	sdelay $0xe  }
0x173: {  	s12 =	spop (v2sf)  }
0x174: {  	p1 =	seq.s32 s12, $0xFFFFFFFF  }
.Ltmp23:
0x175: {  	_ = 	snop;
	(pc) =	sbr.rel @p1 .LBB2_35-.Ltmp23, $1  }
0x176: {  	_ =	sdelay $0x3  }
0x177: {  	p1 =	slt.s32 s6, $0x1  }
.Ltmp24:
0x178: {  	_ = 	snop;
	(pc) =	sbr.rel @p1 .LBB2_34-.Ltmp24, $1  }
0x179: {  	_ =	sdelay $0x3  }
0x17a: {  	s13 =	simm.s32 $0x1218;
	p1 =	por $0x0, $0x0  }
0x17b: {  	v1 =	vld.msk @!p1 [tilespmem:s13+$0x0], $0x1;
	_ =	sdelay $0x4  }
0x17c: {  	(v2sf) =	vpush @!p1 v1, $0x0;
	_ =	sdelay $0xd  }
0x17d: {  	p3 =	sne.s32 s6, $0x1  }
.Ltmp25:
0x17e: {  	s0 =	spop @!p1 (v2sf);
	(pc) =	sbr.rel @!p3 .LBB2_32-.Ltmp25, $4  }
0x17f: {  	p2 =	seq.s32 @!p1 s12, s0  }
0x180: {  	s14 =	simm.s32 $0x0;
	p2 =	por !p2, p1  }
0x181: {  	s0 =	simm.s32 $0xFFFFFFFF;
	s14 =	simm.s32 @p2 $0xFFFFFFFF  }
0x182: {  	s15 =	simm.s32 $0x1;
	s14 =	smov.u32 @p1 s0  }
.LBB2_31:
0x183: {  	s0 =	smov.u32 s14;
	p1 =	sne.s32 s14, $0xFFFFFFFF  }
0x184: {  	s13 =	sadd.s32 $0x1, s13;
	s14 =	smov.u32 s15;
	s15 =	sadd.s32 $0x1, s15  }
0x185: {  	p2 =	sne.s32 s6, s15;
	v1 =	vld.msk @!p1 [tilespmem:s13+$0x0], $0x1;
	_ =	sdelay $0x4  }
0x186: {  	(v2sf) =	vpush @!p1 v1, $0x0;
	_ =	sdelay $0xe  }
.Ltmp26:
0x187: {  	s3 =	spop @!p1 (v2sf);
	(pc) =	sbr.rel @p2 .LBB2_31-.Ltmp26, $4  }
0x188: {  	p3 =	seq.s32 @!p1 s12, s3  }
0x189: {  	p3 =	por !p3, p1  }
0x18a: {  	s14 =	simm.s32 @p3 $0xFFFFFFFF  }
0x18b: {  	s14 =	smov.u32 @p1 s0  }
.LBB2_32:
0x18c: {  	p1 =	seq.s32 s14, $0xFFFFFFFF  }
.Ltmp27:
0x18d: {  	_ = 	snop;
	(pc) =	sbr.rel @p1 .LBB2_34-.Ltmp27, $1  }
0x18e: {  	_ =	sdelay $0x3  }
0x18f: {  	s0 =	sshll.u32 s11, $0x7  }
0x190: {  	s0 =	sand.u32 $0x3FFFFF80, s0  }
0x191: {  	v0 =	vld [tilespmem:s0+$0x1238];
	_ =	sdelay $0x2  }
0x192: {  	s3 =	sshll.u32 s14, $0x9  }
0x193: {  	s3 =	sshra.s32 s3, $0x2  }
0x194: {  	[tilespmem:s3+$0x1238] =	vst.add.f32.msk $0xffff, v0  }
0x195: {  	v0 =	vld [tilespmem:s0+$0x1248];
	_ =	sdelay $0x4  }
0x196: {  	[tilespmem:s3+$0x1248] =	vst.add.f32.msk $0xffff, v0  }
0x197: {  	v0 =	vld [tilespmem:s0+$0x1258];
	_ =	sdelay $0x4  }
0x198: {  	[tilespmem:s3+$0x1258] =	vst.add.f32.msk $0xffff, v0  }
0x199: {  	v0 =	vld [tilespmem:s0+$0x1268];
	_ =	sdelay $0x4  }
0x19a: {  	[tilespmem:s3+$0x1268] =	vst.add.f32.msk $0xffff, v0  }
0x19b: {  	v0 =	vld [tilespmem:s0+$0x1278];
	_ =	sdelay $0x4  }
0x19c: {  	[tilespmem:s3+$0x1278] =	vst.add.f32.msk $0xffff, v0  }
0x19d: {  	v0 =	vld [tilespmem:s0+$0x1288];
	_ =	sdelay $0x4  }
0x19e: {  	[tilespmem:s3+$0x1288] =	vst.add.f32.msk $0xffff, v0  }
0x19f: {  	v0 =	vld [tilespmem:s0+$0x1298];
	_ =	sdelay $0x4  }
0x1a0: {  	[tilespmem:s3+$0x1298] =	vst.add.f32.msk $0xffff, v0  }
0x1a1: {  	v0 =	vld [tilespmem:s0+$0x12A8]  }
.Ltmp28:
0x1a2: {  	_ = 	snop;
	(pc) =	sbr.rel .LBB2_35-.Ltmp28, $2  }
0x1a3: {  	_ =	sdelay $0x2  }
0x1a4: {  	[tilespmem:s3+$0x12A8] =	vst.add.f32.msk $0xffff, v0  }
.LBB2_36:
0x1a5: {  	s0 =	simm.s32 $0x6;
	p1 =	seq.s32 s6, $0x0  }
0x1a6: {  	[sflag:s0] =	ssyncpa.u1 $0x1;
	v0 =	vimm.s32 @p1 $0xFFFFFFFF  }
0x1a7: {  	s9 =	sadd.s32 $0xFFFFFFFF, s6;
	[tilespmem:$0x2238] =	vst @p1 v0  }
0x1a8: {  	v0 =	vld.msk @!p1 [tilespmem:s9+$0x1218], $0x1;
	_ =	sdelay $0x1  }
0x1a9: {  	v1 =	vld.msk @!p1 [tilespmem:$0x1218], $0x1;
	_ =	sdelay $0x2  }
0x1aa: {  	p2 =	seq.s32 @!p1 s9, $0x0;
	v0 =	vbroadcast @!p1 v0, $0x0  }
0x1ab: {  	vm0 =	vmmov @!p1 $0x1;
	p2 =	por !p2, p1  }
0x1ac: {  	v1 =	vnsel @!p1 vm0, $0xFFFFFFFF, v1;
	vm0 =	vcmask @!p1 $0x308;
	v0 =	vpsel !p2, $0xFFFFFFFF, v0  }
0x1ad: {  	p2 =	sne.s32 @!p1 s8, s7;
	v0 =	vsel @!p1 vm0, v1, v0  }
0x1ae: {  	s0 =	simm.s32 @!p1 $0x1238;
	s3 =	simm.s32 @!p1 $0x0;
	p3 =	por !p2, p1;
	[tilespmem:$0x2238] =	vst @!p1 v0  }
0x1af: {  	[spmem:s3] =	stream.linear.scatter @!p1 [tilespmem:s0], [sflag:$0x1], $0x80, $0x38;
	[tilespmem:$0x3298] =	vst v63  }
0x1b0: {  	s0 =	sshll.u32 @!p3 s9, $0x9  }
0x1b1: {  	s0 =	sshra.s32 @!p3 s0, $0x2  }
0x1b2: {  	s3 =	simm.s32 @!p3 $0x80;
	s0 =	sadd.s32 @!p3 $0x1238, s0  }
0x1b3: {  	[spmem:s3] =	stream.linear.scatter @!p3 [tilespmem:s0], [sflag:$0x1], $0x80, $0x38;
	[tilespmem:$0x3298] =	vst v63  }
0x1b4: {  	s0 =	simm.s32 @!p3 $0x1  }
0x1b5: {  	_ =	swait.ge @!p3 [sflag:s0], $0x100  }
0x1b6: {  	p1 =	por p2, p1;
	[sflag:s0] =	ssyncset.done @!p3 $0x0  }
0x1b7: {  	[sflag:s0] =	ssyncadd.s32 @!p3 $0xFFFFFF00;
	s0 =	simm.s32 @!p1 $0x1  }
0x1b8: {  	_ =	swait.ge @!p1 [sflag:s0], $0x80  }
0x1b9: {  	s29 =	simm.s32 $0x2238;
	[sflag:s0] =	ssyncset.done @!p1 $0x0  }
0x1ba: {  	s30 =	simm.s32 $0x1000;
	s31 =	simm.s32 $0x1;
	[sflag:s0] =	ssyncadd.s32 @!p1 $0xFFFFFF80  }
0x1bb: {  	[spmem:s30] =	stream.linear.scatter [tilespmem:s29], [sflag:$0x1], $0x10, $0x38;
	[tilespmem:$0x3298] =	vst v63  }
0x1bc: {  	_ =	swait.ge [sflag:s31], $0x10  }
0x1bd: {  	[sflag:s31] =	ssyncset.done $0x0  }
0x1be: {  	p1 =	seq.s32 s2, $0x0;
	s10 =	rddreg [dreg:$0x4];
	[sflag:s31] =	ssyncadd.s32 $0xFFFFFFF0  }
0x1bf: {  	s3 =	sshll.u32 @p1 s10, $0xE;
	s8 =	rddreg [dreg:$0x5]  }
0x1c0: {  	s0 =	sadd.s32 @p1 $0x15C3C, s3;
	s3 =	sshll.u32 @p1 s8, $0x11  }
0x1c1: {  	_ =	sfence.stream.spmem;
	s0 =	sor.u32 @p1 s3, s0  }
0x1c2: {  	[sflag:s0] =	ssyncadd.remote.s32 @p1 $0x1;
	s0 =	simm.s32 @p1 $0x4  }
0x1c3: {  	s4 =	simm.s32 @!p1 $0x3C;
	s3 =	sand.u32 $0xFFFFFFFE, s10;
	_ =	swait.ge @p1 [sflag:s0], $0x22  }
0x1c4: {  	s5 =	simm.s32 @!p1 $0x0;
	s3 =	sadd.s32 @!p1 $0x4, s3;
	[sflag:s0] =	ssyncset.done @p1 $0x0  }
0x1c5: {  	s7 =	simm.s32 @!p1 $0x100;
	[sflag:s0] =	ssyncadd.s32 @p1 $0xFFFFFFDE;
	s0 =	sshll.u32 @!p1 s3, $0x1A  }
0x1c6: {  	s3 =	sshll.u32 @!p1 s3, $0xD;
	s0 =	sor.u32 @!p1 s0, s8;
	_ =	swait.eq @!p1 [sflag:s4], $0x1  }
0x1c7: {  	s3 =	sor.u32 @!p1 $0x1C04, s3;
	s4 =	simm.s32 @!p1 $0x1C03;
	s0 =	sor.u32 @!p1 $0x80004000, s0  }
0x1c8: {  	[spmem:s7], [sflag:s3] =	dma.general @!p1 [spmem:s5], [sflag:s4], length:$0x20, [dreg:$0x0], stride_count:$0x0, ici_dest:s0, dma_misc:DstOpCode:WRITE  }
0x1c9: {  	p2 =	slt.s32 s9, $0x2;
	s5 =	simm.s32 @!p1 $0x200;
	s7 =	simm.s32 @!p1 $0x202  }
0x1ca: {  	[spmem:s7], [sflag:s3] =	dma.general @!p1 [spmem:s5], [sflag:s4], length:$0x2, [dreg:$0x0], stride_count:$0x0, ici_dest:s0, dma_misc:DstOpCode:WRITE  }
.Ltmp29:
0x1cb: {  	s0 =	simm.s32 @!p1 $0x3;
	(pc) =	sbr.rel @p2 .LBB2_40-.Ltmp29, $4  }
0x1cc: {  	s3 =	sshll.u32 @!p1 s10, $0xE;
	_ =	swait.ge @!p1 [sflag:s0], $0x22  }
0x1cd: {  	s4 =	sshll.u32 @!p1 s8, $0x11;
	s3 =	sadd.s32 @!p1 $0x11C3C, s3;
	[sflag:s0] =	ssyncset.done @!p1 $0x0  }
0x1ce: {  	[sflag:s0] =	ssyncadd.s32 @!p1 $0xFFFFFFDE;
	s0 =	sor.u32 @!p1 s4, s3  }
0x1cf: {  	[sflag:s0] =	ssyncadd.remote.s32 @!p1 $0xFFFFFFFF;
	s0 =	simm.s32 $0x0  }
0x1d0: {  	s0 =	simm.s32 $0x1219  }
0x1d1: {  	v0 =	vld.msk [tilespmem:s0+$0x0], $0x1;
	_ =	sdelay $0x4  }
0x1d2: {  	(v2sf) =	vpush v0, $0x0;
	_ =	sdelay $0xd  }
0x1d3: {  	s3 =	sadd.s32 $0xFFFFFFFE, s6  }
0x1d4: {  	s5 =	sadd.s32 $0xFFFFFFFF, s3;
	s0 =	spop (v2sf)  }
0x1d5: {  	p2 =	sne.s32 s5, $0x0;
	p1 =	sgt.u32 s0, $0x270F0  }
.Ltmp30:
0x1d6: {  	s6 =	sand.u32 @!p1 $0x3FFF8, s0;
	(pc) =	sbr.rel @!p2 .LBB2_39-.Ltmp30, $4  }
0x1d7: {  	s4 =	simm.s32 $0x12B8;
	s0 =	sand.u32 @!p1 $0x7, s0;
	s3 =	sadd.s32 @!p1 s1, s6  }
0x1d8: {  	[hbm4b:s3+s0] =	stream.linear.scatter @!p1 [tilespmem:s4], [sflag:$0x5], $0x80, $0x38;
	[tilespmem:$0x3298] =	vst v63  }
0x1d9: {  	s0 =	simm.s32 $0x0  }
0x1da: {  	s7 =	simm.s32 $0x121A;
	s6 =	simm.s32 $0x0;
	s0 =	simm.s32 @!p1 $0x200  }
.LBB2_38:
0x1db: {  	v0 =	vld.msk [tilespmem:s7+$0x0], $0x1;
	s5 =	sadd.s32 $0xFFFFFFFF, s5;
	s6 =	sadd.s32 s6, s0  }
0x1dc: {  	p1 =	sne.s32 s5, $0x0;
	_ =	sdelay $0x3  }
0x1dd: {  	(v2sf) =	vpush v0, $0x0;
	_ =	sdelay $0xe  }
.Ltmp31:
0x1de: {  	s3 =	spop (v2sf);
	(pc) =	sbr.rel @p1 .LBB2_38-.Ltmp31, $4  }
0x1df: {  	s0 =	simm.s32 $0x0;
	p2 =	sgt.u32 s3, $0x270F0  }
0x1e0: {  	s4 =	sadd.s32 $0x80, s4;
	s0 =	simm.s32 @!p2 $0x200;
	s8 =	sand.u32 @!p2 $0x3FFF8, s3  }
0x1e1: {  	s7 =	sadd.s32 $0x1, s7;
	s3 =	sand.u32 @!p2 $0x7, s3;
	s8 =	sadd.s32 @!p2 s1, s8  }
0x1e2: {  	[hbm4b:s8+s3] =	stream.linear.scatter @!p2 [tilespmem:s4], [sflag:$0x5], $0x80, $0x38;
	[tilespmem:$0x3298] =	vst v63  }
.LBB2_39:
0x1e3: {  	s0 =	sadd.s32 s6, s0  }
0x1e4: {  	s0 =	sshrl.u32 s0, $0x2  }
.LBB2_40:
0x1e5: {  	s3 =	simm.s32 $0x5  }
0x1e6: {  	_ =	swait.ge [sflag:s3], s0  }
0x1e7: {  	s31 =	ssub.s32 $0x0, s0;
	[sflag:s3] =	ssyncset.done $0x0  }
0x1e8: {  	[sflag:s3] =	ssyncadd.s32 s31  }
0x1e9: {  	[sflag:s3] =	ssyncpa.u1 $0x1  }
.LBB2_41:
0x1ea: {  	s0 =	sor.u32 s2, s16  }
0x1eb: {  	p1 =	sne.s32 s0, $0x0  }
.Ltmp32:
0x1ec: {  	_ = 	snop;
	(pc) =	sbr.rel @p1 .LBB2_56-.Ltmp32, $3  }
0x1ed: {  	_ =	sdelay $0x1  }
0x1ee: {  	[bflag:$0x0] =	sbarrier.arrive $0xFFFF  }
0x1ef: {  	_ =	sfence  }
0x1f0: {  	s0 =	simm.s32 $0x7  }
0x1f1: {  	s2 =	simm.s32 $0x1000;
	s3 =	simm.s32 $0x1218;
	[sflag:s0] =	ssyncpa.u1 $0x0  }
0x1f2: {  	[tilespmem:s3], [sflag:$0x7] =	stream.linear.gather [spmem:s2], $0x20, $0x38;
	[tilespmem:$0x3298] =	vst v63  }
0x1f3: {  	s30 =	simm.s32 $0x1238;
	s2 =	simm.s32 $0x0  }
0x1f4: {  	[tilespmem:s30], [sflag:$0x7] =	stream.linear.gather [spmem:s2], $0x1000, $0x38;
	[tilespmem:$0x3298] =	vst v63  }
.Ltmp33:
0x1f5: {  	_ = 	snop;
	(pc) =	sbr.rel .LBB2_43-.Ltmp33, $4  }
0x1f6: {  	_ =	swait.ge [sflag:s0], $0x1020  }
0x1f7: {  	[sflag:s0] =	ssyncset.done $0x0  }
0x1f8: {  	s31 =	simm.s32 $0x8;
	[sflag:s0] =	ssyncadd.s32 $0xFFFFEFE0  }
0x1f9: {  	s3 =	simm.s32 $0x0;
	[sflag:s31] =	ssyncpa.u1 $0x0  }
.LBB2_49:
0x1fa: {  	p1 =	slt.u32 s4, $0x270F1  }
0x1fb: {  	s0 =	sand.u32 @p1 $0x3FFF8, s4  }
0x1fc: {  	s4 =	sand.u32 @p1 $0x7, s4;
	s5 =	simm.s32 @p1 $0x1188;
	s0 =	sadd.s32 @p1 s1, s0  }
0x1fd: {  	[tilespmem:s5], [sflag:$0x8] =	stream.linear.gather @p1 [hbm4b:s0+s4], $0x80, $0x38;
	[tilespmem:$0x3298] =	vst v63  }
0x1fe: {  	s0 =	simm.s32 @p1 $0x8  }
0x1ff: {  	_ =	swait.ge @p1 [sflag:s0], $0x80  }
0x200: {  	[sflag:s0] =	ssyncset.done @p1 $0x0  }
0x201: {  	[sflag:s0] =	ssyncadd.s32 @p1 $0xFFFFFF80  }
0x202: {  	v1 =	vld @p1 [tilespmem:$0x1188];
	_ =	sdelay $0x2  }
0x203: {  	s0 =	sshll.u32 @p1 s3, $0x9  }
0x204: {  	s4 =	sshrl.u32 @p1 s0, $0x2  }
0x205: {  	[tilespmem:s4+$0x1238] =	vst.add.f32.msk @p1 $0xffff, v1  }
0x206: {  	v1 =	vld @p1 [tilespmem:$0x1198];
	_ =	sdelay $0x4  }
0x207: {  	[tilespmem:s4+$0x1248] =	vst.add.f32.msk @p1 $0xffff, v1  }
0x208: {  	v1 =	vld @p1 [tilespmem:$0x11A8];
	_ =	sdelay $0x4  }
0x209: {  	[tilespmem:s4+$0x1258] =	vst.add.f32.msk @p1 $0xffff, v1  }
0x20a: {  	v1 =	vld @p1 [tilespmem:$0x11B8];
	_ =	sdelay $0x4  }
0x20b: {  	[tilespmem:s4+$0x1268] =	vst.add.f32.msk @p1 $0xffff, v1  }
0x20c: {  	v1 =	vld @p1 [tilespmem:$0x11C8];
	_ =	sdelay $0x4  }
0x20d: {  	[tilespmem:s4+$0x1278] =	vst.add.f32.msk @p1 $0xffff, v1  }
0x20e: {  	v1 =	vld @p1 [tilespmem:$0x11D8];
	_ =	sdelay $0x4  }
0x20f: {  	[tilespmem:s4+$0x1288] =	vst.add.f32.msk @p1 $0xffff, v1  }
0x210: {  	v1 =	vld @p1 [tilespmem:$0x11E8];
	_ =	sdelay $0x4  }
0x211: {  	[tilespmem:s4+$0x1298] =	vst.add.f32.msk @p1 $0xffff, v1  }
0x212: {  	v1 =	vld @p1 [tilespmem:$0x11F8];
	_ =	sdelay $0x3  }
0x213: {  	s5 =	sshll.u32 @!p1 s3, $0x9  }
0x214: {  	s5 =	smov.u32 @p1 s0;
	[tilespmem:s4+$0x12A8] =	vst.add.f32.msk @p1 $0xffff, v1  }
0x215: {  	s0 =	sshrl.u32 s5, $0x2;
	[tilespmem:s2+$0x1218] =	vst.msk $0x1, v0  }
0x216: {  	v0 =	vld [tilespmem:s0+$0x1238];
	_ =	sdelay $0x2  }
0x217: {  	s31 =	sshll.u32 s2, $0x9  }
0x218: {  	s4 =	sshra.s32 s31, $0x2  }
0x219: {  	[tilespmem:s4+$0x1238] =	vst v0  }
0x21a: {  	v0 =	vld [tilespmem:s0+$0x1248];
	_ =	sdelay $0x4  }
0x21b: {  	[tilespmem:s4+$0x1248] =	vst v0  }
0x21c: {  	v0 =	vld [tilespmem:s0+$0x1258];
	_ =	sdelay $0x4  }
0x21d: {  	[tilespmem:s4+$0x1258] =	vst v0  }
0x21e: {  	v0 =	vld [tilespmem:s0+$0x1268];
	_ =	sdelay $0x4  }
0x21f: {  	[tilespmem:s4+$0x1268] =	vst v0  }
0x220: {  	v0 =	vld [tilespmem:s0+$0x1278];
	_ =	sdelay $0x4  }
0x221: {  	[tilespmem:s4+$0x1278] =	vst v0  }
0x222: {  	v0 =	vld [tilespmem:s0+$0x1288];
	_ =	sdelay $0x4  }
0x223: {  	[tilespmem:s4+$0x1288] =	vst v0  }
0x224: {  	v0 =	vld [tilespmem:s0+$0x1298];
	_ =	sdelay $0x4  }
0x225: {  	[tilespmem:s4+$0x1298] =	vst v0  }
0x226: {  	v0 =	vld [tilespmem:s0+$0x12A8];
	_ =	sdelay $0x4  }
0x227: {  	s2 =	sadd.s32 $0x1, s2;
	[tilespmem:s4+$0x12A8] =	vst v0  }
.LBB2_50:
0x228: {  	s3 =	sadd.s32 $0x1, s3  }
0x229: {  	p1 =	sne.s32 s3, $0x20  }
.Ltmp34:
0x22a: {  	_ = 	snop;
	(pc) =	sbr.rel @!p1 .LBB2_51-.Ltmp34, $1  }
0x22b: {  	_ =	sdelay $0x3  }
.LBB2_43:
0x22c: {  	v0 =	vld.msk [tilespmem:s3+$0x1218], $0x1;
	_ =	sdelay $0x4  }
0x22d: {  	(v2sf) =	vpush v0, $0x0;
	_ =	sdelay $0xe  }
0x22e: {  	s4 =	spop (v2sf)  }
0x22f: {  	p1 =	seq.s32 s4, $0xFFFFFFFF  }
.Ltmp35:
0x230: {  	_ = 	snop;
	(pc) =	sbr.rel @p1 .LBB2_50-.Ltmp35, $1  }
0x231: {  	_ =	sdelay $0x3  }
0x232: {  	p1 =	slt.s32 s2, $0x1  }
.Ltmp36:
0x233: {  	_ = 	snop;
	(pc) =	sbr.rel @p1 .LBB2_49-.Ltmp36, $1  }
0x234: {  	_ =	sdelay $0x3  }
0x235: {  	s5 =	simm.s32 $0x1218;
	p1 =	por $0x0, $0x0  }
0x236: {  	v1 =	vld.msk @!p1 [tilespmem:s5+$0x0], $0x1;
	_ =	sdelay $0x4  }
0x237: {  	(v2sf) =	vpush @!p1 v1, $0x0;
	_ =	sdelay $0xd  }
0x238: {  	p3 =	sne.s32 s2, $0x1  }
.Ltmp37:
0x239: {  	s0 =	spop @!p1 (v2sf);
	(pc) =	sbr.rel @!p3 .LBB2_47-.Ltmp37, $4  }
0x23a: {  	p2 =	seq.s32 @!p1 s4, s0  }
0x23b: {  	s6 =	simm.s32 $0x0;
	p2 =	por !p2, p1  }
0x23c: {  	s0 =	simm.s32 $0xFFFFFFFF;
	s6 =	simm.s32 @p2 $0xFFFFFFFF  }
0x23d: {  	s7 =	simm.s32 $0x1;
	s6 =	smov.u32 @p1 s0  }
.LBB2_46:
0x23e: {  	s0 =	smov.u32 s6;
	p1 =	sne.s32 s6, $0xFFFFFFFF  }
0x23f: {  	s5 =	sadd.s32 $0x1, s5;
	s6 =	smov.u32 s7;
	s7 =	sadd.s32 $0x1, s7  }
0x240: {  	p2 =	sne.s32 s2, s7;
	v1 =	vld.msk @!p1 [tilespmem:s5+$0x0], $0x1;
	_ =	sdelay $0x4  }
0x241: {  	(v2sf) =	vpush @!p1 v1, $0x0;
	_ =	sdelay $0xe  }
.Ltmp38:
0x242: {  	s8 =	spop @!p1 (v2sf);
	(pc) =	sbr.rel @p2 .LBB2_46-.Ltmp38, $4  }
0x243: {  	p3 =	seq.s32 @!p1 s4, s8  }
0x244: {  	p3 =	por !p3, p1  }
0x245: {  	s6 =	simm.s32 @p3 $0xFFFFFFFF  }
0x246: {  	s6 =	smov.u32 @p1 s0  }
.LBB2_47:
0x247: {  	p1 =	seq.s32 s6, $0xFFFFFFFF  }
.Ltmp39:
0x248: {  	_ = 	snop;
	(pc) =	sbr.rel @p1 .LBB2_49-.Ltmp39, $1  }
0x249: {  	_ =	sdelay $0x3  }
0x24a: {  	s0 =	sshll.u32 s3, $0x7  }
0x24b: {  	s0 =	sand.u32 $0x3FFFFF80, s0  }
0x24c: {  	v0 =	vld [tilespmem:s0+$0x1238];
	_ =	sdelay $0x2  }
0x24d: {  	s4 =	sshll.u32 s6, $0x9  }
0x24e: {  	s4 =	sshra.s32 s4, $0x2  }
0x24f: {  	[tilespmem:s4+$0x1238] =	vst.add.f32.msk $0xffff, v0  }
0x250: {  	v0 =	vld [tilespmem:s0+$0x1248];
	_ =	sdelay $0x4  }
0x251: {  	[tilespmem:s4+$0x1248] =	vst.add.f32.msk $0xffff, v0  }
0x252: {  	v0 =	vld [tilespmem:s0+$0x1258];
	_ =	sdelay $0x4  }
0x253: {  	[tilespmem:s4+$0x1258] =	vst.add.f32.msk $0xffff, v0  }
0x254: {  	v0 =	vld [tilespmem:s0+$0x1268];
	_ =	sdelay $0x4  }
0x255: {  	[tilespmem:s4+$0x1268] =	vst.add.f32.msk $0xffff, v0  }
0x256: {  	v0 =	vld [tilespmem:s0+$0x1278];
	_ =	sdelay $0x4  }
0x257: {  	[tilespmem:s4+$0x1278] =	vst.add.f32.msk $0xffff, v0  }
0x258: {  	v0 =	vld [tilespmem:s0+$0x1288];
	_ =	sdelay $0x4  }
0x259: {  	[tilespmem:s4+$0x1288] =	vst.add.f32.msk $0xffff, v0  }
0x25a: {  	v0 =	vld [tilespmem:s0+$0x1298];
	_ =	sdelay $0x4  }
0x25b: {  	[tilespmem:s4+$0x1298] =	vst.add.f32.msk $0xffff, v0  }
0x25c: {  	v0 =	vld [tilespmem:s0+$0x12A8]  }
.Ltmp40:
0x25d: {  	_ = 	snop;
	(pc) =	sbr.rel .LBB2_50-.Ltmp40, $2  }
0x25e: {  	_ =	sdelay $0x2  }
0x25f: {  	[tilespmem:s4+$0x12A8] =	vst.add.f32.msk $0xffff, v0  }
.LBB2_51:
0x260: {  	p1 =	slt.s32 s2, $0x1  }
.Ltmp41:
0x261: {  	_ = 	snop;
	(pc) =	sbr.rel @p1 .LBB2_55-.Ltmp41, $3  }
0x262: {  	_ =	sdelay $0x1  }
0x263: {  	s0 =	simm.s32 $0x8  }
0x264: {  	s3 =	simm.s32 $0x0;
	[sflag:s0] =	ssyncpa.u1 $0x1  }
0x265: {  	s0 =	simm.s32 $0x1218  }
0x266: {  	v0 =	vld.msk [tilespmem:s0+$0x0], $0x1;
	_ =	sdelay $0x4  }
0x267: {  	(v2sf) =	vpush v0, $0x0;
	_ =	sdelay $0xe  }
0x268: {  	s2 =	sadd.s32 $0xFFFFFFFF, s2;
	s0 =	spop (v2sf)  }
0x269: {  	p2 =	sne.s32 s2, $0x0;
	p1 =	sgt.u32 s0, $0x270F0  }
.Ltmp42:
0x26a: {  	s5 =	sand.u32 @!p1 $0x3FFF8, s0;
	(pc) =	sbr.rel @!p2 .LBB2_54-.Ltmp42, $4  }
0x26b: {  	s4 =	simm.s32 $0x1238;
	s0 =	sand.u32 @!p1 $0x7, s0;
	s5 =	sadd.s32 @!p1 s1, s5  }
0x26c: {  	[hbm4b:s5+s0] =	stream.linear.scatter @!p1 [tilespmem:s4], [sflag:$0x7], $0x80, $0x38;
	[tilespmem:$0x3298] =	vst v63  }
0x26d: {  	s0 =	simm.s32 $0x0  }
0x26e: {  	s5 =	simm.s32 $0x1219;
	s0 =	simm.s32 @!p1 $0x200  }
.LBB2_53:
0x26f: {  	v0 =	vld.msk [tilespmem:s5+$0x0], $0x1;
	s2 =	sadd.s32 $0xFFFFFFFF, s2;
	s3 =	sadd.s32 s3, s0  }
0x270: {  	p1 =	sne.s32 s2, $0x0;
	_ =	sdelay $0x3  }
0x271: {  	(v2sf) =	vpush v0, $0x0;
	_ =	sdelay $0xe  }
.Ltmp43:
0x272: {  	s6 =	spop (v2sf);
	(pc) =	sbr.rel @p1 .LBB2_53-.Ltmp43, $4  }
0x273: {  	s0 =	simm.s32 $0x0;
	p2 =	sgt.u32 s6, $0x270F0  }
0x274: {  	s4 =	sadd.s32 $0x80, s4;
	s0 =	simm.s32 @!p2 $0x200;
	s7 =	sand.u32 @!p2 $0x3FFF8, s6  }
0x275: {  	s5 =	sadd.s32 $0x1, s5;
	s6 =	sand.u32 @!p2 $0x7, s6;
	s7 =	sadd.s32 @!p2 s1, s7  }
0x276: {  	[hbm4b:s7+s6] =	stream.linear.scatter @!p2 [tilespmem:s4], [sflag:$0x7], $0x80, $0x38;
	[tilespmem:$0x3298] =	vst v63  }
.LBB2_54:
0x277: {  	s0 =	sadd.s32 s3, s0  }
0x278: {  	s3 =	sshrl.u32 s0, $0x2  }
.LBB2_55:
0x279: {  	s0 =	simm.s32 $0x7  }
0x27a: {  	_ =	swait.ge [sflag:s0], s3  }
0x27b: {  	s1 =	ssub.s32 $0x0, s3;
	[sflag:s0] =	ssyncset.done $0x0  }
0x27c: {  	[sflag:s0] =	ssyncadd.s32 s1  }
0x27d: {  	[sflag:s0] =	ssyncpa.u1 $0x1  }
.LBB2_56:
0x27e: {  	_ =	sfence;
	s0 =	simm.s32 $0x1  }
0x27f: {  	[sflag:s0] =	ssyncpa.u1 $0x1  }
0x280: {  	_ =	strace $0x9000004D  }
0x281: {  	[bflag:$0x2] =	sbarrier.arrive $0xFFFF  }
0x282: {  	s0 =	rddreg [dreg:$0x6]  }
0x283: {  	s0 =	sadd.s32 @!p0 $0x100000, s0  }
0x284: {  	[sflag:s0] =	ssyncadd.tile.s32 @!p0 $0x1;
	_ =	shalt  }
.Lfunc_end2:
_tile_overlayer_lowered:
.L_overlay_start_2:
0x285: {  	(tag) =	ssettag $0x2  }
0x286: {  	s0 =	rddreg [dreg:$0x0];
	s2 =	stileid.u32  }
0x287: {  	s1 =	rddreg [dreg:$0x1];
	p0 =	sne.s32 s2, $0x0  }
0x288: {  	s3 =	rddreg [dreg:$0x2];
	[bflag:$0x3] =	sbarrier.arrive $0xFFFF;
	s2 =	simm.s32 @!p0 $0x1C01  }
0x289: {  	[timem:s3], [sflag:s2] =	dma.local @!p0 [hbm:s0], s1  }
0x28a: {  	s0 =	simm.s32 @!p0 $0x1  }
0x28b: {  	_ =	swait.ge @!p0 [sflag:s0], s1  }
0x28c: {  	s1 =	ssub.s32 @!p0 $0x0, s1;
	[sflag:s0] =	ssyncset.done @!p0 $0x0  }
0x28d: {  	[sflag:s0] =	ssyncadd.s32 @!p0 s1  }
0x28e: {  	[bflag:$0x3] =	sbarrier.arrive $0xFFFF  }
0x28f: {  	_ =	shalt  }

</sc_bundles>
